<compile_context>
chip_gen: v7x
topology: tpu7x:2x2x1
jax: 0.10.2.dev20260603
libtpu: 0.0.44.dev20260713+nightly
codegen_flags: <defaults>
</compile_context>

<pallas_src>
import functools

import jax
import jax.numpy as jnp
from jax import lax
from jax.experimental import pallas as pl
from jax.experimental.pallas import tpu as pltpu
from jax.experimental.pallas import tpu_sc as plsc

NNODE = 10000
NPAD = 10240
NEDGE = 320000
EPAD = 327680
NB = 16
C = 128
ECH = EPAD // C
NS = 16
NW = 32
CP1 = ECH // 2 // NS
CH = CP1 // 2
CP2 = ECH // NS
SUBROWS = NPAD // NS
BLK = 1024
GRID = NPAD // BLK

_mesh = plsc.VectorSubcoreMesh(core_axis_name="c", subcore_axis_name="s")


def _fill2d(ref, nrows, ncols, val):
    v16 = jnp.full((16,), val, jnp.float32)

    def body(r, carry):
        for j in range(ncols // 16):
            ref[r, pl.ds(j * 16, 16)] = v16
        return carry
    lax.fori_loop(0, nrows, body, 0)


def _zero_acc(rows_v, acc_sh, sid, sem):
    _fill2d(rows_v, C, 128, 0.0)
    for k in range(SUBROWS // C):
        pltpu.async_copy(rows_v, acc_sh.at[pl.ds(sid * SUBROWS + k * C, C)],
                         sem)
    for k in range(SUBROWS // C):
        pltpu.make_async_copy(
            rows_v, acc_sh.at[pl.ds(sid * SUBROWS + k * C, C)], sem).wait()


def _acc_to_out(acc_sh, out_hbm, slot, sid, sem):
    for k in range(SUBROWS // C):
        off = sid * SUBROWS + k * C
        pltpu.async_copy(acc_sh.at[pl.ds(off, C)],
                         out_hbm.at[slot, pl.ds(off, C)], sem)
    for k in range(SUBROWS // C):
        off = sid * SUBROWS + k * C
        pltpu.make_async_copy(acc_sh.at[pl.ds(off, C)],
                              out_hbm.at[slot, pl.ds(off, C)], sem).wait()


CPD = ECH // NW


@functools.partial(
    pl.kernel,
    out_type=jax.ShapeDtypeStruct((2, NPAD, 16), jnp.float32),
    mesh=_mesh,
    scratch_types=[
        pltpu.VMEM((CPD, C), jnp.int32),
        pltpu.VMEM((C, 16), jnp.float32),
        pltpu.VMEM_SHARED((NPAD, 16), jnp.float32),
    ],
)
def _deg_sc(dst_hbm, out_hbm, dst_v, buf_v, deg_sh):
    cid = lax.axis_index("c")
    sid = lax.axis_index("s")
    w = cid * NS + sid
    pltpu.sync_copy(dst_hbm.at[pl.ds(w * CPD, CPD)], dst_v)
    _fill2d(buf_v, C, 16, 0.0)
    for k in range(SUBROWS // C):
        pltpu.sync_copy(buf_v, deg_sh.at[pl.ds(sid * SUBROWS + k * C, C)])
    _fill2d(buf_v, C, 16, 1.0)
    plsc.subcore_barrier()

    def body(i, carry):
        pltpu.sync_copy(buf_v, deg_sh.at[dst_v.at[i]], add=True)
        return carry
    lax.fori_loop(0, CPD, body, 0)
    plsc.subcore_barrier()
    for k in range(SUBROWS // C):
        off = sid * SUBROWS + k * C
        pltpu.sync_copy(deg_sh.at[pl.ds(off, C)], buf_v)
        pltpu.sync_copy(buf_v, out_hbm.at[cid, pl.ds(off, C)])


@functools.partial(
    pl.kernel,
    out_type=jax.ShapeDtypeStruct((2, NPAD, 128), jnp.float32),
    mesh=_mesh,
    scratch_types=[
        pltpu.VMEM((CH, C), jnp.int32),
        pltpu.VMEM((CH, C), jnp.int32),
        pltpu.VMEM((C, 128), jnp.float32),
        pltpu.VMEM((C, 128), jnp.float32),
        pltpu.VMEM_SHARED((NPAD, 128), jnp.float32),
        pltpu.SemaphoreType.DMA,
        pltpu.SemaphoreType.DMA,
    ],
)
def _edge1_sc(g1_hbm, src_hbm, dst_hbm, out_hbm,
              src_v, dst_v, rows_a, rows_b, acc_sh, sem_a, sem_b):
    cid = lax.axis_index("c")
    sid = lax.axis_index("s")
    base = cid * (ECH // 2) + sid * CP1
    bufs = ((rows_a, sem_a), (rows_b, sem_b))
    _zero_acc(rows_a, acc_sh, sid, sem_a)
    plsc.subcore_barrier()

    for h in range(2):
        hb = base + h * CH
        pltpu.sync_copy(src_hbm.at[pl.ds(hb, CH)], src_v)
        pltpu.sync_copy(dst_hbm.at[pl.ds(hb, CH)], dst_v)
        pltpu.async_copy(g1_hbm.at[src_v.at[0]], rows_a, sem_a)
        pltpu.async_copy(g1_hbm.at[src_v.at[1]], rows_b, sem_b)

        def body(i0, carry):
            for b, (rows, sem) in enumerate(bufs):
                i = 2 * i0 + b
                pltpu.make_async_copy(
                    g1_hbm.at[src_v.at[i]], rows, sem).wait()
                pltpu.sync_copy(rows, acc_sh.at[dst_v.at[i]], add=True)
                pltpu.async_copy(g1_hbm.at[src_v.at[i + 2]], rows, sem)
            return carry
        lax.fori_loop(0, CH // 2 - 1, body, 0)
        for b, (rows, sem) in enumerate(bufs):
            i = CH - 2 + b
            pltpu.make_async_copy(g1_hbm.at[src_v.at[i]], rows, sem).wait()
            pltpu.sync_copy(rows, acc_sh.at[dst_v.at[i]], add=True)
    plsc.subcore_barrier()
    _acc_to_out(acc_sh, out_hbm, cid, sid, sem_a)


@functools.partial(
    pl.kernel,
    out_type=jax.ShapeDtypeStruct((2, NPAD, 128), jnp.float32),
    mesh=_mesh,
    scratch_types=[
        pltpu.VMEM((CH, C), jnp.int32),
        pltpu.VMEM((CH, C), jnp.int32),
        pltpu.VMEM((C, 128), jnp.float32),
        pltpu.VMEM((C, 128), jnp.float32),
        pltpu.VMEM_SHARED((NPAD, 128), jnp.float32),
        pltpu.SemaphoreType.DMA,
        pltpu.SemaphoreType.DMA,
    ],
)
def _edge2_sc(g2_hbm, src2_hbm, dst_hbm, out_hbm,
              src_v, dst_v, rows_a, rows_b, acc_sh, sem_a, sem_b):
    cid = lax.axis_index("c")
    sid = lax.axis_index("s")
    base = sid * CP2
    bufs = ((rows_a, sem_a), (rows_b, sem_b))
    _zero_acc(rows_a, acc_sh, sid, sem_a)
    plsc.subcore_barrier()

    for h in range(CP2 // CH):
        hb = base + h * CH
        pltpu.sync_copy(src2_hbm.at[cid, pl.ds(hb, CH)], src_v)
        pltpu.sync_copy(dst_hbm.at[pl.ds(hb, CH)], dst_v)
        pltpu.async_copy(g2_hbm.at[src_v.at[0]], rows_a, sem_a)
        pltpu.async_copy(g2_hbm.at[src_v.at[1]], rows_b, sem_b)

        def body(i0, carry):
            for b, (rows, sem) in enumerate(bufs):
                i = 2 * i0 + b
                pltpu.make_async_copy(
                    g2_hbm.at[src_v.at[i]], rows, sem).wait()
                pltpu.sync_copy(rows, acc_sh.at[dst_v.at[i]], add=True)
                pltpu.async_copy(g2_hbm.at[src_v.at[i + 2]], rows, sem)
            return carry
        lax.fori_loop(0, CH // 2 - 1, body, 0)
        for b, (rows, sem) in enumerate(bufs):
            i = CH - 2 + b
            pltpu.make_async_copy(g2_hbm.at[src_v.at[i]], rows, sem).wait()
            pltpu.sync_copy(rows, acc_sh.at[dst_v.at[i]], add=True)
    plsc.subcore_barrier()
    _acc_to_out(acc_sh, out_hbm, cid, sid, sem_a)


_DN = (((1,), (1,)), ((), ()))


def _dis(deg_ref):
    d = deg_ref[...]
    return lax.rsqrt(d[0] + d[1] + 1.0)


def _k1_body(x_ref, w1_ref, deg_ref, g1_ref):
    mm = lax.dot_general(x_ref[...], w1_ref[...], _DN,
                         preferred_element_type=jnp.float32)
    g1_ref[...] = mm * _dis(deg_ref)


_k1 = pl.pallas_call(
    _k1_body,
    grid=(GRID,),
    in_specs=[
        pl.BlockSpec((BLK, 128), lambda i: (i, 0)),
        pl.BlockSpec((128, 128), lambda i: (0, 0)),
        pl.BlockSpec((2, BLK, 1), lambda i: (0, i, 0)),
    ],
    out_specs=pl.BlockSpec((BLK, 128), lambda i: (i, 0)),
    out_shape=jax.ShapeDtypeStruct((NPAD, 128), jnp.float32),
)


def _k2_body(acc_ref, g1_ref, deg_ref, b1_ref, w2_ref, q_ref):
    dis = _dis(deg_ref)
    a = acc_ref[...]
    h1 = jnp.maximum(dis * (a[0] + a[1] + g1_ref[...]) + b1_ref[...], 0.0)
    mm2 = lax.dot_general(h1, w2_ref[...], _DN,
                          preferred_element_type=jnp.float32)
    g2 = mm2 * dis
    q_ref[0] = g2[:, :128]
    q_ref[1] = g2[:, 128:]


_k2 = pl.pallas_call(
    _k2_body,
    grid=(GRID,),
    in_specs=[
        pl.BlockSpec((2, BLK, 128), lambda i: (0, i, 0)),
        pl.BlockSpec((BLK, 128), lambda i: (i, 0)),
        pl.BlockSpec((2, BLK, 1), lambda i: (0, i, 0)),
        pl.BlockSpec((1, 128), lambda i: (0, 0)),
        pl.BlockSpec((256, 128), lambda i: (0, 0)),
    ],
    out_specs=pl.BlockSpec((2, BLK, 128), lambda i: (0, i, 0)),
    out_shape=jax.ShapeDtypeStruct((2, NPAD, 128), jnp.float32),
)


def _k3_body(acc_ref, q_ref, deg_ref, bat_ref,
             b2_ref, gw_ref, gbias_ref, nw_ref, nb_ref, ow_ref, ob_ref,
             out_ref, m_sc, d_sc, num_sc):
    i = pl.program_id(0)

    @pl.when(i == 0)
    def _init():
        m_sc[...] = jnp.full((NB, 128), -1e30, jnp.float32)
        d_sc[...] = jnp.zeros((NB, 128), jnp.float32)
        num_sc[...] = jnp.zeros((NB, 256), jnp.float32)

    dis = _dis(deg_ref)
    a = acc_ref[...]
    q = q_ref[...]
    h2 = dis * jnp.concatenate([a[0] + q[0], a[1] + q[1]],
                               axis=1) + b2_ref[...]
    gT = lax.dot_general(gw_ref[...], h2, _DN,
                         preferred_element_type=jnp.float32) + gbias_ref[...]
    ht = lax.dot_general(h2, nw_ref[...], _DN,
                         preferred_element_type=jnp.float32) + nb_ref[...]
    bid = lax.broadcasted_iota(jnp.int32, (NB, BLK), 0)
    mask = bid == bat_ref[...]
    gm = jnp.where(mask, gT, -1e30)
    bmax = jnp.max(gm, axis=1, keepdims=True)
    m_old = m_sc[:, 0:1]
    m_new = jnp.maximum(m_old, bmax)
    corr = jnp.exp(m_old - m_new)
    e = jnp.where(mask, jnp.exp(gT - m_new), 0.0)
    d_new = d_sc[:, 0:1] * corr + jnp.sum(e, axis=1, keepdims=True)
    num_new = num_sc[...] * corr + lax.dot_general(
        e, ht, (((1,), (0,)), ((), ())), preferred_element_type=jnp.float32)
    m_sc[...] = jnp.broadcast_to(m_new, (NB, 128))
    d_sc[...] = jnp.broadcast_to(d_new, (NB, 128))
    num_sc[...] = num_new

    @pl.when(i == GRID - 1)
    def _fin():
        pooled = num_sc[...] / jnp.maximum(d_sc[:, 0:1], 1e-30)
        out_ref[...] = lax.dot_general(
            pooled, ow_ref[...], _DN,
            preferred_element_type=jnp.float32) + ob_ref[...]


_k3 = pl.pallas_call(
    _k3_body,
    grid=(GRID,),
    in_specs=[
        pl.BlockSpec((2, BLK, 128), lambda i: (0, i, 0)),
        pl.BlockSpec((2, BLK, 128), lambda i: (0, i, 0)),
        pl.BlockSpec((2, BLK, 1), lambda i: (0, i, 0)),
        pl.BlockSpec((1, BLK), lambda i: (0, i)),
        pl.BlockSpec((1, 256), lambda i: (0, 0)),
        pl.BlockSpec((1, 256), lambda i: (0, 0)),
        pl.BlockSpec((1, 1), lambda i: (0, 0)),
        pl.BlockSpec((256, 256), lambda i: (0, 0)),
        pl.BlockSpec((1, 256), lambda i: (0, 0)),
        pl.BlockSpec((2, 256), lambda i: (0, 0)),
        pl.BlockSpec((1, 2), lambda i: (0, 0)),
    ],
    out_specs=pl.BlockSpec((NB, 2), lambda i: (0, 0)),
    out_shape=jax.ShapeDtypeStruct((NB, 2), jnp.float32),
    scratch_shapes=[
        pltpu.VMEM((NB, 128), jnp.float32),
        pltpu.VMEM((NB, 128), jnp.float32),
        pltpu.VMEM((NB, 256), jnp.float32),
    ],
)


def kernel(x, edge_index, batch, W1, b1, W2, b2, gate_w, gate_b, nn_w, nn_b,
           outer_w, outer_b):
    pad_node = jnp.int32(NPAD - 1)
    src1d = jnp.concatenate(
        [edge_index[0], jnp.full((EPAD - NEDGE,), pad_node, jnp.int32)])
    dst1d = jnp.concatenate(
        [edge_index[1], jnp.full((EPAD - NEDGE,), pad_node, jnp.int32)])
    src = src1d.reshape(ECH, C)
    dst = dst1d.reshape(ECH, C)
    x_pad = jnp.pad(x, ((0, NPAD - NNODE), (0, 0)))
    bat2d = jnp.pad(batch, (0, NPAD - NNODE),
                    constant_values=NB).reshape(1, NPAD)

    dxla = jnp.zeros((NPAD,), jnp.float32).at[dst1d].add(1.0)
    deg = jnp.stack([dxla, jnp.zeros_like(dxla)]).reshape(2, NPAD, 1)

    src2 = jnp.stack([src, src + NPAD])

    g1 = _k1(x_pad, W1, deg)
    acc1 = _edge1_sc(g1, src, dst)
    q = _k2(acc1, g1, deg, b1.reshape(1, 128), W2)
    acc2 = _edge2_sc(q.reshape(2 * NPAD, 128), src2, dst)
    out = _k3(acc2, q, deg, bat2d, b2.reshape(1, 256),
              gate_w.reshape(1, 256), gate_b.reshape(1, 1), nn_w,
              nn_b.reshape(1, 256), outer_w, outer_b.reshape(1, 2))
    return out

# --- scband reference (transcript-rebuilt; emitter-appended) ---
"""Pipeline reference for scband-value-net-10230612099724 (READ-ONLY COPY).

The authoritative reference and input builder live on the scoring server;
editing this copy changes nothing except your own understanding.
"""

import jax, jax.numpy as jnp
import numpy as np

N = 10000
E = 320000
D_IN = 128
H = 128          # num_hidden_features
H2 = 2 * H       # conv2 output dim
B = 16           # number of graphs in batch


def setup_inputs(seed: int = 0) -> dict:
    key = jax.random.key(seed)
    ks = jax.random.split(key, 13)
    x = jax.random.normal(ks[0], (N, D_IN), dtype=jnp.float32)
    edge_index = jax.random.randint(ks[1], (2, E), 0, N, dtype=jnp.int32)
    batch = jnp.sort(jax.random.randint(ks[2], (N,), 0, B, dtype=jnp.int32))
    # GCNConv 1: in=D_IN, out=H
    W1 = jax.random.normal(ks[3], (H, D_IN), dtype=jnp.float32) / np.sqrt(D_IN)
    b1 = jnp.zeros((H,), dtype=jnp.float32)
    # GCNConv 2: in=H, out=H2
    W2 = jax.random.normal(ks[4], (H2, H), dtype=jnp.float32) / np.sqrt(H)
    b2 = jnp.zeros((H2,), dtype=jnp.float32)
    # GlobalAttention gate_nn: Linear(H2 -> 1)
    gate_w = jax.random.normal(ks[5], (1, H2), dtype=jnp.float32) / np.sqrt(H2)
    gate_b = jnp.zeros((1,), dtype=jnp.float32)
    # GlobalAttention nn: Linear(H2 -> H2)
    nn_w = jax.random.normal(ks[6], (H2, H2), dtype=jnp.float32) / np.sqrt(H2)
    nn_b = jnp.zeros((H2,), dtype=jnp.float32)
    # outer: Linear(H2 -> 2) (is_reg=False)
    outer_w = jax.random.normal(ks[7], (2, H2), dtype=jnp.float32) / np.sqrt(H2)
    outer_b = jnp.zeros((2,), dtype=jnp.float32)
    return {"x": x, "edge_index": edge_index, "batch": batch,
            "W1": W1, "b1": b1, "W2": W2, "b2": b2,
            "gate_w": gate_w, "gate_b": gate_b,
            "nn_w": nn_w, "nn_b": nn_b,
            "outer_w": outer_w, "outer_b": outer_b}


def _gcn_conv(x, src, dst, W, b):
    # PyG GCNConv: linear transform, add self-loops, sym-normalized scatter-add
    h = x @ W.T
    loop = jnp.arange(N, dtype=src.dtype)
    s = jnp.concatenate([src, loop])
    d = jnp.concatenate([dst, loop])
    deg = jnp.zeros((N,), dtype=h.dtype).at[d].add(1.0)
    dis = jnp.where(deg > 0, deg ** -0.5, 0.0)
    norm = dis[s] * dis[d]
    msg = h[s] * norm[:, None]
    out = jnp.zeros_like(h).at[d].add(msg)
    return out + b


def reference(x, edge_index, batch, W1, b1, W2, b2, gate_w, gate_b, nn_w, nn_b, outer_w, outer_b):
    src = edge_index[0]
    dst = edge_index[1]
    h = jax.nn.relu(_gcn_conv(x, src, dst, W1, b1))
    h = _gcn_conv(h, src, dst, W2, b2)
    # GlobalAttention pooling: softmax(gate_nn(h)) per graph, weighted sum of nn(h)
    gate = (h @ gate_w.T + gate_b)[:, 0]                    # [N]
    m = jax.ops.segment_max(gate, batch, num_segments=B)
    g = jnp.exp(gate - m[batch])
    denom = jax.ops.segment_sum(g, batch, num_segments=B)
    alpha = g / denom[batch]
    ht = h @ nn_w.T + nn_b                                  # [N, H2]
    pooled = jax.ops.segment_sum(alpha[:, None] * ht, batch, num_segments=B)  # [B, H2]
    # dropout is identity in eval mode
    out = pooled @ outer_w.T + outer_b                      # [B, 2]
    return out

if __name__ == "__main__":
    import jax
    _d = setup_inputs()
    print(jax.jit(kernel)(*tuple(_d.values())))

</pallas_src>

<mosaic_0001>
#map = affine_map<(d0, d1) -> (0, 0)>
#map1 = affine_map<(d0, d1) -> (0, 0, 0)>
module attributes {stable_mosaic.version = 14 : i64} {
  func.func @_edge2_sc(%arg0: i32, %arg1: i32, %arg2: memref<20480x128xf32, #tpu.memory_space<hbm>>, %arg3: memref<2x2560x128xi32, #tpu.memory_space<hbm>>, %arg4: memref<2560x128xi32, #tpu.memory_space<hbm>>, %arg5: memref<2x10240x128xf32, #tpu.memory_space<hbm>>, %arg6: memref<40x128xi32, #tpu.memory_space<vmem>>, %arg7: memref<40x128xi32, #tpu.memory_space<vmem>>, %arg8: memref<128x128xf32, #tpu.memory_space<vmem>>, %arg9: memref<128x128xf32, #tpu.memory_space<vmem>>, %arg10: memref<10240x128xf32, #tpu.memory_space<vmem_shared>>, %arg11: memref<!tpu.dma_semaphore, #tpu.memory_space<semaphore_mem>>, %arg12: memref<!tpu.dma_semaphore, #tpu.memory_space<semaphore_mem>>) attributes {dimension_semantics = [#tpu.dimension_semantics<core_parallel>, #tpu.dimension_semantics<subcore_parallel>], iteration_bounds = array<i64: 2, 16>, scalar_prefetch = 0 : i64, scratch_operands = 7 : i64, tpu.core_type = #tpu.core_type<sc_vector_subcore>, window_params = [{transform_indices = #map}, {transform_indices = #map1}, {transform_indices = #map}, {transform_indices = #map1}]} {
    %mul3A = arith.constant 160 : i32
    %mul3A_0 = arith.muli %arg1, %mul3A : i32
    %broadcast_in_dim3A = arith.constant 0.000000e+00 : f32
    %broadcast_in_dim3A_1 = vector.broadcast %broadcast_in_dim3A : f32 to vector<16xf32>
    %scan3A = arith.constant 0 : i32
    %scan3A_2 = arith.constant 0 : i32
    %scan3A_3 = arith.constant 128 : i32
    %scan3A_4 = arith.addi %scan3A_2, %scan3A_3 : i32
    %scan3A_5 = arith.constant 1 : i32
    scf.for %scan3A_326 = %scan3A_2 to %scan3A_4 step %scan3A_5  : i32 {
      %swap3A = arith.index_cast %scan3A_326 : i32 to index
      %swap3A_327 = arith.constant 0 : index
      %swap3A_328 = tpu.vector_load %arg8[%swap3A, %swap3A_327] {strides = array<i32>} : memref<128x128xf32, #tpu.memory_space<vmem>>, vector<1x16xf32>,
      %swap3A_329 = vector.shape_cast %swap3A_328 : vector<1x16xf32> to vector<16xf32>
      %swap3A_330 = vector.shape_cast %broadcast_in_dim3A_1 : vector<16xf32> to vector<1x16xf32>
      tpu.vector_store %arg8[%swap3A, %swap3A_327], %swap3A_330 {strides = array<i32>} : memref<128x128xf32, #tpu.memory_space<vmem>>, vector<1x16xf32>,
      %swap3A_331 = arith.index_cast %scan3A_326 : i32 to index
      %swap3A_332 = arith.constant 16 : index
      %swap3A_333 = tpu.vector_load %arg8[%swap3A_331, %swap3A_332] {strides = array<i32>} : memref<128x128xf32, #tpu.memory_space<vmem>>, vector<1x16xf32>,
      %swap3A_334 = vector.shape_cast %swap3A_333 : vector<1x16xf32> to vector<16xf32>
      %swap3A_335 = vector.shape_cast %broadcast_in_dim3A_1 : vector<16xf32> to vector<1x16xf32>
      tpu.vector_store %arg8[%swap3A_331, %swap3A_332], %swap3A_335 {strides = array<i32>} : memref<128x128xf32, #tpu.memory_space<vmem>>, vector<1x16xf32>,
      %swap3A_336 = arith.index_cast %scan3A_326 : i32 to index
      %swap3A_337 = arith.constant 32 : index
      %swap3A_338 = tpu.vector_load %arg8[%swap3A_336, %swap3A_337] {strides = array<i32>} : memref<128x128xf32, #tpu.memory_space<vmem>>, vector<1x16xf32>,
      %swap3A_339 = vector.shape_cast %swap3A_338 : vector<1x16xf32> to vector<16xf32>
      %swap3A_340 = vector.shape_cast %broadcast_in_dim3A_1 : vector<16xf32> to vector<1x16xf32>
      tpu.vector_store %arg8[%swap3A_336, %swap3A_337], %swap3A_340 {strides = array<i32>} : memref<128x128xf32, #tpu.memory_space<vmem>>, vector<1x16xf32>,
      %swap3A_341 = arith.index_cast %scan3A_326 : i32 to index
      %swap3A_342 = arith.constant 48 : index
      %swap3A_343 = tpu.vector_load %arg8[%swap3A_341, %swap3A_342] {strides = array<i32>} : memref<128x128xf32, #tpu.memory_space<vmem>>, vector<1x16xf32>,
      %swap3A_344 = vector.shape_cast %swap3A_343 : vector<1x16xf32> to vector<16xf32>
      %swap3A_345 = vector.shape_cast %broadcast_in_dim3A_1 : vector<16xf32> to vector<1x16xf32>
      tpu.vector_store %arg8[%swap3A_341, %swap3A_342], %swap3A_345 {strides = array<i32>} : memref<128x128xf32, #tpu.memory_space<vmem>>, vector<1x16xf32>,
      %swap3A_346 = arith.index_cast %scan3A_326 : i32 to index
      %swap3A_347 = arith.constant 64 : index
      %swap3A_348 = tpu.vector_load %arg8[%swap3A_346, %swap3A_347] {strides = array<i32>} : memref<128x128xf32, #tpu.memory_space<vmem>>, vector<1x16xf32>,
      %swap3A_349 = vector.shape_cast %swap3A_348 : vector<1x16xf32> to vector<16xf32>
      %swap3A_350 = vector.shape_cast %broadcast_in_dim3A_1 : vector<16xf32> to vector<1x16xf32>
      tpu.vector_store %arg8[%swap3A_346, %swap3A_347], %swap3A_350 {strides = array<i32>} : memref<128x128xf32, #tpu.memory_space<vmem>>, vector<1x16xf32>,
      %swap3A_351 = arith.index_cast %scan3A_326 : i32 to index
      %swap3A_352 = arith.constant 80 : index
      %swap3A_353 = tpu.vector_load %arg8[%swap3A_351, %swap3A_352] {strides = array<i32>} : memref<128x128xf32, #tpu.memory_space<vmem>>, vector<1x16xf32>,
      %swap3A_354 = vector.shape_cast %swap3A_353 : vector<1x16xf32> to vector<16xf32>
      %swap3A_355 = vector.shape_cast %broadcast_in_dim3A_1 : vector<16xf32> to vector<1x16xf32>
      tpu.vector_store %arg8[%swap3A_351, %swap3A_352], %swap3A_355 {strides = array<i32>} : memref<128x128xf32, #tpu.memory_space<vmem>>, vector<1x16xf32>,
      %swap3A_356 = arith.index_cast %scan3A_326 : i32 to index
      %swap3A_357 = arith.constant 96 : index
      %swap3A_358 = tpu.vector_load %arg8[%swap3A_356, %swap3A_357] {strides = array<i32>} : memref<128x128xf32, #tpu.memory_space<vmem>>, vector<1x16xf32>,
      %swap3A_359 = vector.shape_cast %swap3A_358 : vector<1x16xf32> to vector<16xf32>
      %swap3A_360 = vector.shape_cast %broadcast_in_dim3A_1 : vector<16xf32> to vector<1x16xf32>
      tpu.vector_store %arg8[%swap3A_356, %swap3A_357], %swap3A_360 {strides = array<i32>} : memref<128x128xf32, #tpu.memory_space<vmem>>, vector<1x16xf32>,
      %swap3A_361 = arith.index_cast %scan3A_326 : i32 to index
      %swap3A_362 = arith.constant 112 : index
      %swap3A_363 = tpu.vector_load %arg8[%swap3A_361, %swap3A_362] {strides = array<i32>} : memref<128x128xf32, #tpu.memory_space<vmem>>, vector<1x16xf32>,
      %swap3A_364 = vector.shape_cast %swap3A_363 : vector<1x16xf32> to vector<16xf32>
      %swap3A_365 = vector.shape_cast %broadcast_in_dim3A_1 : vector<16xf32> to vector<1x16xf32>
      tpu.vector_store %arg8[%swap3A_361, %swap3A_362], %swap3A_365 {strides = array<i32>} : memref<128x128xf32, #tpu.memory_space<vmem>>, vector<1x16xf32>,
    }
    %scan3A_6 = arith.constant 128 : i32
    %mul3A_7 = arith.constant 640 : i32
    %mul3A_8 = arith.muli %arg1, %mul3A_7 : i32
    %add3A = arith.constant 0 : i32
    %add3A_9 = arith.addi %mul3A_8, %add3A : i32
    %dma_start3A = arith.constant 0 : i32
    %dma_start3A_10 = tpu.memref_slice %arg10[%add3A_9, %dma_start3A] : memref<10240x128xf32, #tpu.memory_space<vmem_shared>> -> memref<128x128xf32, #tpu.memory_space<vmem_shared>>
    %dma_start3A_11 = arith.constant 0 : i32
    %dma_start3A_12 = tpu.memref_slice %arg10[%add3A_9, %dma_start3A_11] : memref<10240x128xf32, #tpu.memory_space<vmem_shared>> -> memref<128x128xf32, #tpu.memory_space<vmem_shared>>
    tpu.enqueue_dma source(%arg8 : memref<128x128xf32, #tpu.memory_space<vmem>>) target(%dma_start3A_12 : memref<128x128xf32, #tpu.memory_space<vmem_shared>>) target_semaphore(%arg11 : memref<!tpu.dma_semaphore, #tpu.memory_space<semaphore_mem>>)
    %mul3A_13 = arith.constant 640 : i32
    %mul3A_14 = arith.muli %arg1, %mul3A_13 : i32
    %add3A_15 = arith.constant 128 : i32
    %add3A_16 = arith.addi %mul3A_14, %add3A_15 : i32
    %dma_start3A_17 = arith.constant 0 : i32
    %dma_start3A_18 = tpu.memref_slice %arg10[%add3A_16, %dma_start3A_17] : memref<10240x128xf32, #tpu.memory_space<vmem_shared>> -> memref<128x128xf32, #tpu.memory_space<vmem_shared>>
    %dma_start3A_19 = arith.constant 0 : i32
    %dma_start3A_20 = tpu.memref_slice %arg10[%add3A_16, %dma_start3A_19] : memref<10240x128xf32, #tpu.memory_space<vmem_shared>> -> memref<128x128xf32, #tpu.memory_space<vmem_shared>>
    tpu.enqueue_dma source(%arg8 : memref<128x128xf32, #tpu.memory_space<vmem>>) target(%dma_start3A_20 : memref<128x128xf32, #tpu.memory_space<vmem_shared>>) target_semaphore(%arg11 : memref<!tpu.dma_semaphore, #tpu.memory_space<semaphore_mem>>)
    %mul3A_21 = arith.constant 640 : i32
    %mul3A_22 = arith.muli %arg1, %mul3A_21 : i32
    %add3A_23 = arith.constant 256 : i32
    %add3A_24 = arith.addi %mul3A_22, %add3A_23 : i32
    %dma_start3A_25 = arith.constant 0 : i32
    %dma_start3A_26 = tpu.memref_slice %arg10[%add3A_24, %dma_start3A_25] : memref<10240x128xf32, #tpu.memory_space<vmem_shared>> -> memref<128x128xf32, #tpu.memory_space<vmem_shared>>
    %dma_start3A_27 = arith.constant 0 : i32
    %dma_start3A_28 = tpu.memref_slice %arg10[%add3A_24, %dma_start3A_27] : memref<10240x128xf32, #tpu.memory_space<vmem_shared>> -> memref<128x128xf32, #tpu.memory_space<vmem_shared>>
    tpu.enqueue_dma source(%arg8 : memref<128x128xf32, #tpu.memory_space<vmem>>) target(%dma_start3A_28 : memref<128x128xf32, #tpu.memory_space<vmem_shared>>) target_semaphore(%arg11 : memref<!tpu.dma_semaphore, #tpu.memory_space<semaphore_mem>>)
    %mul3A_29 = arith.constant 640 : i32
    %mul3A_30 = arith.muli %arg1, %mul3A_29 : i32
    %add3A_31 = arith.constant 384 : i32
    %add3A_32 = arith.addi %mul3A_30, %add3A_31 : i32
    %dma_start3A_33 = arith.constant 0 : i32
    %dma_start3A_34 = tpu.memref_slice %arg10[%add3A_32, %dma_start3A_33] : memref<10240x128xf32, #tpu.memory_space<vmem_shared>> -> memref<128x128xf32, #tpu.memory_space<vmem_shared>>
    %dma_start3A_35 = arith.constant 0 : i32
    %dma_start3A_36 = tpu.memref_slice %arg10[%add3A_32, %dma_start3A_35] : memref<10240x128xf32, #tpu.memory_space<vmem_shared>> -> memref<128x128xf32, #tpu.memory_space<vmem_shared>>
    tpu.enqueue_dma source(%arg8 : memref<128x128xf32, #tpu.memory_space<vmem>>) target(%dma_start3A_36 : memref<128x128xf32, #tpu.memory_space<vmem_shared>>) target_semaphore(%arg11 : memref<!tpu.dma_semaphore, #tpu.memory_space<semaphore_mem>>)
    %mul3A_37 = arith.constant 640 : i32
    %mul3A_38 = arith.muli %arg1, %mul3A_37 : i32
    %add3A_39 = arith.constant 512 : i32
    %add3A_40 = arith.addi %mul3A_38, %add3A_39 : i32
    %dma_start3A_41 = arith.constant 0 : i32
    %dma_start3A_42 = tpu.memref_slice %arg10[%add3A_40, %dma_start3A_41] : memref<10240x128xf32, #tpu.memory_space<vmem_shared>> -> memref<128x128xf32, #tpu.memory_space<vmem_shared>>
    %dma_start3A_43 = arith.constant 0 : i32
    %dma_start3A_44 = tpu.memref_slice %arg10[%add3A_40, %dma_start3A_43] : memref<10240x128xf32, #tpu.memory_space<vmem_shared>> -> memref<128x128xf32, #tpu.memory_space<vmem_shared>>
    tpu.enqueue_dma source(%arg8 : memref<128x128xf32, #tpu.memory_space<vmem>>) target(%dma_start3A_44 : memref<128x128xf32, #tpu.memory_space<vmem_shared>>) target_semaphore(%arg11 : memref<!tpu.dma_semaphore, #tpu.memory_space<semaphore_mem>>)
    %mul3A_45 = arith.constant 640 : i32
    %mul3A_46 = arith.muli %arg1, %mul3A_45 : i32
    %add3A_47 = arith.constant 0 : i32
    %add3A_48 = arith.addi %mul3A_46, %add3A_47 : i32
    %dma_wait3A = arith.constant 0 : i32
    %dma_wait3A_49 = tpu.memref_slice %arg10[%add3A_48, %dma_wait3A] : memref<10240x128xf32, #tpu.memory_space<vmem_shared>> -> memref<128x128xf32, #tpu.memory_space<vmem_shared>>
    %dma_wait3A_50 = arith.constant 0 : i32
    %dma_wait3A_51 = tpu.memref_slice %arg10[%add3A_48, %dma_wait3A_50] : memref<10240x128xf32, #tpu.memory_space<vmem_shared>> -> memref<128x128xf32, #tpu.memory_space<vmem_shared>>
    tpu.wait_dma2 semaphore(%arg11 : memref<!tpu.dma_semaphore, #tpu.memory_space<semaphore_mem>>) src(%arg8 : memref<128x128xf32, #tpu.memory_space<vmem>>) dst(%dma_wait3A_51 : memref<128x128xf32, #tpu.memory_space<vmem_shared>>)
    %mul3A_52 = arith.constant 640 : i32
    %mul3A_53 = arith.muli %arg1, %mul3A_52 : i32
    %add3A_54 = arith.constant 128 : i32
    %add3A_55 = arith.addi %mul3A_53, %add3A_54 : i32
    %dma_wait3A_56 = arith.constant 0 : i32
    %dma_wait3A_57 = tpu.memref_slice %arg10[%add3A_55, %dma_wait3A_56] : memref<10240x128xf32, #tpu.memory_space<vmem_shared>> -> memref<128x128xf32, #tpu.memory_space<vmem_shared>>
    %dma_wait3A_58 = arith.constant 0 : i32
    %dma_wait3A_59 = tpu.memref_slice %arg10[%add3A_55, %dma_wait3A_58] : memref<10240x128xf32, #tpu.memory_space<vmem_shared>> -> memref<128x128xf32, #tpu.memory_space<vmem_shared>>
    tpu.wait_dma2 semaphore(%arg11 : memref<!tpu.dma_semaphore, #tpu.memory_space<semaphore_mem>>) src(%arg8 : memref<128x128xf32, #tpu.memory_space<vmem>>) dst(%dma_wait3A_59 : memref<128x128xf32, #tpu.memory_space<vmem_shared>>)
    %mul3A_60 = arith.constant 640 : i32
    %mul3A_61 = arith.muli %arg1, %mul3A_60 : i32
    %add3A_62 = arith.constant 256 : i32
    %add3A_63 = arith.addi %mul3A_61, %add3A_62 : i32
    %dma_wait3A_64 = arith.constant 0 : i32
    %dma_wait3A_65 = tpu.memref_slice %arg10[%add3A_63, %dma_wait3A_64] : memref<10240x128xf32, #tpu.memory_space<vmem_shared>> -> memref<128x128xf32, #tpu.memory_space<vmem_shared>>
    %dma_wait3A_66 = arith.constant 0 : i32
    %dma_wait3A_67 = tpu.memref_slice %arg10[%add3A_63, %dma_wait3A_66] : memref<10240x128xf32, #tpu.memory_space<vmem_shared>> -> memref<128x128xf32, #tpu.memory_space<vmem_shared>>
    tpu.wait_dma2 semaphore(%arg11 : memref<!tpu.dma_semaphore, #tpu.memory_space<semaphore_mem>>) src(%arg8 : memref<128x128xf32, #tpu.memory_space<vmem>>) dst(%dma_wait3A_67 : memref<128x128xf32, #tpu.memory_space<vmem_shared>>)
    %mul3A_68 = arith.constant 640 : i32
    %mul3A_69 = arith.muli %arg1, %mul3A_68 : i32
    %add3A_70 = arith.constant 384 : i32
    %add3A_71 = arith.addi %mul3A_69, %add3A_70 : i32
    %dma_wait3A_72 = arith.constant 0 : i32
    %dma_wait3A_73 = tpu.memref_slice %arg10[%add3A_71, %dma_wait3A_72] : memref<10240x128xf32, #tpu.memory_space<vmem_shared>> -> memref<128x128xf32, #tpu.memory_space<vmem_shared>>
    %dma_wait3A_74 = arith.constant 0 : i32
    %dma_wait3A_75 = tpu.memref_slice %arg10[%add3A_71, %dma_wait3A_74] : memref<10240x128xf32, #tpu.memory_space<vmem_shared>> -> memref<128x128xf32, #tpu.memory_space<vmem_shared>>
    tpu.wait_dma2 semaphore(%arg11 : memref<!tpu.dma_semaphore, #tpu.memory_space<semaphore_mem>>) src(%arg8 : memref<128x128xf32, #tpu.memory_space<vmem>>) dst(%dma_wait3A_75 : memref<128x128xf32, #tpu.memory_space<vmem_shared>>)
    %mul3A_76 = arith.constant 640 : i32
    %mul3A_77 = arith.muli %arg1, %mul3A_76 : i32
    %add3A_78 = arith.constant 512 : i32
    %add3A_79 = arith.addi %mul3A_77, %add3A_78 : i32
    %dma_wait3A_80 = arith.constant 0 : i32
    %dma_wait3A_81 = tpu.memref_slice %arg10[%add3A_79, %dma_wait3A_80] : memref<10240x128xf32, #tpu.memory_space<vmem_shared>> -> memref<128x128xf32, #tpu.memory_space<vmem_shared>>
    %dma_wait3A_82 = arith.constant 0 : i32
    %dma_wait3A_83 = tpu.memref_slice %arg10[%add3A_79, %dma_wait3A_82] : memref<10240x128xf32, #tpu.memory_space<vmem_shared>> -> memref<128x128xf32, #tpu.memory_space<vmem_shared>>
    tpu.wait_dma2 semaphore(%arg11 : memref<!tpu.dma_semaphore, #tpu.memory_space<semaphore_mem>>) src(%arg8 : memref<128x128xf32, #tpu.memory_space<vmem>>) dst(%dma_wait3A_83 : memref<128x128xf32, #tpu.memory_space<vmem_shared>>)
    %barrier3A = arith.constant 0 : index
    tpu.barrier barrier_id(%barrier3A)
    %add3A_84 = arith.constant 0 : i32
    %add3A_85 = arith.addi %mul3A_0, %add3A_84 : i32
    "tpu.region"() ({
      %run_scoped3A_326 = tpu.sem_alloc : memref<!tpu.dma_semaphore, #tpu.memory_space<semaphore_mem>>
      %dma_start3A_327 = arith.constant 0 : i32
      %dma_start3A_328 = tpu.memref_slice %arg3[%arg0, %add3A_85, %dma_start3A_327] : memref<2x2560x128xi32, #tpu.memory_space<hbm>> -> memref<1x40x128xi32, #tpu.memory_space<hbm>>
      %dma_start3A_329 = tpu.memref_squeeze %dma_start3A_328 : memref<1x40x128xi32, #tpu.memory_space<hbm>> -> memref<40x128xi32, #tpu.memory_space<hbm>>
      %dma_start3A_330 = arith.constant 0 : i32
      %dma_start3A_331 = tpu.memref_slice %arg3[%arg0, %add3A_85, %dma_start3A_330] : memref<2x2560x128xi32, #tpu.memory_space<hbm>> -> memref<1x40x128xi32, #tpu.memory_space<hbm>>
      %dma_start3A_332 = tpu.memref_squeeze %dma_start3A_331 : memref<1x40x128xi32, #tpu.memory_space<hbm>> -> memref<40x128xi32, #tpu.memory_space<hbm>>
      tpu.enqueue_dma source(%dma_start3A_332 : memref<40x128xi32, #tpu.memory_space<hbm>>) target(%arg6 : memref<40x128xi32, #tpu.memory_space<vmem>>) target_semaphore(%run_scoped3A_326 : memref<!tpu.dma_semaphore, #tpu.memory_space<semaphore_mem>>)
      %dma_wait3A_333 = arith.constant 0 : i32
      %dma_wait3A_334 = tpu.memref_slice %arg3[%arg0, %add3A_85, %dma_wait3A_333] : memref<2x2560x128xi32, #tpu.memory_space<hbm>> -> memref<1x40x128xi32, #tpu.memory_space<hbm>>
      %dma_wait3A_335 = tpu.memref_squeeze %dma_wait3A_334 : memref<1x40x128xi32, #tpu.memory_space<hbm>> -> memref<40x128xi32, #tpu.memory_space<hbm>>
      %dma_wait3A_336 = arith.constant 0 : i32
      %dma_wait3A_337 = tpu.memref_slice %arg3[%arg0, %add3A_85, %dma_wait3A_336] : memref<2x2560x128xi32, #tpu.memory_space<hbm>> -> memref<1x40x128xi32, #tpu.memory_space<hbm>>
      %dma_wait3A_338 = tpu.memref_squeeze %dma_wait3A_337 : memref<1x40x128xi32, #tpu.memory_space<hbm>> -> memref<40x128xi32, #tpu.memory_space<hbm>>
      tpu.wait_dma2 semaphore(%run_scoped3A_326 : memref<!tpu.dma_semaphore, #tpu.memory_space<semaphore_mem>>) src(%dma_wait3A_338 : memref<40x128xi32, #tpu.memory_space<hbm>>) dst(%arg6 : memref<40x128xi32, #tpu.memory_space<vmem>>)
      tpu.yield
    }) : () -> ()
    "tpu.region"() ({
      %run_scoped3A_326 = tpu.sem_alloc : memref<!tpu.dma_semaphore, #tpu.memory_space<semaphore_mem>>
      %dma_start3A_327 = arith.constant 0 : i32
      %dma_start3A_328 = tpu.memref_slice %arg4[%add3A_85, %dma_start3A_327] : memref<2560x128xi32, #tpu.memory_space<hbm>> -> memref<40x128xi32, #tpu.memory_space<hbm>>
      %dma_start3A_329 = arith.constant 0 : i32
      %dma_start3A_330 = tpu.memref_slice %arg4[%add3A_85, %dma_start3A_329] : memref<2560x128xi32, #tpu.memory_space<hbm>> -> memref<40x128xi32, #tpu.memory_space<hbm>>
      tpu.enqueue_dma source(%dma_start3A_330 : memref<40x128xi32, #tpu.memory_space<hbm>>) target(%arg7 : memref<40x128xi32, #tpu.memory_space<vmem>>) target_semaphore(%run_scoped3A_326 : memref<!tpu.dma_semaphore, #tpu.memory_space<semaphore_mem>>)
      %dma_wait3A_331 = arith.constant 0 : i32
      %dma_wait3A_332 = tpu.memref_slice %arg4[%add3A_85, %dma_wait3A_331] : memref<2560x128xi32, #tpu.memory_space<hbm>> -> memref<40x128xi32, #tpu.memory_space<hbm>>
      %dma_wait3A_333 = arith.constant 0 : i32
      %dma_wait3A_334 = tpu.memref_slice %arg4[%add3A_85, %dma_wait3A_333] : memref<2560x128xi32, #tpu.memory_space<hbm>> -> memref<40x128xi32, #tpu.memory_space<hbm>>
      tpu.wait_dma2 semaphore(%run_scoped3A_326 : memref<!tpu.dma_semaphore, #tpu.memory_space<semaphore_mem>>) src(%dma_wait3A_334 : memref<40x128xi32, #tpu.memory_space<hbm>>) dst(%arg7 : memref<40x128xi32, #tpu.memory_space<vmem>>)
      tpu.yield
    }) : () -> ()
    %dma_start3A_86 = arith.constant 0 : i32
    %dma_start3A_87 = arith.constant 0 : i32
    %dma_start3A_88 = tpu.memref_slice %arg6[%dma_start3A_86, %dma_start3A_87] : memref<40x128xi32, #tpu.memory_space<vmem>> -> memref<1x128xi32, #tpu.memory_space<vmem>>
    %dma_start3A_89 = tpu.memref_squeeze %dma_start3A_88 : memref<1x128xi32, #tpu.memory_space<vmem>> -> memref<128xi32, #tpu.memory_space<vmem>>
    %dma_start3A_90 = arith.constant 0 : i32
    %dma_start3A_91 = arith.constant 0 : i32
    %dma_start3A_92 = tpu.memref_slice %arg2[%dma_start3A_90, %dma_start3A_91] : memref<20480x128xf32, #tpu.memory_space<hbm>> -> memref<20480x128xf32, #tpu.memory_space<hbm>>
    tpu.enqueue_indirect_dma source(%dma_start3A_92 : memref<20480x128xf32, #tpu.memory_space<hbm>>) target(%arg8 : memref<128x128xf32, #tpu.memory_space<vmem>>) offsets(%dma_start3A_89 : memref<128xi32, #tpu.memory_space<vmem>>) semaphore(%arg11 : memref<!tpu.dma_semaphore, #tpu.memory_space<semaphore_mem>>)
    %dma_start3A_93 = arith.constant 1 : i32
    %dma_start3A_94 = arith.constant 0 : i32
    %dma_start3A_95 = tpu.memref_slice %arg6[%dma_start3A_93, %dma_start3A_94] : memref<40x128xi32, #tpu.memory_space<vmem>> -> memref<1x128xi32, #tpu.memory_space<vmem>>
    %dma_start3A_96 = tpu.memref_squeeze %dma_start3A_95 : memref<1x128xi32, #tpu.memory_space<vmem>> -> memref<128xi32, #tpu.memory_space<vmem>>
    %dma_start3A_97 = arith.constant 0 : i32
    %dma_start3A_98 = arith.constant 0 : i32
    %dma_start3A_99 = tpu.memref_slice %arg2[%dma_start3A_97, %dma_start3A_98] : memref<20480x128xf32, #tpu.memory_space<hbm>> -> memref<20480x128xf32, #tpu.memory_space<hbm>>
    tpu.enqueue_indirect_dma source(%dma_start3A_99 : memref<20480x128xf32, #tpu.memory_space<hbm>>) target(%arg9 : memref<128x128xf32, #tpu.memory_space<vmem>>) offsets(%dma_start3A_96 : memref<128xi32, #tpu.memory_space<vmem>>) semaphore(%arg12 : memref<!tpu.dma_semaphore, #tpu.memory_space<semaphore_mem>>)
    %scan3A_100 = arith.constant 0 : i32
    %scan3A_101 = arith.constant 0 : i32
    %scan3A_102 = arith.constant 19 : i32
    %scan3A_103 = arith.addi %scan3A_101, %scan3A_102 : i32
    %scan3A_104 = arith.constant 1 : i32
    scf.for %scan3A_326 = %scan3A_101 to %scan3A_103 step %scan3A_104  : i32 {
      %mul3A_327 = arith.constant 2 : i32
      %mul3A_328 = arith.muli %mul3A_327, %scan3A_326 : i32
      %add3A_329 = arith.constant 0 : i32
      %add3A_330 = arith.addi %mul3A_328, %add3A_329 : i32
      %dma_wait3A_331 = arith.constant 0 : i32
      %dma_wait3A_332 = tpu.memref_slice %arg6[%add3A_330, %dma_wait3A_331] : memref<40x128xi32, #tpu.memory_space<vmem>> -> memref<1x128xi32, #tpu.memory_space<vmem>>
      %dma_wait3A_333 = tpu.memref_squeeze %dma_wait3A_332 : memref<1x128xi32, #tpu.memory_space<vmem>> -> memref<128xi32, #tpu.memory_space<vmem>>
      %dma_wait3A_334 = arith.constant 0 : i32
      %dma_wait3A_335 = arith.constant 0 : i32
      %dma_wait3A_336 = tpu.memref_slice %arg2[%dma_wait3A_334, %dma_wait3A_335] : memref<20480x128xf32, #tpu.memory_space<hbm>> -> memref<20480x128xf32, #tpu.memory_space<hbm>>
      tpu.wait_indirect_dma semaphore(%arg11 : memref<!tpu.dma_semaphore, #tpu.memory_space<semaphore_mem>>) src(%dma_wait3A_336 : memref<20480x128xf32, #tpu.memory_space<hbm>>) dst(%arg8 : memref<128x128xf32, #tpu.memory_space<vmem>>)
      "tpu.region"() ({
        %run_scoped3A_363 = tpu.sem_alloc : memref<!tpu.dma_semaphore, #tpu.memory_space<semaphore_mem>>
        %dma_start3A_364 = arith.constant 0 : i32
        %dma_start3A_365 = tpu.memref_slice %arg7[%add3A_330, %dma_start3A_364] : memref<40x128xi32, #tpu.memory_space<vmem>> -> memref<1x128xi32, #tpu.memory_space<vmem>>
        %dma_start3A_366 = tpu.memref_squeeze %dma_start3A_365 : memref<1x128xi32, #tpu.memory_space<vmem>> -> memref<128xi32, #tpu.memory_space<vmem>>
        %dma_start3A_367 = arith.constant 0 : i32
        %dma_start3A_368 = arith.constant 0 : i32
        %dma_start3A_369 = tpu.memref_slice %arg10[%dma_start3A_367, %dma_start3A_368] : memref<10240x128xf32, #tpu.memory_space<vmem_shared>> -> memref<10240x128xf32, #tpu.memory_space<vmem_shared>>
        tpu.enqueue_indirect_dma source(%arg8 : memref<128x128xf32, #tpu.memory_space<vmem>>) target(%dma_start3A_369 : memref<10240x128xf32, #tpu.memory_space<vmem_shared>>) offsets(%dma_start3A_366 : memref<128xi32, #tpu.memory_space<vmem>>) semaphore(%run_scoped3A_363 : memref<!tpu.dma_semaphore, #tpu.memory_space<semaphore_mem>>) {add = true}
        %dma_wait3A_370 = arith.constant 0 : i32
        %dma_wait3A_371 = tpu.memref_slice %arg7[%add3A_330, %dma_wait3A_370] : memref<40x128xi32, #tpu.memory_space<vmem>> -> memref<1x128xi32, #tpu.memory_space<vmem>>
        %dma_wait3A_372 = tpu.memref_squeeze %dma_wait3A_371 : memref<1x128xi32, #tpu.memory_space<vmem>> -> memref<128xi32, #tpu.memory_space<vmem>>
        %dma_wait3A_373 = arith.constant 0 : i32
        %dma_wait3A_374 = arith.constant 0 : i32
        %dma_wait3A_375 = tpu.memref_slice %arg10[%dma_wait3A_373, %dma_wait3A_374] : memref<10240x128xf32, #tpu.memory_space<vmem_shared>> -> memref<10240x128xf32, #tpu.memory_space<vmem_shared>>
        tpu.wait_indirect_dma semaphore(%run_scoped3A_363 : memref<!tpu.dma_semaphore, #tpu.memory_space<semaphore_mem>>) src(%arg8 : memref<128x128xf32, #tpu.memory_space<vmem>>) dst(%dma_wait3A_375 : memref<10240x128xf32, #tpu.memory_space<vmem_shared>>)
        tpu.yield
      }) : () -> ()
      %add3A_337 = arith.constant 2 : i32
      %add3A_338 = arith.addi %add3A_330, %add3A_337 : i32
      %dma_start3A_339 = arith.constant 0 : i32
      %dma_start3A_340 = tpu.memref_slice %arg6[%add3A_338, %dma_start3A_339] : memref<40x128xi32, #tpu.memory_space<vmem>> -> memref<1x128xi32, #tpu.memory_space<vmem>>
      %dma_start3A_341 = tpu.memref_squeeze %dma_start3A_340 : memref<1x128xi32, #tpu.memory_space<vmem>> -> memref<128xi32, #tpu.memory_space<vmem>>
      %dma_start3A_342 = arith.constant 0 : i32
      %dma_start3A_343 = arith.constant 0 : i32
      %dma_start3A_344 = tpu.memref_slice %arg2[%dma_start3A_342, %dma_start3A_343] : memref<20480x128xf32, #tpu.memory_space<hbm>> -> memref<20480x128xf32, #tpu.memory_space<hbm>>
      tpu.enqueue_indirect_dma source(%dma_start3A_344 : memref<20480x128xf32, #tpu.memory_space<hbm>>) target(%arg8 : memref<128x128xf32, #tpu.memory_space<vmem>>) offsets(%dma_start3A_341 : memref<128xi32, #tpu.memory_space<vmem>>) semaphore(%arg11 : memref<!tpu.dma_semaphore, #tpu.memory_space<semaphore_mem>>)
      %mul3A_345 = arith.constant 2 : i32
      %mul3A_346 = arith.muli %mul3A_345, %scan3A_326 : i32
      %add3A_347 = arith.constant 1 : i32
      %add3A_348 = arith.addi %mul3A_346, %add3A_347 : i32
      %dma_wait3A_349 = arith.constant 0 : i32
      %dma_wait3A_350 = tpu.memref_slice %arg6[%add3A_348, %dma_wait3A_349] : memref<40x128xi32, #tpu.memory_space<vmem>> -> memref<1x128xi32, #tpu.memory_space<vmem>>
      %dma_wait3A_351 = tpu.memref_squeeze %dma_wait3A_350 : memref<1x128xi32, #tpu.memory_space<vmem>> -> memref<128xi32, #tpu.memory_space<vmem>>
      %dma_wait3A_352 = arith.constant 0 : i32
      %dma_wait3A_353 = arith.constant 0 : i32
      %dma_wait3A_354 = tpu.memref_slice %arg2[%dma_wait3A_352, %dma_wait3A_353] : memref<20480x128xf32, #tpu.memory_space<hbm>> -> memref<20480x128xf32, #tpu.memory_space<hbm>>
      tpu.wait_indirect_dma semaphore(%arg12 : memref<!tpu.dma_semaphore, #tpu.memory_space<semaphore_mem>>) src(%dma_wait3A_354 : memref<20480x128xf32, #tpu.memory_space<hbm>>) dst(%arg9 : memref<128x128xf32, #tpu.memory_space<vmem>>)
      "tpu.region"() ({
        %run_scoped3A_363 = tpu.sem_alloc : memref<!tpu.dma_semaphore, #tpu.memory_space<semaphore_mem>>
        %dma_start3A_364 = arith.constant 0 : i32
        %dma_start3A_365 = tpu.memref_slice %arg7[%add3A_348, %dma_start3A_364] : memref<40x128xi32, #tpu.memory_space<vmem>> -> memref<1x128xi32, #tpu.memory_space<vmem>>
        %dma_start3A_366 = tpu.memref_squeeze %dma_start3A_365 : memref<1x128xi32, #tpu.memory_space<vmem>> -> memref<128xi32, #tpu.memory_space<vmem>>
        %dma_start3A_367 = arith.constant 0 : i32
        %dma_start3A_368 = arith.constant 0 : i32
        %dma_start3A_369 = tpu.memref_slice %arg10[%dma_start3A_367, %dma_start3A_368] : memref<10240x128xf32, #tpu.memory_space<vmem_shared>> -> memref<10240x128xf32, #tpu.memory_space<vmem_shared>>
        tpu.enqueue_indirect_dma source(%arg9 : memref<128x128xf32, #tpu.memory_space<vmem>>) target(%dma_start3A_369 : memref<10240x128xf32, #tpu.memory_space<vmem_shared>>) offsets(%dma_start3A_366 : memref<128xi32, #tpu.memory_space<vmem>>) semaphore(%run_scoped3A_363 : memref<!tpu.dma_semaphore, #tpu.memory_space<semaphore_mem>>) {add = true}
        %dma_wait3A_370 = arith.constant 0 : i32
        %dma_wait3A_371 = tpu.memref_slice %arg7[%add3A_348, %dma_wait3A_370] : memref<40x128xi32, #tpu.memory_space<vmem>> -> memref<1x128xi32, #tpu.memory_space<vmem>>
        %dma_wait3A_372 = tpu.memref_squeeze %dma_wait3A_371 : memref<1x128xi32, #tpu.memory_space<vmem>> -> memref<128xi32, #tpu.memory_space<vmem>>
        %dma_wait3A_373 = arith.constant 0 : i32
        %dma_wait3A_374 = arith.constant 0 : i32
        %dma_wait3A_375 = tpu.memref_slice %arg10[%dma_wait3A_373, %dma_wait3A_374] : memref<10240x128xf32, #tpu.memory_space<vmem_shared>> -> memref<10240x128xf32, #tpu.memory_space<vmem_shared>>
        tpu.wait_indirect_dma semaphore(%run_scoped3A_363 : memref<!tpu.dma_semaphore, #tpu.memory_space<semaphore_mem>>) src(%arg9 : memref<128x128xf32, #tpu.memory_space<vmem>>) dst(%dma_wait3A_375 : memref<10240x128xf32, #tpu.memory_space<vmem_shared>>)
        tpu.yield
      }) : () -> ()
      %add3A_355 = arith.constant 2 : i32
      %add3A_356 = arith.addi %add3A_348, %add3A_355 : i32
      %dma_start3A_357 = arith.constant 0 : i32
      %dma_start3A_358 = tpu.memref_slice %arg6[%add3A_356, %dma_start3A_357] : memref<40x128xi32, #tpu.memory_space<vmem>> -> memref<1x128xi32, #tpu.memory_space<vmem>>
      %dma_start3A_359 = tpu.memref_squeeze %dma_start3A_358 : memref<1x128xi32, #tpu.memory_space<vmem>> -> memref<128xi32, #tpu.memory_space<vmem>>
      %dma_start3A_360 = arith.constant 0 : i32
      %dma_start3A_361 = arith.constant 0 : i32
      %dma_start3A_362 = tpu.memref_slice %arg2[%dma_start3A_360, %dma_start3A_361] : memref<20480x128xf32, #tpu.memory_space<hbm>> -> memref<20480x128xf32, #tpu.memory_space<hbm>>
      tpu.enqueue_indirect_dma source(%dma_start3A_362 : memref<20480x128xf32, #tpu.memory_space<hbm>>) target(%arg9 : memref<128x128xf32, #tpu.memory_space<vmem>>) offsets(%dma_start3A_359 : memref<128xi32, #tpu.memory_space<vmem>>) semaphore(%arg12 : memref<!tpu.dma_semaphore, #tpu.memory_space<semaphore_mem>>)
    }
    %scan3A_105 = arith.constant 19 : i32
    %dma_wait3A_106 = arith.constant 38 : i32
    %dma_wait3A_107 = arith.constant 0 : i32
    %dma_wait3A_108 = tpu.memref_slice %arg6[%dma_wait3A_106, %dma_wait3A_107] : memref<40x128xi32, #tpu.memory_space<vmem>> -> memref<1x128xi32, #tpu.memory_space<vmem>>
    %dma_wait3A_109 = tpu.memref_squeeze %dma_wait3A_108 : memref<1x128xi32, #tpu.memory_space<vmem>> -> memref<128xi32, #tpu.memory_space<vmem>>
    %dma_wait3A_110 = arith.constant 0 : i32
    %dma_wait3A_111 = arith.constant 0 : i32
    %dma_wait3A_112 = tpu.memref_slice %arg2[%dma_wait3A_110, %dma_wait3A_111] : memref<20480x128xf32, #tpu.memory_space<hbm>> -> memref<20480x128xf32, #tpu.memory_space<hbm>>
    tpu.wait_indirect_dma semaphore(%arg11 : memref<!tpu.dma_semaphore, #tpu.memory_space<semaphore_mem>>) src(%dma_wait3A_112 : memref<20480x128xf32, #tpu.memory_space<hbm>>) dst(%arg8 : memref<128x128xf32, #tpu.memory_space<vmem>>)
    %run_scoped3A = arith.constant 38 : i32
    "tpu.region"() ({
      %run_scoped3A_326 = tpu.sem_alloc : memref<!tpu.dma_semaphore, #tpu.memory_space<semaphore_mem>>
      %dma_start3A_327 = arith.constant 0 : i32
      %dma_start3A_328 = tpu.memref_slice %arg7[%run_scoped3A, %dma_start3A_327] : memref<40x128xi32, #tpu.memory_space<vmem>> -> memref<1x128xi32, #tpu.memory_space<vmem>>
      %dma_start3A_329 = tpu.memref_squeeze %dma_start3A_328 : memref<1x128xi32, #tpu.memory_space<vmem>> -> memref<128xi32, #tpu.memory_space<vmem>>
      %dma_start3A_330 = arith.constant 0 : i32
      %dma_start3A_331 = arith.constant 0 : i32
      %dma_start3A_332 = tpu.memref_slice %arg10[%dma_start3A_330, %dma_start3A_331] : memref<10240x128xf32, #tpu.memory_space<vmem_shared>> -> memref<10240x128xf32, #tpu.memory_space<vmem_shared>>
      tpu.enqueue_indirect_dma source(%arg8 : memref<128x128xf32, #tpu.memory_space<vmem>>) target(%dma_start3A_332 : memref<10240x128xf32, #tpu.memory_space<vmem_shared>>) offsets(%dma_start3A_329 : memref<128xi32, #tpu.memory_space<vmem>>) semaphore(%run_scoped3A_326 : memref<!tpu.dma_semaphore, #tpu.memory_space<semaphore_mem>>) {add = true}
      %dma_wait3A_333 = arith.constant 0 : i32
      %dma_wait3A_334 = tpu.memref_slice %arg7[%run_scoped3A, %dma_wait3A_333] : memref<40x128xi32, #tpu.memory_space<vmem>> -> memref<1x128xi32, #tpu.memory_space<vmem>>
      %dma_wait3A_335 = tpu.memref_squeeze %dma_wait3A_334 : memref<1x128xi32, #tpu.memory_space<vmem>> -> memref<128xi32, #tpu.memory_space<vmem>>
      %dma_wait3A_336 = arith.constant 0 : i32
      %dma_wait3A_337 = arith.constant 0 : i32
      %dma_wait3A_338 = tpu.memref_slice %arg10[%dma_wait3A_336, %dma_wait3A_337] : memref<10240x128xf32, #tpu.memory_space<vmem_shared>> -> memref<10240x128xf32, #tpu.memory_space<vmem_shared>>
      tpu.wait_indirect_dma semaphore(%run_scoped3A_326 : memref<!tpu.dma_semaphore, #tpu.memory_space<semaphore_mem>>) src(%arg8 : memref<128x128xf32, #tpu.memory_space<vmem>>) dst(%dma_wait3A_338 : memref<10240x128xf32, #tpu.memory_space<vmem_shared>>)
      tpu.yield
    }) : () -> ()
    %dma_wait3A_113 = arith.constant 39 : i32
    %dma_wait3A_114 = arith.constant 0 : i32
    %dma_wait3A_115 = tpu.memref_slice %arg6[%dma_wait3A_113, %dma_wait3A_114] : memref<40x128xi32, #tpu.memory_space<vmem>> -> memref<1x128xi32, #tpu.memory_space<vmem>>
    %dma_wait3A_116 = tpu.memref_squeeze %dma_wait3A_115 : memref<1x128xi32, #tpu.memory_space<vmem>> -> memref<128xi32, #tpu.memory_space<vmem>>
    %dma_wait3A_117 = arith.constant 0 : i32
    %dma_wait3A_118 = arith.constant 0 : i32
    %dma_wait3A_119 = tpu.memref_slice %arg2[%dma_wait3A_117, %dma_wait3A_118] : memref<20480x128xf32, #tpu.memory_space<hbm>> -> memref<20480x128xf32, #tpu.memory_space<hbm>>
    tpu.wait_indirect_dma semaphore(%arg12 : memref<!tpu.dma_semaphore, #tpu.memory_space<semaphore_mem>>) src(%dma_wait3A_119 : memref<20480x128xf32, #tpu.memory_space<hbm>>) dst(%arg9 : memref<128x128xf32, #tpu.memory_space<vmem>>)
    %run_scoped3A_120 = arith.constant 39 : i32
    "tpu.region"() ({
      %run_scoped3A_326 = tpu.sem_alloc : memref<!tpu.dma_semaphore, #tpu.memory_space<semaphore_mem>>
      %dma_start3A_327 = arith.constant 0 : i32
      %dma_start3A_328 = tpu.memref_slice %arg7[%run_scoped3A_120, %dma_start3A_327] : memref<40x128xi32, #tpu.memory_space<vmem>> -> memref<1x128xi32, #tpu.memory_space<vmem>>
      %dma_start3A_329 = tpu.memref_squeeze %dma_start3A_328 : memref<1x128xi32, #tpu.memory_space<vmem>> -> memref<128xi32, #tpu.memory_space<vmem>>
      %dma_start3A_330 = arith.constant 0 : i32
      %dma_start3A_331 = arith.constant 0 : i32
      %dma_start3A_332 = tpu.memref_slice %arg10[%dma_start3A_330, %dma_start3A_331] : memref<10240x128xf32, #tpu.memory_space<vmem_shared>> -> memref<10240x128xf32, #tpu.memory_space<vmem_shared>>
      tpu.enqueue_indirect_dma source(%arg9 : memref<128x128xf32, #tpu.memory_space<vmem>>) target(%dma_start3A_332 : memref<10240x128xf32, #tpu.memory_space<vmem_shared>>) offsets(%dma_start3A_329 : memref<128xi32, #tpu.memory_space<vmem>>) semaphore(%run_scoped3A_326 : memref<!tpu.dma_semaphore, #tpu.memory_space<semaphore_mem>>) {add = true}
      %dma_wait3A_333 = arith.constant 0 : i32
      %dma_wait3A_334 = tpu.memref_slice %arg7[%run_scoped3A_120, %dma_wait3A_333] : memref<40x128xi32, #tpu.memory_space<vmem>> -> memref<1x128xi32, #tpu.memory_space<vmem>>
      %dma_wait3A_335 = tpu.memref_squeeze %dma_wait3A_334 : memref<1x128xi32, #tpu.memory_space<vmem>> -> memref<128xi32, #tpu.memory_space<vmem>>
      %dma_wait3A_336 = arith.constant 0 : i32
      %dma_wait3A_337 = arith.constant 0 : i32
      %dma_wait3A_338 = tpu.memref_slice %arg10[%dma_wait3A_336, %dma_wait3A_337] : memref<10240x128xf32, #tpu.memory_space<vmem_shared>> -> memref<10240x128xf32, #tpu.memory_space<vmem_shared>>
      tpu.wait_indirect_dma semaphore(%run_scoped3A_326 : memref<!tpu.dma_semaphore, #tpu.memory_space<semaphore_mem>>) src(%arg9 : memref<128x128xf32, #tpu.memory_space<vmem>>) dst(%dma_wait3A_338 : memref<10240x128xf32, #tpu.memory_space<vmem_shared>>)
      tpu.yield
    }) : () -> ()
    %add3A_121 = arith.constant 40 : i32
    %add3A_122 = arith.addi %mul3A_0, %add3A_121 : i32
    "tpu.region"() ({
      %run_scoped3A_326 = tpu.sem_alloc : memref<!tpu.dma_semaphore, #tpu.memory_space<semaphore_mem>>
      %dma_start3A_327 = arith.constant 0 : i32
      %dma_start3A_328 = tpu.memref_slice %arg3[%arg0, %add3A_122, %dma_start3A_327] : memref<2x2560x128xi32, #tpu.memory_space<hbm>> -> memref<1x40x128xi32, #tpu.memory_space<hbm>>
      %dma_start3A_329 = tpu.memref_squeeze %dma_start3A_328 : memref<1x40x128xi32, #tpu.memory_space<hbm>> -> memref<40x128xi32, #tpu.memory_space<hbm>>
      %dma_start3A_330 = arith.constant 0 : i32
      %dma_start3A_331 = tpu.memref_slice %arg3[%arg0, %add3A_122, %dma_start3A_330] : memref<2x2560x128xi32, #tpu.memory_space<hbm>> -> memref<1x40x128xi32, #tpu.memory_space<hbm>>
      %dma_start3A_332 = tpu.memref_squeeze %dma_start3A_331 : memref<1x40x128xi32, #tpu.memory_space<hbm>> -> memref<40x128xi32, #tpu.memory_space<hbm>>
      tpu.enqueue_dma source(%dma_start3A_332 : memref<40x128xi32, #tpu.memory_space<hbm>>) target(%arg6 : memref<40x128xi32, #tpu.memory_space<vmem>>) target_semaphore(%run_scoped3A_326 : memref<!tpu.dma_semaphore, #tpu.memory_space<semaphore_mem>>)
      %dma_wait3A_333 = arith.constant 0 : i32
      %dma_wait3A_334 = tpu.memref_slice %arg3[%arg0, %add3A_122, %dma_wait3A_333] : memref<2x2560x128xi32, #tpu.memory_space<hbm>> -> memref<1x40x128xi32, #tpu.memory_space<hbm>>
      %dma_wait3A_335 = tpu.memref_squeeze %dma_wait3A_334 : memref<1x40x128xi32, #tpu.memory_space<hbm>> -> memref<40x128xi32, #tpu.memory_space<hbm>>
      %dma_wait3A_336 = arith.constant 0 : i32
      %dma_wait3A_337 = tpu.memref_slice %arg3[%arg0, %add3A_122, %dma_wait3A_336] : memref<2x2560x128xi32, #tpu.memory_space<hbm>> -> memref<1x40x128xi32, #tpu.memory_space<hbm>>
      %dma_wait3A_338 = tpu.memref_squeeze %dma_wait3A_337 : memref<1x40x128xi32, #tpu.memory_space<hbm>> -> memref<40x128xi32, #tpu.memory_space<hbm>>
      tpu.wait_dma2 semaphore(%run_scoped3A_326 : memref<!tpu.dma_semaphore, #tpu.memory_space<semaphore_mem>>) src(%dma_wait3A_338 : memref<40x128xi32, #tpu.memory_space<hbm>>) dst(%arg6 : memref<40x128xi32, #tpu.memory_space<vmem>>)
      tpu.yield
    }) : () -> ()
    "tpu.region"() ({
      %run_scoped3A_326 = tpu.sem_alloc : memref<!tpu.dma_semaphore, #tpu.memory_space<semaphore_mem>>
      %dma_start3A_327 = arith.constant 0 : i32
      %dma_start3A_328 = tpu.memref_slice %arg4[%add3A_122, %dma_start3A_327] : memref<2560x128xi32, #tpu.memory_space<hbm>> -> memref<40x128xi32, #tpu.memory_space<hbm>>
      %dma_start3A_329 = arith.constant 0 : i32
      %dma_start3A_330 = tpu.memref_slice %arg4[%add3A_122, %dma_start3A_329] : memref<2560x128xi32, #tpu.memory_space<hbm>> -> memref<40x128xi32, #tpu.memory_space<hbm>>
      tpu.enqueue_dma source(%dma_start3A_330 : memref<40x128xi32, #tpu.memory_space<hbm>>) target(%arg7 : memref<40x128xi32, #tpu.memory_space<vmem>>) target_semaphore(%run_scoped3A_326 : memref<!tpu.dma_semaphore, #tpu.memory_space<semaphore_mem>>)
      %dma_wait3A_331 = arith.constant 0 : i32
      %dma_wait3A_332 = tpu.memref_slice %arg4[%add3A_122, %dma_wait3A_331] : memref<2560x128xi32, #tpu.memory_space<hbm>> -> memref<40x128xi32, #tpu.memory_space<hbm>>
      %dma_wait3A_333 = arith.constant 0 : i32
      %dma_wait3A_334 = tpu.memref_slice %arg4[%add3A_122, %dma_wait3A_333] : memref<2560x128xi32, #tpu.memory_space<hbm>> -> memref<40x128xi32, #tpu.memory_space<hbm>>
      tpu.wait_dma2 semaphore(%run_scoped3A_326 : memref<!tpu.dma_semaphore, #tpu.memory_space<semaphore_mem>>) src(%dma_wait3A_334 : memref<40x128xi32, #tpu.memory_space<hbm>>) dst(%arg7 : memref<40x128xi32, #tpu.memory_space<vmem>>)
      tpu.yield
    }) : () -> ()
    %dma_start3A_123 = arith.constant 0 : i32
    %dma_start3A_124 = arith.constant 0 : i32
    %dma_start3A_125 = tpu.memref_slice %arg6[%dma_start3A_123, %dma_start3A_124] : memref<40x128xi32, #tpu.memory_space<vmem>> -> memref<1x128xi32, #tpu.memory_space<vmem>>
    %dma_start3A_126 = tpu.memref_squeeze %dma_start3A_125 : memref<1x128xi32, #tpu.memory_space<vmem>> -> memref<128xi32, #tpu.memory_space<vmem>>
    %dma_start3A_127 = arith.constant 0 : i32
    %dma_start3A_128 = arith.constant 0 : i32
    %dma_start3A_129 = tpu.memref_slice %arg2[%dma_start3A_127, %dma_start3A_128] : memref<20480x128xf32, #tpu.memory_space<hbm>> -> memref<20480x128xf32, #tpu.memory_space<hbm>>
    tpu.enqueue_indirect_dma source(%dma_start3A_129 : memref<20480x128xf32, #tpu.memory_space<hbm>>) target(%arg8 : memref<128x128xf32, #tpu.memory_space<vmem>>) offsets(%dma_start3A_126 : memref<128xi32, #tpu.memory_space<vmem>>) semaphore(%arg11 : memref<!tpu.dma_semaphore, #tpu.memory_space<semaphore_mem>>)
    %dma_start3A_130 = arith.constant 1 : i32
    %dma_start3A_131 = arith.constant 0 : i32
    %dma_start3A_132 = tpu.memref_slice %arg6[%dma_start3A_130, %dma_start3A_131] : memref<40x128xi32, #tpu.memory_space<vmem>> -> memref<1x128xi32, #tpu.memory_space<vmem>>
    %dma_start3A_133 = tpu.memref_squeeze %dma_start3A_132 : memref<1x128xi32, #tpu.memory_space<vmem>> -> memref<128xi32, #tpu.memory_space<vmem>>
    %dma_start3A_134 = arith.constant 0 : i32
    %dma_start3A_135 = arith.constant 0 : i32
    %dma_start3A_136 = tpu.memref_slice %arg2[%dma_start3A_134, %dma_start3A_135] : memref<20480x128xf32, #tpu.memory_space<hbm>> -> memref<20480x128xf32, #tpu.memory_space<hbm>>
    tpu.enqueue_indirect_dma source(%dma_start3A_136 : memref<20480x128xf32, #tpu.memory_space<hbm>>) target(%arg9 : memref<128x128xf32, #tpu.memory_space<vmem>>) offsets(%dma_start3A_133 : memref<128xi32, #tpu.memory_space<vmem>>) semaphore(%arg12 : memref<!tpu.dma_semaphore, #tpu.memory_space<semaphore_mem>>)
    %scan3A_137 = arith.constant 0 : i32
    %scan3A_138 = arith.constant 0 : i32
    %scan3A_139 = arith.constant 19 : i32
    %scan3A_140 = arith.addi %scan3A_138, %scan3A_139 : i32
    %scan3A_141 = arith.constant 1 : i32
    scf.for %scan3A_326 = %scan3A_138 to %scan3A_140 step %scan3A_141  : i32 {
      %mul3A_327 = arith.constant 2 : i32
      %mul3A_328 = arith.muli %mul3A_327, %scan3A_326 : i32
      %add3A_329 = arith.constant 0 : i32
      %add3A_330 = arith.addi %mul3A_328, %add3A_329 : i32
      %dma_wait3A_331 = arith.constant 0 : i32
      %dma_wait3A_332 = tpu.memref_slice %arg6[%add3A_330, %dma_wait3A_331] : memref<40x128xi32, #tpu.memory_space<vmem>> -> memref<1x128xi32, #tpu.memory_space<vmem>>
      %dma_wait3A_333 = tpu.memref_squeeze %dma_wait3A_332 : memref<1x128xi32, #tpu.memory_space<vmem>> -> memref<128xi32, #tpu.memory_space<vmem>>
      %dma_wait3A_334 = arith.constant 0 : i32
      %dma_wait3A_335 = arith.constant 0 : i32
      %dma_wait3A_336 = tpu.memref_slice %arg2[%dma_wait3A_334, %dma_wait3A_335] : memref<20480x128xf32, #tpu.memory_space<hbm>> -> memref<20480x128xf32, #tpu.memory_space<hbm>>
      tpu.wait_indirect_dma semaphore(%arg11 : memref<!tpu.dma_semaphore, #tpu.memory_space<semaphore_mem>>) src(%dma_wait3A_336 : memref<20480x128xf32, #tpu.memory_space<hbm>>) dst(%arg8 : memref<128x128xf32, #tpu.memory_space<vmem>>)
      "tpu.region"() ({
        %run_scoped3A_363 = tpu.sem_alloc : memref<!tpu.dma_semaphore, #tpu.memory_space<semaphore_mem>>
        %dma_start3A_364 = arith.constant 0 : i32
        %dma_start3A_365 = tpu.memref_slice %arg7[%add3A_330, %dma_start3A_364] : memref<40x128xi32, #tpu.memory_space<vmem>> -> memref<1x128xi32, #tpu.memory_space<vmem>>
        %dma_start3A_366 = tpu.memref_squeeze %dma_start3A_365 : memref<1x128xi32, #tpu.memory_space<vmem>> -> memref<128xi32, #tpu.memory_space<vmem>>
        %dma_start3A_367 = arith.constant 0 : i32
        %dma_start3A_368 = arith.constant 0 : i32
        %dma_start3A_369 = tpu.memref_slice %arg10[%dma_start3A_367, %dma_start3A_368] : memref<10240x128xf32, #tpu.memory_space<vmem_shared>> -> memref<10240x128xf32, #tpu.memory_space<vmem_shared>>
        tpu.enqueue_indirect_dma source(%arg8 : memref<128x128xf32, #tpu.memory_space<vmem>>) target(%dma_start3A_369 : memref<10240x128xf32, #tpu.memory_space<vmem_shared>>) offsets(%dma_start3A_366 : memref<128xi32, #tpu.memory_space<vmem>>) semaphore(%run_scoped3A_363 : memref<!tpu.dma_semaphore, #tpu.memory_space<semaphore_mem>>) {add = true}
        %dma_wait3A_370 = arith.constant 0 : i32
        %dma_wait3A_371 = tpu.memref_slice %arg7[%add3A_330, %dma_wait3A_370] : memref<40x128xi32, #tpu.memory_space<vmem>> -> memref<1x128xi32, #tpu.memory_space<vmem>>
        %dma_wait3A_372 = tpu.memref_squeeze %dma_wait3A_371 : memref<1x128xi32, #tpu.memory_space<vmem>> -> memref<128xi32, #tpu.memory_space<vmem>>
        %dma_wait3A_373 = arith.constant 0 : i32
        %dma_wait3A_374 = arith.constant 0 : i32
        %dma_wait3A_375 = tpu.memref_slice %arg10[%dma_wait3A_373, %dma_wait3A_374] : memref<10240x128xf32, #tpu.memory_space<vmem_shared>> -> memref<10240x128xf32, #tpu.memory_space<vmem_shared>>
        tpu.wait_indirect_dma semaphore(%run_scoped3A_363 : memref<!tpu.dma_semaphore, #tpu.memory_space<semaphore_mem>>) src(%arg8 : memref<128x128xf32, #tpu.memory_space<vmem>>) dst(%dma_wait3A_375 : memref<10240x128xf32, #tpu.memory_space<vmem_shared>>)
        tpu.yield
      }) : () -> ()
      %add3A_337 = arith.constant 2 : i32
      %add3A_338 = arith.addi %add3A_330, %add3A_337 : i32
      %dma_start3A_339 = arith.constant 0 : i32
      %dma_start3A_340 = tpu.memref_slice %arg6[%add3A_338, %dma_start3A_339] : memref<40x128xi32, #tpu.memory_space<vmem>> -> memref<1x128xi32, #tpu.memory_space<vmem>>
      %dma_start3A_341 = tpu.memref_squeeze %dma_start3A_340 : memref<1x128xi32, #tpu.memory_space<vmem>> -> memref<128xi32, #tpu.memory_space<vmem>>
      %dma_start3A_342 = arith.constant 0 : i32
      %dma_start3A_343 = arith.constant 0 : i32
      %dma_start3A_344 = tpu.memref_slice %arg2[%dma_start3A_342, %dma_start3A_343] : memref<20480x128xf32, #tpu.memory_space<hbm>> -> memref<20480x128xf32, #tpu.memory_space<hbm>>
      tpu.enqueue_indirect_dma source(%dma_start3A_344 : memref<20480x128xf32, #tpu.memory_space<hbm>>) target(%arg8 : memref<128x128xf32, #tpu.memory_space<vmem>>) offsets(%dma_start3A_341 : memref<128xi32, #tpu.memory_space<vmem>>) semaphore(%arg11 : memref<!tpu.dma_semaphore, #tpu.memory_space<semaphore_mem>>)
      %mul3A_345 = arith.constant 2 : i32
      %mul3A_346 = arith.muli %mul3A_345, %scan3A_326 : i32
      %add3A_347 = arith.constant 1 : i32
      %add3A_348 = arith.addi %mul3A_346, %add3A_347 : i32
      %dma_wait3A_349 = arith.constant 0 : i32
      %dma_wait3A_350 = tpu.memref_slice %arg6[%add3A_348, %dma_wait3A_349] : memref<40x128xi32, #tpu.memory_space<vmem>> -> memref<1x128xi32, #tpu.memory_space<vmem>>
      %dma_wait3A_351 = tpu.memref_squeeze %dma_wait3A_350 : memref<1x128xi32, #tpu.memory_space<vmem>> -> memref<128xi32, #tpu.memory_space<vmem>>
      %dma_wait3A_352 = arith.constant 0 : i32
      %dma_wait3A_353 = arith.constant 0 : i32
      %dma_wait3A_354 = tpu.memref_slice %arg2[%dma_wait3A_352, %dma_wait3A_353] : memref<20480x128xf32, #tpu.memory_space<hbm>> -> memref<20480x128xf32, #tpu.memory_space<hbm>>
      tpu.wait_indirect_dma semaphore(%arg12 : memref<!tpu.dma_semaphore, #tpu.memory_space<semaphore_mem>>) src(%dma_wait3A_354 : memref<20480x128xf32, #tpu.memory_space<hbm>>) dst(%arg9 : memref<128x128xf32, #tpu.memory_space<vmem>>)
      "tpu.region"() ({
        %run_scoped3A_363 = tpu.sem_alloc : memref<!tpu.dma_semaphore, #tpu.memory_space<semaphore_mem>>
        %dma_start3A_364 = arith.constant 0 : i32
        %dma_start3A_365 = tpu.memref_slice %arg7[%add3A_348, %dma_start3A_364] : memref<40x128xi32, #tpu.memory_space<vmem>> -> memref<1x128xi32, #tpu.memory_space<vmem>>
        %dma_start3A_366 = tpu.memref_squeeze %dma_start3A_365 : memref<1x128xi32, #tpu.memory_space<vmem>> -> memref<128xi32, #tpu.memory_space<vmem>>
        %dma_start3A_367 = arith.constant 0 : i32
        %dma_start3A_368 = arith.constant 0 : i32
        %dma_start3A_369 = tpu.memref_slice %arg10[%dma_start3A_367, %dma_start3A_368] : memref<10240x128xf32, #tpu.memory_space<vmem_shared>> -> memref<10240x128xf32, #tpu.memory_space<vmem_shared>>
        tpu.enqueue_indirect_dma source(%arg9 : memref<128x128xf32, #tpu.memory_space<vmem>>) target(%dma_start3A_369 : memref<10240x128xf32, #tpu.memory_space<vmem_shared>>) offsets(%dma_start3A_366 : memref<128xi32, #tpu.memory_space<vmem>>) semaphore(%run_scoped3A_363 : memref<!tpu.dma_semaphore, #tpu.memory_space<semaphore_mem>>) {add = true}
        %dma_wait3A_370 = arith.constant 0 : i32
        %dma_wait3A_371 = tpu.memref_slice %arg7[%add3A_348, %dma_wait3A_370] : memref<40x128xi32, #tpu.memory_space<vmem>> -> memref<1x128xi32, #tpu.memory_space<vmem>>
        %dma_wait3A_372 = tpu.memref_squeeze %dma_wait3A_371 : memref<1x128xi32, #tpu.memory_space<vmem>> -> memref<128xi32, #tpu.memory_space<vmem>>
        %dma_wait3A_373 = arith.constant 0 : i32
        %dma_wait3A_374 = arith.constant 0 : i32
        %dma_wait3A_375 = tpu.memref_slice %arg10[%dma_wait3A_373, %dma_wait3A_374] : memref<10240x128xf32, #tpu.memory_space<vmem_shared>> -> memref<10240x128xf32, #tpu.memory_space<vmem_shared>>
        tpu.wait_indirect_dma semaphore(%run_scoped3A_363 : memref<!tpu.dma_semaphore, #tpu.memory_space<semaphore_mem>>) src(%arg9 : memref<128x128xf32, #tpu.memory_space<vmem>>) dst(%dma_wait3A_375 : memref<10240x128xf32, #tpu.memory_space<vmem_shared>>)
        tpu.yield
      }) : () -> ()
      %add3A_355 = arith.constant 2 : i32
      %add3A_356 = arith.addi %add3A_348, %add3A_355 : i32
      %dma_start3A_357 = arith.constant 0 : i32
      %dma_start3A_358 = tpu.memref_slice %arg6[%add3A_356, %dma_start3A_357] : memref<40x128xi32, #tpu.memory_space<vmem>> -> memref<1x128xi32, #tpu.memory_space<vmem>>
      %dma_start3A_359 = tpu.memref_squeeze %dma_start3A_358 : memref<1x128xi32, #tpu.memory_space<vmem>> -> memref<128xi32, #tpu.memory_space<vmem>>
      %dma_start3A_360 = arith.constant 0 : i32
      %dma_start3A_361 = arith.constant 0 : i32
      %dma_start3A_362 = tpu.memref_slice %arg2[%dma_start3A_360, %dma_start3A_361] : memref<20480x128xf32, #tpu.memory_space<hbm>> -> memref<20480x128xf32, #tpu.memory_space<hbm>>
      tpu.enqueue_indirect_dma source(%dma_start3A_362 : memref<20480x128xf32, #tpu.memory_space<hbm>>) target(%arg9 : memref<128x128xf32, #tpu.memory_space<vmem>>) offsets(%dma_start3A_359 : memref<128xi32, #tpu.memory_space<vmem>>) semaphore(%arg12 : memref<!tpu.dma_semaphore, #tpu.memory_space<semaphore_mem>>)
    }
    %scan3A_142 = arith.constant 19 : i32
    %dma_wait3A_143 = arith.constant 38 : i32
    %dma_wait3A_144 = arith.constant 0 : i32
    %dma_wait3A_145 = tpu.memref_slice %arg6[%dma_wait3A_143, %dma_wait3A_144] : memref<40x128xi32, #tpu.memory_space<vmem>> -> memref<1x128xi32, #tpu.memory_space<vmem>>
    %dma_wait3A_146 = tpu.memref_squeeze %dma_wait3A_145 : memref<1x128xi32, #tpu.memory_space<vmem>> -> memref<128xi32, #tpu.memory_space<vmem>>
    %dma_wait3A_147 = arith.constant 0 : i32
    %dma_wait3A_148 = arith.constant 0 : i32
    %dma_wait3A_149 = tpu.memref_slice %arg2[%dma_wait3A_147, %dma_wait3A_148] : memref<20480x128xf32, #tpu.memory_space<hbm>> -> memref<20480x128xf32, #tpu.memory_space<hbm>>
    tpu.wait_indirect_dma semaphore(%arg11 : memref<!tpu.dma_semaphore, #tpu.memory_space<semaphore_mem>>) src(%dma_wait3A_149 : memref<20480x128xf32, #tpu.memory_space<hbm>>) dst(%arg8 : memref<128x128xf32, #tpu.memory_space<vmem>>)
    %run_scoped3A_150 = arith.constant 38 : i32
    "tpu.region"() ({
      %run_scoped3A_326 = tpu.sem_alloc : memref<!tpu.dma_semaphore, #tpu.memory_space<semaphore_mem>>
      %dma_start3A_327 = arith.constant 0 : i32
      %dma_start3A_328 = tpu.memref_slice %arg7[%run_scoped3A_150, %dma_start3A_327] : memref<40x128xi32, #tpu.memory_space<vmem>> -> memref<1x128xi32, #tpu.memory_space<vmem>>
      %dma_start3A_329 = tpu.memref_squeeze %dma_start3A_328 : memref<1x128xi32, #tpu.memory_space<vmem>> -> memref<128xi32, #tpu.memory_space<vmem>>
      %dma_start3A_330 = arith.constant 0 : i32
      %dma_start3A_331 = arith.constant 0 : i32
      %dma_start3A_332 = tpu.memref_slice %arg10[%dma_start3A_330, %dma_start3A_331] : memref<10240x128xf32, #tpu.memory_space<vmem_shared>> -> memref<10240x128xf32, #tpu.memory_space<vmem_shared>>
      tpu.enqueue_indirect_dma source(%arg8 : memref<128x128xf32, #tpu.memory_space<vmem>>) target(%dma_start3A_332 : memref<10240x128xf32, #tpu.memory_space<vmem_shared>>) offsets(%dma_start3A_329 : memref<128xi32, #tpu.memory_space<vmem>>) semaphore(%run_scoped3A_326 : memref<!tpu.dma_semaphore, #tpu.memory_space<semaphore_mem>>) {add = true}
      %dma_wait3A_333 = arith.constant 0 : i32
      %dma_wait3A_334 = tpu.memref_slice %arg7[%run_scoped3A_150, %dma_wait3A_333] : memref<40x128xi32, #tpu.memory_space<vmem>> -> memref<1x128xi32, #tpu.memory_space<vmem>>
      %dma_wait3A_335 = tpu.memref_squeeze %dma_wait3A_334 : memref<1x128xi32, #tpu.memory_space<vmem>> -> memref<128xi32, #tpu.memory_space<vmem>>
      %dma_wait3A_336 = arith.constant 0 : i32
      %dma_wait3A_337 = arith.constant 0 : i32
      %dma_wait3A_338 = tpu.memref_slice %arg10[%dma_wait3A_336, %dma_wait3A_337] : memref<10240x128xf32, #tpu.memory_space<vmem_shared>> -> memref<10240x128xf32, #tpu.memory_space<vmem_shared>>
      tpu.wait_indirect_dma semaphore(%run_scoped3A_326 : memref<!tpu.dma_semaphore, #tpu.memory_space<semaphore_mem>>) src(%arg8 : memref<128x128xf32, #tpu.memory_space<vmem>>) dst(%dma_wait3A_338 : memref<10240x128xf32, #tpu.memory_space<vmem_shared>>)
      tpu.yield
    }) : () -> ()
    %dma_wait3A_151 = arith.constant 39 : i32
    %dma_wait3A_152 = arith.constant 0 : i32
    %dma_wait3A_153 = tpu.memref_slice %arg6[%dma_wait3A_151, %dma_wait3A_152] : memref<40x128xi32, #tpu.memory_space<vmem>> -> memref<1x128xi32, #tpu.memory_space<vmem>>
    %dma_wait3A_154 = tpu.memref_squeeze %dma_wait3A_153 : memref<1x128xi32, #tpu.memory_space<vmem>> -> memref<128xi32, #tpu.memory_space<vmem>>
    %dma_wait3A_155 = arith.constant 0 : i32
    %dma_wait3A_156 = arith.constant 0 : i32
    %dma_wait3A_157 = tpu.memref_slice %arg2[%dma_wait3A_155, %dma_wait3A_156] : memref<20480x128xf32, #tpu.memory_space<hbm>> -> memref<20480x128xf32, #tpu.memory_space<hbm>>
    tpu.wait_indirect_dma semaphore(%arg12 : memref<!tpu.dma_semaphore, #tpu.memory_space<semaphore_mem>>) src(%dma_wait3A_157 : memref<20480x128xf32, #tpu.memory_space<hbm>>) dst(%arg9 : memref<128x128xf32, #tpu.memory_space<vmem>>)
    %run_scoped3A_158 = arith.constant 39 : i32
    "tpu.region"() ({
      %run_scoped3A_326 = tpu.sem_alloc : memref<!tpu.dma_semaphore, #tpu.memory_space<semaphore_mem>>
      %dma_start3A_327 = arith.constant 0 : i32
      %dma_start3A_328 = tpu.memref_slice %arg7[%run_scoped3A_158, %dma_start3A_327] : memref<40x128xi32, #tpu.memory_space<vmem>> -> memref<1x128xi32, #tpu.memory_space<vmem>>
      %dma_start3A_329 = tpu.memref_squeeze %dma_start3A_328 : memref<1x128xi32, #tpu.memory_space<vmem>> -> memref<128xi32, #tpu.memory_space<vmem>>
      %dma_start3A_330 = arith.constant 0 : i32
      %dma_start3A_331 = arith.constant 0 : i32
      %dma_start3A_332 = tpu.memref_slice %arg10[%dma_start3A_330, %dma_start3A_331] : memref<10240x128xf32, #tpu.memory_space<vmem_shared>> -> memref<10240x128xf32, #tpu.memory_space<vmem_shared>>
      tpu.enqueue_indirect_dma source(%arg9 : memref<128x128xf32, #tpu.memory_space<vmem>>) target(%dma_start3A_332 : memref<10240x128xf32, #tpu.memory_space<vmem_shared>>) offsets(%dma_start3A_329 : memref<128xi32, #tpu.memory_space<vmem>>) semaphore(%run_scoped3A_326 : memref<!tpu.dma_semaphore, #tpu.memory_space<semaphore_mem>>) {add = true}
      %dma_wait3A_333 = arith.constant 0 : i32
      %dma_wait3A_334 = tpu.memref_slice %arg7[%run_scoped3A_158, %dma_wait3A_333] : memref<40x128xi32, #tpu.memory_space<vmem>> -> memref<1x128xi32, #tpu.memory_space<vmem>>
      %dma_wait3A_335 = tpu.memref_squeeze %dma_wait3A_334 : memref<1x128xi32, #tpu.memory_space<vmem>> -> memref<128xi32, #tpu.memory_space<vmem>>
      %dma_wait3A_336 = arith.constant 0 : i32
      %dma_wait3A_337 = arith.constant 0 : i32
      %dma_wait3A_338 = tpu.memref_slice %arg10[%dma_wait3A_336, %dma_wait3A_337] : memref<10240x128xf32, #tpu.memory_space<vmem_shared>> -> memref<10240x128xf32, #tpu.memory_space<vmem_shared>>
      tpu.wait_indirect_dma semaphore(%run_scoped3A_326 : memref<!tpu.dma_semaphore, #tpu.memory_space<semaphore_mem>>) src(%arg9 : memref<128x128xf32, #tpu.memory_space<vmem>>) dst(%dma_wait3A_338 : memref<10240x128xf32, #tpu.memory_space<vmem_shared>>)
      tpu.yield
    }) : () -> ()
    %add3A_159 = arith.constant 80 : i32
    %add3A_160 = arith.addi %mul3A_0, %add3A_159 : i32
    "tpu.region"() ({
      %run_scoped3A_326 = tpu.sem_alloc : memref<!tpu.dma_semaphore, #tpu.memory_space<semaphore_mem>>
      %dma_start3A_327 = arith.constant 0 : i32
      %dma_start3A_328 = tpu.memref_slice %arg3[%arg0, %add3A_160, %dma_start3A_327] : memref<2x2560x128xi32, #tpu.memory_space<hbm>> -> memref<1x40x128xi32, #tpu.memory_space<hbm>>
      %dma_start3A_329 = tpu.memref_squeeze %dma_start3A_328 : memref<1x40x128xi32, #tpu.memory_space<hbm>> -> memref<40x128xi32, #tpu.memory_space<hbm>>
      %dma_start3A_330 = arith.constant 0 : i32
      %dma_start3A_331 = tpu.memref_slice %arg3[%arg0, %add3A_160, %dma_start3A_330] : memref<2x2560x128xi32, #tpu.memory_space<hbm>> -> memref<1x40x128xi32, #tpu.memory_space<hbm>>
      %dma_start3A_332 = tpu.memref_squeeze %dma_start3A_331 : memref<1x40x128xi32, #tpu.memory_space<hbm>> -> memref<40x128xi32, #tpu.memory_space<hbm>>
      tpu.enqueue_dma source(%dma_start3A_332 : memref<40x128xi32, #tpu.memory_space<hbm>>) target(%arg6 : memref<40x128xi32, #tpu.memory_space<vmem>>) target_semaphore(%run_scoped3A_326 : memref<!tpu.dma_semaphore, #tpu.memory_space<semaphore_mem>>)
      %dma_wait3A_333 = arith.constant 0 : i32
      %dma_wait3A_334 = tpu.memref_slice %arg3[%arg0, %add3A_160, %dma_wait3A_333] : memref<2x2560x128xi32, #tpu.memory_space<hbm>> -> memref<1x40x128xi32, #tpu.memory_space<hbm>>
      %dma_wait3A_335 = tpu.memref_squeeze %dma_wait3A_334 : memref<1x40x128xi32, #tpu.memory_space<hbm>> -> memref<40x128xi32, #tpu.memory_space<hbm>>
      %dma_wait3A_336 = arith.constant 0 : i32
      %dma_wait3A_337 = tpu.memref_slice %arg3[%arg0, %add3A_160, %dma_wait3A_336] : memref<2x2560x128xi32, #tpu.memory_space<hbm>> -> memref<1x40x128xi32, #tpu.memory_space<hbm>>
      %dma_wait3A_338 = tpu.memref_squeeze %dma_wait3A_337 : memref<1x40x128xi32, #tpu.memory_space<hbm>> -> memref<40x128xi32, #tpu.memory_space<hbm>>
      tpu.wait_dma2 semaphore(%run_scoped3A_326 : memref<!tpu.dma_semaphore, #tpu.memory_space<semaphore_mem>>) src(%dma_wait3A_338 : memref<40x128xi32, #tpu.memory_space<hbm>>) dst(%arg6 : memref<40x128xi32, #tpu.memory_space<vmem>>)
      tpu.yield
    }) : () -> ()
    "tpu.region"() ({
      %run_scoped3A_326 = tpu.sem_alloc : memref<!tpu.dma_semaphore, #tpu.memory_space<semaphore_mem>>
      %dma_start3A_327 = arith.constant 0 : i32
      %dma_start3A_328 = tpu.memref_slice %arg4[%add3A_160, %dma_start3A_327] : memref<2560x128xi32, #tpu.memory_space<hbm>> -> memref<40x128xi32, #tpu.memory_space<hbm>>
      %dma_start3A_329 = arith.constant 0 : i32
      %dma_start3A_330 = tpu.memref_slice %arg4[%add3A_160, %dma_start3A_329] : memref<2560x128xi32, #tpu.memory_space<hbm>> -> memref<40x128xi32, #tpu.memory_space<hbm>>
      tpu.enqueue_dma source(%dma_start3A_330 : memref<40x128xi32, #tpu.memory_space<hbm>>) target(%arg7 : memref<40x128xi32, #tpu.memory_space<vmem>>) target_semaphore(%run_scoped3A_326 : memref<!tpu.dma_semaphore, #tpu.memory_space<semaphore_mem>>)
      %dma_wait3A_331 = arith.constant 0 : i32
      %dma_wait3A_332 = tpu.memref_slice %arg4[%add3A_160, %dma_wait3A_331] : memref<2560x128xi32, #tpu.memory_space<hbm>> -> memref<40x128xi32, #tpu.memory_space<hbm>>
      %dma_wait3A_333 = arith.constant 0 : i32
      %dma_wait3A_334 = tpu.memref_slice %arg4[%add3A_160, %dma_wait3A_333] : memref<2560x128xi32, #tpu.memory_space<hbm>> -> memref<40x128xi32, #tpu.memory_space<hbm>>
      tpu.wait_dma2 semaphore(%run_scoped3A_326 : memref<!tpu.dma_semaphore, #tpu.memory_space<semaphore_mem>>) src(%dma_wait3A_334 : memref<40x128xi32, #tpu.memory_space<hbm>>) dst(%arg7 : memref<40x128xi32, #tpu.memory_space<vmem>>)
      tpu.yield
    }) : () -> ()
    %dma_start3A_161 = arith.constant 0 : i32
    %dma_start3A_162 = arith.constant 0 : i32
    %dma_start3A_163 = tpu.memref_slice %arg6[%dma_start3A_161, %dma_start3A_162] : memref<40x128xi32, #tpu.memory_space<vmem>> -> memref<1x128xi32, #tpu.memory_space<vmem>>
    %dma_start3A_164 = tpu.memref_squeeze %dma_start3A_163 : memref<1x128xi32, #tpu.memory_space<vmem>> -> memref<128xi32, #tpu.memory_space<vmem>>
    %dma_start3A_165 = arith.constant 0 : i32
    %dma_start3A_166 = arith.constant 0 : i32
    %dma_start3A_167 = tpu.memref_slice %arg2[%dma_start3A_165, %dma_start3A_166] : memref<20480x128xf32, #tpu.memory_space<hbm>> -> memref<20480x128xf32, #tpu.memory_space<hbm>>
    tpu.enqueue_indirect_dma source(%dma_start3A_167 : memref<20480x128xf32, #tpu.memory_space<hbm>>) target(%arg8 : memref<128x128xf32, #tpu.memory_space<vmem>>) offsets(%dma_start3A_164 : memref<128xi32, #tpu.memory_space<vmem>>) semaphore(%arg11 : memref<!tpu.dma_semaphore, #tpu.memory_space<semaphore_mem>>)
    %dma_start3A_168 = arith.constant 1 : i32
    %dma_start3A_169 = arith.constant 0 : i32
    %dma_start3A_170 = tpu.memref_slice %arg6[%dma_start3A_168, %dma_start3A_169] : memref<40x128xi32, #tpu.memory_space<vmem>> -> memref<1x128xi32, #tpu.memory_space<vmem>>
    %dma_start3A_171 = tpu.memref_squeeze %dma_start3A_170 : memref<1x128xi32, #tpu.memory_space<vmem>> -> memref<128xi32, #tpu.memory_space<vmem>>
    %dma_start3A_172 = arith.constant 0 : i32
    %dma_start3A_173 = arith.constant 0 : i32
    %dma_start3A_174 = tpu.memref_slice %arg2[%dma_start3A_172, %dma_start3A_173] : memref<20480x128xf32, #tpu.memory_space<hbm>> -> memref<20480x128xf32, #tpu.memory_space<hbm>>
    tpu.enqueue_indirect_dma source(%dma_start3A_174 : memref<20480x128xf32, #tpu.memory_space<hbm>>) target(%arg9 : memref<128x128xf32, #tpu.memory_space<vmem>>) offsets(%dma_start3A_171 : memref<128xi32, #tpu.memory_space<vmem>>) semaphore(%arg12 : memref<!tpu.dma_semaphore, #tpu.memory_space<semaphore_mem>>)
    %scan3A_175 = arith.constant 0 : i32
    %scan3A_176 = arith.constant 0 : i32
    %scan3A_177 = arith.constant 19 : i32
    %scan3A_178 = arith.addi %scan3A_176, %scan3A_177 : i32
    %scan3A_179 = arith.constant 1 : i32
    scf.for %scan3A_326 = %scan3A_176 to %scan3A_178 step %scan3A_179  : i32 {
      %mul3A_327 = arith.constant 2 : i32
      %mul3A_328 = arith.muli %mul3A_327, %scan3A_326 : i32
      %add3A_329 = arith.constant 0 : i32
      %add3A_330 = arith.addi %mul3A_328, %add3A_329 : i32
      %dma_wait3A_331 = arith.constant 0 : i32
      %dma_wait3A_332 = tpu.memref_slice %arg6[%add3A_330, %dma_wait3A_331] : memref<40x128xi32, #tpu.memory_space<vmem>> -> memref<1x128xi32, #tpu.memory_space<vmem>>
      %dma_wait3A_333 = tpu.memref_squeeze %dma_wait3A_332 : memref<1x128xi32, #tpu.memory_space<vmem>> -> memref<128xi32, #tpu.memory_space<vmem>>
      %dma_wait3A_334 = arith.constant 0 : i32
      %dma_wait3A_335 = arith.constant 0 : i32
      %dma_wait3A_336 = tpu.memref_slice %arg2[%dma_wait3A_334, %dma_wait3A_335] : memref<20480x128xf32, #tpu.memory_space<hbm>> -> memref<20480x128xf32, #tpu.memory_space<hbm>>
      tpu.wait_indirect_dma semaphore(%arg11 : memref<!tpu.dma_semaphore, #tpu.memory_space<semaphore_mem>>) src(%dma_wait3A_336 : memref<20480x128xf32, #tpu.memory_space<hbm>>) dst(%arg8 : memref<128x128xf32, #tpu.memory_space<vmem>>)
      "tpu.region"() ({
        %run_scoped3A_363 = tpu.sem_alloc : memref<!tpu.dma_semaphore, #tpu.memory_space<semaphore_mem>>
        %dma_start3A_364 = arith.constant 0 : i32
        %dma_start3A_365 = tpu.memref_slice %arg7[%add3A_330, %dma_start3A_364] : memref<40x128xi32, #tpu.memory_space<vmem>> -> memref<1x128xi32, #tpu.memory_space<vmem>>
        %dma_start3A_366 = tpu.memref_squeeze %dma_start3A_365 : memref<1x128xi32, #tpu.memory_space<vmem>> -> memref<128xi32, #tpu.memory_space<vmem>>
        %dma_start3A_367 = arith.constant 0 : i32
        %dma_start3A_368 = arith.constant 0 : i32
        %dma_start3A_369 = tpu.memref_slice %arg10[%dma_start3A_367, %dma_start3A_368] : memref<10240x128xf32, #tpu.memory_space<vmem_shared>> -> memref<10240x128xf32, #tpu.memory_space<vmem_shared>>
        tpu.enqueue_indirect_dma source(%arg8 : memref<128x128xf32, #tpu.memory_space<vmem>>) target(%dma_start3A_369 : memref<10240x128xf32, #tpu.memory_space<vmem_shared>>) offsets(%dma_start3A_366 : memref<128xi32, #tpu.memory_space<vmem>>) semaphore(%run_scoped3A_363 : memref<!tpu.dma_semaphore, #tpu.memory_space<semaphore_mem>>) {add = true}
        %dma_wait3A_370 = arith.constant 0 : i32
        %dma_wait3A_371 = tpu.memref_slice %arg7[%add3A_330, %dma_wait3A_370] : memref<40x128xi32, #tpu.memory_space<vmem>> -> memref<1x128xi32, #tpu.memory_space<vmem>>
        %dma_wait3A_372 = tpu.memref_squeeze %dma_wait3A_371 : memref<1x128xi32, #tpu.memory_space<vmem>> -> memref<128xi32, #tpu.memory_space<vmem>>
        %dma_wait3A_373 = arith.constant 0 : i32
        %dma_wait3A_374 = arith.constant 0 : i32
        %dma_wait3A_375 = tpu.memref_slice %arg10[%dma_wait3A_373, %dma_wait3A_374] : memref<10240x128xf32, #tpu.memory_space<vmem_shared>> -> memref<10240x128xf32, #tpu.memory_space<vmem_shared>>
        tpu.wait_indirect_dma semaphore(%run_scoped3A_363 : memref<!tpu.dma_semaphore, #tpu.memory_space<semaphore_mem>>) src(%arg8 : memref<128x128xf32, #tpu.memory_space<vmem>>) dst(%dma_wait3A_375 : memref<10240x128xf32, #tpu.memory_space<vmem_shared>>)
        tpu.yield
      }) : () -> ()
      %add3A_337 = arith.constant 2 : i32
      %add3A_338 = arith.addi %add3A_330, %add3A_337 : i32
      %dma_start3A_339 = arith.constant 0 : i32
      %dma_start3A_340 = tpu.memref_slice %arg6[%add3A_338, %dma_start3A_339] : memref<40x128xi32, #tpu.memory_space<vmem>> -> memref<1x128xi32, #tpu.memory_space<vmem>>
      %dma_start3A_341 = tpu.memref_squeeze %dma_start3A_340 : memref<1x128xi32, #tpu.memory_space<vmem>> -> memref<128xi32, #tpu.memory_space<vmem>>
      %dma_start3A_342 = arith.constant 0 : i32
      %dma_start3A_343 = arith.constant 0 : i32
      %dma_start3A_344 = tpu.memref_slice %arg2[%dma_start3A_342, %dma_start3A_343] : memref<20480x128xf32, #tpu.memory_space<hbm>> -> memref<20480x128xf32, #tpu.memory_space<hbm>>
      tpu.enqueue_indirect_dma source(%dma_start3A_344 : memref<20480x128xf32, #tpu.memory_space<hbm>>) target(%arg8 : memref<128x128xf32, #tpu.memory_space<vmem>>) offsets(%dma_start3A_341 : memref<128xi32, #tpu.memory_space<vmem>>) semaphore(%arg11 : memref<!tpu.dma_semaphore, #tpu.memory_space<semaphore_mem>>)
      %mul3A_345 = arith.constant 2 : i32
      %mul3A_346 = arith.muli %mul3A_345, %scan3A_326 : i32
      %add3A_347 = arith.constant 1 : i32
      %add3A_348 = arith.addi %mul3A_346, %add3A_347 : i32
      %dma_wait3A_349 = arith.constant 0 : i32
      %dma_wait3A_350 = tpu.memref_slice %arg6[%add3A_348, %dma_wait3A_349] : memref<40x128xi32, #tpu.memory_space<vmem>> -> memref<1x128xi32, #tpu.memory_space<vmem>>
      %dma_wait3A_351 = tpu.memref_squeeze %dma_wait3A_350 : memref<1x128xi32, #tpu.memory_space<vmem>> -> memref<128xi32, #tpu.memory_space<vmem>>
      %dma_wait3A_352 = arith.constant 0 : i32
      %dma_wait3A_353 = arith.constant 0 : i32
      %dma_wait3A_354 = tpu.memref_slice %arg2[%dma_wait3A_352, %dma_wait3A_353] : memref<20480x128xf32, #tpu.memory_space<hbm>> -> memref<20480x128xf32, #tpu.memory_space<hbm>>
      tpu.wait_indirect_dma semaphore(%arg12 : memref<!tpu.dma_semaphore, #tpu.memory_space<semaphore_mem>>) src(%dma_wait3A_354 : memref<20480x128xf32, #tpu.memory_space<hbm>>) dst(%arg9 : memref<128x128xf32, #tpu.memory_space<vmem>>)
      "tpu.region"() ({
        %run_scoped3A_363 = tpu.sem_alloc : memref<!tpu.dma_semaphore, #tpu.memory_space<semaphore_mem>>
        %dma_start3A_364 = arith.constant 0 : i32
        %dma_start3A_365 = tpu.memref_slice %arg7[%add3A_348, %dma_start3A_364] : memref<40x128xi32, #tpu.memory_space<vmem>> -> memref<1x128xi32, #tpu.memory_space<vmem>>
        %dma_start3A_366 = tpu.memref_squeeze %dma_start3A_365 : memref<1x128xi32, #tpu.memory_space<vmem>> -> memref<128xi32, #tpu.memory_space<vmem>>
        %dma_start3A_367 = arith.constant 0 : i32
        %dma_start3A_368 = arith.constant 0 : i32
        %dma_start3A_369 = tpu.memref_slice %arg10[%dma_start3A_367, %dma_start3A_368] : memref<10240x128xf32, #tpu.memory_space<vmem_shared>> -> memref<10240x128xf32, #tpu.memory_space<vmem_shared>>
        tpu.enqueue_indirect_dma source(%arg9 : memref<128x128xf32, #tpu.memory_space<vmem>>) target(%dma_start3A_369 : memref<10240x128xf32, #tpu.memory_space<vmem_shared>>) offsets(%dma_start3A_366 : memref<128xi32, #tpu.memory_space<vmem>>) semaphore(%run_scoped3A_363 : memref<!tpu.dma_semaphore, #tpu.memory_space<semaphore_mem>>) {add = true}
        %dma_wait3A_370 = arith.constant 0 : i32
        %dma_wait3A_371 = tpu.memref_slice %arg7[%add3A_348, %dma_wait3A_370] : memref<40x128xi32, #tpu.memory_space<vmem>> -> memref<1x128xi32, #tpu.memory_space<vmem>>
        %dma_wait3A_372 = tpu.memref_squeeze %dma_wait3A_371 : memref<1x128xi32, #tpu.memory_space<vmem>> -> memref<128xi32, #tpu.memory_space<vmem>>
        %dma_wait3A_373 = arith.constant 0 : i32
        %dma_wait3A_374 = arith.constant 0 : i32
        %dma_wait3A_375 = tpu.memref_slice %arg10[%dma_wait3A_373, %dma_wait3A_374] : memref<10240x128xf32, #tpu.memory_space<vmem_shared>> -> memref<10240x128xf32, #tpu.memory_space<vmem_shared>>
        tpu.wait_indirect_dma semaphore(%run_scoped3A_363 : memref<!tpu.dma_semaphore, #tpu.memory_space<semaphore_mem>>) src(%arg9 : memref<128x128xf32, #tpu.memory_space<vmem>>) dst(%dma_wait3A_375 : memref<10240x128xf32, #tpu.memory_space<vmem_shared>>)
        tpu.yield
      }) : () -> ()
      %add3A_355 = arith.constant 2 : i32
      %add3A_356 = arith.addi %add3A_348, %add3A_355 : i32
      %dma_start3A_357 = arith.constant 0 : i32
      %dma_start3A_358 = tpu.memref_slice %arg6[%add3A_356, %dma_start3A_357] : memref<40x128xi32, #tpu.memory_space<vmem>> -> memref<1x128xi32, #tpu.memory_space<vmem>>
      %dma_start3A_359 = tpu.memref_squeeze %dma_start3A_358 : memref<1x128xi32, #tpu.memory_space<vmem>> -> memref<128xi32, #tpu.memory_space<vmem>>
      %dma_start3A_360 = arith.constant 0 : i32
      %dma_start3A_361 = arith.constant 0 : i32
      %dma_start3A_362 = tpu.memref_slice %arg2[%dma_start3A_360, %dma_start3A_361] : memref<20480x128xf32, #tpu.memory_space<hbm>> -> memref<20480x128xf32, #tpu.memory_space<hbm>>
      tpu.enqueue_indirect_dma source(%dma_start3A_362 : memref<20480x128xf32, #tpu.memory_space<hbm>>) target(%arg9 : memref<128x128xf32, #tpu.memory_space<vmem>>) offsets(%dma_start3A_359 : memref<128xi32, #tpu.memory_space<vmem>>) semaphore(%arg12 : memref<!tpu.dma_semaphore, #tpu.memory_space<semaphore_mem>>)
    }
    %scan3A_180 = arith.constant 19 : i32
    %dma_wait3A_181 = arith.constant 38 : i32
    %dma_wait3A_182 = arith.constant 0 : i32
    %dma_wait3A_183 = tpu.memref_slice %arg6[%dma_wait3A_181, %dma_wait3A_182] : memref<40x128xi32, #tpu.memory_space<vmem>> -> memref<1x128xi32, #tpu.memory_space<vmem>>
    %dma_wait3A_184 = tpu.memref_squeeze %dma_wait3A_183 : memref<1x128xi32, #tpu.memory_space<vmem>> -> memref<128xi32, #tpu.memory_space<vmem>>
    %dma_wait3A_185 = arith.constant 0 : i32
    %dma_wait3A_186 = arith.constant 0 : i32
    %dma_wait3A_187 = tpu.memref_slice %arg2[%dma_wait3A_185, %dma_wait3A_186] : memref<20480x128xf32, #tpu.memory_space<hbm>> -> memref<20480x128xf32, #tpu.memory_space<hbm>>
    tpu.wait_indirect_dma semaphore(%arg11 : memref<!tpu.dma_semaphore, #tpu.memory_space<semaphore_mem>>) src(%dma_wait3A_187 : memref<20480x128xf32, #tpu.memory_space<hbm>>) dst(%arg8 : memref<128x128xf32, #tpu.memory_space<vmem>>)
    %run_scoped3A_188 = arith.constant 38 : i32
    "tpu.region"() ({
      %run_scoped3A_326 = tpu.sem_alloc : memref<!tpu.dma_semaphore, #tpu.memory_space<semaphore_mem>>
      %dma_start3A_327 = arith.constant 0 : i32
      %dma_start3A_328 = tpu.memref_slice %arg7[%run_scoped3A_188, %dma_start3A_327] : memref<40x128xi32, #tpu.memory_space<vmem>> -> memref<1x128xi32, #tpu.memory_space<vmem>>
      %dma_start3A_329 = tpu.memref_squeeze %dma_start3A_328 : memref<1x128xi32, #tpu.memory_space<vmem>> -> memref<128xi32, #tpu.memory_space<vmem>>
      %dma_start3A_330 = arith.constant 0 : i32
      %dma_start3A_331 = arith.constant 0 : i32
      %dma_start3A_332 = tpu.memref_slice %arg10[%dma_start3A_330, %dma_start3A_331] : memref<10240x128xf32, #tpu.memory_space<vmem_shared>> -> memref<10240x128xf32, #tpu.memory_space<vmem_shared>>
      tpu.enqueue_indirect_dma source(%arg8 : memref<128x128xf32, #tpu.memory_space<vmem>>) target(%dma_start3A_332 : memref<10240x128xf32, #tpu.memory_space<vmem_shared>>) offsets(%dma_start3A_329 : memref<128xi32, #tpu.memory_space<vmem>>) semaphore(%run_scoped3A_326 : memref<!tpu.dma_semaphore, #tpu.memory_space<semaphore_mem>>) {add = true}
      %dma_wait3A_333 = arith.constant 0 : i32
      %dma_wait3A_334 = tpu.memref_slice %arg7[%run_scoped3A_188, %dma_wait3A_333] : memref<40x128xi32, #tpu.memory_space<vmem>> -> memref<1x128xi32, #tpu.memory_space<vmem>>
      %dma_wait3A_335 = tpu.memref_squeeze %dma_wait3A_334 : memref<1x128xi32, #tpu.memory_space<vmem>> -> memref<128xi32, #tpu.memory_space<vmem>>
      %dma_wait3A_336 = arith.constant 0 : i32
      %dma_wait3A_337 = arith.constant 0 : i32
      %dma_wait3A_338 = tpu.memref_slice %arg10[%dma_wait3A_336, %dma_wait3A_337] : memref<10240x128xf32, #tpu.memory_space<vmem_shared>> -> memref<10240x128xf32, #tpu.memory_space<vmem_shared>>
      tpu.wait_indirect_dma semaphore(%run_scoped3A_326 : memref<!tpu.dma_semaphore, #tpu.memory_space<semaphore_mem>>) src(%arg8 : memref<128x128xf32, #tpu.memory_space<vmem>>) dst(%dma_wait3A_338 : memref<10240x128xf32, #tpu.memory_space<vmem_shared>>)
      tpu.yield
    }) : () -> ()
    %dma_wait3A_189 = arith.constant 39 : i32
    %dma_wait3A_190 = arith.constant 0 : i32
    %dma_wait3A_191 = tpu.memref_slice %arg6[%dma_wait3A_189, %dma_wait3A_190] : memref<40x128xi32, #tpu.memory_space<vmem>> -> memref<1x128xi32, #tpu.memory_space<vmem>>
    %dma_wait3A_192 = tpu.memref_squeeze %dma_wait3A_191 : memref<1x128xi32, #tpu.memory_space<vmem>> -> memref<128xi32, #tpu.memory_space<vmem>>
    %dma_wait3A_193 = arith.constant 0 : i32
    %dma_wait3A_194 = arith.constant 0 : i32
    %dma_wait3A_195 = tpu.memref_slice %arg2[%dma_wait3A_193, %dma_wait3A_194] : memref<20480x128xf32, #tpu.memory_space<hbm>> -> memref<20480x128xf32, #tpu.memory_space<hbm>>
    tpu.wait_indirect_dma semaphore(%arg12 : memref<!tpu.dma_semaphore, #tpu.memory_space<semaphore_mem>>) src(%dma_wait3A_195 : memref<20480x128xf32, #tpu.memory_space<hbm>>) dst(%arg9 : memref<128x128xf32, #tpu.memory_space<vmem>>)
    %run_scoped3A_196 = arith.constant 39 : i32
    "tpu.region"() ({
      %run_scoped3A_326 = tpu.sem_alloc : memref<!tpu.dma_semaphore, #tpu.memory_space<semaphore_mem>>
      %dma_start3A_327 = arith.constant 0 : i32
      %dma_start3A_328 = tpu.memref_slice %arg7[%run_scoped3A_196, %dma_start3A_327] : memref<40x128xi32, #tpu.memory_space<vmem>> -> memref<1x128xi32, #tpu.memory_space<vmem>>
      %dma_start3A_329 = tpu.memref_squeeze %dma_start3A_328 : memref<1x128xi32, #tpu.memory_space<vmem>> -> memref<128xi32, #tpu.memory_space<vmem>>
      %dma_start3A_330 = arith.constant 0 : i32
      %dma_start3A_331 = arith.constant 0 : i32
      %dma_start3A_332 = tpu.memref_slice %arg10[%dma_start3A_330, %dma_start3A_331] : memref<10240x128xf32, #tpu.memory_space<vmem_shared>> -> memref<10240x128xf32, #tpu.memory_space<vmem_shared>>
      tpu.enqueue_indirect_dma source(%arg9 : memref<128x128xf32, #tpu.memory_space<vmem>>) target(%dma_start3A_332 : memref<10240x128xf32, #tpu.memory_space<vmem_shared>>) offsets(%dma_start3A_329 : memref<128xi32, #tpu.memory_space<vmem>>) semaphore(%run_scoped3A_326 : memref<!tpu.dma_semaphore, #tpu.memory_space<semaphore_mem>>) {add = true}
      %dma_wait3A_333 = arith.constant 0 : i32
      %dma_wait3A_334 = tpu.memref_slice %arg7[%run_scoped3A_196, %dma_wait3A_333] : memref<40x128xi32, #tpu.memory_space<vmem>> -> memref<1x128xi32, #tpu.memory_space<vmem>>
      %dma_wait3A_335 = tpu.memref_squeeze %dma_wait3A_334 : memref<1x128xi32, #tpu.memory_space<vmem>> -> memref<128xi32, #tpu.memory_space<vmem>>
      %dma_wait3A_336 = arith.constant 0 : i32
      %dma_wait3A_337 = arith.constant 0 : i32
      %dma_wait3A_338 = tpu.memref_slice %arg10[%dma_wait3A_336, %dma_wait3A_337] : memref<10240x128xf32, #tpu.memory_space<vmem_shared>> -> memref<10240x128xf32, #tpu.memory_space<vmem_shared>>
      tpu.wait_indirect_dma semaphore(%run_scoped3A_326 : memref<!tpu.dma_semaphore, #tpu.memory_space<semaphore_mem>>) src(%arg9 : memref<128x128xf32, #tpu.memory_space<vmem>>) dst(%dma_wait3A_338 : memref<10240x128xf32, #tpu.memory_space<vmem_shared>>)
      tpu.yield
    }) : () -> ()
    %add3A_197 = arith.constant 120 : i32
    %add3A_198 = arith.addi %mul3A_0, %add3A_197 : i32
    "tpu.region"() ({
      %run_scoped3A_326 = tpu.sem_alloc : memref<!tpu.dma_semaphore, #tpu.memory_space<semaphore_mem>>
      %dma_start3A_327 = arith.constant 0 : i32
      %dma_start3A_328 = tpu.memref_slice %arg3[%arg0, %add3A_198, %dma_start3A_327] : memref<2x2560x128xi32, #tpu.memory_space<hbm>> -> memref<1x40x128xi32, #tpu.memory_space<hbm>>
      %dma_start3A_329 = tpu.memref_squeeze %dma_start3A_328 : memref<1x40x128xi32, #tpu.memory_space<hbm>> -> memref<40x128xi32, #tpu.memory_space<hbm>>
      %dma_start3A_330 = arith.constant 0 : i32
      %dma_start3A_331 = tpu.memref_slice %arg3[%arg0, %add3A_198, %dma_start3A_330] : memref<2x2560x128xi32, #tpu.memory_space<hbm>> -> memref<1x40x128xi32, #tpu.memory_space<hbm>>
      %dma_start3A_332 = tpu.memref_squeeze %dma_start3A_331 : memref<1x40x128xi32, #tpu.memory_space<hbm>> -> memref<40x128xi32, #tpu.memory_space<hbm>>
      tpu.enqueue_dma source(%dma_start3A_332 : memref<40x128xi32, #tpu.memory_space<hbm>>) target(%arg6 : memref<40x128xi32, #tpu.memory_space<vmem>>) target_semaphore(%run_scoped3A_326 : memref<!tpu.dma_semaphore, #tpu.memory_space<semaphore_mem>>)
      %dma_wait3A_333 = arith.constant 0 : i32
      %dma_wait3A_334 = tpu.memref_slice %arg3[%arg0, %add3A_198, %dma_wait3A_333] : memref<2x2560x128xi32, #tpu.memory_space<hbm>> -> memref<1x40x128xi32, #tpu.memory_space<hbm>>
      %dma_wait3A_335 = tpu.memref_squeeze %dma_wait3A_334 : memref<1x40x128xi32, #tpu.memory_space<hbm>> -> memref<40x128xi32, #tpu.memory_space<hbm>>
      %dma_wait3A_336 = arith.constant 0 : i32
      %dma_wait3A_337 = tpu.memref_slice %arg3[%arg0, %add3A_198, %dma_wait3A_336] : memref<2x2560x128xi32, #tpu.memory_space<hbm>> -> memref<1x40x128xi32, #tpu.memory_space<hbm>>
      %dma_wait3A_338 = tpu.memref_squeeze %dma_wait3A_337 : memref<1x40x128xi32, #tpu.memory_space<hbm>> -> memref<40x128xi32, #tpu.memory_space<hbm>>
      tpu.wait_dma2 semaphore(%run_scoped3A_326 : memref<!tpu.dma_semaphore, #tpu.memory_space<semaphore_mem>>) src(%dma_wait3A_338 : memref<40x128xi32, #tpu.memory_space<hbm>>) dst(%arg6 : memref<40x128xi32, #tpu.memory_space<vmem>>)
      tpu.yield
    }) : () -> ()
    "tpu.region"() ({
      %run_scoped3A_326 = tpu.sem_alloc : memref<!tpu.dma_semaphore, #tpu.memory_space<semaphore_mem>>
      %dma_start3A_327 = arith.constant 0 : i32
      %dma_start3A_328 = tpu.memref_slice %arg4[%add3A_198, %dma_start3A_327] : memref<2560x128xi32, #tpu.memory_space<hbm>> -> memref<40x128xi32, #tpu.memory_space<hbm>>
      %dma_start3A_329 = arith.constant 0 : i32
      %dma_start3A_330 = tpu.memref_slice %arg4[%add3A_198, %dma_start3A_329] : memref<2560x128xi32, #tpu.memory_space<hbm>> -> memref<40x128xi32, #tpu.memory_space<hbm>>
      tpu.enqueue_dma source(%dma_start3A_330 : memref<40x128xi32, #tpu.memory_space<hbm>>) target(%arg7 : memref<40x128xi32, #tpu.memory_space<vmem>>) target_semaphore(%run_scoped3A_326 : memref<!tpu.dma_semaphore, #tpu.memory_space<semaphore_mem>>)
      %dma_wait3A_331 = arith.constant 0 : i32
      %dma_wait3A_332 = tpu.memref_slice %arg4[%add3A_198, %dma_wait3A_331] : memref<2560x128xi32, #tpu.memory_space<hbm>> -> memref<40x128xi32, #tpu.memory_space<hbm>>
      %dma_wait3A_333 = arith.constant 0 : i32
      %dma_wait3A_334 = tpu.memref_slice %arg4[%add3A_198, %dma_wait3A_333] : memref<2560x128xi32, #tpu.memory_space<hbm>> -> memref<40x128xi32, #tpu.memory_space<hbm>>
      tpu.wait_dma2 semaphore(%run_scoped3A_326 : memref<!tpu.dma_semaphore, #tpu.memory_space<semaphore_mem>>) src(%dma_wait3A_334 : memref<40x128xi32, #tpu.memory_space<hbm>>) dst(%arg7 : memref<40x128xi32, #tpu.memory_space<vmem>>)
      tpu.yield
    }) : () -> ()
    %dma_start3A_199 = arith.constant 0 : i32
    %dma_start3A_200 = arith.constant 0 : i32
    %dma_start3A_201 = tpu.memref_slice %arg6[%dma_start3A_199, %dma_start3A_200] : memref<40x128xi32, #tpu.memory_space<vmem>> -> memref<1x128xi32, #tpu.memory_space<vmem>>
    %dma_start3A_202 = tpu.memref_squeeze %dma_start3A_201 : memref<1x128xi32, #tpu.memory_space<vmem>> -> memref<128xi32, #tpu.memory_space<vmem>>
    %dma_start3A_203 = arith.constant 0 : i32
    %dma_start3A_204 = arith.constant 0 : i32
    %dma_start3A_205 = tpu.memref_slice %arg2[%dma_start3A_203, %dma_start3A_204] : memref<20480x128xf32, #tpu.memory_space<hbm>> -> memref<20480x128xf32, #tpu.memory_space<hbm>>
    tpu.enqueue_indirect_dma source(%dma_start3A_205 : memref<20480x128xf32, #tpu.memory_space<hbm>>) target(%arg8 : memref<128x128xf32, #tpu.memory_space<vmem>>) offsets(%dma_start3A_202 : memref<128xi32, #tpu.memory_space<vmem>>) semaphore(%arg11 : memref<!tpu.dma_semaphore, #tpu.memory_space<semaphore_mem>>)
    %dma_start3A_206 = arith.constant 1 : i32
    %dma_start3A_207 = arith.constant 0 : i32
    %dma_start3A_208 = tpu.memref_slice %arg6[%dma_start3A_206, %dma_start3A_207] : memref<40x128xi32, #tpu.memory_space<vmem>> -> memref<1x128xi32, #tpu.memory_space<vmem>>
    %dma_start3A_209 = tpu.memref_squeeze %dma_start3A_208 : memref<1x128xi32, #tpu.memory_space<vmem>> -> memref<128xi32, #tpu.memory_space<vmem>>
    %dma_start3A_210 = arith.constant 0 : i32
    %dma_start3A_211 = arith.constant 0 : i32
    %dma_start3A_212 = tpu.memref_slice %arg2[%dma_start3A_210, %dma_start3A_211] : memref<20480x128xf32, #tpu.memory_space<hbm>> -> memref<20480x128xf32, #tpu.memory_space<hbm>>
    tpu.enqueue_indirect_dma source(%dma_start3A_212 : memref<20480x128xf32, #tpu.memory_space<hbm>>) target(%arg9 : memref<128x128xf32, #tpu.memory_space<vmem>>) offsets(%dma_start3A_209 : memref<128xi32, #tpu.memory_space<vmem>>) semaphore(%arg12 : memref<!tpu.dma_semaphore, #tpu.memory_space<semaphore_mem>>)
    %scan3A_213 = arith.constant 0 : i32
    %scan3A_214 = arith.constant 0 : i32
    %scan3A_215 = arith.constant 19 : i32
    %scan3A_216 = arith.addi %scan3A_214, %scan3A_215 : i32
    %scan3A_217 = arith.constant 1 : i32
    scf.for %scan3A_326 = %scan3A_214 to %scan3A_216 step %scan3A_217  : i32 {
      %mul3A_327 = arith.constant 2 : i32
      %mul3A_328 = arith.muli %mul3A_327, %scan3A_326 : i32
      %add3A_329 = arith.constant 0 : i32
      %add3A_330 = arith.addi %mul3A_328, %add3A_329 : i32
      %dma_wait3A_331 = arith.constant 0 : i32
      %dma_wait3A_332 = tpu.memref_slice %arg6[%add3A_330, %dma_wait3A_331] : memref<40x128xi32, #tpu.memory_space<vmem>> -> memref<1x128xi32, #tpu.memory_space<vmem>>
      %dma_wait3A_333 = tpu.memref_squeeze %dma_wait3A_332 : memref<1x128xi32, #tpu.memory_space<vmem>> -> memref<128xi32, #tpu.memory_space<vmem>>
      %dma_wait3A_334 = arith.constant 0 : i32
      %dma_wait3A_335 = arith.constant 0 : i32
      %dma_wait3A_336 = tpu.memref_slice %arg2[%dma_wait3A_334, %dma_wait3A_335] : memref<20480x128xf32, #tpu.memory_space<hbm>> -> memref<20480x128xf32, #tpu.memory_space<hbm>>
      tpu.wait_indirect_dma semaphore(%arg11 : memref<!tpu.dma_semaphore, #tpu.memory_space<semaphore_mem>>) src(%dma_wait3A_336 : memref<20480x128xf32, #tpu.memory_space<hbm>>) dst(%arg8 : memref<128x128xf32, #tpu.memory_space<vmem>>)
      "tpu.region"() ({
        %run_scoped3A_363 = tpu.sem_alloc : memref<!tpu.dma_semaphore, #tpu.memory_space<semaphore_mem>>
        %dma_start3A_364 = arith.constant 0 : i32
        %dma_start3A_365 = tpu.memref_slice %arg7[%add3A_330, %dma_start3A_364] : memref<40x128xi32, #tpu.memory_space<vmem>> -> memref<1x128xi32, #tpu.memory_space<vmem>>
        %dma_start3A_366 = tpu.memref_squeeze %dma_start3A_365 : memref<1x128xi32, #tpu.memory_space<vmem>> -> memref<128xi32, #tpu.memory_space<vmem>>
        %dma_start3A_367 = arith.constant 0 : i32
        %dma_start3A_368 = arith.constant 0 : i32
        %dma_start3A_369 = tpu.memref_slice %arg10[%dma_start3A_367, %dma_start3A_368] : memref<10240x128xf32, #tpu.memory_space<vmem_shared>> -> memref<10240x128xf32, #tpu.memory_space<vmem_shared>>
        tpu.enqueue_indirect_dma source(%arg8 : memref<128x128xf32, #tpu.memory_space<vmem>>) target(%dma_start3A_369 : memref<10240x128xf32, #tpu.memory_space<vmem_shared>>) offsets(%dma_start3A_366 : memref<128xi32, #tpu.memory_space<vmem>>) semaphore(%run_scoped3A_363 : memref<!tpu.dma_semaphore, #tpu.memory_space<semaphore_mem>>) {add = true}
        %dma_wait3A_370 = arith.constant 0 : i32
        %dma_wait3A_371 = tpu.memref_slice %arg7[%add3A_330, %dma_wait3A_370] : memref<40x128xi32, #tpu.memory_space<vmem>> -> memref<1x128xi32, #tpu.memory_space<vmem>>
        %dma_wait3A_372 = tpu.memref_squeeze %dma_wait3A_371 : memref<1x128xi32, #tpu.memory_space<vmem>> -> memref<128xi32, #tpu.memory_space<vmem>>
        %dma_wait3A_373 = arith.constant 0 : i32
        %dma_wait3A_374 = arith.constant 0 : i32
        %dma_wait3A_375 = tpu.memref_slice %arg10[%dma_wait3A_373, %dma_wait3A_374] : memref<10240x128xf32, #tpu.memory_space<vmem_shared>> -> memref<10240x128xf32, #tpu.memory_space<vmem_shared>>
        tpu.wait_indirect_dma semaphore(%run_scoped3A_363 : memref<!tpu.dma_semaphore, #tpu.memory_space<semaphore_mem>>) src(%arg8 : memref<128x128xf32, #tpu.memory_space<vmem>>) dst(%dma_wait3A_375 : memref<10240x128xf32, #tpu.memory_space<vmem_shared>>)
        tpu.yield
      }) : () -> ()
      %add3A_337 = arith.constant 2 : i32
      %add3A_338 = arith.addi %add3A_330, %add3A_337 : i32
      %dma_start3A_339 = arith.constant 0 : i32
      %dma_start3A_340 = tpu.memref_slice %arg6[%add3A_338, %dma_start3A_339] : memref<40x128xi32, #tpu.memory_space<vmem>> -> memref<1x128xi32, #tpu.memory_space<vmem>>
      %dma_start3A_341 = tpu.memref_squeeze %dma_start3A_340 : memref<1x128xi32, #tpu.memory_space<vmem>> -> memref<128xi32, #tpu.memory_space<vmem>>
      %dma_start3A_342 = arith.constant 0 : i32
      %dma_start3A_343 = arith.constant 0 : i32
      %dma_start3A_344 = tpu.memref_slice %arg2[%dma_start3A_342, %dma_start3A_343] : memref<20480x128xf32, #tpu.memory_space<hbm>> -> memref<20480x128xf32, #tpu.memory_space<hbm>>
      tpu.enqueue_indirect_dma source(%dma_start3A_344 : memref<20480x128xf32, #tpu.memory_space<hbm>>) target(%arg8 : memref<128x128xf32, #tpu.memory_space<vmem>>) offsets(%dma_start3A_341 : memref<128xi32, #tpu.memory_space<vmem>>) semaphore(%arg11 : memref<!tpu.dma_semaphore, #tpu.memory_space<semaphore_mem>>)
      %mul3A_345 = arith.constant 2 : i32
      %mul3A_346 = arith.muli %mul3A_345, %scan3A_326 : i32
      %add3A_347 = arith.constant 1 : i32
      %add3A_348 = arith.addi %mul3A_346, %add3A_347 : i32
      %dma_wait3A_349 = arith.constant 0 : i32
      %dma_wait3A_350 = tpu.memref_slice %arg6[%add3A_348, %dma_wait3A_349] : memref<40x128xi32, #tpu.memory_space<vmem>> -> memref<1x128xi32, #tpu.memory_space<vmem>>
      %dma_wait3A_351 = tpu.memref_squeeze %dma_wait3A_350 : memref<1x128xi32, #tpu.memory_space<vmem>> -> memref<128xi32, #tpu.memory_space<vmem>>
      %dma_wait3A_352 = arith.constant 0 : i32
      %dma_wait3A_353 = arith.constant 0 : i32
      %dma_wait3A_354 = tpu.memref_slice %arg2[%dma_wait3A_352, %dma_wait3A_353] : memref<20480x128xf32, #tpu.memory_space<hbm>> -> memref<20480x128xf32, #tpu.memory_space<hbm>>
      tpu.wait_indirect_dma semaphore(%arg12 : memref<!tpu.dma_semaphore, #tpu.memory_space<semaphore_mem>>) src(%dma_wait3A_354 : memref<20480x128xf32, #tpu.memory_space<hbm>>) dst(%arg9 : memref<128x128xf32, #tpu.memory_space<vmem>>)
      "tpu.region"() ({
        %run_scoped3A_363 = tpu.sem_alloc : memref<!tpu.dma_semaphore, #tpu.memory_space<semaphore_mem>>
        %dma_start3A_364 = arith.constant 0 : i32
        %dma_start3A_365 = tpu.memref_slice %arg7[%add3A_348, %dma_start3A_364] : memref<40x128xi32, #tpu.memory_space<vmem>> -> memref<1x128xi32, #tpu.memory_space<vmem>>
        %dma_start3A_366 = tpu.memref_squeeze %dma_start3A_365 : memref<1x128xi32, #tpu.memory_space<vmem>> -> memref<128xi32, #tpu.memory_space<vmem>>
        %dma_start3A_367 = arith.constant 0 : i32
        %dma_start3A_368 = arith.constant 0 : i32
        %dma_start3A_369 = tpu.memref_slice %arg10[%dma_start3A_367, %dma_start3A_368] : memref<10240x128xf32, #tpu.memory_space<vmem_shared>> -> memref<10240x128xf32, #tpu.memory_space<vmem_shared>>
        tpu.enqueue_indirect_dma source(%arg9 : memref<128x128xf32, #tpu.memory_space<vmem>>) target(%dma_start3A_369 : memref<10240x128xf32, #tpu.memory_space<vmem_shared>>) offsets(%dma_start3A_366 : memref<128xi32, #tpu.memory_space<vmem>>) semaphore(%run_scoped3A_363 : memref<!tpu.dma_semaphore, #tpu.memory_space<semaphore_mem>>) {add = true}
        %dma_wait3A_370 = arith.constant 0 : i32
        %dma_wait3A_371 = tpu.memref_slice %arg7[%add3A_348, %dma_wait3A_370] : memref<40x128xi32, #tpu.memory_space<vmem>> -> memref<1x128xi32, #tpu.memory_space<vmem>>
        %dma_wait3A_372 = tpu.memref_squeeze %dma_wait3A_371 : memref<1x128xi32, #tpu.memory_space<vmem>> -> memref<128xi32, #tpu.memory_space<vmem>>
        %dma_wait3A_373 = arith.constant 0 : i32
        %dma_wait3A_374 = arith.constant 0 : i32
        %dma_wait3A_375 = tpu.memref_slice %arg10[%dma_wait3A_373, %dma_wait3A_374] : memref<10240x128xf32, #tpu.memory_space<vmem_shared>> -> memref<10240x128xf32, #tpu.memory_space<vmem_shared>>
        tpu.wait_indirect_dma semaphore(%run_scoped3A_363 : memref<!tpu.dma_semaphore, #tpu.memory_space<semaphore_mem>>) src(%arg9 : memref<128x128xf32, #tpu.memory_space<vmem>>) dst(%dma_wait3A_375 : memref<10240x128xf32, #tpu.memory_space<vmem_shared>>)
        tpu.yield
      }) : () -> ()
      %add3A_355 = arith.constant 2 : i32
      %add3A_356 = arith.addi %add3A_348, %add3A_355 : i32
      %dma_start3A_357 = arith.constant 0 : i32
      %dma_start3A_358 = tpu.memref_slice %arg6[%add3A_356, %dma_start3A_357] : memref<40x128xi32, #tpu.memory_space<vmem>> -> memref<1x128xi32, #tpu.memory_space<vmem>>
      %dma_start3A_359 = tpu.memref_squeeze %dma_start3A_358 : memref<1x128xi32, #tpu.memory_space<vmem>> -> memref<128xi32, #tpu.memory_space<vmem>>
      %dma_start3A_360 = arith.constant 0 : i32
      %dma_start3A_361 = arith.constant 0 : i32
      %dma_start3A_362 = tpu.memref_slice %arg2[%dma_start3A_360, %dma_start3A_361] : memref<20480x128xf32, #tpu.memory_space<hbm>> -> memref<20480x128xf32, #tpu.memory_space<hbm>>
      tpu.enqueue_indirect_dma source(%dma_start3A_362 : memref<20480x128xf32, #tpu.memory_space<hbm>>) target(%arg9 : memref<128x128xf32, #tpu.memory_space<vmem>>) offsets(%dma_start3A_359 : memref<128xi32, #tpu.memory_space<vmem>>) semaphore(%arg12 : memref<!tpu.dma_semaphore, #tpu.memory_space<semaphore_mem>>)
    }
    %scan3A_218 = arith.constant 19 : i32
    %dma_wait3A_219 = arith.constant 38 : i32
    %dma_wait3A_220 = arith.constant 0 : i32
    %dma_wait3A_221 = tpu.memref_slice %arg6[%dma_wait3A_219, %dma_wait3A_220] : memref<40x128xi32, #tpu.memory_space<vmem>> -> memref<1x128xi32, #tpu.memory_space<vmem>>
    %dma_wait3A_222 = tpu.memref_squeeze %dma_wait3A_221 : memref<1x128xi32, #tpu.memory_space<vmem>> -> memref<128xi32, #tpu.memory_space<vmem>>
    %dma_wait3A_223 = arith.constant 0 : i32
    %dma_wait3A_224 = arith.constant 0 : i32
    %dma_wait3A_225 = tpu.memref_slice %arg2[%dma_wait3A_223, %dma_wait3A_224] : memref<20480x128xf32, #tpu.memory_space<hbm>> -> memref<20480x128xf32, #tpu.memory_space<hbm>>
    tpu.wait_indirect_dma semaphore(%arg11 : memref<!tpu.dma_semaphore, #tpu.memory_space<semaphore_mem>>) src(%dma_wait3A_225 : memref<20480x128xf32, #tpu.memory_space<hbm>>) dst(%arg8 : memref<128x128xf32, #tpu.memory_space<vmem>>)
    %run_scoped3A_226 = arith.constant 38 : i32
    "tpu.region"() ({
      %run_scoped3A_326 = tpu.sem_alloc : memref<!tpu.dma_semaphore, #tpu.memory_space<semaphore_mem>>
      %dma_start3A_327 = arith.constant 0 : i32
      %dma_start3A_328 = tpu.memref_slice %arg7[%run_scoped3A_226, %dma_start3A_327] : memref<40x128xi32, #tpu.memory_space<vmem>> -> memref<1x128xi32, #tpu.memory_space<vmem>>
      %dma_start3A_329 = tpu.memref_squeeze %dma_start3A_328 : memref<1x128xi32, #tpu.memory_space<vmem>> -> memref<128xi32, #tpu.memory_space<vmem>>
      %dma_start3A_330 = arith.constant 0 : i32
      %dma_start3A_331 = arith.constant 0 : i32
      %dma_start3A_332 = tpu.memref_slice %arg10[%dma_start3A_330, %dma_start3A_331] : memref<10240x128xf32, #tpu.memory_space<vmem_shared>> -> memref<10240x128xf32, #tpu.memory_space<vmem_shared>>
      tpu.enqueue_indirect_dma source(%arg8 : memref<128x128xf32, #tpu.memory_space<vmem>>) target(%dma_start3A_332 : memref<10240x128xf32, #tpu.memory_space<vmem_shared>>) offsets(%dma_start3A_329 : memref<128xi32, #tpu.memory_space<vmem>>) semaphore(%run_scoped3A_326 : memref<!tpu.dma_semaphore, #tpu.memory_space<semaphore_mem>>) {add = true}
      %dma_wait3A_333 = arith.constant 0 : i32
      %dma_wait3A_334 = tpu.memref_slice %arg7[%run_scoped3A_226, %dma_wait3A_333] : memref<40x128xi32, #tpu.memory_space<vmem>> -> memref<1x128xi32, #tpu.memory_space<vmem>>
      %dma_wait3A_335 = tpu.memref_squeeze %dma_wait3A_334 : memref<1x128xi32, #tpu.memory_space<vmem>> -> memref<128xi32, #tpu.memory_space<vmem>>
      %dma_wait3A_336 = arith.constant 0 : i32
      %dma_wait3A_337 = arith.constant 0 : i32
      %dma_wait3A_338 = tpu.memref_slice %arg10[%dma_wait3A_336, %dma_wait3A_337] : memref<10240x128xf32, #tpu.memory_space<vmem_shared>> -> memref<10240x128xf32, #tpu.memory_space<vmem_shared>>
      tpu.wait_indirect_dma semaphore(%run_scoped3A_326 : memref<!tpu.dma_semaphore, #tpu.memory_space<semaphore_mem>>) src(%arg8 : memref<128x128xf32, #tpu.memory_space<vmem>>) dst(%dma_wait3A_338 : memref<10240x128xf32, #tpu.memory_space<vmem_shared>>)
      tpu.yield
    }) : () -> ()
    %dma_wait3A_227 = arith.constant 39 : i32
    %dma_wait3A_228 = arith.constant 0 : i32
    %dma_wait3A_229 = tpu.memref_slice %arg6[%dma_wait3A_227, %dma_wait3A_228] : memref<40x128xi32, #tpu.memory_space<vmem>> -> memref<1x128xi32, #tpu.memory_space<vmem>>
    %dma_wait3A_230 = tpu.memref_squeeze %dma_wait3A_229 : memref<1x128xi32, #tpu.memory_space<vmem>> -> memref<128xi32, #tpu.memory_space<vmem>>
    %dma_wait3A_231 = arith.constant 0 : i32
    %dma_wait3A_232 = arith.constant 0 : i32
    %dma_wait3A_233 = tpu.memref_slice %arg2[%dma_wait3A_231, %dma_wait3A_232] : memref<20480x128xf32, #tpu.memory_space<hbm>> -> memref<20480x128xf32, #tpu.memory_space<hbm>>
    tpu.wait_indirect_dma semaphore(%arg12 : memref<!tpu.dma_semaphore, #tpu.memory_space<semaphore_mem>>) src(%dma_wait3A_233 : memref<20480x128xf32, #tpu.memory_space<hbm>>) dst(%arg9 : memref<128x128xf32, #tpu.memory_space<vmem>>)
    %run_scoped3A_234 = arith.constant 39 : i32
    "tpu.region"() ({
      %run_scoped3A_326 = tpu.sem_alloc : memref<!tpu.dma_semaphore, #tpu.memory_space<semaphore_mem>>
      %dma_start3A_327 = arith.constant 0 : i32
      %dma_start3A_328 = tpu.memref_slice %arg7[%run_scoped3A_234, %dma_start3A_327] : memref<40x128xi32, #tpu.memory_space<vmem>> -> memref<1x128xi32, #tpu.memory_space<vmem>>
      %dma_start3A_329 = tpu.memref_squeeze %dma_start3A_328 : memref<1x128xi32, #tpu.memory_space<vmem>> -> memref<128xi32, #tpu.memory_space<vmem>>
      %dma_start3A_330 = arith.constant 0 : i32
      %dma_start3A_331 = arith.constant 0 : i32
      %dma_start3A_332 = tpu.memref_slice %arg10[%dma_start3A_330, %dma_start3A_331] : memref<10240x128xf32, #tpu.memory_space<vmem_shared>> -> memref<10240x128xf32, #tpu.memory_space<vmem_shared>>
      tpu.enqueue_indirect_dma source(%arg9 : memref<128x128xf32, #tpu.memory_space<vmem>>) target(%dma_start3A_332 : memref<10240x128xf32, #tpu.memory_space<vmem_shared>>) offsets(%dma_start3A_329 : memref<128xi32, #tpu.memory_space<vmem>>) semaphore(%run_scoped3A_326 : memref<!tpu.dma_semaphore, #tpu.memory_space<semaphore_mem>>) {add = true}
      %dma_wait3A_333 = arith.constant 0 : i32
      %dma_wait3A_334 = tpu.memref_slice %arg7[%run_scoped3A_234, %dma_wait3A_333] : memref<40x128xi32, #tpu.memory_space<vmem>> -> memref<1x128xi32, #tpu.memory_space<vmem>>
      %dma_wait3A_335 = tpu.memref_squeeze %dma_wait3A_334 : memref<1x128xi32, #tpu.memory_space<vmem>> -> memref<128xi32, #tpu.memory_space<vmem>>
      %dma_wait3A_336 = arith.constant 0 : i32
      %dma_wait3A_337 = arith.constant 0 : i32
      %dma_wait3A_338 = tpu.memref_slice %arg10[%dma_wait3A_336, %dma_wait3A_337] : memref<10240x128xf32, #tpu.memory_space<vmem_shared>> -> memref<10240x128xf32, #tpu.memory_space<vmem_shared>>
      tpu.wait_indirect_dma semaphore(%run_scoped3A_326 : memref<!tpu.dma_semaphore, #tpu.memory_space<semaphore_mem>>) src(%arg9 : memref<128x128xf32, #tpu.memory_space<vmem>>) dst(%dma_wait3A_338 : memref<10240x128xf32, #tpu.memory_space<vmem_shared>>)
      tpu.yield
    }) : () -> ()
    %barrier3A_235 = arith.constant 0 : index
    tpu.barrier barrier_id(%barrier3A_235)
    %mul3A_236 = arith.constant 640 : i32
    %mul3A_237 = arith.muli %arg1, %mul3A_236 : i32
    %add3A_238 = arith.constant 0 : i32
    %add3A_239 = arith.addi %mul3A_237, %add3A_238 : i32
    %dma_start3A_240 = arith.constant 0 : i32
    %dma_start3A_241 = tpu.memref_slice %arg5[%arg0, %add3A_239, %dma_start3A_240] : memref<2x10240x128xf32, #tpu.memory_space<hbm>> -> memref<1x128x128xf32, #tpu.memory_space<hbm>>
    %dma_start3A_242 = tpu.memref_squeeze %dma_start3A_241 : memref<1x128x128xf32, #tpu.memory_space<hbm>> -> memref<128x128xf32, #tpu.memory_space<hbm>>
    %dma_start3A_243 = arith.constant 0 : i32
    %dma_start3A_244 = tpu.memref_slice %arg10[%add3A_239, %dma_start3A_243] : memref<10240x128xf32, #tpu.memory_space<vmem_shared>> -> memref<128x128xf32, #tpu.memory_space<vmem_shared>>
    tpu.enqueue_dma source(%dma_start3A_244 : memref<128x128xf32, #tpu.memory_space<vmem_shared>>) target(%dma_start3A_242 : memref<128x128xf32, #tpu.memory_space<hbm>>) target_semaphore(%arg11 : memref<!tpu.dma_semaphore, #tpu.memory_space<semaphore_mem>>)
    %mul3A_245 = arith.constant 640 : i32
    %mul3A_246 = arith.muli %arg1, %mul3A_245 : i32
    %add3A_247 = arith.constant 128 : i32
    %add3A_248 = arith.addi %mul3A_246, %add3A_247 : i32
    %dma_start3A_249 = arith.constant 0 : i32
    %dma_start3A_250 = tpu.memref_slice %arg5[%arg0, %add3A_248, %dma_start3A_249] : memref<2x10240x128xf32, #tpu.memory_space<hbm>> -> memref<1x128x128xf32, #tpu.memory_space<hbm>>
    %dma_start3A_251 = tpu.memref_squeeze %dma_start3A_250 : memref<1x128x128xf32, #tpu.memory_space<hbm>> -> memref<128x128xf32, #tpu.memory_space<hbm>>
    %dma_start3A_252 = arith.constant 0 : i32
    %dma_start3A_253 = tpu.memref_slice %arg10[%add3A_248, %dma_start3A_252] : memref<10240x128xf32, #tpu.memory_space<vmem_shared>> -> memref<128x128xf32, #tpu.memory_space<vmem_shared>>
    tpu.enqueue_dma source(%dma_start3A_253 : memref<128x128xf32, #tpu.memory_space<vmem_shared>>) target(%dma_start3A_251 : memref<128x128xf32, #tpu.memory_space<hbm>>) target_semaphore(%arg11 : memref<!tpu.dma_semaphore, #tpu.memory_space<semaphore_mem>>)
    %mul3A_254 = arith.constant 640 : i32
    %mul3A_255 = arith.muli %arg1, %mul3A_254 : i32
    %add3A_256 = arith.constant 256 : i32
    %add3A_257 = arith.addi %mul3A_255, %add3A_256 : i32
    %dma_start3A_258 = arith.constant 0 : i32
    %dma_start3A_259 = tpu.memref_slice %arg5[%arg0, %add3A_257, %dma_start3A_258] : memref<2x10240x128xf32, #tpu.memory_space<hbm>> -> memref<1x128x128xf32, #tpu.memory_space<hbm>>
    %dma_start3A_260 = tpu.memref_squeeze %dma_start3A_259 : memref<1x128x128xf32, #tpu.memory_space<hbm>> -> memref<128x128xf32, #tpu.memory_space<hbm>>
    %dma_start3A_261 = arith.constant 0 : i32
    %dma_start3A_262 = tpu.memref_slice %arg10[%add3A_257, %dma_start3A_261] : memref<10240x128xf32, #tpu.memory_space<vmem_shared>> -> memref<128x128xf32, #tpu.memory_space<vmem_shared>>
    tpu.enqueue_dma source(%dma_start3A_262 : memref<128x128xf32, #tpu.memory_space<vmem_shared>>) target(%dma_start3A_260 : memref<128x128xf32, #tpu.memory_space<hbm>>) target_semaphore(%arg11 : memref<!tpu.dma_semaphore, #tpu.memory_space<semaphore_mem>>)
    %mul3A_263 = arith.constant 640 : i32
    %mul3A_264 = arith.muli %arg1, %mul3A_263 : i32
    %add3A_265 = arith.constant 384 : i32
    %add3A_266 = arith.addi %mul3A_264, %add3A_265 : i32
    %dma_start3A_267 = arith.constant 0 : i32
    %dma_start3A_268 = tpu.memref_slice %arg5[%arg0, %add3A_266, %dma_start3A_267] : memref<2x10240x128xf32, #tpu.memory_space<hbm>> -> memref<1x128x128xf32, #tpu.memory_space<hbm>>
    %dma_start3A_269 = tpu.memref_squeeze %dma_start3A_268 : memref<1x128x128xf32, #tpu.memory_space<hbm>> -> memref<128x128xf32, #tpu.memory_space<hbm>>
    %dma_start3A_270 = arith.constant 0 : i32
    %dma_start3A_271 = tpu.memref_slice %arg10[%add3A_266, %dma_start3A_270] : memref<10240x128xf32, #tpu.memory_space<vmem_shared>> -> memref<128x128xf32, #tpu.memory_space<vmem_shared>>
    tpu.enqueue_dma source(%dma_start3A_271 : memref<128x128xf32, #tpu.memory_space<vmem_shared>>) target(%dma_start3A_269 : memref<128x128xf32, #tpu.memory_space<hbm>>) target_semaphore(%arg11 : memref<!tpu.dma_semaphore, #tpu.memory_space<semaphore_mem>>)
    %mul3A_272 = arith.constant 640 : i32
    %mul3A_273 = arith.muli %arg1, %mul3A_272 : i32
    %add3A_274 = arith.constant 512 : i32
    %add3A_275 = arith.addi %mul3A_273, %add3A_274 : i32
    %dma_start3A_276 = arith.constant 0 : i32
    %dma_start3A_277 = tpu.memref_slice %arg5[%arg0, %add3A_275, %dma_start3A_276] : memref<2x10240x128xf32, #tpu.memory_space<hbm>> -> memref<1x128x128xf32, #tpu.memory_space<hbm>>
    %dma_start3A_278 = tpu.memref_squeeze %dma_start3A_277 : memref<1x128x128xf32, #tpu.memory_space<hbm>> -> memref<128x128xf32, #tpu.memory_space<hbm>>
    %dma_start3A_279 = arith.constant 0 : i32
    %dma_start3A_280 = tpu.memref_slice %arg10[%add3A_275, %dma_start3A_279] : memref<10240x128xf32, #tpu.memory_space<vmem_shared>> -> memref<128x128xf32, #tpu.memory_space<vmem_shared>>
    tpu.enqueue_dma source(%dma_start3A_280 : memref<128x128xf32, #tpu.memory_space<vmem_shared>>) target(%dma_start3A_278 : memref<128x128xf32, #tpu.memory_space<hbm>>) target_semaphore(%arg11 : memref<!tpu.dma_semaphore, #tpu.memory_space<semaphore_mem>>)
    %mul3A_281 = arith.constant 640 : i32
    %mul3A_282 = arith.muli %arg1, %mul3A_281 : i32
    %add3A_283 = arith.constant 0 : i32
    %add3A_284 = arith.addi %mul3A_282, %add3A_283 : i32
    %dma_wait3A_285 = arith.constant 0 : i32
    %dma_wait3A_286 = tpu.memref_slice %arg5[%arg0, %add3A_284, %dma_wait3A_285] : memref<2x10240x128xf32, #tpu.memory_space<hbm>> -> memref<1x128x128xf32, #tpu.memory_space<hbm>>
    %dma_wait3A_287 = tpu.memref_squeeze %dma_wait3A_286 : memref<1x128x128xf32, #tpu.memory_space<hbm>> -> memref<128x128xf32, #tpu.memory_space<hbm>>
    %dma_wait3A_288 = arith.constant 0 : i32
    %dma_wait3A_289 = tpu.memref_slice %arg10[%add3A_284, %dma_wait3A_288] : memref<10240x128xf32, #tpu.memory_space<vmem_shared>> -> memref<128x128xf32, #tpu.memory_space<vmem_shared>>
    tpu.wait_dma2 semaphore(%arg11 : memref<!tpu.dma_semaphore, #tpu.memory_space<semaphore_mem>>) src(%dma_wait3A_289 : memref<128x128xf32, #tpu.memory_space<vmem_shared>>) dst(%dma_wait3A_287 : memref<128x128xf32, #tpu.memory_space<hbm>>)
    %mul3A_290 = arith.constant 640 : i32
    %mul3A_291 = arith.muli %arg1, %mul3A_290 : i32
    %add3A_292 = arith.constant 128 : i32
    %add3A_293 = arith.addi %mul3A_291, %add3A_292 : i32
    %dma_wait3A_294 = arith.constant 0 : i32
    %dma_wait3A_295 = tpu.memref_slice %arg5[%arg0, %add3A_293, %dma_wait3A_294] : memref<2x10240x128xf32, #tpu.memory_space<hbm>> -> memref<1x128x128xf32, #tpu.memory_space<hbm>>
    %dma_wait3A_296 = tpu.memref_squeeze %dma_wait3A_295 : memref<1x128x128xf32, #tpu.memory_space<hbm>> -> memref<128x128xf32, #tpu.memory_space<hbm>>
    %dma_wait3A_297 = arith.constant 0 : i32
    %dma_wait3A_298 = tpu.memref_slice %arg10[%add3A_293, %dma_wait3A_297] : memref<10240x128xf32, #tpu.memory_space<vmem_shared>> -> memref<128x128xf32, #tpu.memory_space<vmem_shared>>
    tpu.wait_dma2 semaphore(%arg11 : memref<!tpu.dma_semaphore, #tpu.memory_space<semaphore_mem>>) src(%dma_wait3A_298 : memref<128x128xf32, #tpu.memory_space<vmem_shared>>) dst(%dma_wait3A_296 : memref<128x128xf32, #tpu.memory_space<hbm>>)
    %mul3A_299 = arith.constant 640 : i32
    %mul3A_300 = arith.muli %arg1, %mul3A_299 : i32
    %add3A_301 = arith.constant 256 : i32
    %add3A_302 = arith.addi %mul3A_300, %add3A_301 : i32
    %dma_wait3A_303 = arith.constant 0 : i32
    %dma_wait3A_304 = tpu.memref_slice %arg5[%arg0, %add3A_302, %dma_wait3A_303] : memref<2x10240x128xf32, #tpu.memory_space<hbm>> -> memref<1x128x128xf32, #tpu.memory_space<hbm>>
    %dma_wait3A_305 = tpu.memref_squeeze %dma_wait3A_304 : memref<1x128x128xf32, #tpu.memory_space<hbm>> -> memref<128x128xf32, #tpu.memory_space<hbm>>
    %dma_wait3A_306 = arith.constant 0 : i32
    %dma_wait3A_307 = tpu.memref_slice %arg10[%add3A_302, %dma_wait3A_306] : memref<10240x128xf32, #tpu.memory_space<vmem_shared>> -> memref<128x128xf32, #tpu.memory_space<vmem_shared>>
    tpu.wait_dma2 semaphore(%arg11 : memref<!tpu.dma_semaphore, #tpu.memory_space<semaphore_mem>>) src(%dma_wait3A_307 : memref<128x128xf32, #tpu.memory_space<vmem_shared>>) dst(%dma_wait3A_305 : memref<128x128xf32, #tpu.memory_space<hbm>>)
    %mul3A_308 = arith.constant 640 : i32
    %mul3A_309 = arith.muli %arg1, %mul3A_308 : i32
    %add3A_310 = arith.constant 384 : i32
    %add3A_311 = arith.addi %mul3A_309, %add3A_310 : i32
    %dma_wait3A_312 = arith.constant 0 : i32
    %dma_wait3A_313 = tpu.memref_slice %arg5[%arg0, %add3A_311, %dma_wait3A_312] : memref<2x10240x128xf32, #tpu.memory_space<hbm>> -> memref<1x128x128xf32, #tpu.memory_space<hbm>>
    %dma_wait3A_314 = tpu.memref_squeeze %dma_wait3A_313 : memref<1x128x128xf32, #tpu.memory_space<hbm>> -> memref<128x128xf32, #tpu.memory_space<hbm>>
    %dma_wait3A_315 = arith.constant 0 : i32
    %dma_wait3A_316 = tpu.memref_slice %arg10[%add3A_311, %dma_wait3A_315] : memref<10240x128xf32, #tpu.memory_space<vmem_shared>> -> memref<128x128xf32, #tpu.memory_space<vmem_shared>>
    tpu.wait_dma2 semaphore(%arg11 : memref<!tpu.dma_semaphore, #tpu.memory_space<semaphore_mem>>) src(%dma_wait3A_316 : memref<128x128xf32, #tpu.memory_space<vmem_shared>>) dst(%dma_wait3A_314 : memref<128x128xf32, #tpu.memory_space<hbm>>)
    %mul3A_317 = arith.constant 640 : i32
    %mul3A_318 = arith.muli %arg1, %mul3A_317 : i32
    %add3A_319 = arith.constant 512 : i32
    %add3A_320 = arith.addi %mul3A_318, %add3A_319 : i32
    %dma_wait3A_321 = arith.constant 0 : i32
    %dma_wait3A_322 = tpu.memref_slice %arg5[%arg0, %add3A_320, %dma_wait3A_321] : memref<2x10240x128xf32, #tpu.memory_space<hbm>> -> memref<1x128x128xf32, #tpu.memory_space<hbm>>
    %dma_wait3A_323 = tpu.memref_squeeze %dma_wait3A_322 : memref<1x128x128xf32, #tpu.memory_space<hbm>> -> memref<128x128xf32, #tpu.memory_space<hbm>>
    %dma_wait3A_324 = arith.constant 0 : i32
    %dma_wait3A_325 = tpu.memref_slice %arg10[%add3A_320, %dma_wait3A_324] : memref<10240x128xf32, #tpu.memory_space<vmem_shared>> -> memref<128x128xf32, #tpu.memory_space<vmem_shared>>
    tpu.wait_dma2 semaphore(%arg11 : memref<!tpu.dma_semaphore, #tpu.memory_space<semaphore_mem>>) src(%dma_wait3A_325 : memref<128x128xf32, #tpu.memory_space<vmem_shared>>) dst(%dma_wait3A_323 : memref<128x128xf32, #tpu.memory_space<hbm>>)
    return
  }
}

#map = affine_map<(d0, d1) -> (0, 0)>
#map1 = affine_map<(d0, d1) -> (0, 0, 0)>
module attributes {stable_mosaic.version = 14 : i64} {
  func.func @_edge1_sc(%arg0: i32, %arg1: i32, %arg2: memref<10240x128xf32, #tpu.memory_space<hbm>>, %arg3: memref<2560x128xi32, #tpu.memory_space<hbm>>, %arg4: memref<2560x128xi32, #tpu.memory_space<hbm>>, %arg5: memref<2x10240x128xf32, #tpu.memory_space<hbm>>, %arg6: memref<40x128xi32, #tpu.memory_space<vmem>>, %arg7: memref<40x128xi32, #tpu.memory_space<vmem>>, %arg8: memref<128x128xf32, #tpu.memory_space<vmem>>, %arg9: memref<128x128xf32, #tpu.memory_space<vmem>>, %arg10: memref<10240x128xf32, #tpu.memory_space<vmem_shared>>, %arg11: memref<!tpu.dma_semaphore, #tpu.memory_space<semaphore_mem>>, %arg12: memref<!tpu.dma_semaphore, #tpu.memory_space<semaphore_mem>>) attributes {dimension_semantics = [#tpu.dimension_semantics<core_parallel>, #tpu.dimension_semantics<subcore_parallel>], iteration_bounds = array<i64: 2, 16>, scalar_prefetch = 0 : i64, scratch_operands = 7 : i64, tpu.core_type = #tpu.core_type<sc_vector_subcore>, window_params = [{transform_indices = #map}, {transform_indices = #map}, {transform_indices = #map}, {transform_indices = #map1}]} {
    %mul3A = arith.constant 1280 : i32
    %mul3A_0 = arith.muli %arg0, %mul3A : i32
    %mul3A_1 = arith.constant 80 : i32
    %mul3A_2 = arith.muli %arg1, %mul3A_1 : i32
    %add3A = arith.addi %mul3A_0, %mul3A_2 : i32
    %broadcast_in_dim3A = arith.constant 0.000000e+00 : f32
    %broadcast_in_dim3A_3 = vector.broadcast %broadcast_in_dim3A : f32 to vector<16xf32>
    %scan3A = arith.constant 0 : i32
    %scan3A_4 = arith.constant 0 : i32
    %scan3A_5 = arith.constant 128 : i32
    %scan3A_6 = arith.addi %scan3A_4, %scan3A_5 : i32
    %scan3A_7 = arith.constant 1 : i32
    scf.for %scan3A_253 = %scan3A_4 to %scan3A_6 step %scan3A_7  : i32 {
      %swap3A = arith.index_cast %scan3A_253 : i32 to index
      %swap3A_254 = arith.constant 0 : index
      %swap3A_255 = tpu.vector_load %arg8[%swap3A, %swap3A_254] {strides = array<i32>} : memref<128x128xf32, #tpu.memory_space<vmem>>, vector<1x16xf32>,
      %swap3A_256 = vector.shape_cast %swap3A_255 : vector<1x16xf32> to vector<16xf32>
      %swap3A_257 = vector.shape_cast %broadcast_in_dim3A_3 : vector<16xf32> to vector<1x16xf32>
      tpu.vector_store %arg8[%swap3A, %swap3A_254], %swap3A_257 {strides = array<i32>} : memref<128x128xf32, #tpu.memory_space<vmem>>, vector<1x16xf32>,
      %swap3A_258 = arith.index_cast %scan3A_253 : i32 to index
      %swap3A_259 = arith.constant 16 : index
      %swap3A_260 = tpu.vector_load %arg8[%swap3A_258, %swap3A_259] {strides = array<i32>} : memref<128x128xf32, #tpu.memory_space<vmem>>, vector<1x16xf32>,
      %swap3A_261 = vector.shape_cast %swap3A_260 : vector<1x16xf32> to vector<16xf32>
      %swap3A_262 = vector.shape_cast %broadcast_in_dim3A_3 : vector<16xf32> to vector<1x16xf32>
      tpu.vector_store %arg8[%swap3A_258, %swap3A_259], %swap3A_262 {strides = array<i32>} : memref<128x128xf32, #tpu.memory_space<vmem>>, vector<1x16xf32>,
      %swap3A_263 = arith.index_cast %scan3A_253 : i32 to index
      %swap3A_264 = arith.constant 32 : index
      %swap3A_265 = tpu.vector_load %arg8[%swap3A_263, %swap3A_264] {strides = array<i32>} : memref<128x128xf32, #tpu.memory_space<vmem>>, vector<1x16xf32>,
      %swap3A_266 = vector.shape_cast %swap3A_265 : vector<1x16xf32> to vector<16xf32>
      %swap3A_267 = vector.shape_cast %broadcast_in_dim3A_3 : vector<16xf32> to vector<1x16xf32>
      tpu.vector_store %arg8[%swap3A_263, %swap3A_264], %swap3A_267 {strides = array<i32>} : memref<128x128xf32, #tpu.memory_space<vmem>>, vector<1x16xf32>,
      %swap3A_268 = arith.index_cast %scan3A_253 : i32 to index
      %swap3A_269 = arith.constant 48 : index
      %swap3A_270 = tpu.vector_load %arg8[%swap3A_268, %swap3A_269] {strides = array<i32>} : memref<128x128xf32, #tpu.memory_space<vmem>>, vector<1x16xf32>,
      %swap3A_271 = vector.shape_cast %swap3A_270 : vector<1x16xf32> to vector<16xf32>
      %swap3A_272 = vector.shape_cast %broadcast_in_dim3A_3 : vector<16xf32> to vector<1x16xf32>
      tpu.vector_store %arg8[%swap3A_268, %swap3A_269], %swap3A_272 {strides = array<i32>} : memref<128x128xf32, #tpu.memory_space<vmem>>, vector<1x16xf32>,
      %swap3A_273 = arith.index_cast %scan3A_253 : i32 to index
      %swap3A_274 = arith.constant 64 : index
      %swap3A_275 = tpu.vector_load %arg8[%swap3A_273, %swap3A_274] {strides = array<i32>} : memref<128x128xf32, #tpu.memory_space<vmem>>, vector<1x16xf32>,
      %swap3A_276 = vector.shape_cast %swap3A_275 : vector<1x16xf32> to vector<16xf32>
      %swap3A_277 = vector.shape_cast %broadcast_in_dim3A_3 : vector<16xf32> to vector<1x16xf32>
      tpu.vector_store %arg8[%swap3A_273, %swap3A_274], %swap3A_277 {strides = array<i32>} : memref<128x128xf32, #tpu.memory_space<vmem>>, vector<1x16xf32>,
      %swap3A_278 = arith.index_cast %scan3A_253 : i32 to index
      %swap3A_279 = arith.constant 80 : index
      %swap3A_280 = tpu.vector_load %arg8[%swap3A_278, %swap3A_279] {strides = array<i32>} : memref<128x128xf32, #tpu.memory_space<vmem>>, vector<1x16xf32>,
      %swap3A_281 = vector.shape_cast %swap3A_280 : vector<1x16xf32> to vector<16xf32>
      %swap3A_282 = vector.shape_cast %broadcast_in_dim3A_3 : vector<16xf32> to vector<1x16xf32>
      tpu.vector_store %arg8[%swap3A_278, %swap3A_279], %swap3A_282 {strides = array<i32>} : memref<128x128xf32, #tpu.memory_space<vmem>>, vector<1x16xf32>,
      %swap3A_283 = arith.index_cast %scan3A_253 : i32 to index
      %swap3A_284 = arith.constant 96 : index
      %swap3A_285 = tpu.vector_load %arg8[%swap3A_283, %swap3A_284] {strides = array<i32>} : memref<128x128xf32, #tpu.memory_space<vmem>>, vector<1x16xf32>,
      %swap3A_286 = vector.shape_cast %swap3A_285 : vector<1x16xf32> to vector<16xf32>
      %swap3A_287 = vector.shape_cast %broadcast_in_dim3A_3 : vector<16xf32> to vector<1x16xf32>
      tpu.vector_store %arg8[%swap3A_283, %swap3A_284], %swap3A_287 {strides = array<i32>} : memref<128x128xf32, #tpu.memory_space<vmem>>, vector<1x16xf32>,
      %swap3A_288 = arith.index_cast %scan3A_253 : i32 to index
      %swap3A_289 = arith.constant 112 : index
      %swap3A_290 = tpu.vector_load %arg8[%swap3A_288, %swap3A_289] {strides = array<i32>} : memref<128x128xf32, #tpu.memory_space<vmem>>, vector<1x16xf32>,
      %swap3A_291 = vector.shape_cast %swap3A_290 : vector<1x16xf32> to vector<16xf32>
      %swap3A_292 = vector.shape_cast %broadcast_in_dim3A_3 : vector<16xf32> to vector<1x16xf32>
      tpu.vector_store %arg8[%swap3A_288, %swap3A_289], %swap3A_292 {strides = array<i32>} : memref<128x128xf32, #tpu.memory_space<vmem>>, vector<1x16xf32>,
    }
    %scan3A_8 = arith.constant 128 : i32
    %mul3A_9 = arith.constant 640 : i32
    %mul3A_10 = arith.muli %arg1, %mul3A_9 : i32
    %add3A_11 = arith.constant 0 : i32
    %add3A_12 = arith.addi %mul3A_10, %add3A_11 : i32
    %dma_start3A = arith.constant 0 : i32
    %dma_start3A_13 = tpu.memref_slice %arg10[%add3A_12, %dma_start3A] : memref<10240x128xf32, #tpu.memory_space<vmem_shared>> -> memref<128x128xf32, #tpu.memory_space<vmem_shared>>
    %dma_start3A_14 = arith.constant 0 : i32
    %dma_start3A_15 = tpu.memref_slice %arg10[%add3A_12, %dma_start3A_14] : memref<10240x128xf32, #tpu.memory_space<vmem_shared>> -> memref<128x128xf32, #tpu.memory_space<vmem_shared>>
    tpu.enqueue_dma source(%arg8 : memref<128x128xf32, #tpu.memory_space<vmem>>) target(%dma_start3A_15 : memref<128x128xf32, #tpu.memory_space<vmem_shared>>) target_semaphore(%arg11 : memref<!tpu.dma_semaphore, #tpu.memory_space<semaphore_mem>>)
    %mul3A_16 = arith.constant 640 : i32
    %mul3A_17 = arith.muli %arg1, %mul3A_16 : i32
    %add3A_18 = arith.constant 128 : i32
    %add3A_19 = arith.addi %mul3A_17, %add3A_18 : i32
    %dma_start3A_20 = arith.constant 0 : i32
    %dma_start3A_21 = tpu.memref_slice %arg10[%add3A_19, %dma_start3A_20] : memref<10240x128xf32, #tpu.memory_space<vmem_shared>> -> memref<128x128xf32, #tpu.memory_space<vmem_shared>>
    %dma_start3A_22 = arith.constant 0 : i32
    %dma_start3A_23 = tpu.memref_slice %arg10[%add3A_19, %dma_start3A_22] : memref<10240x128xf32, #tpu.memory_space<vmem_shared>> -> memref<128x128xf32, #tpu.memory_space<vmem_shared>>
    tpu.enqueue_dma source(%arg8 : memref<128x128xf32, #tpu.memory_space<vmem>>) target(%dma_start3A_23 : memref<128x128xf32, #tpu.memory_space<vmem_shared>>) target_semaphore(%arg11 : memref<!tpu.dma_semaphore, #tpu.memory_space<semaphore_mem>>)
    %mul3A_24 = arith.constant 640 : i32
    %mul3A_25 = arith.muli %arg1, %mul3A_24 : i32
    %add3A_26 = arith.constant 256 : i32
    %add3A_27 = arith.addi %mul3A_25, %add3A_26 : i32
    %dma_start3A_28 = arith.constant 0 : i32
    %dma_start3A_29 = tpu.memref_slice %arg10[%add3A_27, %dma_start3A_28] : memref<10240x128xf32, #tpu.memory_space<vmem_shared>> -> memref<128x128xf32, #tpu.memory_space<vmem_shared>>
    %dma_start3A_30 = arith.constant 0 : i32
    %dma_start3A_31 = tpu.memref_slice %arg10[%add3A_27, %dma_start3A_30] : memref<10240x128xf32, #tpu.memory_space<vmem_shared>> -> memref<128x128xf32, #tpu.memory_space<vmem_shared>>
    tpu.enqueue_dma source(%arg8 : memref<128x128xf32, #tpu.memory_space<vmem>>) target(%dma_start3A_31 : memref<128x128xf32, #tpu.memory_space<vmem_shared>>) target_semaphore(%arg11 : memref<!tpu.dma_semaphore, #tpu.memory_space<semaphore_mem>>)
    %mul3A_32 = arith.constant 640 : i32
    %mul3A_33 = arith.muli %arg1, %mul3A_32 : i32
    %add3A_34 = arith.constant 384 : i32
    %add3A_35 = arith.addi %mul3A_33, %add3A_34 : i32
    %dma_start3A_36 = arith.constant 0 : i32
    %dma_start3A_37 = tpu.memref_slice %arg10[%add3A_35, %dma_start3A_36] : memref<10240x128xf32, #tpu.memory_space<vmem_shared>> -> memref<128x128xf32, #tpu.memory_space<vmem_shared>>
    %dma_start3A_38 = arith.constant 0 : i32
    %dma_start3A_39 = tpu.memref_slice %arg10[%add3A_35, %dma_start3A_38] : memref<10240x128xf32, #tpu.memory_space<vmem_shared>> -> memref<128x128xf32, #tpu.memory_space<vmem_shared>>
    tpu.enqueue_dma source(%arg8 : memref<128x128xf32, #tpu.memory_space<vmem>>) target(%dma_start3A_39 : memref<128x128xf32, #tpu.memory_space<vmem_shared>>) target_semaphore(%arg11 : memref<!tpu.dma_semaphore, #tpu.memory_space<semaphore_mem>>)
    %mul3A_40 = arith.constant 640 : i32
    %mul3A_41 = arith.muli %arg1, %mul3A_40 : i32
    %add3A_42 = arith.constant 512 : i32
    %add3A_43 = arith.addi %mul3A_41, %add3A_42 : i32
    %dma_start3A_44 = arith.constant 0 : i32
    %dma_start3A_45 = tpu.memref_slice %arg10[%add3A_43, %dma_start3A_44] : memref<10240x128xf32, #tpu.memory_space<vmem_shared>> -> memref<128x128xf32, #tpu.memory_space<vmem_shared>>
    %dma_start3A_46 = arith.constant 0 : i32
    %dma_start3A_47 = tpu.memref_slice %arg10[%add3A_43, %dma_start3A_46] : memref<10240x128xf32, #tpu.memory_space<vmem_shared>> -> memref<128x128xf32, #tpu.memory_space<vmem_shared>>
    tpu.enqueue_dma source(%arg8 : memref<128x128xf32, #tpu.memory_space<vmem>>) target(%dma_start3A_47 : memref<128x128xf32, #tpu.memory_space<vmem_shared>>) target_semaphore(%arg11 : memref<!tpu.dma_semaphore, #tpu.memory_space<semaphore_mem>>)
    %mul3A_48 = arith.constant 640 : i32
    %mul3A_49 = arith.muli %arg1, %mul3A_48 : i32
    %add3A_50 = arith.constant 0 : i32
    %add3A_51 = arith.addi %mul3A_49, %add3A_50 : i32
    %dma_wait3A = arith.constant 0 : i32
    %dma_wait3A_52 = tpu.memref_slice %arg10[%add3A_51, %dma_wait3A] : memref<10240x128xf32, #tpu.memory_space<vmem_shared>> -> memref<128x128xf32, #tpu.memory_space<vmem_shared>>
    %dma_wait3A_53 = arith.constant 0 : i32
    %dma_wait3A_54 = tpu.memref_slice %arg10[%add3A_51, %dma_wait3A_53] : memref<10240x128xf32, #tpu.memory_space<vmem_shared>> -> memref<128x128xf32, #tpu.memory_space<vmem_shared>>
    tpu.wait_dma2 semaphore(%arg11 : memref<!tpu.dma_semaphore, #tpu.memory_space<semaphore_mem>>) src(%arg8 : memref<128x128xf32, #tpu.memory_space<vmem>>) dst(%dma_wait3A_54 : memref<128x128xf32, #tpu.memory_space<vmem_shared>>)
    %mul3A_55 = arith.constant 640 : i32
    %mul3A_56 = arith.muli %arg1, %mul3A_55 : i32
    %add3A_57 = arith.constant 128 : i32
    %add3A_58 = arith.addi %mul3A_56, %add3A_57 : i32
    %dma_wait3A_59 = arith.constant 0 : i32
    %dma_wait3A_60 = tpu.memref_slice %arg10[%add3A_58, %dma_wait3A_59] : memref<10240x128xf32, #tpu.memory_space<vmem_shared>> -> memref<128x128xf32, #tpu.memory_space<vmem_shared>>
    %dma_wait3A_61 = arith.constant 0 : i32
    %dma_wait3A_62 = tpu.memref_slice %arg10[%add3A_58, %dma_wait3A_61] : memref<10240x128xf32, #tpu.memory_space<vmem_shared>> -> memref<128x128xf32, #tpu.memory_space<vmem_shared>>
    tpu.wait_dma2 semaphore(%arg11 : memref<!tpu.dma_semaphore, #tpu.memory_space<semaphore_mem>>) src(%arg8 : memref<128x128xf32, #tpu.memory_space<vmem>>) dst(%dma_wait3A_62 : memref<128x128xf32, #tpu.memory_space<vmem_shared>>)
    %mul3A_63 = arith.constant 640 : i32
    %mul3A_64 = arith.muli %arg1, %mul3A_63 : i32
    %add3A_65 = arith.constant 256 : i32
    %add3A_66 = arith.addi %mul3A_64, %add3A_65 : i32
    %dma_wait3A_67 = arith.constant 0 : i32
    %dma_wait3A_68 = tpu.memref_slice %arg10[%add3A_66, %dma_wait3A_67] : memref<10240x128xf32, #tpu.memory_space<vmem_shared>> -> memref<128x128xf32, #tpu.memory_space<vmem_shared>>
    %dma_wait3A_69 = arith.constant 0 : i32
    %dma_wait3A_70 = tpu.memref_slice %arg10[%add3A_66, %dma_wait3A_69] : memref<10240x128xf32, #tpu.memory_space<vmem_shared>> -> memref<128x128xf32, #tpu.memory_space<vmem_shared>>
    tpu.wait_dma2 semaphore(%arg11 : memref<!tpu.dma_semaphore, #tpu.memory_space<semaphore_mem>>) src(%arg8 : memref<128x128xf32, #tpu.memory_space<vmem>>) dst(%dma_wait3A_70 : memref<128x128xf32, #tpu.memory_space<vmem_shared>>)
    %mul3A_71 = arith.constant 640 : i32
    %mul3A_72 = arith.muli %arg1, %mul3A_71 : i32
    %add3A_73 = arith.constant 384 : i32
    %add3A_74 = arith.addi %mul3A_72, %add3A_73 : i32
    %dma_wait3A_75 = arith.constant 0 : i32
    %dma_wait3A_76 = tpu.memref_slice %arg10[%add3A_74, %dma_wait3A_75] : memref<10240x128xf32, #tpu.memory_space<vmem_shared>> -> memref<128x128xf32, #tpu.memory_space<vmem_shared>>
    %dma_wait3A_77 = arith.constant 0 : i32
    %dma_wait3A_78 = tpu.memref_slice %arg10[%add3A_74, %dma_wait3A_77] : memref<10240x128xf32, #tpu.memory_space<vmem_shared>> -> memref<128x128xf32, #tpu.memory_space<vmem_shared>>
    tpu.wait_dma2 semaphore(%arg11 : memref<!tpu.dma_semaphore, #tpu.memory_space<semaphore_mem>>) src(%arg8 : memref<128x128xf32, #tpu.memory_space<vmem>>) dst(%dma_wait3A_78 : memref<128x128xf32, #tpu.memory_space<vmem_shared>>)
    %mul3A_79 = arith.constant 640 : i32
    %mul3A_80 = arith.muli %arg1, %mul3A_79 : i32
    %add3A_81 = arith.constant 512 : i32
    %add3A_82 = arith.addi %mul3A_80, %add3A_81 : i32
    %dma_wait3A_83 = arith.constant 0 : i32
    %dma_wait3A_84 = tpu.memref_slice %arg10[%add3A_82, %dma_wait3A_83] : memref<10240x128xf32, #tpu.memory_space<vmem_shared>> -> memref<128x128xf32, #tpu.memory_space<vmem_shared>>
    %dma_wait3A_85 = arith.constant 0 : i32
    %dma_wait3A_86 = tpu.memref_slice %arg10[%add3A_82, %dma_wait3A_85] : memref<10240x128xf32, #tpu.memory_space<vmem_shared>> -> memref<128x128xf32, #tpu.memory_space<vmem_shared>>
    tpu.wait_dma2 semaphore(%arg11 : memref<!tpu.dma_semaphore, #tpu.memory_space<semaphore_mem>>) src(%arg8 : memref<128x128xf32, #tpu.memory_space<vmem>>) dst(%dma_wait3A_86 : memref<128x128xf32, #tpu.memory_space<vmem_shared>>)
    %barrier3A = arith.constant 0 : index
    tpu.barrier barrier_id(%barrier3A)
    %add3A_87 = arith.constant 0 : i32
    %add3A_88 = arith.addi %add3A, %add3A_87 : i32
    "tpu.region"() ({
      %run_scoped3A_253 = tpu.sem_alloc : memref<!tpu.dma_semaphore, #tpu.memory_space<semaphore_mem>>
      %dma_start3A_254 = arith.constant 0 : i32
      %dma_start3A_255 = tpu.memref_slice %arg3[%add3A_88, %dma_start3A_254] : memref<2560x128xi32, #tpu.memory_space<hbm>> -> memref<40x128xi32, #tpu.memory_space<hbm>>
      %dma_start3A_256 = arith.constant 0 : i32
      %dma_start3A_257 = tpu.memref_slice %arg3[%add3A_88, %dma_start3A_256] : memref<2560x128xi32, #tpu.memory_space<hbm>> -> memref<40x128xi32, #tpu.memory_space<hbm>>
      tpu.enqueue_dma source(%dma_start3A_257 : memref<40x128xi32, #tpu.memory_space<hbm>>) target(%arg6 : memref<40x128xi32, #tpu.memory_space<vmem>>) target_semaphore(%run_scoped3A_253 : memref<!tpu.dma_semaphore, #tpu.memory_space<semaphore_mem>>)
      %dma_wait3A_258 = arith.constant 0 : i32
      %dma_wait3A_259 = tpu.memref_slice %arg3[%add3A_88, %dma_wait3A_258] : memref<2560x128xi32, #tpu.memory_space<hbm>> -> memref<40x128xi32, #tpu.memory_space<hbm>>
      %dma_wait3A_260 = arith.constant 0 : i32
      %dma_wait3A_261 = tpu.memref_slice %arg3[%add3A_88, %dma_wait3A_260] : memref<2560x128xi32, #tpu.memory_space<hbm>> -> memref<40x128xi32, #tpu.memory_space<hbm>>
      tpu.wait_dma2 semaphore(%run_scoped3A_253 : memref<!tpu.dma_semaphore, #tpu.memory_space<semaphore_mem>>) src(%dma_wait3A_261 : memref<40x128xi32, #tpu.memory_space<hbm>>) dst(%arg6 : memref<40x128xi32, #tpu.memory_space<vmem>>)
      tpu.yield
    }) : () -> ()
    "tpu.region"() ({
      %run_scoped3A_253 = tpu.sem_alloc : memref<!tpu.dma_semaphore, #tpu.memory_space<semaphore_mem>>
      %dma_start3A_254 = arith.constant 0 : i32
      %dma_start3A_255 = tpu.memref_slice %arg4[%add3A_88, %dma_start3A_254] : memref<2560x128xi32, #tpu.memory_space<hbm>> -> memref<40x128xi32, #tpu.memory_space<hbm>>
      %dma_start3A_256 = arith.constant 0 : i32
      %dma_start3A_257 = tpu.memref_slice %arg4[%add3A_88, %dma_start3A_256] : memref<2560x128xi32, #tpu.memory_space<hbm>> -> memref<40x128xi32, #tpu.memory_space<hbm>>
      tpu.enqueue_dma source(%dma_start3A_257 : memref<40x128xi32, #tpu.memory_space<hbm>>) target(%arg7 : memref<40x128xi32, #tpu.memory_space<vmem>>) target_semaphore(%run_scoped3A_253 : memref<!tpu.dma_semaphore, #tpu.memory_space<semaphore_mem>>)
      %dma_wait3A_258 = arith.constant 0 : i32
      %dma_wait3A_259 = tpu.memref_slice %arg4[%add3A_88, %dma_wait3A_258] : memref<2560x128xi32, #tpu.memory_space<hbm>> -> memref<40x128xi32, #tpu.memory_space<hbm>>
      %dma_wait3A_260 = arith.constant 0 : i32
      %dma_wait3A_261 = tpu.memref_slice %arg4[%add3A_88, %dma_wait3A_260] : memref<2560x128xi32, #tpu.memory_space<hbm>> -> memref<40x128xi32, #tpu.memory_space<hbm>>
      tpu.wait_dma2 semaphore(%run_scoped3A_253 : memref<!tpu.dma_semaphore, #tpu.memory_space<semaphore_mem>>) src(%dma_wait3A_261 : memref<40x128xi32, #tpu.memory_space<hbm>>) dst(%arg7 : memref<40x128xi32, #tpu.memory_space<vmem>>)
      tpu.yield
    }) : () -> ()
    %dma_start3A_89 = arith.constant 0 : i32
    %dma_start3A_90 = arith.constant 0 : i32
    %dma_start3A_91 = tpu.memref_slice %arg6[%dma_start3A_89, %dma_start3A_90] : memref<40x128xi32, #tpu.memory_space<vmem>> -> memref<1x128xi32, #tpu.memory_space<vmem>>
    %dma_start3A_92 = tpu.memref_squeeze %dma_start3A_91 : memref<1x128xi32, #tpu.memory_space<vmem>> -> memref<128xi32, #tpu.memory_space<vmem>>
    %dma_start3A_93 = arith.constant 0 : i32
    %dma_start3A_94 = arith.constant 0 : i32
    %dma_start3A_95 = tpu.memref_slice %arg2[%dma_start3A_93, %dma_start3A_94] : memref<10240x128xf32, #tpu.memory_space<hbm>> -> memref<10240x128xf32, #tpu.memory_space<hbm>>
    tpu.enqueue_indirect_dma source(%dma_start3A_95 : memref<10240x128xf32, #tpu.memory_space<hbm>>) target(%arg8 : memref<128x128xf32, #tpu.memory_space<vmem>>) offsets(%dma_start3A_92 : memref<128xi32, #tpu.memory_space<vmem>>) semaphore(%arg11 : memref<!tpu.dma_semaphore, #tpu.memory_space<semaphore_mem>>)
    %dma_start3A_96 = arith.constant 1 : i32
    %dma_start3A_97 = arith.constant 0 : i32
    %dma_start3A_98 = tpu.memref_slice %arg6[%dma_start3A_96, %dma_start3A_97] : memref<40x128xi32, #tpu.memory_space<vmem>> -> memref<1x128xi32, #tpu.memory_space<vmem>>
    %dma_start3A_99 = tpu.memref_squeeze %dma_start3A_98 : memref<1x128xi32, #tpu.memory_space<vmem>> -> memref<128xi32, #tpu.memory_space<vmem>>
    %dma_start3A_100 = arith.constant 0 : i32
    %dma_start3A_101 = arith.constant 0 : i32
    %dma_start3A_102 = tpu.memref_slice %arg2[%dma_start3A_100, %dma_start3A_101] : memref<10240x128xf32, #tpu.memory_space<hbm>> -> memref<10240x128xf32, #tpu.memory_space<hbm>>
    tpu.enqueue_indirect_dma source(%dma_start3A_102 : memref<10240x128xf32, #tpu.memory_space<hbm>>) target(%arg9 : memref<128x128xf32, #tpu.memory_space<vmem>>) offsets(%dma_start3A_99 : memref<128xi32, #tpu.memory_space<vmem>>) semaphore(%arg12 : memref<!tpu.dma_semaphore, #tpu.memory_space<semaphore_mem>>)
    %scan3A_103 = arith.constant 0 : i32
    %scan3A_104 = arith.constant 0 : i32
    %scan3A_105 = arith.constant 19 : i32
    %scan3A_106 = arith.addi %scan3A_104, %scan3A_105 : i32
    %scan3A_107 = arith.constant 1 : i32
    scf.for %scan3A_253 = %scan3A_104 to %scan3A_106 step %scan3A_107  : i32 {
      %mul3A_254 = arith.constant 2 : i32
      %mul3A_255 = arith.muli %mul3A_254, %scan3A_253 : i32
      %add3A_256 = arith.constant 0 : i32
      %add3A_257 = arith.addi %mul3A_255, %add3A_256 : i32
      %dma_wait3A_258 = arith.constant 0 : i32
      %dma_wait3A_259 = tpu.memref_slice %arg6[%add3A_257, %dma_wait3A_258] : memref<40x128xi32, #tpu.memory_space<vmem>> -> memref<1x128xi32, #tpu.memory_space<vmem>>
      %dma_wait3A_260 = tpu.memref_squeeze %dma_wait3A_259 : memref<1x128xi32, #tpu.memory_space<vmem>> -> memref<128xi32, #tpu.memory_space<vmem>>
      %dma_wait3A_261 = arith.constant 0 : i32
      %dma_wait3A_262 = arith.constant 0 : i32
      %dma_wait3A_263 = tpu.memref_slice %arg2[%dma_wait3A_261, %dma_wait3A_262] : memref<10240x128xf32, #tpu.memory_space<hbm>> -> memref<10240x128xf32, #tpu.memory_space<hbm>>
      tpu.wait_indirect_dma semaphore(%arg11 : memref<!tpu.dma_semaphore, #tpu.memory_space<semaphore_mem>>) src(%dma_wait3A_263 : memref<10240x128xf32, #tpu.memory_space<hbm>>) dst(%arg8 : memref<128x128xf32, #tpu.memory_space<vmem>>)
      "tpu.region"() ({
        %run_scoped3A_290 = tpu.sem_alloc : memref<!tpu.dma_semaphore, #tpu.memory_space<semaphore_mem>>
        %dma_start3A_291 = arith.constant 0 : i32
        %dma_start3A_292 = tpu.memref_slice %arg7[%add3A_257, %dma_start3A_291] : memref<40x128xi32, #tpu.memory_space<vmem>> -> memref<1x128xi32, #tpu.memory_space<vmem>>
        %dma_start3A_293 = tpu.memref_squeeze %dma_start3A_292 : memref<1x128xi32, #tpu.memory_space<vmem>> -> memref<128xi32, #tpu.memory_space<vmem>>
        %dma_start3A_294 = arith.constant 0 : i32
        %dma_start3A_295 = arith.constant 0 : i32
        %dma_start3A_296 = tpu.memref_slice %arg10[%dma_start3A_294, %dma_start3A_295] : memref<10240x128xf32, #tpu.memory_space<vmem_shared>> -> memref<10240x128xf32, #tpu.memory_space<vmem_shared>>
        tpu.enqueue_indirect_dma source(%arg8 : memref<128x128xf32, #tpu.memory_space<vmem>>) target(%dma_start3A_296 : memref<10240x128xf32, #tpu.memory_space<vmem_shared>>) offsets(%dma_start3A_293 : memref<128xi32, #tpu.memory_space<vmem>>) semaphore(%run_scoped3A_290 : memref<!tpu.dma_semaphore, #tpu.memory_space<semaphore_mem>>) {add = true}
        %dma_wait3A_297 = arith.constant 0 : i32
        %dma_wait3A_298 = tpu.memref_slice %arg7[%add3A_257, %dma_wait3A_297] : memref<40x128xi32, #tpu.memory_space<vmem>> -> memref<1x128xi32, #tpu.memory_space<vmem>>
        %dma_wait3A_299 = tpu.memref_squeeze %dma_wait3A_298 : memref<1x128xi32, #tpu.memory_space<vmem>> -> memref<128xi32, #tpu.memory_space<vmem>>
        %dma_wait3A_300 = arith.constant 0 : i32
        %dma_wait3A_301 = arith.constant 0 : i32
        %dma_wait3A_302 = tpu.memref_slice %arg10[%dma_wait3A_300, %dma_wait3A_301] : memref<10240x128xf32, #tpu.memory_space<vmem_shared>> -> memref<10240x128xf32, #tpu.memory_space<vmem_shared>>
        tpu.wait_indirect_dma semaphore(%run_scoped3A_290 : memref<!tpu.dma_semaphore, #tpu.memory_space<semaphore_mem>>) src(%arg8 : memref<128x128xf32, #tpu.memory_space<vmem>>) dst(%dma_wait3A_302 : memref<10240x128xf32, #tpu.memory_space<vmem_shared>>)
        tpu.yield
      }) : () -> ()
      %add3A_264 = arith.constant 2 : i32
      %add3A_265 = arith.addi %add3A_257, %add3A_264 : i32
      %dma_start3A_266 = arith.constant 0 : i32
      %dma_start3A_267 = tpu.memref_slice %arg6[%add3A_265, %dma_start3A_266] : memref<40x128xi32, #tpu.memory_space<vmem>> -> memref<1x128xi32, #tpu.memory_space<vmem>>
      %dma_start3A_268 = tpu.memref_squeeze %dma_start3A_267 : memref<1x128xi32, #tpu.memory_space<vmem>> -> memref<128xi32, #tpu.memory_space<vmem>>
      %dma_start3A_269 = arith.constant 0 : i32
      %dma_start3A_270 = arith.constant 0 : i32
      %dma_start3A_271 = tpu.memref_slice %arg2[%dma_start3A_269, %dma_start3A_270] : memref<10240x128xf32, #tpu.memory_space<hbm>> -> memref<10240x128xf32, #tpu.memory_space<hbm>>
      tpu.enqueue_indirect_dma source(%dma_start3A_271 : memref<10240x128xf32, #tpu.memory_space<hbm>>) target(%arg8 : memref<128x128xf32, #tpu.memory_space<vmem>>) offsets(%dma_start3A_268 : memref<128xi32, #tpu.memory_space<vmem>>) semaphore(%arg11 : memref<!tpu.dma_semaphore, #tpu.memory_space<semaphore_mem>>)
      %mul3A_272 = arith.constant 2 : i32
      %mul3A_273 = arith.muli %mul3A_272, %scan3A_253 : i32
      %add3A_274 = arith.constant 1 : i32
      %add3A_275 = arith.addi %mul3A_273, %add3A_274 : i32
      %dma_wait3A_276 = arith.constant 0 : i32
      %dma_wait3A_277 = tpu.memref_slice %arg6[%add3A_275, %dma_wait3A_276] : memref<40x128xi32, #tpu.memory_space<vmem>> -> memref<1x128xi32, #tpu.memory_space<vmem>>
      %dma_wait3A_278 = tpu.memref_squeeze %dma_wait3A_277 : memref<1x128xi32, #tpu.memory_space<vmem>> -> memref<128xi32, #tpu.memory_space<vmem>>
      %dma_wait3A_279 = arith.constant 0 : i32
      %dma_wait3A_280 = arith.constant 0 : i32
      %dma_wait3A_281 = tpu.memref_slice %arg2[%dma_wait3A_279, %dma_wait3A_280] : memref<10240x128xf32, #tpu.memory_space<hbm>> -> memref<10240x128xf32, #tpu.memory_space<hbm>>
      tpu.wait_indirect_dma semaphore(%arg12 : memref<!tpu.dma_semaphore, #tpu.memory_space<semaphore_mem>>) src(%dma_wait3A_281 : memref<10240x128xf32, #tpu.memory_space<hbm>>) dst(%arg9 : memref<128x128xf32, #tpu.memory_space<vmem>>)
      "tpu.region"() ({
        %run_scoped3A_290 = tpu.sem_alloc : memref<!tpu.dma_semaphore, #tpu.memory_space<semaphore_mem>>
        %dma_start3A_291 = arith.constant 0 : i32
        %dma_start3A_292 = tpu.memref_slice %arg7[%add3A_275, %dma_start3A_291] : memref<40x128xi32, #tpu.memory_space<vmem>> -> memref<1x128xi32, #tpu.memory_space<vmem>>
        %dma_start3A_293 = tpu.memref_squeeze %dma_start3A_292 : memref<1x128xi32, #tpu.memory_space<vmem>> -> memref<128xi32, #tpu.memory_space<vmem>>
        %dma_start3A_294 = arith.constant 0 : i32
        %dma_start3A_295 = arith.constant 0 : i32
        %dma_start3A_296 = tpu.memref_slice %arg10[%dma_start3A_294, %dma_start3A_295] : memref<10240x128xf32, #tpu.memory_space<vmem_shared>> -> memref<10240x128xf32, #tpu.memory_space<vmem_shared>>
        tpu.enqueue_indirect_dma source(%arg9 : memref<128x128xf32, #tpu.memory_space<vmem>>) target(%dma_start3A_296 : memref<10240x128xf32, #tpu.memory_space<vmem_shared>>) offsets(%dma_start3A_293 : memref<128xi32, #tpu.memory_space<vmem>>) semaphore(%run_scoped3A_290 : memref<!tpu.dma_semaphore, #tpu.memory_space<semaphore_mem>>) {add = true}
        %dma_wait3A_297 = arith.constant 0 : i32
        %dma_wait3A_298 = tpu.memref_slice %arg7[%add3A_275, %dma_wait3A_297] : memref<40x128xi32, #tpu.memory_space<vmem>> -> memref<1x128xi32, #tpu.memory_space<vmem>>
        %dma_wait3A_299 = tpu.memref_squeeze %dma_wait3A_298 : memref<1x128xi32, #tpu.memory_space<vmem>> -> memref<128xi32, #tpu.memory_space<vmem>>
        %dma_wait3A_300 = arith.constant 0 : i32
        %dma_wait3A_301 = arith.constant 0 : i32
        %dma_wait3A_302 = tpu.memref_slice %arg10[%dma_wait3A_300, %dma_wait3A_301] : memref<10240x128xf32, #tpu.memory_space<vmem_shared>> -> memref<10240x128xf32, #tpu.memory_space<vmem_shared>>
        tpu.wait_indirect_dma semaphore(%run_scoped3A_290 : memref<!tpu.dma_semaphore, #tpu.memory_space<semaphore_mem>>) src(%arg9 : memref<128x128xf32, #tpu.memory_space<vmem>>) dst(%dma_wait3A_302 : memref<10240x128xf32, #tpu.memory_space<vmem_shared>>)
        tpu.yield
      }) : () -> ()
      %add3A_282 = arith.constant 2 : i32
      %add3A_283 = arith.addi %add3A_275, %add3A_282 : i32
      %dma_start3A_284 = arith.constant 0 : i32
      %dma_start3A_285 = tpu.memref_slice %arg6[%add3A_283, %dma_start3A_284] : memref<40x128xi32, #tpu.memory_space<vmem>> -> memref<1x128xi32, #tpu.memory_space<vmem>>
      %dma_start3A_286 = tpu.memref_squeeze %dma_start3A_285 : memref<1x128xi32, #tpu.memory_space<vmem>> -> memref<128xi32, #tpu.memory_space<vmem>>
      %dma_start3A_287 = arith.constant 0 : i32
      %dma_start3A_288 = arith.constant 0 : i32
      %dma_start3A_289 = tpu.memref_slice %arg2[%dma_start3A_287, %dma_start3A_288] : memref<10240x128xf32, #tpu.memory_space<hbm>> -> memref<10240x128xf32, #tpu.memory_space<hbm>>
      tpu.enqueue_indirect_dma source(%dma_start3A_289 : memref<10240x128xf32, #tpu.memory_space<hbm>>) target(%arg9 : memref<128x128xf32, #tpu.memory_space<vmem>>) offsets(%dma_start3A_286 : memref<128xi32, #tpu.memory_space<vmem>>) semaphore(%arg12 : memref<!tpu.dma_semaphore, #tpu.memory_space<semaphore_mem>>)
    }
    %scan3A_108 = arith.constant 19 : i32
    %dma_wait3A_109 = arith.constant 38 : i32
    %dma_wait3A_110 = arith.constant 0 : i32
    %dma_wait3A_111 = tpu.memref_slice %arg6[%dma_wait3A_109, %dma_wait3A_110] : memref<40x128xi32, #tpu.memory_space<vmem>> -> memref<1x128xi32, #tpu.memory_space<vmem>>
    %dma_wait3A_112 = tpu.memref_squeeze %dma_wait3A_111 : memref<1x128xi32, #tpu.memory_space<vmem>> -> memref<128xi32, #tpu.memory_space<vmem>>
    %dma_wait3A_113 = arith.constant 0 : i32
    %dma_wait3A_114 = arith.constant 0 : i32
    %dma_wait3A_115 = tpu.memref_slice %arg2[%dma_wait3A_113, %dma_wait3A_114] : memref<10240x128xf32, #tpu.memory_space<hbm>> -> memref<10240x128xf32, #tpu.memory_space<hbm>>
    tpu.wait_indirect_dma semaphore(%arg11 : memref<!tpu.dma_semaphore, #tpu.memory_space<semaphore_mem>>) src(%dma_wait3A_115 : memref<10240x128xf32, #tpu.memory_space<hbm>>) dst(%arg8 : memref<128x128xf32, #tpu.memory_space<vmem>>)
    %run_scoped3A = arith.constant 38 : i32
    "tpu.region"() ({
      %run_scoped3A_253 = tpu.sem_alloc : memref<!tpu.dma_semaphore, #tpu.memory_space<semaphore_mem>>
      %dma_start3A_254 = arith.constant 0 : i32
      %dma_start3A_255 = tpu.memref_slice %arg7[%run_scoped3A, %dma_start3A_254] : memref<40x128xi32, #tpu.memory_space<vmem>> -> memref<1x128xi32, #tpu.memory_space<vmem>>
      %dma_start3A_256 = tpu.memref_squeeze %dma_start3A_255 : memref<1x128xi32, #tpu.memory_space<vmem>> -> memref<128xi32, #tpu.memory_space<vmem>>
      %dma_start3A_257 = arith.constant 0 : i32
      %dma_start3A_258 = arith.constant 0 : i32
      %dma_start3A_259 = tpu.memref_slice %arg10[%dma_start3A_257, %dma_start3A_258] : memref<10240x128xf32, #tpu.memory_space<vmem_shared>> -> memref<10240x128xf32, #tpu.memory_space<vmem_shared>>
      tpu.enqueue_indirect_dma source(%arg8 : memref<128x128xf32, #tpu.memory_space<vmem>>) target(%dma_start3A_259 : memref<10240x128xf32, #tpu.memory_space<vmem_shared>>) offsets(%dma_start3A_256 : memref<128xi32, #tpu.memory_space<vmem>>) semaphore(%run_scoped3A_253 : memref<!tpu.dma_semaphore, #tpu.memory_space<semaphore_mem>>) {add = true}
      %dma_wait3A_260 = arith.constant 0 : i32
      %dma_wait3A_261 = tpu.memref_slice %arg7[%run_scoped3A, %dma_wait3A_260] : memref<40x128xi32, #tpu.memory_space<vmem>> -> memref<1x128xi32, #tpu.memory_space<vmem>>
      %dma_wait3A_262 = tpu.memref_squeeze %dma_wait3A_261 : memref<1x128xi32, #tpu.memory_space<vmem>> -> memref<128xi32, #tpu.memory_space<vmem>>
      %dma_wait3A_263 = arith.constant 0 : i32
      %dma_wait3A_264 = arith.constant 0 : i32
      %dma_wait3A_265 = tpu.memref_slice %arg10[%dma_wait3A_263, %dma_wait3A_264] : memref<10240x128xf32, #tpu.memory_space<vmem_shared>> -> memref<10240x128xf32, #tpu.memory_space<vmem_shared>>
      tpu.wait_indirect_dma semaphore(%run_scoped3A_253 : memref<!tpu.dma_semaphore, #tpu.memory_space<semaphore_mem>>) src(%arg8 : memref<128x128xf32, #tpu.memory_space<vmem>>) dst(%dma_wait3A_265 : memref<10240x128xf32, #tpu.memory_space<vmem_shared>>)
      tpu.yield
    }) : () -> ()
    %dma_wait3A_116 = arith.constant 39 : i32
    %dma_wait3A_117 = arith.constant 0 : i32
    %dma_wait3A_118 = tpu.memref_slice %arg6[%dma_wait3A_116, %dma_wait3A_117] : memref<40x128xi32, #tpu.memory_space<vmem>> -> memref<1x128xi32, #tpu.memory_space<vmem>>
    %dma_wait3A_119 = tpu.memref_squeeze %dma_wait3A_118 : memref<1x128xi32, #tpu.memory_space<vmem>> -> memref<128xi32, #tpu.memory_space<vmem>>
    %dma_wait3A_120 = arith.constant 0 : i32
    %dma_wait3A_121 = arith.constant 0 : i32
    %dma_wait3A_122 = tpu.memref_slice %arg2[%dma_wait3A_120, %dma_wait3A_121] : memref<10240x128xf32, #tpu.memory_space<hbm>> -> memref<10240x128xf32, #tpu.memory_space<hbm>>
    tpu.wait_indirect_dma semaphore(%arg12 : memref<!tpu.dma_semaphore, #tpu.memory_space<semaphore_mem>>) src(%dma_wait3A_122 : memref<10240x128xf32, #tpu.memory_space<hbm>>) dst(%arg9 : memref<128x128xf32, #tpu.memory_space<vmem>>)
    %run_scoped3A_123 = arith.constant 39 : i32
    "tpu.region"() ({
      %run_scoped3A_253 = tpu.sem_alloc : memref<!tpu.dma_semaphore, #tpu.memory_space<semaphore_mem>>
      %dma_start3A_254 = arith.constant 0 : i32
      %dma_start3A_255 = tpu.memref_slice %arg7[%run_scoped3A_123, %dma_start3A_254] : memref<40x128xi32, #tpu.memory_space<vmem>> -> memref<1x128xi32, #tpu.memory_space<vmem>>
      %dma_start3A_256 = tpu.memref_squeeze %dma_start3A_255 : memref<1x128xi32, #tpu.memory_space<vmem>> -> memref<128xi32, #tpu.memory_space<vmem>>
      %dma_start3A_257 = arith.constant 0 : i32
      %dma_start3A_258 = arith.constant 0 : i32
      %dma_start3A_259 = tpu.memref_slice %arg10[%dma_start3A_257, %dma_start3A_258] : memref<10240x128xf32, #tpu.memory_space<vmem_shared>> -> memref<10240x128xf32, #tpu.memory_space<vmem_shared>>
      tpu.enqueue_indirect_dma source(%arg9 : memref<128x128xf32, #tpu.memory_space<vmem>>) target(%dma_start3A_259 : memref<10240x128xf32, #tpu.memory_space<vmem_shared>>) offsets(%dma_start3A_256 : memref<128xi32, #tpu.memory_space<vmem>>) semaphore(%run_scoped3A_253 : memref<!tpu.dma_semaphore, #tpu.memory_space<semaphore_mem>>) {add = true}
      %dma_wait3A_260 = arith.constant 0 : i32
      %dma_wait3A_261 = tpu.memref_slice %arg7[%run_scoped3A_123, %dma_wait3A_260] : memref<40x128xi32, #tpu.memory_space<vmem>> -> memref<1x128xi32, #tpu.memory_space<vmem>>
      %dma_wait3A_262 = tpu.memref_squeeze %dma_wait3A_261 : memref<1x128xi32, #tpu.memory_space<vmem>> -> memref<128xi32, #tpu.memory_space<vmem>>
      %dma_wait3A_263 = arith.constant 0 : i32
      %dma_wait3A_264 = arith.constant 0 : i32
      %dma_wait3A_265 = tpu.memref_slice %arg10[%dma_wait3A_263, %dma_wait3A_264] : memref<10240x128xf32, #tpu.memory_space<vmem_shared>> -> memref<10240x128xf32, #tpu.memory_space<vmem_shared>>
      tpu.wait_indirect_dma semaphore(%run_scoped3A_253 : memref<!tpu.dma_semaphore, #tpu.memory_space<semaphore_mem>>) src(%arg9 : memref<128x128xf32, #tpu.memory_space<vmem>>) dst(%dma_wait3A_265 : memref<10240x128xf32, #tpu.memory_space<vmem_shared>>)
      tpu.yield
    }) : () -> ()
    %add3A_124 = arith.constant 40 : i32
    %add3A_125 = arith.addi %add3A, %add3A_124 : i32
    "tpu.region"() ({
      %run_scoped3A_253 = tpu.sem_alloc : memref<!tpu.dma_semaphore, #tpu.memory_space<semaphore_mem>>
      %dma_start3A_254 = arith.constant 0 : i32
      %dma_start3A_255 = tpu.memref_slice %arg3[%add3A_125, %dma_start3A_254] : memref<2560x128xi32, #tpu.memory_space<hbm>> -> memref<40x128xi32, #tpu.memory_space<hbm>>
      %dma_start3A_256 = arith.constant 0 : i32
      %dma_start3A_257 = tpu.memref_slice %arg3[%add3A_125, %dma_start3A_256] : memref<2560x128xi32, #tpu.memory_space<hbm>> -> memref<40x128xi32, #tpu.memory_space<hbm>>
      tpu.enqueue_dma source(%dma_start3A_257 : memref<40x128xi32, #tpu.memory_space<hbm>>) target(%arg6 : memref<40x128xi32, #tpu.memory_space<vmem>>) target_semaphore(%run_scoped3A_253 : memref<!tpu.dma_semaphore, #tpu.memory_space<semaphore_mem>>)
      %dma_wait3A_258 = arith.constant 0 : i32
      %dma_wait3A_259 = tpu.memref_slice %arg3[%add3A_125, %dma_wait3A_258] : memref<2560x128xi32, #tpu.memory_space<hbm>> -> memref<40x128xi32, #tpu.memory_space<hbm>>
      %dma_wait3A_260 = arith.constant 0 : i32
      %dma_wait3A_261 = tpu.memref_slice %arg3[%add3A_125, %dma_wait3A_260] : memref<2560x128xi32, #tpu.memory_space<hbm>> -> memref<40x128xi32, #tpu.memory_space<hbm>>
      tpu.wait_dma2 semaphore(%run_scoped3A_253 : memref<!tpu.dma_semaphore, #tpu.memory_space<semaphore_mem>>) src(%dma_wait3A_261 : memref<40x128xi32, #tpu.memory_space<hbm>>) dst(%arg6 : memref<40x128xi32, #tpu.memory_space<vmem>>)
      tpu.yield
    }) : () -> ()
    "tpu.region"() ({
      %run_scoped3A_253 = tpu.sem_alloc : memref<!tpu.dma_semaphore, #tpu.memory_space<semaphore_mem>>
      %dma_start3A_254 = arith.constant 0 : i32
      %dma_start3A_255 = tpu.memref_slice %arg4[%add3A_125, %dma_start3A_254] : memref<2560x128xi32, #tpu.memory_space<hbm>> -> memref<40x128xi32, #tpu.memory_space<hbm>>
      %dma_start3A_256 = arith.constant 0 : i32
      %dma_start3A_257 = tpu.memref_slice %arg4[%add3A_125, %dma_start3A_256] : memref<2560x128xi32, #tpu.memory_space<hbm>> -> memref<40x128xi32, #tpu.memory_space<hbm>>
      tpu.enqueue_dma source(%dma_start3A_257 : memref<40x128xi32, #tpu.memory_space<hbm>>) target(%arg7 : memref<40x128xi32, #tpu.memory_space<vmem>>) target_semaphore(%run_scoped3A_253 : memref<!tpu.dma_semaphore, #tpu.memory_space<semaphore_mem>>)
      %dma_wait3A_258 = arith.constant 0 : i32
      %dma_wait3A_259 = tpu.memref_slice %arg4[%add3A_125, %dma_wait3A_258] : memref<2560x128xi32, #tpu.memory_space<hbm>> -> memref<40x128xi32, #tpu.memory_space<hbm>>
      %dma_wait3A_260 = arith.constant 0 : i32
      %dma_wait3A_261 = tpu.memref_slice %arg4[%add3A_125, %dma_wait3A_260] : memref<2560x128xi32, #tpu.memory_space<hbm>> -> memref<40x128xi32, #tpu.memory_space<hbm>>
      tpu.wait_dma2 semaphore(%run_scoped3A_253 : memref<!tpu.dma_semaphore, #tpu.memory_space<semaphore_mem>>) src(%dma_wait3A_261 : memref<40x128xi32, #tpu.memory_space<hbm>>) dst(%arg7 : memref<40x128xi32, #tpu.memory_space<vmem>>)
      tpu.yield
    }) : () -> ()
    %dma_start3A_126 = arith.constant 0 : i32
    %dma_start3A_127 = arith.constant 0 : i32
    %dma_start3A_128 = tpu.memref_slice %arg6[%dma_start3A_126, %dma_start3A_127] : memref<40x128xi32, #tpu.memory_space<vmem>> -> memref<1x128xi32, #tpu.memory_space<vmem>>
    %dma_start3A_129 = tpu.memref_squeeze %dma_start3A_128 : memref<1x128xi32, #tpu.memory_space<vmem>> -> memref<128xi32, #tpu.memory_space<vmem>>
    %dma_start3A_130 = arith.constant 0 : i32
    %dma_start3A_131 = arith.constant 0 : i32
    %dma_start3A_132 = tpu.memref_slice %arg2[%dma_start3A_130, %dma_start3A_131] : memref<10240x128xf32, #tpu.memory_space<hbm>> -> memref<10240x128xf32, #tpu.memory_space<hbm>>
    tpu.enqueue_indirect_dma source(%dma_start3A_132 : memref<10240x128xf32, #tpu.memory_space<hbm>>) target(%arg8 : memref<128x128xf32, #tpu.memory_space<vmem>>) offsets(%dma_start3A_129 : memref<128xi32, #tpu.memory_space<vmem>>) semaphore(%arg11 : memref<!tpu.dma_semaphore, #tpu.memory_space<semaphore_mem>>)
    %dma_start3A_133 = arith.constant 1 : i32
    %dma_start3A_134 = arith.constant 0 : i32
    %dma_start3A_135 = tpu.memref_slice %arg6[%dma_start3A_133, %dma_start3A_134] : memref<40x128xi32, #tpu.memory_space<vmem>> -> memref<1x128xi32, #tpu.memory_space<vmem>>
    %dma_start3A_136 = tpu.memref_squeeze %dma_start3A_135 : memref<1x128xi32, #tpu.memory_space<vmem>> -> memref<128xi32, #tpu.memory_space<vmem>>
    %dma_start3A_137 = arith.constant 0 : i32
    %dma_start3A_138 = arith.constant 0 : i32
    %dma_start3A_139 = tpu.memref_slice %arg2[%dma_start3A_137, %dma_start3A_138] : memref<10240x128xf32, #tpu.memory_space<hbm>> -> memref<10240x128xf32, #tpu.memory_space<hbm>>
    tpu.enqueue_indirect_dma source(%dma_start3A_139 : memref<10240x128xf32, #tpu.memory_space<hbm>>) target(%arg9 : memref<128x128xf32, #tpu.memory_space<vmem>>) offsets(%dma_start3A_136 : memref<128xi32, #tpu.memory_space<vmem>>) semaphore(%arg12 : memref<!tpu.dma_semaphore, #tpu.memory_space<semaphore_mem>>)
    %scan3A_140 = arith.constant 0 : i32
    %scan3A_141 = arith.constant 0 : i32
    %scan3A_142 = arith.constant 19 : i32
    %scan3A_143 = arith.addi %scan3A_141, %scan3A_142 : i32
    %scan3A_144 = arith.constant 1 : i32
    scf.for %scan3A_253 = %scan3A_141 to %scan3A_143 step %scan3A_144  : i32 {
      %mul3A_254 = arith.constant 2 : i32
      %mul3A_255 = arith.muli %mul3A_254, %scan3A_253 : i32
      %add3A_256 = arith.constant 0 : i32
      %add3A_257 = arith.addi %mul3A_255, %add3A_256 : i32
      %dma_wait3A_258 = arith.constant 0 : i32
      %dma_wait3A_259 = tpu.memref_slice %arg6[%add3A_257, %dma_wait3A_258] : memref<40x128xi32, #tpu.memory_space<vmem>> -> memref<1x128xi32, #tpu.memory_space<vmem>>
      %dma_wait3A_260 = tpu.memref_squeeze %dma_wait3A_259 : memref<1x128xi32, #tpu.memory_space<vmem>> -> memref<128xi32, #tpu.memory_space<vmem>>
      %dma_wait3A_261 = arith.constant 0 : i32
      %dma_wait3A_262 = arith.constant 0 : i32
      %dma_wait3A_263 = tpu.memref_slice %arg2[%dma_wait3A_261, %dma_wait3A_262] : memref<10240x128xf32, #tpu.memory_space<hbm>> -> memref<10240x128xf32, #tpu.memory_space<hbm>>
      tpu.wait_indirect_dma semaphore(%arg11 : memref<!tpu.dma_semaphore, #tpu.memory_space<semaphore_mem>>) src(%dma_wait3A_263 : memref<10240x128xf32, #tpu.memory_space<hbm>>) dst(%arg8 : memref<128x128xf32, #tpu.memory_space<vmem>>)
      "tpu.region"() ({
        %run_scoped3A_290 = tpu.sem_alloc : memref<!tpu.dma_semaphore, #tpu.memory_space<semaphore_mem>>
        %dma_start3A_291 = arith.constant 0 : i32
        %dma_start3A_292 = tpu.memref_slice %arg7[%add3A_257, %dma_start3A_291] : memref<40x128xi32, #tpu.memory_space<vmem>> -> memref<1x128xi32, #tpu.memory_space<vmem>>
        %dma_start3A_293 = tpu.memref_squeeze %dma_start3A_292 : memref<1x128xi32, #tpu.memory_space<vmem>> -> memref<128xi32, #tpu.memory_space<vmem>>
        %dma_start3A_294 = arith.constant 0 : i32
        %dma_start3A_295 = arith.constant 0 : i32
        %dma_start3A_296 = tpu.memref_slice %arg10[%dma_start3A_294, %dma_start3A_295] : memref<10240x128xf32, #tpu.memory_space<vmem_shared>> -> memref<10240x128xf32, #tpu.memory_space<vmem_shared>>
        tpu.enqueue_indirect_dma source(%arg8 : memref<128x128xf32, #tpu.memory_space<vmem>>) target(%dma_start3A_296 : memref<10240x128xf32, #tpu.memory_space<vmem_shared>>) offsets(%dma_start3A_293 : memref<128xi32, #tpu.memory_space<vmem>>) semaphore(%run_scoped3A_290 : memref<!tpu.dma_semaphore, #tpu.memory_space<semaphore_mem>>) {add = true}
        %dma_wait3A_297 = arith.constant 0 : i32
        %dma_wait3A_298 = tpu.memref_slice %arg7[%add3A_257, %dma_wait3A_297] : memref<40x128xi32, #tpu.memory_space<vmem>> -> memref<1x128xi32, #tpu.memory_space<vmem>>
        %dma_wait3A_299 = tpu.memref_squeeze %dma_wait3A_298 : memref<1x128xi32, #tpu.memory_space<vmem>> -> memref<128xi32, #tpu.memory_space<vmem>>
        %dma_wait3A_300 = arith.constant 0 : i32
        %dma_wait3A_301 = arith.constant 0 : i32
        %dma_wait3A_302 = tpu.memref_slice %arg10[%dma_wait3A_300, %dma_wait3A_301] : memref<10240x128xf32, #tpu.memory_space<vmem_shared>> -> memref<10240x128xf32, #tpu.memory_space<vmem_shared>>
        tpu.wait_indirect_dma semaphore(%run_scoped3A_290 : memref<!tpu.dma_semaphore, #tpu.memory_space<semaphore_mem>>) src(%arg8 : memref<128x128xf32, #tpu.memory_space<vmem>>) dst(%dma_wait3A_302 : memref<10240x128xf32, #tpu.memory_space<vmem_shared>>)
        tpu.yield
      }) : () -> ()
      %add3A_264 = arith.constant 2 : i32
      %add3A_265 = arith.addi %add3A_257, %add3A_264 : i32
      %dma_start3A_266 = arith.constant 0 : i32
      %dma_start3A_267 = tpu.memref_slice %arg6[%add3A_265, %dma_start3A_266] : memref<40x128xi32, #tpu.memory_space<vmem>> -> memref<1x128xi32, #tpu.memory_space<vmem>>
      %dma_start3A_268 = tpu.memref_squeeze %dma_start3A_267 : memref<1x128xi32, #tpu.memory_space<vmem>> -> memref<128xi32, #tpu.memory_space<vmem>>
      %dma_start3A_269 = arith.constant 0 : i32
      %dma_start3A_270 = arith.constant 0 : i32
      %dma_start3A_271 = tpu.memref_slice %arg2[%dma_start3A_269, %dma_start3A_270] : memref<10240x128xf32, #tpu.memory_space<hbm>> -> memref<10240x128xf32, #tpu.memory_space<hbm>>
      tpu.enqueue_indirect_dma source(%dma_start3A_271 : memref<10240x128xf32, #tpu.memory_space<hbm>>) target(%arg8 : memref<128x128xf32, #tpu.memory_space<vmem>>) offsets(%dma_start3A_268 : memref<128xi32, #tpu.memory_space<vmem>>) semaphore(%arg11 : memref<!tpu.dma_semaphore, #tpu.memory_space<semaphore_mem>>)
      %mul3A_272 = arith.constant 2 : i32
      %mul3A_273 = arith.muli %mul3A_272, %scan3A_253 : i32
      %add3A_274 = arith.constant 1 : i32
      %add3A_275 = arith.addi %mul3A_273, %add3A_274 : i32
      %dma_wait3A_276 = arith.constant 0 : i32
      %dma_wait3A_277 = tpu.memref_slice %arg6[%add3A_275, %dma_wait3A_276] : memref<40x128xi32, #tpu.memory_space<vmem>> -> memref<1x128xi32, #tpu.memory_space<vmem>>
      %dma_wait3A_278 = tpu.memref_squeeze %dma_wait3A_277 : memref<1x128xi32, #tpu.memory_space<vmem>> -> memref<128xi32, #tpu.memory_space<vmem>>
      %dma_wait3A_279 = arith.constant 0 : i32
      %dma_wait3A_280 = arith.constant 0 : i32
      %dma_wait3A_281 = tpu.memref_slice %arg2[%dma_wait3A_279, %dma_wait3A_280] : memref<10240x128xf32, #tpu.memory_space<hbm>> -> memref<10240x128xf32, #tpu.memory_space<hbm>>
      tpu.wait_indirect_dma semaphore(%arg12 : memref<!tpu.dma_semaphore, #tpu.memory_space<semaphore_mem>>) src(%dma_wait3A_281 : memref<10240x128xf32, #tpu.memory_space<hbm>>) dst(%arg9 : memref<128x128xf32, #tpu.memory_space<vmem>>)
      "tpu.region"() ({
        %run_scoped3A_290 = tpu.sem_alloc : memref<!tpu.dma_semaphore, #tpu.memory_space<semaphore_mem>>
        %dma_start3A_291 = arith.constant 0 : i32
        %dma_start3A_292 = tpu.memref_slice %arg7[%add3A_275, %dma_start3A_291] : memref<40x128xi32, #tpu.memory_space<vmem>> -> memref<1x128xi32, #tpu.memory_space<vmem>>
        %dma_start3A_293 = tpu.memref_squeeze %dma_start3A_292 : memref<1x128xi32, #tpu.memory_space<vmem>> -> memref<128xi32, #tpu.memory_space<vmem>>
        %dma_start3A_294 = arith.constant 0 : i32
        %dma_start3A_295 = arith.constant 0 : i32
        %dma_start3A_296 = tpu.memref_slice %arg10[%dma_start3A_294, %dma_start3A_295] : memref<10240x128xf32, #tpu.memory_space<vmem_shared>> -> memref<10240x128xf32, #tpu.memory_space<vmem_shared>>
        tpu.enqueue_indirect_dma source(%arg9 : memref<128x128xf32, #tpu.memory_space<vmem>>) target(%dma_start3A_296 : memref<10240x128xf32, #tpu.memory_space<vmem_shared>>) offsets(%dma_start3A_293 : memref<128xi32, #tpu.memory_space<vmem>>) semaphore(%run_scoped3A_290 : memref<!tpu.dma_semaphore, #tpu.memory_space<semaphore_mem>>) {add = true}
        %dma_wait3A_297 = arith.constant 0 : i32
        %dma_wait3A_298 = tpu.memref_slice %arg7[%add3A_275, %dma_wait3A_297] : memref<40x128xi32, #tpu.memory_space<vmem>> -> memref<1x128xi32, #tpu.memory_space<vmem>>
        %dma_wait3A_299 = tpu.memref_squeeze %dma_wait3A_298 : memref<1x128xi32, #tpu.memory_space<vmem>> -> memref<128xi32, #tpu.memory_space<vmem>>
        %dma_wait3A_300 = arith.constant 0 : i32
        %dma_wait3A_301 = arith.constant 0 : i32
        %dma_wait3A_302 = tpu.memref_slice %arg10[%dma_wait3A_300, %dma_wait3A_301] : memref<10240x128xf32, #tpu.memory_space<vmem_shared>> -> memref<10240x128xf32, #tpu.memory_space<vmem_shared>>
        tpu.wait_indirect_dma semaphore(%run_scoped3A_290 : memref<!tpu.dma_semaphore, #tpu.memory_space<semaphore_mem>>) src(%arg9 : memref<128x128xf32, #tpu.memory_space<vmem>>) dst(%dma_wait3A_302 : memref<10240x128xf32, #tpu.memory_space<vmem_shared>>)
        tpu.yield
      }) : () -> ()
      %add3A_282 = arith.constant 2 : i32
      %add3A_283 = arith.addi %add3A_275, %add3A_282 : i32
      %dma_start3A_284 = arith.constant 0 : i32
      %dma_start3A_285 = tpu.memref_slice %arg6[%add3A_283, %dma_start3A_284] : memref<40x128xi32, #tpu.memory_space<vmem>> -> memref<1x128xi32, #tpu.memory_space<vmem>>
      %dma_start3A_286 = tpu.memref_squeeze %dma_start3A_285 : memref<1x128xi32, #tpu.memory_space<vmem>> -> memref<128xi32, #tpu.memory_space<vmem>>
      %dma_start3A_287 = arith.constant 0 : i32
      %dma_start3A_288 = arith.constant 0 : i32
      %dma_start3A_289 = tpu.memref_slice %arg2[%dma_start3A_287, %dma_start3A_288] : memref<10240x128xf32, #tpu.memory_space<hbm>> -> memref<10240x128xf32, #tpu.memory_space<hbm>>
      tpu.enqueue_indirect_dma source(%dma_start3A_289 : memref<10240x128xf32, #tpu.memory_space<hbm>>) target(%arg9 : memref<128x128xf32, #tpu.memory_space<vmem>>) offsets(%dma_start3A_286 : memref<128xi32, #tpu.memory_space<vmem>>) semaphore(%arg12 : memref<!tpu.dma_semaphore, #tpu.memory_space<semaphore_mem>>)
    }
    %scan3A_145 = arith.constant 19 : i32
    %dma_wait3A_146 = arith.constant 38 : i32
    %dma_wait3A_147 = arith.constant 0 : i32
    %dma_wait3A_148 = tpu.memref_slice %arg6[%dma_wait3A_146, %dma_wait3A_147] : memref<40x128xi32, #tpu.memory_space<vmem>> -> memref<1x128xi32, #tpu.memory_space<vmem>>
    %dma_wait3A_149 = tpu.memref_squeeze %dma_wait3A_148 : memref<1x128xi32, #tpu.memory_space<vmem>> -> memref<128xi32, #tpu.memory_space<vmem>>
    %dma_wait3A_150 = arith.constant 0 : i32
    %dma_wait3A_151 = arith.constant 0 : i32
    %dma_wait3A_152 = tpu.memref_slice %arg2[%dma_wait3A_150, %dma_wait3A_151] : memref<10240x128xf32, #tpu.memory_space<hbm>> -> memref<10240x128xf32, #tpu.memory_space<hbm>>
    tpu.wait_indirect_dma semaphore(%arg11 : memref<!tpu.dma_semaphore, #tpu.memory_space<semaphore_mem>>) src(%dma_wait3A_152 : memref<10240x128xf32, #tpu.memory_space<hbm>>) dst(%arg8 : memref<128x128xf32, #tpu.memory_space<vmem>>)
    %run_scoped3A_153 = arith.constant 38 : i32
    "tpu.region"() ({
      %run_scoped3A_253 = tpu.sem_alloc : memref<!tpu.dma_semaphore, #tpu.memory_space<semaphore_mem>>
      %dma_start3A_254 = arith.constant 0 : i32
      %dma_start3A_255 = tpu.memref_slice %arg7[%run_scoped3A_153, %dma_start3A_254] : memref<40x128xi32, #tpu.memory_space<vmem>> -> memref<1x128xi32, #tpu.memory_space<vmem>>
      %dma_start3A_256 = tpu.memref_squeeze %dma_start3A_255 : memref<1x128xi32, #tpu.memory_space<vmem>> -> memref<128xi32, #tpu.memory_space<vmem>>
      %dma_start3A_257 = arith.constant 0 : i32
      %dma_start3A_258 = arith.constant 0 : i32
      %dma_start3A_259 = tpu.memref_slice %arg10[%dma_start3A_257, %dma_start3A_258] : memref<10240x128xf32, #tpu.memory_space<vmem_shared>> -> memref<10240x128xf32, #tpu.memory_space<vmem_shared>>
      tpu.enqueue_indirect_dma source(%arg8 : memref<128x128xf32, #tpu.memory_space<vmem>>) target(%dma_start3A_259 : memref<10240x128xf32, #tpu.memory_space<vmem_shared>>) offsets(%dma_start3A_256 : memref<128xi32, #tpu.memory_space<vmem>>) semaphore(%run_scoped3A_253 : memref<!tpu.dma_semaphore, #tpu.memory_space<semaphore_mem>>) {add = true}
      %dma_wait3A_260 = arith.constant 0 : i32
      %dma_wait3A_261 = tpu.memref_slice %arg7[%run_scoped3A_153, %dma_wait3A_260] : memref<40x128xi32, #tpu.memory_space<vmem>> -> memref<1x128xi32, #tpu.memory_space<vmem>>
      %dma_wait3A_262 = tpu.memref_squeeze %dma_wait3A_261 : memref<1x128xi32, #tpu.memory_space<vmem>> -> memref<128xi32, #tpu.memory_space<vmem>>
      %dma_wait3A_263 = arith.constant 0 : i32
      %dma_wait3A_264 = arith.constant 0 : i32
      %dma_wait3A_265 = tpu.memref_slice %arg10[%dma_wait3A_263, %dma_wait3A_264] : memref<10240x128xf32, #tpu.memory_space<vmem_shared>> -> memref<10240x128xf32, #tpu.memory_space<vmem_shared>>
      tpu.wait_indirect_dma semaphore(%run_scoped3A_253 : memref<!tpu.dma_semaphore, #tpu.memory_space<semaphore_mem>>) src(%arg8 : memref<128x128xf32, #tpu.memory_space<vmem>>) dst(%dma_wait3A_265 : memref<10240x128xf32, #tpu.memory_space<vmem_shared>>)
      tpu.yield
    }) : () -> ()
    %dma_wait3A_154 = arith.constant 39 : i32
    %dma_wait3A_155 = arith.constant 0 : i32
    %dma_wait3A_156 = tpu.memref_slice %arg6[%dma_wait3A_154, %dma_wait3A_155] : memref<40x128xi32, #tpu.memory_space<vmem>> -> memref<1x128xi32, #tpu.memory_space<vmem>>
    %dma_wait3A_157 = tpu.memref_squeeze %dma_wait3A_156 : memref<1x128xi32, #tpu.memory_space<vmem>> -> memref<128xi32, #tpu.memory_space<vmem>>
    %dma_wait3A_158 = arith.constant 0 : i32
    %dma_wait3A_159 = arith.constant 0 : i32
    %dma_wait3A_160 = tpu.memref_slice %arg2[%dma_wait3A_158, %dma_wait3A_159] : memref<10240x128xf32, #tpu.memory_space<hbm>> -> memref<10240x128xf32, #tpu.memory_space<hbm>>
    tpu.wait_indirect_dma semaphore(%arg12 : memref<!tpu.dma_semaphore, #tpu.memory_space<semaphore_mem>>) src(%dma_wait3A_160 : memref<10240x128xf32, #tpu.memory_space<hbm>>) dst(%arg9 : memref<128x128xf32, #tpu.memory_space<vmem>>)
    %run_scoped3A_161 = arith.constant 39 : i32
    "tpu.region"() ({
      %run_scoped3A_253 = tpu.sem_alloc : memref<!tpu.dma_semaphore, #tpu.memory_space<semaphore_mem>>
      %dma_start3A_254 = arith.constant 0 : i32
      %dma_start3A_255 = tpu.memref_slice %arg7[%run_scoped3A_161, %dma_start3A_254] : memref<40x128xi32, #tpu.memory_space<vmem>> -> memref<1x128xi32, #tpu.memory_space<vmem>>
      %dma_start3A_256 = tpu.memref_squeeze %dma_start3A_255 : memref<1x128xi32, #tpu.memory_space<vmem>> -> memref<128xi32, #tpu.memory_space<vmem>>
      %dma_start3A_257 = arith.constant 0 : i32
      %dma_start3A_258 = arith.constant 0 : i32
      %dma_start3A_259 = tpu.memref_slice %arg10[%dma_start3A_257, %dma_start3A_258] : memref<10240x128xf32, #tpu.memory_space<vmem_shared>> -> memref<10240x128xf32, #tpu.memory_space<vmem_shared>>
      tpu.enqueue_indirect_dma source(%arg9 : memref<128x128xf32, #tpu.memory_space<vmem>>) target(%dma_start3A_259 : memref<10240x128xf32, #tpu.memory_space<vmem_shared>>) offsets(%dma_start3A_256 : memref<128xi32, #tpu.memory_space<vmem>>) semaphore(%run_scoped3A_253 : memref<!tpu.dma_semaphore, #tpu.memory_space<semaphore_mem>>) {add = true}
      %dma_wait3A_260 = arith.constant 0 : i32
      %dma_wait3A_261 = tpu.memref_slice %arg7[%run_scoped3A_161, %dma_wait3A_260] : memref<40x128xi32, #tpu.memory_space<vmem>> -> memref<1x128xi32, #tpu.memory_space<vmem>>
      %dma_wait3A_262 = tpu.memref_squeeze %dma_wait3A_261 : memref<1x128xi32, #tpu.memory_space<vmem>> -> memref<128xi32, #tpu.memory_space<vmem>>
      %dma_wait3A_263 = arith.constant 0 : i32
      %dma_wait3A_264 = arith.constant 0 : i32
      %dma_wait3A_265 = tpu.memref_slice %arg10[%dma_wait3A_263, %dma_wait3A_264] : memref<10240x128xf32, #tpu.memory_space<vmem_shared>> -> memref<10240x128xf32, #tpu.memory_space<vmem_shared>>
      tpu.wait_indirect_dma semaphore(%run_scoped3A_253 : memref<!tpu.dma_semaphore, #tpu.memory_space<semaphore_mem>>) src(%arg9 : memref<128x128xf32, #tpu.memory_space<vmem>>) dst(%dma_wait3A_265 : memref<10240x128xf32, #tpu.memory_space<vmem_shared>>)
      tpu.yield
    }) : () -> ()
    %barrier3A_162 = arith.constant 0 : index
    tpu.barrier barrier_id(%barrier3A_162)
    %mul3A_163 = arith.constant 640 : i32
    %mul3A_164 = arith.muli %arg1, %mul3A_163 : i32
    %add3A_165 = arith.constant 0 : i32
    %add3A_166 = arith.addi %mul3A_164, %add3A_165 : i32
    %dma_start3A_167 = arith.constant 0 : i32
    %dma_start3A_168 = tpu.memref_slice %arg5[%arg0, %add3A_166, %dma_start3A_167] : memref<2x10240x128xf32, #tpu.memory_space<hbm>> -> memref<1x128x128xf32, #tpu.memory_space<hbm>>
    %dma_start3A_169 = tpu.memref_squeeze %dma_start3A_168 : memref<1x128x128xf32, #tpu.memory_space<hbm>> -> memref<128x128xf32, #tpu.memory_space<hbm>>
    %dma_start3A_170 = arith.constant 0 : i32
    %dma_start3A_171 = tpu.memref_slice %arg10[%add3A_166, %dma_start3A_170] : memref<10240x128xf32, #tpu.memory_space<vmem_shared>> -> memref<128x128xf32, #tpu.memory_space<vmem_shared>>
    tpu.enqueue_dma source(%dma_start3A_171 : memref<128x128xf32, #tpu.memory_space<vmem_shared>>) target(%dma_start3A_169 : memref<128x128xf32, #tpu.memory_space<hbm>>) target_semaphore(%arg11 : memref<!tpu.dma_semaphore, #tpu.memory_space<semaphore_mem>>)
    %mul3A_172 = arith.constant 640 : i32
    %mul3A_173 = arith.muli %arg1, %mul3A_172 : i32
    %add3A_174 = arith.constant 128 : i32
    %add3A_175 = arith.addi %mul3A_173, %add3A_174 : i32
    %dma_start3A_176 = arith.constant 0 : i32
    %dma_start3A_177 = tpu.memref_slice %arg5[%arg0, %add3A_175, %dma_start3A_176] : memref<2x10240x128xf32, #tpu.memory_space<hbm>> -> memref<1x128x128xf32, #tpu.memory_space<hbm>>
    %dma_start3A_178 = tpu.memref_squeeze %dma_start3A_177 : memref<1x128x128xf32, #tpu.memory_space<hbm>> -> memref<128x128xf32, #tpu.memory_space<hbm>>
    %dma_start3A_179 = arith.constant 0 : i32
    %dma_start3A_180 = tpu.memref_slice %arg10[%add3A_175, %dma_start3A_179] : memref<10240x128xf32, #tpu.memory_space<vmem_shared>> -> memref<128x128xf32, #tpu.memory_space<vmem_shared>>
    tpu.enqueue_dma source(%dma_start3A_180 : memref<128x128xf32, #tpu.memory_space<vmem_shared>>) target(%dma_start3A_178 : memref<128x128xf32, #tpu.memory_space<hbm>>) target_semaphore(%arg11 : memref<!tpu.dma_semaphore, #tpu.memory_space<semaphore_mem>>)
    %mul3A_181 = arith.constant 640 : i32
    %mul3A_182 = arith.muli %arg1, %mul3A_181 : i32
    %add3A_183 = arith.constant 256 : i32
    %add3A_184 = arith.addi %mul3A_182, %add3A_183 : i32
    %dma_start3A_185 = arith.constant 0 : i32
    %dma_start3A_186 = tpu.memref_slice %arg5[%arg0, %add3A_184, %dma_start3A_185] : memref<2x10240x128xf32, #tpu.memory_space<hbm>> -> memref<1x128x128xf32, #tpu.memory_space<hbm>>
    %dma_start3A_187 = tpu.memref_squeeze %dma_start3A_186 : memref<1x128x128xf32, #tpu.memory_space<hbm>> -> memref<128x128xf32, #tpu.memory_space<hbm>>
    %dma_start3A_188 = arith.constant 0 : i32
    %dma_start3A_189 = tpu.memref_slice %arg10[%add3A_184, %dma_start3A_188] : memref<10240x128xf32, #tpu.memory_space<vmem_shared>> -> memref<128x128xf32, #tpu.memory_space<vmem_shared>>
    tpu.enqueue_dma source(%dma_start3A_189 : memref<128x128xf32, #tpu.memory_space<vmem_shared>>) target(%dma_start3A_187 : memref<128x128xf32, #tpu.memory_space<hbm>>) target_semaphore(%arg11 : memref<!tpu.dma_semaphore, #tpu.memory_space<semaphore_mem>>)
    %mul3A_190 = arith.constant 640 : i32
    %mul3A_191 = arith.muli %arg1, %mul3A_190 : i32
    %add3A_192 = arith.constant 384 : i32
    %add3A_193 = arith.addi %mul3A_191, %add3A_192 : i32
    %dma_start3A_194 = arith.constant 0 : i32
    %dma_start3A_195 = tpu.memref_slice %arg5[%arg0, %add3A_193, %dma_start3A_194] : memref<2x10240x128xf32, #tpu.memory_space<hbm>> -> memref<1x128x128xf32, #tpu.memory_space<hbm>>
    %dma_start3A_196 = tpu.memref_squeeze %dma_start3A_195 : memref<1x128x128xf32, #tpu.memory_space<hbm>> -> memref<128x128xf32, #tpu.memory_space<hbm>>
    %dma_start3A_197 = arith.constant 0 : i32
    %dma_start3A_198 = tpu.memref_slice %arg10[%add3A_193, %dma_start3A_197] : memref<10240x128xf32, #tpu.memory_space<vmem_shared>> -> memref<128x128xf32, #tpu.memory_space<vmem_shared>>
    tpu.enqueue_dma source(%dma_start3A_198 : memref<128x128xf32, #tpu.memory_space<vmem_shared>>) target(%dma_start3A_196 : memref<128x128xf32, #tpu.memory_space<hbm>>) target_semaphore(%arg11 : memref<!tpu.dma_semaphore, #tpu.memory_space<semaphore_mem>>)
    %mul3A_199 = arith.constant 640 : i32
    %mul3A_200 = arith.muli %arg1, %mul3A_199 : i32
    %add3A_201 = arith.constant 512 : i32
    %add3A_202 = arith.addi %mul3A_200, %add3A_201 : i32
    %dma_start3A_203 = arith.constant 0 : i32
    %dma_start3A_204 = tpu.memref_slice %arg5[%arg0, %add3A_202, %dma_start3A_203] : memref<2x10240x128xf32, #tpu.memory_space<hbm>> -> memref<1x128x128xf32, #tpu.memory_space<hbm>>
    %dma_start3A_205 = tpu.memref_squeeze %dma_start3A_204 : memref<1x128x128xf32, #tpu.memory_space<hbm>> -> memref<128x128xf32, #tpu.memory_space<hbm>>
    %dma_start3A_206 = arith.constant 0 : i32
    %dma_start3A_207 = tpu.memref_slice %arg10[%add3A_202, %dma_start3A_206] : memref<10240x128xf32, #tpu.memory_space<vmem_shared>> -> memref<128x128xf32, #tpu.memory_space<vmem_shared>>
    tpu.enqueue_dma source(%dma_start3A_207 : memref<128x128xf32, #tpu.memory_space<vmem_shared>>) target(%dma_start3A_205 : memref<128x128xf32, #tpu.memory_space<hbm>>) target_semaphore(%arg11 : memref<!tpu.dma_semaphore, #tpu.memory_space<semaphore_mem>>)
    %mul3A_208 = arith.constant 640 : i32
    %mul3A_209 = arith.muli %arg1, %mul3A_208 : i32
    %add3A_210 = arith.constant 0 : i32
    %add3A_211 = arith.addi %mul3A_209, %add3A_210 : i32
    %dma_wait3A_212 = arith.constant 0 : i32
    %dma_wait3A_213 = tpu.memref_slice %arg5[%arg0, %add3A_211, %dma_wait3A_212] : memref<2x10240x128xf32, #tpu.memory_space<hbm>> -> memref<1x128x128xf32, #tpu.memory_space<hbm>>
    %dma_wait3A_214 = tpu.memref_squeeze %dma_wait3A_213 : memref<1x128x128xf32, #tpu.memory_space<hbm>> -> memref<128x128xf32, #tpu.memory_space<hbm>>
    %dma_wait3A_215 = arith.constant 0 : i32
    %dma_wait3A_216 = tpu.memref_slice %arg10[%add3A_211, %dma_wait3A_215] : memref<10240x128xf32, #tpu.memory_space<vmem_shared>> -> memref<128x128xf32, #tpu.memory_space<vmem_shared>>
    tpu.wait_dma2 semaphore(%arg11 : memref<!tpu.dma_semaphore, #tpu.memory_space<semaphore_mem>>) src(%dma_wait3A_216 : memref<128x128xf32, #tpu.memory_space<vmem_shared>>) dst(%dma_wait3A_214 : memref<128x128xf32, #tpu.memory_space<hbm>>)
    %mul3A_217 = arith.constant 640 : i32
    %mul3A_218 = arith.muli %arg1, %mul3A_217 : i32
    %add3A_219 = arith.constant 128 : i32
    %add3A_220 = arith.addi %mul3A_218, %add3A_219 : i32
    %dma_wait3A_221 = arith.constant 0 : i32
    %dma_wait3A_222 = tpu.memref_slice %arg5[%arg0, %add3A_220, %dma_wait3A_221] : memref<2x10240x128xf32, #tpu.memory_space<hbm>> -> memref<1x128x128xf32, #tpu.memory_space<hbm>>
    %dma_wait3A_223 = tpu.memref_squeeze %dma_wait3A_222 : memref<1x128x128xf32, #tpu.memory_space<hbm>> -> memref<128x128xf32, #tpu.memory_space<hbm>>
    %dma_wait3A_224 = arith.constant 0 : i32
    %dma_wait3A_225 = tpu.memref_slice %arg10[%add3A_220, %dma_wait3A_224] : memref<10240x128xf32, #tpu.memory_space<vmem_shared>> -> memref<128x128xf32, #tpu.memory_space<vmem_shared>>
    tpu.wait_dma2 semaphore(%arg11 : memref<!tpu.dma_semaphore, #tpu.memory_space<semaphore_mem>>) src(%dma_wait3A_225 : memref<128x128xf32, #tpu.memory_space<vmem_shared>>) dst(%dma_wait3A_223 : memref<128x128xf32, #tpu.memory_space<hbm>>)
    %mul3A_226 = arith.constant 640 : i32
    %mul3A_227 = arith.muli %arg1, %mul3A_226 : i32
    %add3A_228 = arith.constant 256 : i32
    %add3A_229 = arith.addi %mul3A_227, %add3A_228 : i32
    %dma_wait3A_230 = arith.constant 0 : i32
    %dma_wait3A_231 = tpu.memref_slice %arg5[%arg0, %add3A_229, %dma_wait3A_230] : memref<2x10240x128xf32, #tpu.memory_space<hbm>> -> memref<1x128x128xf32, #tpu.memory_space<hbm>>
    %dma_wait3A_232 = tpu.memref_squeeze %dma_wait3A_231 : memref<1x128x128xf32, #tpu.memory_space<hbm>> -> memref<128x128xf32, #tpu.memory_space<hbm>>
    %dma_wait3A_233 = arith.constant 0 : i32
    %dma_wait3A_234 = tpu.memref_slice %arg10[%add3A_229, %dma_wait3A_233] : memref<10240x128xf32, #tpu.memory_space<vmem_shared>> -> memref<128x128xf32, #tpu.memory_space<vmem_shared>>
    tpu.wait_dma2 semaphore(%arg11 : memref<!tpu.dma_semaphore, #tpu.memory_space<semaphore_mem>>) src(%dma_wait3A_234 : memref<128x128xf32, #tpu.memory_space<vmem_shared>>) dst(%dma_wait3A_232 : memref<128x128xf32, #tpu.memory_space<hbm>>)
    %mul3A_235 = arith.constant 640 : i32
    %mul3A_236 = arith.muli %arg1, %mul3A_235 : i32
    %add3A_237 = arith.constant 384 : i32
    %add3A_238 = arith.addi %mul3A_236, %add3A_237 : i32
    %dma_wait3A_239 = arith.constant 0 : i32
    %dma_wait3A_240 = tpu.memref_slice %arg5[%arg0, %add3A_238, %dma_wait3A_239] : memref<2x10240x128xf32, #tpu.memory_space<hbm>> -> memref<1x128x128xf32, #tpu.memory_space<hbm>>
    %dma_wait3A_241 = tpu.memref_squeeze %dma_wait3A_240 : memref<1x128x128xf32, #tpu.memory_space<hbm>> -> memref<128x128xf32, #tpu.memory_space<hbm>>
    %dma_wait3A_242 = arith.constant 0 : i32
    %dma_wait3A_243 = tpu.memref_slice %arg10[%add3A_238, %dma_wait3A_242] : memref<10240x128xf32, #tpu.memory_space<vmem_shared>> -> memref<128x128xf32, #tpu.memory_space<vmem_shared>>
    tpu.wait_dma2 semaphore(%arg11 : memref<!tpu.dma_semaphore, #tpu.memory_space<semaphore_mem>>) src(%dma_wait3A_243 : memref<128x128xf32, #tpu.memory_space<vmem_shared>>) dst(%dma_wait3A_241 : memref<128x128xf32, #tpu.memory_space<hbm>>)
    %mul3A_244 = arith.constant 640 : i32
    %mul3A_245 = arith.muli %arg1, %mul3A_244 : i32
    %add3A_246 = arith.constant 512 : i32
    %add3A_247 = arith.addi %mul3A_245, %add3A_246 : i32
    %dma_wait3A_248 = arith.constant 0 : i32
    %dma_wait3A_249 = tpu.memref_slice %arg5[%arg0, %add3A_247, %dma_wait3A_248] : memref<2x10240x128xf32, #tpu.memory_space<hbm>> -> memref<1x128x128xf32, #tpu.memory_space<hbm>>
    %dma_wait3A_250 = tpu.memref_squeeze %dma_wait3A_249 : memref<1x128x128xf32, #tpu.memory_space<hbm>> -> memref<128x128xf32, #tpu.memory_space<hbm>>
    %dma_wait3A_251 = arith.constant 0 : i32
    %dma_wait3A_252 = tpu.memref_slice %arg10[%add3A_247, %dma_wait3A_251] : memref<10240x128xf32, #tpu.memory_space<vmem_shared>> -> memref<128x128xf32, #tpu.memory_space<vmem_shared>>
    tpu.wait_dma2 semaphore(%arg11 : memref<!tpu.dma_semaphore, #tpu.memory_space<semaphore_mem>>) src(%dma_wait3A_252 : memref<128x128xf32, #tpu.memory_space<vmem_shared>>) dst(%dma_wait3A_250 : memref<128x128xf32, #tpu.memory_space<hbm>>)
    return
  }
}

module attributes {stable_mosaic.version = 14 : i64} {
  func.func @_k1_body(%arg0: i32, %arg1: memref<1024x128xf32, #tpu.memory_space<vmem>>, %arg2: memref<128x128xf32, #tpu.memory_space<vmem>>, %arg3: memref<2x1024x1xf32, #tpu.memory_space<vmem>>, %arg4: memref<1024x128xf32, #tpu.memory_space<vmem>>) attributes {dimension_semantics = [#tpu.dimension_semantics<arbitrary>], iteration_bounds = array<i64: 10>, scalar_prefetch = 0 : i64, scratch_operands = 0 : i64, tpu.core_type = #tpu.core_type<tc>, window_params = [{transform_indices = @transform_0, window_bounds = array<i64: 1024, 128>}, {pipeline_mode = #tpu.pipeline_mode<synchronous>, transform_indices = @transform_1, window_bounds = array<i64: 128, 128>}, {transform_indices = @transform_2, window_bounds = array<i64: 2, 1024, 1>}, {transform_indices = @transform_3, window_bounds = array<i64: 1024, 128>}]} {
    %get3A = arith.constant 0 : index
    %get3A_0 = arith.constant 0 : index
    %get3A_1 = vector.load %arg1[%get3A, %get3A_0] : memref<1024x128xf32, #tpu.memory_space<vmem>>, vector<1024x128xf32>
    %get3A_2 = arith.constant 0 : index
    %get3A_3 = arith.constant 0 : index
    %get3A_4 = vector.load %arg2[%get3A_2, %get3A_3] : memref<128x128xf32, #tpu.memory_space<vmem>>, vector<128x128xf32>
    %dot_general3A = arith.constant dense<0.000000e+00> : vector<1024x128xf32>
    %dot_general3A_5 = tpu.matmul %get3A_1, %get3A_4, %dot_general3A {dimension_numbers = #tpu.dot_dimension_numbers<[1], [1], [0], [0], [0, 0, 1, 0], [], []>, transpose_lhs_hint = false} : vector<1024x128xf32>, vector<128x128xf32>, vector<1024x128xf32> -> vector<1024x128xf32>
    %get3A_6 = arith.constant 0 : index
    %get3A_7 = arith.constant 0 : index
    %get3A_8 = arith.constant 0 : index
    %get3A_9 = vector.load %arg3[%get3A_6, %get3A_7, %get3A_8] : memref<2x1024x1xf32, #tpu.memory_space<vmem>>, vector<2x1024x1xf32>
    %slice3A = vector.extract_strided_slice %get3A_9 {offsets = [0, 0, 0], sizes = [1, 1024, 1], strides = [1, 1, 1]} : vector<2x1024x1xf32> to vector<1x1024x1xf32>
    %squeeze3A = vector.shape_cast %slice3A : vector<1x1024x1xf32> to vector<1024x1xf32>
    %slice3A_10 = vector.extract_strided_slice %get3A_9 {offsets = [1, 0, 0], sizes = [1, 1024, 1], strides = [1, 1, 1]} : vector<2x1024x1xf32> to vector<1x1024x1xf32>
    %squeeze3A_11 = vector.shape_cast %slice3A_10 : vector<1x1024x1xf32> to vector<1024x1xf32>
    %add3A = arith.addf %squeeze3A, %squeeze3A_11 : vector<1024x1xf32>
    %add3A_12 = arith.constant 1.000000e+00 : f32
    %add3A_13 = vector.broadcast %add3A_12 : f32 to vector<1024x1xf32>
    %add3A_14 = arith.addf %add3A, %add3A_13 : vector<1024x1xf32>
    %rsqrt3A = math.rsqrt %add3A_14 : vector<1024x1xf32>
    %mul3A = vector.broadcast %rsqrt3A : vector<1024x1xf32> to vector<1024x128xf32>
    %mul3A_15 = arith.mulf %dot_general3A_5, %mul3A : vector<1024x128xf32>
    %swap3A = arith.constant 0 : index
    %swap3A_16 = arith.constant 0 : index
    %swap3A_17 = vector.load %arg4[%swap3A, %swap3A_16] : memref<1024x128xf32, #tpu.memory_space<vmem>>, vector<1024x128xf32>
    tpu.vector_store %arg4[%swap3A, %swap3A_16], %mul3A_15 {strides = array<i32>} : memref<1024x128xf32, #tpu.memory_space<vmem>>, vector<1024x128xf32>,
    return
  }
  func.func @transform_0(%arg0: i32) -> (i32, i32) {
    %c0_i32 = arith.constant 0 : i32
    %c0_i32_0 = arith.constant 0 : i32
    return %arg0, %c0_i32 : i32, i32
  }
  func.func @transform_1(%arg0: i32) -> (i32, i32) {
    %c0_i32 = arith.constant 0 : i32
    %c0_i32_0 = arith.constant 0 : i32
    %c0_i32_1 = arith.constant 0 : i32
    return %c0_i32, %c0_i32_0 : i32, i32
  }
  func.func @transform_2(%arg0: i32) -> (i32, i32, i32) {
    %c0_i32 = arith.constant 0 : i32
    %c0_i32_0 = arith.constant 0 : i32
    %c0_i32_1 = arith.constant 0 : i32
    return %c0_i32, %arg0, %c0_i32_0 : i32, i32, i32
  }
  func.func @transform_3(%arg0: i32) -> (i32, i32) {
    %c0_i32 = arith.constant 0 : i32
    %c0_i32_0 = arith.constant 0 : i32
    return %arg0, %c0_i32 : i32, i32
  }
}

module attributes {stable_mosaic.version = 14 : i64} {
  func.func @_k2_body(%arg0: i32, %arg1: memref<2x1024x128xf32, #tpu.memory_space<vmem>>, %arg2: memref<1024x128xf32, #tpu.memory_space<vmem>>, %arg3: memref<2x1024x1xf32, #tpu.memory_space<vmem>>, %arg4: memref<1x128xf32, #tpu.memory_space<vmem>>, %arg5: memref<256x128xf32, #tpu.memory_space<vmem>>, %arg6: memref<2x1024x128xf32, #tpu.memory_space<vmem>>) attributes {dimension_semantics = [#tpu.dimension_semantics<arbitrary>], iteration_bounds = array<i64: 10>, scalar_prefetch = 0 : i64, scratch_operands = 0 : i64, tpu.core_type = #tpu.core_type<tc>, window_params = [{transform_indices = @transform_0, window_bounds = array<i64: 2, 1024, 128>}, {transform_indices = @transform_1, window_bounds = array<i64: 1024, 128>}, {transform_indices = @transform_2, window_bounds = array<i64: 2, 1024, 1>}, {pipeline_mode = #tpu.pipeline_mode<synchronous>, transform_indices = @transform_3, window_bounds = array<i64: 1, 128>}, {pipeline_mode = #tpu.pipeline_mode<synchronous>, transform_indices = @transform_4, window_bounds = array<i64: 256, 128>}, {transform_indices = @transform_5, window_bounds = array<i64: 2, 1024, 128>}]} {
    %get3A = arith.constant 0 : index
    %get3A_0 = arith.constant 0 : index
    %get3A_1 = arith.constant 0 : index
    %get3A_2 = vector.load %arg3[%get3A, %get3A_0, %get3A_1] : memref<2x1024x1xf32, #tpu.memory_space<vmem>>, vector<2x1024x1xf32>
    %slice3A = vector.extract_strided_slice %get3A_2 {offsets = [0, 0, 0], sizes = [1, 1024, 1], strides = [1, 1, 1]} : vector<2x1024x1xf32> to vector<1x1024x1xf32>
    %squeeze3A = vector.shape_cast %slice3A : vector<1x1024x1xf32> to vector<1024x1xf32>
    %slice3A_3 = vector.extract_strided_slice %get3A_2 {offsets = [1, 0, 0], sizes = [1, 1024, 1], strides = [1, 1, 1]} : vector<2x1024x1xf32> to vector<1x1024x1xf32>
    %squeeze3A_4 = vector.shape_cast %slice3A_3 : vector<1x1024x1xf32> to vector<1024x1xf32>
    %add3A = arith.addf %squeeze3A, %squeeze3A_4 : vector<1024x1xf32>
    %add3A_5 = arith.constant 1.000000e+00 : f32
    %add3A_6 = vector.broadcast %add3A_5 : f32 to vector<1024x1xf32>
    %add3A_7 = arith.addf %add3A, %add3A_6 : vector<1024x1xf32>
    %rsqrt3A = math.rsqrt %add3A_7 : vector<1024x1xf32>
    %get3A_8 = arith.constant 0 : index
    %get3A_9 = arith.constant 0 : index
    %get3A_10 = arith.constant 0 : index
    %get3A_11 = vector.load %arg1[%get3A_8, %get3A_9, %get3A_10] : memref<2x1024x128xf32, #tpu.memory_space<vmem>>, vector<2x1024x128xf32>
    %slice3A_12 = vector.extract_strided_slice %get3A_11 {offsets = [0, 0, 0], sizes = [1, 1024, 128], strides = [1, 1, 1]} : vector<2x1024x128xf32> to vector<1x1024x128xf32>
    %squeeze3A_13 = vector.shape_cast %slice3A_12 : vector<1x1024x128xf32> to vector<1024x128xf32>
    %slice3A_14 = vector.extract_strided_slice %get3A_11 {offsets = [1, 0, 0], sizes = [1, 1024, 128], strides = [1, 1, 1]} : vector<2x1024x128xf32> to vector<1x1024x128xf32>
    %squeeze3A_15 = vector.shape_cast %slice3A_14 : vector<1x1024x128xf32> to vector<1024x128xf32>
    %add3A_16 = arith.addf %squeeze3A_13, %squeeze3A_15 : vector<1024x128xf32>
    %get3A_17 = arith.constant 0 : index
    %get3A_18 = arith.constant 0 : index
    %get3A_19 = vector.load %arg2[%get3A_17, %get3A_18] : memref<1024x128xf32, #tpu.memory_space<vmem>>, vector<1024x128xf32>
    %add3A_20 = arith.addf %add3A_16, %get3A_19 : vector<1024x128xf32>
    %mul3A = vector.broadcast %rsqrt3A : vector<1024x1xf32> to vector<1024x128xf32>
    %mul3A_21 = arith.mulf %mul3A, %add3A_20 : vector<1024x128xf32>
    %get3A_22 = arith.constant 0 : index
    %get3A_23 = arith.constant 0 : index
    %get3A_24 = vector.load %arg4[%get3A_22, %get3A_23] : memref<1x128xf32, #tpu.memory_space<vmem>>, vector<1x128xf32>
    %add3A_25 = vector.broadcast %get3A_24 : vector<1x128xf32> to vector<1024x128xf32>
    %add3A_26 = arith.addf %mul3A_21, %add3A_25 : vector<1024x128xf32>
    %max3A = arith.constant 0.000000e+00 : f32
    %max3A_27 = vector.broadcast %max3A : f32 to vector<1024x128xf32>
    %max3A_28 = arith.maximumf %add3A_26, %max3A_27 : vector<1024x128xf32>
    %get3A_29 = arith.constant 0 : index
    %get3A_30 = arith.constant 0 : index
    %get3A_31 = vector.load %arg5[%get3A_29, %get3A_30] : memref<256x128xf32, #tpu.memory_space<vmem>>, vector<256x128xf32>
    %dot_general3A = arith.constant dense<0.000000e+00> : vector<1024x256xf32>
    %dot_general3A_32 = tpu.matmul %max3A_28, %get3A_31, %dot_general3A {dimension_numbers = #tpu.dot_dimension_numbers<[1], [1], [0], [0], [0, 0, 1, 0], [], []>, transpose_lhs_hint = false} : vector<1024x128xf32>, vector<256x128xf32>, vector<1024x256xf32> -> vector<1024x256xf32>
    %mul3A_33 = vector.broadcast %rsqrt3A : vector<1024x1xf32> to vector<1024x256xf32>
    %mul3A_34 = arith.mulf %dot_general3A_32, %mul3A_33 : vector<1024x256xf32>
    %slice3A_35 = vector.extract_strided_slice %mul3A_34 {offsets = [0, 0], sizes = [1024, 128], strides = [1, 1]} : vector<1024x256xf32> to vector<1024x128xf32>
    %swap3A = arith.constant 0 : index
    %swap3A_36 = arith.constant 0 : index
    %swap3A_37 = arith.constant 0 : index
    %swap3A_38 = vector.load %arg6[%swap3A, %swap3A_36, %swap3A_37] : memref<2x1024x128xf32, #tpu.memory_space<vmem>>, vector<1x1024x128xf32>
    %swap3A_39 = vector.shape_cast %swap3A_38 : vector<1x1024x128xf32> to vector<1024x128xf32>
    %swap3A_40 = vector.shape_cast %slice3A_35 : vector<1024x128xf32> to vector<1x1024x128xf32>
    tpu.vector_store %arg6[%swap3A, %swap3A_36, %swap3A_37], %swap3A_40 {strides = array<i32>} : memref<2x1024x128xf32, #tpu.memory_space<vmem>>, vector<1x1024x128xf32>,
    %slice3A_41 = vector.extract_strided_slice %mul3A_34 {offsets = [0, 128], sizes = [1024, 128], strides = [1, 1]} : vector<1024x256xf32> to vector<1024x128xf32>
    %swap3A_42 = arith.constant 1 : index
    %swap3A_43 = arith.constant 0 : index
    %swap3A_44 = arith.constant 0 : index
    %swap3A_45 = vector.load %arg6[%swap3A_42, %swap3A_43, %swap3A_44] : memref<2x1024x128xf32, #tpu.memory_space<vmem>>, vector<1x1024x128xf32>
    %swap3A_46 = vector.shape_cast %swap3A_45 : vector<1x1024x128xf32> to vector<1024x128xf32>
    %swap3A_47 = vector.shape_cast %slice3A_41 : vector<1024x128xf32> to vector<1x1024x128xf32>
    tpu.vector_store %arg6[%swap3A_42, %swap3A_43, %swap3A_44], %swap3A_47 {strides = array<i32>} : memref<2x1024x128xf32, #tpu.memory_space<vmem>>, vector<1x1024x128xf32>,
    return
  }
  func.func @transform_0(%arg0: i32) -> (i32, i32, i32) {
    %c0_i32 = arith.constant 0 : i32
    %c0_i32_0 = arith.constant 0 : i32
    %c0_i32_1 = arith.constant 0 : i32
    return %c0_i32, %arg0, %c0_i32_0 : i32, i32, i32
  }
  func.func @transform_1(%arg0: i32) -> (i32, i32) {
    %c0_i32 = arith.constant 0 : i32
    %c0_i32_0 = arith.constant 0 : i32
    return %arg0, %c0_i32 : i32, i32
  }
  func.func @transform_2(%arg0: i32) -> (i32, i32, i32) {
    %c0_i32 = arith.constant 0 : i32
    %c0_i32_0 = arith.constant 0 : i32
    %c0_i32_1 = arith.constant 0 : i32
    return %c0_i32, %arg0, %c0_i32_0 : i32, i32, i32
  }
  func.func @transform_3(%arg0: i32) -> (i32, i32) {
    %c0_i32 = arith.constant 0 : i32
    %c0_i32_0 = arith.constant 0 : i32
    %c0_i32_1 = arith.constant 0 : i32
    return %c0_i32, %c0_i32_0 : i32, i32
  }
  func.func @transform_4(%arg0: i32) -> (i32, i32) {
    %c0_i32 = arith.constant 0 : i32
    %c0_i32_0 = arith.constant 0 : i32
    %c0_i32_1 = arith.constant 0 : i32
    return %c0_i32, %c0_i32_0 : i32, i32
  }
  func.func @transform_5(%arg0: i32) -> (i32, i32, i32) {
    %c0_i32 = arith.constant 0 : i32
    %c0_i32_0 = arith.constant 0 : i32
    %c0_i32_1 = arith.constant 0 : i32
    return %c0_i32, %arg0, %c0_i32_0 : i32, i32, i32
  }
}

module attributes {stable_mosaic.version = 14 : i64} {
  func.func @_k3_body(%arg0: i32, %arg1: memref<2x1024x128xf32, #tpu.memory_space<vmem>>, %arg2: memref<2x1024x128xf32, #tpu.memory_space<vmem>>, %arg3: memref<2x1024x1xf32, #tpu.memory_space<vmem>>, %arg4: memref<1x1024xi32, #tpu.memory_space<vmem>>, %arg5: memref<1x256xf32, #tpu.memory_space<vmem>>, %arg6: memref<1x256xf32, #tpu.memory_space<vmem>>, %arg7: memref<1x1xf32, #tpu.memory_space<vmem>>, %arg8: memref<256x256xf32, #tpu.memory_space<vmem>>, %arg9: memref<1x256xf32, #tpu.memory_space<vmem>>, %arg10: memref<2x256xf32, #tpu.memory_space<vmem>>, %arg11: memref<1x2xf32, #tpu.memory_space<vmem>>, %arg12: memref<16x2xf32, #tpu.memory_space<vmem>>, %arg13: memref<16x128xf32, #tpu.memory_space<vmem>>, %arg14: memref<16x128xf32, #tpu.memory_space<vmem>>, %arg15: memref<16x256xf32, #tpu.memory_space<vmem>>) attributes {dimension_semantics = [#tpu.dimension_semantics<arbitrary>], iteration_bounds = array<i64: 10>, scalar_prefetch = 0 : i64, scratch_operands = 3 : i64, tpu.core_type = #tpu.core_type<tc>, window_params = [{transform_indices = @transform_0, window_bounds = array<i64: 2, 1024, 128>}, {transform_indices = @transform_1, window_bounds = array<i64: 2, 1024, 128>}, {transform_indices = @transform_2, window_bounds = array<i64: 2, 1024, 1>}, {transform_indices = @transform_3, window_bounds = array<i64: 1, 1024>}, {pipeline_mode = #tpu.pipeline_mode<synchronous>, transform_indices = @transform_4, window_bounds = array<i64: 1, 256>}, {pipeline_mode = #tpu.pipeline_mode<synchronous>, transform_indices = @transform_5, window_bounds = array<i64: 1, 256>}, {pipeline_mode = #tpu.pipeline_mode<synchronous>, transform_indices = @transform_6, window_bounds = array<i64: 1, 1>}, {pipeline_mode = #tpu.pipeline_mode<synchronous>, transform_indices = @transform_7, window_bounds = array<i64: 256, 256>}, {pipeline_mode = #tpu.pipeline_mode<synchronous>, transform_indices = @transform_8, window_bounds = array<i64: 1, 256>}, {pipeline_mode = #tpu.pipeline_mode<synchronous>, transform_indices = @transform_9, window_bounds = array<i64: 2, 256>}, {pipeline_mode = #tpu.pipeline_mode<synchronous>, transform_indices = @transform_10, window_bounds = array<i64: 1, 2>}, {pipeline_mode = #tpu.pipeline_mode<synchronous>, transform_indices = @transform_11, window_bounds = array<i64: 16, 2>}]} {
    %eq3A = arith.constant 0 : i32
    %eq3A_0 = arith.cmpi eq, %arg0, %eq3A : i32
    %convert_element_type3A = arith.extui %eq3A_0 : i1 to i32
    %cond3A = arith.constant 0 : i32
    %cond3A_1 = arith.cmpi ne, %convert_element_type3A, %cond3A : i32
    scf.if %cond3A_1 {
      %broadcast_in_dim3A_104 = arith.constant -1.000000e+30 : f32
      %broadcast_in_dim3A_105 = vector.broadcast %broadcast_in_dim3A_104 : f32 to vector<16x128xf32>
      %swap3A_106 = arith.constant 0 : index
      %swap3A_107 = arith.constant 0 : index
      %swap3A_108 = vector.load %arg13[%swap3A_106, %swap3A_107] : memref<16x128xf32, #tpu.memory_space<vmem>>, vector<16x128xf32>
      tpu.vector_store %arg13[%swap3A_106, %swap3A_107], %broadcast_in_dim3A_105 {strides = array<i32>} : memref<16x128xf32, #tpu.memory_space<vmem>>, vector<16x128xf32>,
      %broadcast_in_dim3A_109 = arith.constant 0.000000e+00 : f32
      %broadcast_in_dim3A_110 = vector.broadcast %broadcast_in_dim3A_109 : f32 to vector<16x128xf32>
      %swap3A_111 = arith.constant 0 : index
      %swap3A_112 = arith.constant 0 : index
      %swap3A_113 = vector.load %arg14[%swap3A_111, %swap3A_112] : memref<16x128xf32, #tpu.memory_space<vmem>>, vector<16x128xf32>
      tpu.vector_store %arg14[%swap3A_111, %swap3A_112], %broadcast_in_dim3A_110 {strides = array<i32>} : memref<16x128xf32, #tpu.memory_space<vmem>>, vector<16x128xf32>,
      %broadcast_in_dim3A_114 = arith.constant 0.000000e+00 : f32
      %broadcast_in_dim3A_115 = vector.broadcast %broadcast_in_dim3A_114 : f32 to vector<16x256xf32>
      %swap3A_116 = arith.constant 0 : index
      %swap3A_117 = arith.constant 0 : index
      %swap3A_118 = vector.load %arg15[%swap3A_116, %swap3A_117] : memref<16x256xf32, #tpu.memory_space<vmem>>, vector<16x256xf32>
      tpu.vector_store %arg15[%swap3A_116, %swap3A_117], %broadcast_in_dim3A_115 {strides = array<i32>} : memref<16x256xf32, #tpu.memory_space<vmem>>, vector<16x256xf32>,
    } else {
    }
    %get3A = arith.constant 0 : index
    %get3A_2 = arith.constant 0 : index
    %get3A_3 = arith.constant 0 : index
    %get3A_4 = vector.load %arg3[%get3A, %get3A_2, %get3A_3] : memref<2x1024x1xf32, #tpu.memory_space<vmem>>, vector<2x1024x1xf32>
    %slice3A = vector.extract_strided_slice %get3A_4 {offsets = [0, 0, 0], sizes = [1, 1024, 1], strides = [1, 1, 1]} : vector<2x1024x1xf32> to vector<1x1024x1xf32>
    %squeeze3A = vector.shape_cast %slice3A : vector<1x1024x1xf32> to vector<1024x1xf32>
    %slice3A_5 = vector.extract_strided_slice %get3A_4 {offsets = [1, 0, 0], sizes = [1, 1024, 1], strides = [1, 1, 1]} : vector<2x1024x1xf32> to vector<1x1024x1xf32>
    %squeeze3A_6 = vector.shape_cast %slice3A_5 : vector<1x1024x1xf32> to vector<1024x1xf32>
    %add3A = arith.addf %squeeze3A, %squeeze3A_6 : vector<1024x1xf32>
    %add3A_7 = arith.constant 1.000000e+00 : f32
    %add3A_8 = vector.broadcast %add3A_7 : f32 to vector<1024x1xf32>
    %add3A_9 = arith.addf %add3A, %add3A_8 : vector<1024x1xf32>
    %rsqrt3A = math.rsqrt %add3A_9 : vector<1024x1xf32>
    %get3A_10 = arith.constant 0 : index
    %get3A_11 = arith.constant 0 : index
    %get3A_12 = arith.constant 0 : index
    %get3A_13 = vector.load %arg1[%get3A_10, %get3A_11, %get3A_12] : memref<2x1024x128xf32, #tpu.memory_space<vmem>>, vector<2x1024x128xf32>
    %get3A_14 = arith.constant 0 : index
    %get3A_15 = arith.constant 0 : index
    %get3A_16 = arith.constant 0 : index
    %get3A_17 = vector.load %arg2[%get3A_14, %get3A_15, %get3A_16] : memref<2x1024x128xf32, #tpu.memory_space<vmem>>, vector<2x1024x128xf32>
    %slice3A_18 = vector.extract_strided_slice %get3A_13 {offsets = [0, 0, 0], sizes = [1, 1024, 128], strides = [1, 1, 1]} : vector<2x1024x128xf32> to vector<1x1024x128xf32>
    %squeeze3A_19 = vector.shape_cast %slice3A_18 : vector<1x1024x128xf32> to vector<1024x128xf32>
    %slice3A_20 = vector.extract_strided_slice %get3A_17 {offsets = [0, 0, 0], sizes = [1, 1024, 128], strides = [1, 1, 1]} : vector<2x1024x128xf32> to vector<1x1024x128xf32>
    %squeeze3A_21 = vector.shape_cast %slice3A_20 : vector<1x1024x128xf32> to vector<1024x128xf32>
    %add3A_22 = arith.addf %squeeze3A_19, %squeeze3A_21 : vector<1024x128xf32>
    %slice3A_23 = vector.extract_strided_slice %get3A_13 {offsets = [1, 0, 0], sizes = [1, 1024, 128], strides = [1, 1, 1]} : vector<2x1024x128xf32> to vector<1x1024x128xf32>
    %squeeze3A_24 = vector.shape_cast %slice3A_23 : vector<1x1024x128xf32> to vector<1024x128xf32>
    %slice3A_25 = vector.extract_strided_slice %get3A_17 {offsets = [1, 0, 0], sizes = [1, 1024, 128], strides = [1, 1, 1]} : vector<2x1024x128xf32> to vector<1x1024x128xf32>
    %squeeze3A_26 = vector.shape_cast %slice3A_25 : vector<1x1024x128xf32> to vector<1024x128xf32>
    %add3A_27 = arith.addf %squeeze3A_24, %squeeze3A_26 : vector<1024x128xf32>
    %concatenate3A = tpu.concatenate %add3A_22, %add3A_27 in 1 : vector<1024x128xf32>, vector<1024x128xf32> -> vector<1024x256xf32>
    %mul3A = vector.broadcast %rsqrt3A : vector<1024x1xf32> to vector<1024x256xf32>
    %mul3A_28 = arith.mulf %mul3A, %concatenate3A : vector<1024x256xf32>
    %get3A_29 = arith.constant 0 : index
    %get3A_30 = arith.constant 0 : index
    %get3A_31 = vector.load %arg5[%get3A_29, %get3A_30] : memref<1x256xf32, #tpu.memory_space<vmem>>, vector<1x256xf32>
    %add3A_32 = vector.broadcast %get3A_31 : vector<1x256xf32> to vector<1024x256xf32>
    %add3A_33 = arith.addf %mul3A_28, %add3A_32 : vector<1024x256xf32>
    %get3A_34 = arith.constant 0 : index
    %get3A_35 = arith.constant 0 : index
    %get3A_36 = vector.load %arg6[%get3A_34, %get3A_35] : memref<1x256xf32, #tpu.memory_space<vmem>>, vector<1x256xf32>
    %dot_general3A = arith.constant dense<0.000000e+00> : vector<1x1024xf32>
    %dot_general3A_37 = tpu.matmul %get3A_36, %add3A_33, %dot_general3A {dimension_numbers = #tpu.dot_dimension_numbers<[1], [1], [0], [0], [0, 0, 1, 0], [], []>, transpose_lhs_hint = false} : vector<1x256xf32>, vector<1024x256xf32>, vector<1x1024xf32> -> vector<1x1024xf32>
    %get3A_38 = arith.constant 0 : index
    %get3A_39 = arith.constant 0 : index
    %get3A_40 = vector.load %arg7[%get3A_38, %get3A_39] : memref<1x1xf32, #tpu.memory_space<vmem>>, vector<1x1xf32>
    %add3A_41 = vector.broadcast %get3A_40 : vector<1x1xf32> to vector<1x1024xf32>
    %add3A_42 = arith.addf %dot_general3A_37, %add3A_41 : vector<1x1024xf32>
    %get3A_43 = arith.constant 0 : index
    %get3A_44 = arith.constant 0 : index
    %get3A_45 = vector.load %arg8[%get3A_43, %get3A_44] : memref<256x256xf32, #tpu.memory_space<vmem>>, vector<256x256xf32>
    %dot_general3A_46 = arith.constant dense<0.000000e+00> : vector<1024x256xf32>
    %dot_general3A_47 = tpu.matmul %add3A_33, %get3A_45, %dot_general3A_46 {dimension_numbers = #tpu.dot_dimension_numbers<[1], [1], [0], [0], [0, 0, 1, 0], [], []>, transpose_lhs_hint = false} : vector<1024x256xf32>, vector<256x256xf32>, vector<1024x256xf32> -> vector<1024x256xf32>
    %get3A_48 = arith.constant 0 : index
    %get3A_49 = arith.constant 0 : index
    %get3A_50 = vector.load %arg9[%get3A_48, %get3A_49] : memref<1x256xf32, #tpu.memory_space<vmem>>, vector<1x256xf32>
    %add3A_51 = vector.broadcast %get3A_50 : vector<1x256xf32> to vector<1024x256xf32>
    %add3A_52 = arith.addf %dot_general3A_47, %add3A_51 : vector<1024x256xf32>
    %iota3A = tpu.iota {dimensions = array<i32: 0>} : vector<16x1024xi32>
    %get3A_53 = arith.constant 0 : index
    %get3A_54 = arith.constant 0 : index
    %get3A_55 = vector.load %arg4[%get3A_53, %get3A_54] : memref<1x1024xi32, #tpu.memory_space<vmem>>, vector<1x1024xi32>
    %eq3A_56 = vector.broadcast %get3A_55 : vector<1x1024xi32> to vector<16x1024xi32>
    %eq3A_57 = arith.cmpi eq, %iota3A, %eq3A_56 : vector<16x1024xi32>
    %jit3A = arith.constant -1.000000e+30 : f32
    %broadcast_in_dim3A = vector.shape_cast %add3A_42 : vector<1x1024xf32> to vector<1x1024xf32>
    %broadcast_in_dim3A_58 = vector.broadcast %broadcast_in_dim3A : vector<1x1024xf32> to vector<16x1024xf32>
    %broadcast_in_dim3A_59 = vector.broadcast %jit3A : f32 to vector<16x1024xf32>
    %select_n3A = arith.select %eq3A_57, %broadcast_in_dim3A_58, %broadcast_in_dim3A_59 : vector<16x1024xi1>, vector<16x1024xf32>
    %reduce_max3A = arith.constant dense<0xFF800000> : vector<16xf32>
    %reduce_max3A_60 = vector.multi_reduction <maximumf>, %select_n3A, %reduce_max3A [1] : vector<16x1024xf32> to vector<16xf32>
    %broadcast_in_dim3A_61 = vector.shape_cast %reduce_max3A_60 : vector<16xf32> to vector<16x1xf32>
    %get3A_62 = arith.constant 0 : index
    %get3A_63 = arith.constant 0 : index
    %get3A_64 = vector.load %arg13[%get3A_62, %get3A_63] : memref<16x128xf32, #tpu.memory_space<vmem>>, vector<16x1xf32>
    %max3A = arith.maximumf %get3A_64, %broadcast_in_dim3A_61 : vector<16x1xf32>
    %sub3A = arith.subf %get3A_64, %max3A : vector<16x1xf32>
    %exp3A = math.exp %sub3A : vector<16x1xf32>
    %sub3A_65 = vector.broadcast %add3A_42 : vector<1x1024xf32> to vector<16x1024xf32>
    %sub3A_66 = vector.broadcast %max3A : vector<16x1xf32> to vector<16x1024xf32>
    %sub3A_67 = arith.subf %sub3A_65, %sub3A_66 : vector<16x1024xf32>
    %exp3A_68 = math.exp %sub3A_67 : vector<16x1024xf32>
    %jit3A_69 = arith.constant 0.000000e+00 : f32
    %broadcast_in_dim3A_70 = vector.broadcast %jit3A_69 : f32 to vector<16x1024xf32>
    %select_n3A_71 = arith.select %eq3A_57, %exp3A_68, %broadcast_in_dim3A_70 : vector<16x1024xi1>, vector<16x1024xf32>
    %get3A_72 = arith.constant 0 : index
    %get3A_73 = arith.constant 0 : index
    %get3A_74 = vector.load %arg14[%get3A_72, %get3A_73] : memref<16x128xf32, #tpu.memory_space<vmem>>, vector<16x1xf32>
    %mul3A_75 = arith.mulf %get3A_74, %exp3A : vector<16x1xf32>
    %reduce_sum3A = arith.constant dense<0.000000e+00> : vector<16xf32>
    %reduce_sum3A_76 = vector.multi_reduction <add>, %select_n3A_71, %reduce_sum3A [1] : vector<16x1024xf32> to vector<16xf32>
    %broadcast_in_dim3A_77 = vector.shape_cast %reduce_sum3A_76 : vector<16xf32> to vector<16x1xf32>
    %add3A_78 = arith.addf %mul3A_75, %broadcast_in_dim3A_77 : vector<16x1xf32>
    %get3A_79 = arith.constant 0 : index
    %get3A_80 = arith.constant 0 : index
    %get3A_81 = vector.load %arg15[%get3A_79, %get3A_80] : memref<16x256xf32, #tpu.memory_space<vmem>>, vector<16x256xf32>
    %mul3A_82 = vector.broadcast %exp3A : vector<16x1xf32> to vector<16x256xf32>
    %mul3A_83 = arith.mulf %get3A_81, %mul3A_82 : vector<16x256xf32>
    %dot_general3A_84 = arith.constant dense<0.000000e+00> : vector<16x256xf32>
    %dot_general3A_85 = tpu.matmul %select_n3A_71, %add3A_52, %dot_general3A_84 {dimension_numbers = #tpu.dot_dimension_numbers<[1], [0], [0], [1], [0, 0, 1, 1], [], []>, transpose_lhs_hint = false} : vector<16x1024xf32>, vector<1024x256xf32>, vector<16x256xf32> -> vector<16x256xf32>
    %add3A_86 = arith.addf %mul3A_83, %dot_general3A_85 : vector<16x256xf32>
    %broadcast_in_dim3A_87 = vector.shape_cast %max3A : vector<16x1xf32> to vector<16x1xf32>
    %broadcast_in_dim3A_88 = vector.broadcast %broadcast_in_dim3A_87 : vector<16x1xf32> to vector<16x128xf32>
    %swap3A = arith.constant 0 : index
    %swap3A_89 = arith.constant 0 : index
    %swap3A_90 = vector.load %arg13[%swap3A, %swap3A_89] : memref<16x128xf32, #tpu.memory_space<vmem>>, vector<16x128xf32>
    tpu.vector_store %arg13[%swap3A, %swap3A_89], %broadcast_in_dim3A_88 {strides = array<i32>} : memref<16x128xf32, #tpu.memory_space<vmem>>, vector<16x128xf32>,
    %broadcast_in_dim3A_91 = vector.shape_cast %add3A_78 : vector<16x1xf32> to vector<16x1xf32>
    %broadcast_in_dim3A_92 = vector.broadcast %broadcast_in_dim3A_91 : vector<16x1xf32> to vector<16x128xf32>
    %swap3A_93 = arith.constant 0 : index
    %swap3A_94 = arith.constant 0 : index
    %swap3A_95 = vector.load %arg14[%swap3A_93, %swap3A_94] : memref<16x128xf32, #tpu.memory_space<vmem>>, vector<16x128xf32>
    tpu.vector_store %arg14[%swap3A_93, %swap3A_94], %broadcast_in_dim3A_92 {strides = array<i32>} : memref<16x128xf32, #tpu.memory_space<vmem>>, vector<16x128xf32>,
    %swap3A_96 = arith.constant 0 : index
    %swap3A_97 = arith.constant 0 : index
    %swap3A_98 = vector.load %arg15[%swap3A_96, %swap3A_97] : memref<16x256xf32, #tpu.memory_space<vmem>>, vector<16x256xf32>
    tpu.vector_store %arg15[%swap3A_96, %swap3A_97], %add3A_86 {strides = array<i32>} : memref<16x256xf32, #tpu.memory_space<vmem>>, vector<16x256xf32>,
    %eq3A_99 = arith.constant 9 : i32
    %eq3A_100 = arith.cmpi eq, %arg0, %eq3A_99 : i32
    %convert_element_type3A_101 = arith.extui %eq3A_100 : i1 to i32
    %cond3A_102 = arith.constant 0 : i32
    %cond3A_103 = arith.cmpi ne, %convert_element_type3A_101, %cond3A_102 : i32
    scf.if %cond3A_103 {
      %get3A_104 = arith.constant 0 : index
      %get3A_105 = arith.constant 0 : index
      %get3A_106 = vector.load %arg15[%get3A_104, %get3A_105] : memref<16x256xf32, #tpu.memory_space<vmem>>, vector<16x256xf32>
      %get3A_107 = arith.constant 0 : index
      %get3A_108 = arith.constant 0 : index
      %get3A_109 = vector.load %arg14[%get3A_107, %get3A_108] : memref<16x128xf32, #tpu.memory_space<vmem>>, vector<16x1xf32>
      %max3A_110 = arith.constant 1.000000e-30 : f32
      %max3A_111 = vector.broadcast %max3A_110 : f32 to vector<16x1xf32>
      %max3A_112 = arith.maximumf %get3A_109, %max3A_111 : vector<16x1xf32>
      %div3A = vector.broadcast %max3A_112 : vector<16x1xf32> to vector<16x256xf32>
      %div3A_113 = arith.divf %get3A_106, %div3A : vector<16x256xf32>
      %get3A_114 = arith.constant 0 : index
      %get3A_115 = arith.constant 0 : index
      %get3A_116 = vector.load %arg10[%get3A_114, %get3A_115] : memref<2x256xf32, #tpu.memory_space<vmem>>, vector<2x256xf32>
      %dot_general3A_117 = arith.constant dense<0.000000e+00> : vector<16x2xf32>
      %dot_general3A_118 = tpu.matmul %div3A_113, %get3A_116, %dot_general3A_117 {dimension_numbers = #tpu.dot_dimension_numbers<[1], [1], [0], [0], [0, 0, 1, 0], [], []>, transpose_lhs_hint = false} : vector<16x256xf32>, vector<2x256xf32>, vector<16x2xf32> -> vector<16x2xf32>
      %get3A_119 = arith.constant 0 : index
      %get3A_120 = arith.constant 0 : index
      %get3A_121 = vector.load %arg11[%get3A_119, %get3A_120] : memref<1x2xf32, #tpu.memory_space<vmem>>, vector<1x2xf32>
      %add3A_122 = vector.broadcast %get3A_121 : vector<1x2xf32> to vector<16x2xf32>
      %add3A_123 = arith.addf %dot_general3A_118, %add3A_122 : vector<16x2xf32>
      %swap3A_124 = arith.constant 0 : index
      %swap3A_125 = arith.constant 0 : index
      %swap3A_126 = vector.load %arg12[%swap3A_124, %swap3A_125] : memref<16x2xf32, #tpu.memory_space<vmem>>, vector<16x2xf32>
      tpu.vector_store %arg12[%swap3A_124, %swap3A_125], %add3A_123 {strides = array<i32>} : memref<16x2xf32, #tpu.memory_space<vmem>>, vector<16x2xf32>,
    } else {
    }
    return
  }
  func.func @transform_0(%arg0: i32) -> (i32, i32, i32) {
    %c0_i32 = arith.constant 0 : i32
    %c0_i32_0 = arith.constant 0 : i32
    %c0_i32_1 = arith.constant 0 : i32
    return %c0_i32, %arg0, %c0_i32_0 : i32, i32, i32
  }
  func.func @transform_1(%arg0: i32) -> (i32, i32, i32) {
    %c0_i32 = arith.constant 0 : i32
    %c0_i32_0 = arith.constant 0 : i32
    %c0_i32_1 = arith.constant 0 : i32
    return %c0_i32, %arg0, %c0_i32_0 : i32, i32, i32
  }
  func.func @transform_2(%arg0: i32) -> (i32, i32, i32) {
    %c0_i32 = arith.constant 0 : i32
    %c0_i32_0 = arith.constant 0 : i32
    %c0_i32_1 = arith.constant 0 : i32
    return %c0_i32, %arg0, %c0_i32_0 : i32, i32, i32
  }
  func.func @transform_3(%arg0: i32) -> (i32, i32) {
    %c0_i32 = arith.constant 0 : i32
    %c0_i32_0 = arith.constant 0 : i32
    return %c0_i32, %arg0 : i32, i32
  }
  func.func @transform_4(%arg0: i32) -> (i32, i32) {
    %c0_i32 = arith.constant 0 : i32
    %c0_i32_0 = arith.constant 0 : i32
    %c0_i32_1 = arith.constant 0 : i32
    return %c0_i32, %c0_i32_0 : i32, i32
  }
  func.func @transform_5(%arg0: i32) -> (i32, i32) {
    %c0_i32 = arith.constant 0 : i32
    %c0_i32_0 = arith.constant 0 : i32
    %c0_i32_1 = arith.constant 0 : i32
    return %c0_i32, %c0_i32_0 : i32, i32
  }
  func.func @transform_6(%arg0: i32) -> (i32, i32) {
    %c0_i32 = arith.constant 0 : i32
    %c0_i32_0 = arith.constant 0 : i32
    %c0_i32_1 = arith.constant 0 : i32
    return %c0_i32, %c0_i32_0 : i32, i32
  }
  func.func @transform_7(%arg0: i32) -> (i32, i32) {
    %c0_i32 = arith.constant 0 : i32
    %c0_i32_0 = arith.constant 0 : i32
    %c0_i32_1 = arith.constant 0 : i32
    return %c0_i32, %c0_i32_0 : i32, i32
  }
  func.func @transform_8(%arg0: i32) -> (i32, i32) {
    %c0_i32 = arith.constant 0 : i32
    %c0_i32_0 = arith.constant 0 : i32
    %c0_i32_1 = arith.constant 0 : i32
    return %c0_i32, %c0_i32_0 : i32, i32
  }
  func.func @transform_9(%arg0: i32) -> (i32, i32) {
    %c0_i32 = arith.constant 0 : i32
    %c0_i32_0 = arith.constant 0 : i32
    %c0_i32_1 = arith.constant 0 : i32
    return %c0_i32, %c0_i32_0 : i32, i32
  }
  func.func @transform_10(%arg0: i32) -> (i32, i32) {
    %c0_i32 = arith.constant 0 : i32
    %c0_i32_0 = arith.constant 0 : i32
    %c0_i32_1 = arith.constant 0 : i32
    return %c0_i32, %c0_i32_0 : i32, i32
  }
  func.func @transform_11(%arg0: i32) -> (i32, i32) {
    %c0_i32 = arith.constant 0 : i32
    %c0_i32_0 = arith.constant 0 : i32
    %c0_i32_1 = arith.constant 0 : i32
    return %c0_i32, %c0_i32_0 : i32, i32
  }
}

</mosaic_0001>

<sc_bundles>
// kernel: kernel.10.cloned.1.call-start
scs
__scs_entry_jumppad:
0x0: {  	(pc) =	sbr.rel $0x88, $3  }
0x1: {  	(tag) =	ssettag $0x0;
	lr =	simm.s32 $0x1  }
0x2: {  	[smem:$0x3F94] =	sst lr;
	_ =	strace $0xD0000000  }
0x3: {  	_ = 	snop  }
0x4: {  	_ = 	snop  }
0x5: {  	_ = 	snop  }
0x6: {  	_ = 	snop  }
0x7: {  	_ = 	snop  }
__scs_overlays_trampoline_lowered:
0x8: {  	[smem:$0x3FA3] =	sst s0  }
0x9: {  	[smem:$0x3FA4] =	sst s1  }
0xa: {  	[smem:$0x3FA5] =	sst s2  }
0xb: {  	[smem:$0x3FA6] =	sst s3  }
0xc: {  	[smem:$0x3FA7] =	sst s4  }
0xd: {  	[smem:$0x3FA8] =	sst s5  }
0xe: {  	[smem:$0x3FA9] =	sst s6  }
0xf: {  	[smem:$0x3FAA] =	sst s7  }
0x10: {  	[smem:$0x3FAB] =	sst s8  }
0x11: {  	[smem:$0x3FAC] =	sst s9;
	s0 =	simm.s32 @!p0 $0x0  }
0x12: {  	s1 =	sld [smem:$0x3F92];
	s0 =	simm.s32 @p0 $0x1  }
0x13: {  	[smem:$0x3FAD] =	sst s0;
	s0 =	simm.s32 @!p1 $0x0  }
0x14: {  	s2 =	sld [smem:$0x3F91];
	s0 =	simm.s32 @p1 $0x1  }
0x15: {  	[smem:$0x3FAE] =	sst s0;
	s0 =	simm.s32 @!p2 $0x0  }
0x16: {  	s3 =	sld [smem:$0x3FDB];
	s0 =	simm.s32 @p2 $0x1  }
0x17: {  	s4 =	simm.s32 $0x1BF5;
	[smem:$0x3FB0] =	sst s0  }
0x18: {  	s0 =	sld [smem:$0x3F93];
	_ =	swait.ge [sflag:s4], $0x0  }
0x19: {  	s7 =	sld [smem:$0x3F94]  }
0x1a: {  	s8 =	sadd.s32 $0xFFFFE003, lr  }
0x1b: {  	s9 =	sadd.s32 $0xFFFFFEF7, lr;
	s5 =	simm.s32 $0xFFFFFFFF;
	p2 =	slt.u32 s8, $0xFFFFF086  }
0x1c: {  	p1 =	slt.u32 s9, $0xF7A;
	s5 =	simm.s32 @!p2 $0x0  }
0x1d: {  	s5 =	simm.s32 @p1 $0x1;
	p0 =	seq.s32 s7, s2  }
0x1e: {  	s7 =	smul.u32 @!p0 $0xF7A, s2;
	p2 =	seq.s32 @!p0 s5, $0x0  }
0x1f: {  	s9 =	smul.u32 $0xF7A, s1;
	s8 =	simm.s32 @!p0 $0x1BF5;
	p2 =	por !p2, p0  }
0x20: {  	[sflag:s8] =	ssyncset.s32 @!p0 $0xFFFFF086;
	s6 =	sadd.s32 @!p0 s3, s7;
	s7 =	simm.s32 @!p0 $0x108  }
0x21: {  	s3 =	sadd.s32 s3, s9;
	s6 =	sadd.s32 @!p0 $0x88, s6;
	s7 =	simm.s32 @p2 $0x1082  }
0x22: {  	[simem:s7], [sflag:s8] =	dma.local @!p0 [hbm:s6], $0xF7A  }
0x23: {  	s9 =	sor.u32 $0xD0000000, s2;
	s6 =	simm.s32 $0x108;
	_ =	swait.ge @!p0 [sflag:s8], $0x0  }
0x24: {  	s3 =	sadd.s32 $0x88, s3;
	s6 =	simm.s32 @!p1 $0x1082;
	[sflag:s4] =	ssyncset.s32 $0xFFFFF086  }
0x25: {  	[simem:s6], [sflag:s4] =	dma.local [hbm:s3], $0xF7A  }
0x26: {  	[smem:$0x3F94] =	sst s1;
	(tag) =	ssettag s2;
	_ =	strace s9  }
0x27: {  	s1 =	sld [smem:$0x3FA4]  }
0x28: {  	s2 =	sld [smem:$0x3FA5]  }
0x29: {  	s4 =	sld [smem:$0x3FA7]  }
0x2a: {  	p0 =	seq.s32 s5, $0x0;
	s5 =	sld [smem:$0x3FA8]  }
0x2b: {  	s6 =	sld [smem:$0x3FA9]  }
0x2c: {  	s7 =	sld [smem:$0x3FAA]  }
0x2d: {  	s3 =	simm.s32 $0x108;
	s8 =	sld [smem:$0x3FAB]  }
0x2e: {  	s3 =	simm.s32 @!p0 $0x1082;
	s9 =	sld [smem:$0x3FAC]  }
0x2f: {  	lr =	sadd.s32 s0, s3;
	s0 =	sld [smem:$0x3FA3]  }
0x30: {  	s3 =	sld [smem:$0x3FA6]  }
0x31: {  	[smem:$0x3FAF] =	sst s10  }
0x32: {  	s10 =	sld [smem:$0x3FAD];
	_ =	sdelay $0x3  }
0x33: {  	p0 =	seq.s32 s10, $0x1;
	s10 =	sld [smem:$0x3FAF];
	_ =	sdelay $0x3  }
0x34: {  	[smem:$0x3FAF] =	sst s10  }
0x35: {  	s10 =	sld [smem:$0x3FAE];
	_ =	sdelay $0x3  }
0x36: {  	p1 =	seq.s32 s10, $0x1;
	s10 =	sld [smem:$0x3FAF];
	_ =	sdelay $0x3  }
0x37: {  	[smem:$0x3FAF] =	sst s10  }
0x38: {  	s10 =	sld [smem:$0x3FB0]  }
0x39: {  	_ = 	snop;
	(pc) =	sbr.ind lr, $3  }
0x3a: {  	_ = 	snop  }
0x3b: {  	_ = 	snop  }
0x3c: {  	p2 =	seq.s32 s10, $0x1;
	s10 =	sld [smem:$0x3FAF]  }
0x3d: {  	_ =	shalt  }
0x3e: {  	_ =	shalt  }
0x3f: {  	_ =	shalt  }
0x40: {  	_ =	shalt  }
0x41: {  	_ =	shalt  }
0x42: {  	_ =	shalt  }
0x43: {  	_ =	shalt  }
0x44: {  	_ =	shalt  }
0x45: {  	_ =	shalt  }
0x46: {  	_ =	shalt  }
0x47: {  	_ =	shalt  }
0x48: {  	_ =	shalt  }
0x49: {  	_ =	shalt  }
0x4a: {  	_ =	shalt  }
0x4b: {  	_ =	shalt  }
0x4c: {  	_ =	shalt  }
0x4d: {  	_ =	shalt  }
0x4e: {  	_ =	shalt  }
0x4f: {  	_ =	shalt  }
0x50: {  	_ =	shalt  }
0x51: {  	_ =	shalt  }
0x52: {  	_ =	shalt  }
0x53: {  	_ =	shalt  }
0x54: {  	_ =	shalt  }
0x55: {  	_ =	shalt  }
0x56: {  	_ =	shalt  }
0x57: {  	_ =	shalt  }
0x58: {  	_ =	shalt  }
0x59: {  	_ =	shalt  }
0x5a: {  	_ =	shalt  }
0x5b: {  	_ =	shalt  }
0x5c: {  	_ =	shalt  }
0x5d: {  	_ =	shalt  }
0x5e: {  	_ =	shalt  }
0x5f: {  	_ =	shalt  }
0x60: {  	_ =	shalt  }
0x61: {  	_ =	shalt  }
0x62: {  	_ =	shalt  }
0x63: {  	_ =	shalt  }
0x64: {  	_ =	shalt  }
0x65: {  	_ =	shalt  }
0x66: {  	_ =	shalt  }
0x67: {  	_ =	shalt  }
0x68: {  	_ =	shalt  }
0x69: {  	_ =	shalt  }
0x6a: {  	_ =	shalt  }
0x6b: {  	_ =	shalt  }
0x6c: {  	_ =	shalt  }
0x6d: {  	_ =	shalt  }
0x6e: {  	_ =	shalt  }
0x6f: {  	_ =	shalt  }
0x70: {  	_ =	shalt  }
0x71: {  	_ =	shalt  }
0x72: {  	_ =	shalt  }
0x73: {  	_ =	shalt  }
0x74: {  	_ =	shalt  }
0x75: {  	_ =	shalt  }
0x76: {  	_ =	shalt  }
0x77: {  	_ =	shalt  }
0x78: {  	_ =	shalt  }
0x79: {  	_ =	shalt  }
0x7a: {  	_ =	shalt  }
0x7b: {  	_ =	shalt  }
0x7c: {  	_ =	shalt  }
0x7d: {  	_ =	shalt  }
0x7e: {  	_ =	shalt  }
0x7f: {  	_ =	shalt  }
0x80: {  	_ =	shalt  }
0x81: {  	_ =	shalt  }
0x82: {  	_ =	shalt  }
0x83: {  	_ =	shalt  }
0x84: {  	_ =	shalt  }
0x85: {  	_ =	shalt  }
0x86: {  	_ =	shalt  }
0x87: {  	_ =	shalt  }
.Lfunc_end0:
.L_simem_size_0:
called_computation.2_lowered:
.L_overlay_start_0:
0x88: {  	s2 =	sld [smem:$0x3FD9]  }
0x89: {  	s3 =	sld [smem:$0x3FFE];
	_ =	sdelay $0x1  }
0x8a: {  	s1 =	srdreg.scid  }
0x8b: {  	s0 =	sand.u32 $0x1, s1  }
0x8c: {  	s16 =	sshll.u32 s0, $0xA;
	s2 =	sadd.s32 s3, s2  }
0x8d: {  	s2 =	sadd.s32 s2, s16  }
0x8e: {  	[smem:$0x3FBB] =	sst s2  }
0x8f: {  	_ = 	snop  }
0x90: {  	(tm) =	ssettm $0x1  }
0x91: {  	s17 =	sld [smem:$0x3FFB];
	_ =	sdelay $0x3  }
0x92: {  	_ =	strace s17  }
0x93: {  	s2 =	sld [smem:$0x3FFC];
	_ =	sdelay $0x3  }
0x94: {  	_ =	strace s2  }
0x95: {  	s2 =	sld [smem:$0x3FFD];
	_ =	sdelay $0x3  }
0x96: {  	_ =	strace s2  }
0x97: {  	_ =	strace $0x8FFFFFFF  }
0x98: {  	s18 =	sld [smem:$0x3FDB];
	_ =	sdelay $0x1  }
0x99: {  	s19 =	simm.s32 $_scs_section_size  }
0x9a: {  	s4 =	simm.s32 $_size__tile_overlayer_lowered;
	s5 =	simm.s32 $_tile_overlayer_lowered  }
0x9b: {  	s22 =	simm.s32 $0x1BFF;
	s21 =	sshll.u32 s5, $0x1;
	s2 =	sadd.s32 s19, s18  }
0x9c: {  	s6 =	simm.s32 $0x0;
	s20 =	sshll.u32 s4, $0x1;
	s4 =	sadd.s32 s21, s2  }
0x9d: {  	[timem:s6], [sflag:s22] =	dma.local [hbm:s4], s20  }
0x9e: {  	_ =	swait.ge [sflag:s22], s20  }
0x9f: {  	s3 =	ssub.s32 $0x0, s20;
	[sflag:s22] =	ssyncset.done $0x0  }
0xa0: {  	[sflag:s22] =	ssyncadd.s32 s3;
	_ =	sdelay $0x1  }
0xa1: {  	s23 =	simm.s32 $0x1B8B  }
0xa2: {  	_ =	swait.ge [sflag:s23], $0x1  }
0xa3: {  	[sflag:s23] =	ssyncset.done $0x0  }
0xa4: {  	s25 =	simm.s32 $0x1B8E;
	s24 =	sld [smem:$0x3FFE];
	[sflag:s23] =	ssyncadd.s32 $0xFFFFFFFF  }
0xa5: {  	s26 =	simm.s32 $execute0_lowered;
	[smem:$0x3FD2] =	sst s25  }
0xa6: {  	s4 =	sshll.u32 s26, $0x1;
	_ =	strace $0x8000004C;
	[dreg:$0x1] =	wrdreg $0xFFFFFFFF  }
0xa7: {  	s28 =	simm.s32 $_size_execute0_lowered;
	s2 =	sadd.s32 s2, s4;
	[dreg:$0x0] =	wrdreg $0x0  }
0xa8: {  	s4 =	sshll.u32 s28, $0x1;
	[dreg:$0x2] =	wrdreg s2  }
0xa9: {  	[dreg:$0x3] =	wrdreg s4  }
0xaa: {  	[dreg:$0x4] =	wrdreg $0xC0  }
0xab: {  	_ =	task [dreg:s6], $0x5FFFF  }
0xac: {  	[dreg:$0x1] =	wrdreg $0xFFFFFFFF  }
0xad: {  	[dreg:$0x0] =	wrdreg $0x60  }
0xae: {  	[dreg:$0x2] =	wrdreg s24  }
0xaf: {  	[dreg:$0x3] =	wrdreg $0xA8000  }
0xb0: {  	[dreg:$0x4] =	wrdreg $0x9  }
0xb1: {  	_ =	task.clear_ibuf [dreg:s6], $0x5FFFF;
	_ =	strace $0x9000004C  }
0xb2: {  	s29 =	simm.s32 $0x9;
	_ =	strace $0x8000004E  }
0xb3: {  	_ =	swait.ge [sflag:s29], $0x1  }
0xb4: {  	[sflag:s29] =	ssyncadd.s32 $0xFFFFFFFF  }
0xb5: {  	_ =	strace $0x9000004E  }
0xb6: {  	_ =	sfence  }
0xb7: {  	s30 =	sld [smem:$0x0];
	_ =	sdelay $0x2  }
0xb8: {  	s31 =	sshll.u32 s1, $0xD;
	s1 =	sshrl.u32 s1, $0x2  }
0xb9: {  	s3 =	sand.u32 $0x4000, s31;
	s1 =	sadd.s32 s1, s30  }
0xba: {  	s0 =	sor.u32 s3, s0;
	s1 =	sshll.u32 s1, $0x11  }
0xbb: {  	s0 =	sor.u32 s1, s0  }
0xbc: {  	s0 =	sadd.s32 $0x8F2B, s0  }
0xbd: {  	[sflag:s0] =	ssyncadd.remote.s32 $0x1  }
0xbe: {  	_ =	sfence.sel $0xFFFF  }
0xbf: {  	[dreg:$0x0] =	wrdreg $0xFFFFFFFF;
	(pc) =	sbr.abs _section_cstart, $3  }
0xc0: {  	[dreg:$0x1] =	wrdreg $0xFFFFFFFF  }
0xc1: {  	_ =	task.clear_ibuf [dreg:s6], $0x2FFFF;
	_ =	strace $0x9FFFFFFF  }
0xc2: {  	(tm) =	ssettm $0x7FFFFFFF  }
0xc3: {  	_ =	shalt  }
tec
execute0_lowered:
.L_overlay_start_1:
0x0: {  	(tag) =	ssettag $0x1  }
0x1: {  	s0 =	rddreg [dreg:$0x0]  }
0x2: {  	s1 =	rddreg [dreg:$0x1];
	s3 =	simm.s32 $0x0  }
0x3: {  	s8 =	stileid.u32;
	s2 =	srdreg.scid;
	s28 =	simm.s32 $0x1400  }
0x4: {  	s29 =	simm.s32 $0x80;
	s30 =	simm.s32 $0x6800;
	s31 =	simm.s32 $0x2  }
0x5: {  	[smem:$0x7FF] =	sst s3;
	s4 =	sadd.s32 $0xADA00, s0;
	s5 =	smul.u32 $0x50000, s8  }
0x6: {  	s9 =	sadd.s32 $0x3F400, s0;
	s2 =	sand.u32 $0x1, s2;
	s10 =	smul.u32 $0x14000, s8  }
0x7: {  	s16 =	sadd.s32 $0xD400, s0;
	s0 =	sadd.s32 $0xFDA00, s0;
	s12 =	smul.u32 $0x5000, s8  }
0x8: {  	_ =	strace $0x8000004D;
	s6 =	ssub.s32 $0x2, s2;
	s11 =	smul.u32 $0x50000, s2  }
0x9: {  	s2 =	smul.u32 $0x140000, s2;
	s7 =	sshrl.u32 s6, $0x1;
	s5 =	sshrl.u32 s5, $0x2  }
0xa: {  	s17 =	sadd.s32 $0x4000, s10;
	s20 =	sadd.s32 $0x8000, s10;
	s21 =	sadd.s32 $0xC000, s10  }
0xb: {  	s14 =	sadd.s32 $0x1400, s12;
	s15 =	sadd.s32 $0x2800, s12;
	s23 =	ssub.s32 s6, s7  }
0xc: {  	s5 =	sadd.s32 s5, s1;
	s6 =	sadd.s32 s17, s1;
	s22 =	sadd.s32 s12, s11  }
0xd: {  	s7 =	sadd.s32 s20, s1;
	s8 =	sadd.s32 s21, s1;
	s18 =	sadd.s32 s11, s14  }
0xe: {  	s19 =	sadd.s32 s11, s15;
	s14 =	sshrl.u32 s14, $0x3;
	s15 =	sshrl.u32 s15, $0x3  }
0xf: {  	s21 =	sadd.s32 s2, s21;
	s13 =	sshrl.u32 s22, $0x3;
	s22 =	sadd.s32 $0x3C00, s12  }
0x10: {  	s24 =	sshrl.u32 s18, $0x3;
	s25 =	sshrl.u32 s19, $0x3;
	s14 =	sadd.s32 s16, s14  }
0x11: {  	s15 =	sadd.s32 s16, s15;
	s23 =	smax.u32 s23, $0x1;
	s13 =	sadd.s32 s9, s13  }
0x12: {  	s26 =	sadd.s32 s11, s22;
	s24 =	sadd.s32 s9, s24;
	s25 =	sadd.s32 s9, s25  }
0x13: {  	s11 =	sadd.s32 $0x10000, s10;
	s19 =	sshrl.u32 s22, $0x3;
	[dreg:$0x3] =	wrdreg s13  }
0x14: {  	s10 =	sadd.s32 s10, s2;
	s22 =	sadd.s32 s2, s17;
	[dreg:$0x4] =	wrdreg s24  }
0x15: {  	s13 =	sshrl.u32 s12, $0x3;
	[dreg:$0x5] =	wrdreg s25;
	s26 =	sshrl.u32 s26, $0x3  }
0x16: {  	s17 =	sadd.s32 s11, s1;
	s10 =	sshrl.u32 s10, $0x3;
	s24 =	sshrl.u32 s22, $0x3  }
0x17: {  	s25 =	sadd.s32 s2, s20;
	s2 =	sadd.s32 s2, s11;
	s12 =	sadd.s32 s9, s26  }
0x18: {  	s13 =	sadd.s32 s16, s13;
	s16 =	sadd.s32 s16, s19;
	s18 =	sadd.s32 s0, s10  }
0x19: {  	s19 =	sadd.s32 s0, s24;
	s10 =	sshrl.u32 s25, $0x3;
	s26 =	sshrl.u32 s21, $0x3  }
0x1a: {  	s2 =	sshrl.u32 s2, $0x3;
	s24 =	simm.s32 $0x2800;
	s25 =	simm.s32 $0x1  }
0x1b: {  	s20 =	sadd.s32 s0, s10;
	s21 =	sadd.s32 s0, s26;
	s22 =	sadd.s32 s0, s2  }
0x1c: {  	v0 =	vimm.f32 $0.0e+00;
	s26 =	simm.s32 $0x3;
	s0 =	simm.s32 $0x2700;
	s2 =	simm.s32 $0x2780  }
.LBB2_1:
0x1d: {  	s9 =	simm.s32 $0x0;
	s10 =	simm.s32 $0x200  }
.LBB2_2:
0x1e: {  	p0 =	sne.s32 s10, $0xFE00;
	[tilespmem:s9+$0x2870] =	vst v0  }
0x1f: {  	[tilespmem:s9+$0x2800] =	vst v0  }
0x20: {  	[tilespmem:s9+$0x2810] =	vst v0  }
.Ltmp0:
0x21: {  	[tilespmem:s9+$0x2820] =	vst v0;
	(pc) =	sbr.rel @p0 .LBB2_2-.Ltmp0, $4  }
0x22: {  	[tilespmem:s9+$0x2830] =	vst v0  }
0x23: {  	[tilespmem:s9+$0x2840] =	vst v0  }
0x24: {  	[tilespmem:s9+$0x2850] =	vst v0  }
0x25: {  	[tilespmem:s9+$0x2860] =	vst v0;
	s9 =	sshra.s32 s10, $0x2;
	s10 =	sadd.s32 $0x200, s10  }
0x26: {  	[tilespmem:s9+$0x2870] =	vst v0  }
0x27: {  	[tilespmem:s9+$0x2800] =	vst v0  }
0x28: {  	[tilespmem:s9+$0x2810] =	vst v0  }
0x29: {  	[tilespmem:s9+$0x2820] =	vst v0  }
0x2a: {  	[tilespmem:s9+$0x2830] =	vst v0  }
0x2b: {  	[tilespmem:s9+$0x2840] =	vst v0  }
0x2c: {  	[tilespmem:s9+$0x2850] =	vst v0  }
0x2d: {  	[tilespmem:s9+$0x2860] =	vst v0  }
0x2e: {  	[spmem:s5] =	stream.linear.scatter [tilespmem:s24], [sflag:$0x1], $0x4000, $0x38;
	[tilespmem:$0x1E800] =	vst v63  }
0x2f: {  	_ = 	snop  }
0x30: {  	[spmem:s6] =	stream.linear.scatter [tilespmem:s24], [sflag:$0x1], $0x4000, $0x38;
	[tilespmem:$0x1E800] =	vst v63  }
0x31: {  	_ = 	snop  }
0x32: {  	[spmem:s7] =	stream.linear.scatter [tilespmem:s24], [sflag:$0x1], $0x4000, $0x38;
	[tilespmem:$0x1E800] =	vst v63  }
0x33: {  	_ = 	snop  }
0x34: {  	[spmem:s8] =	stream.linear.scatter [tilespmem:s24], [sflag:$0x1], $0x4000, $0x38;
	[tilespmem:$0x1E800] =	vst v63  }
0x35: {  	_ = 	snop  }
0x36: {  	[spmem:s17] =	stream.linear.scatter [tilespmem:s24], [sflag:$0x1], $0x4000, $0x38;
	[tilespmem:$0x1E800] =	vst v63  }
0x37: {  	_ =	swait.ge [sflag:s25], $0x4000  }
0x38: {  	[sflag:s25] =	ssyncset.done $0x0  }
0x39: {  	[sflag:s25] =	ssyncadd.s32 $0xFFFFC000  }
0x3a: {  	_ =	swait.ge [sflag:s25], $0x4000  }
0x3b: {  	[sflag:s25] =	ssyncset.done $0x0  }
0x3c: {  	[sflag:s25] =	ssyncadd.s32 $0xFFFFC000  }
0x3d: {  	_ =	swait.ge [sflag:s25], $0x4000  }
0x3e: {  	[sflag:s25] =	ssyncset.done $0x0  }
0x3f: {  	[sflag:s25] =	ssyncadd.s32 $0xFFFFC000  }
0x40: {  	_ =	swait.ge [sflag:s25], $0x4000  }
0x41: {  	[sflag:s25] =	ssyncset.done $0x0  }
0x42: {  	[sflag:s25] =	ssyncadd.s32 $0xFFFFC000  }
0x43: {  	_ =	swait.ge [sflag:s25], $0x4000  }
0x44: {  	[sflag:s25] =	ssyncset.done $0x0  }
0x45: {  	[sflag:s25] =	ssyncadd.s32 $0xFFFFC000  }
0x46: {  	[bflag:$0x0] =	sbarrier.arrive $0xFFFF  }
0x47: {  	s11 =	simm.s32 $0x0;
	s10 =	rddreg [dreg:$0x3]  }
0x48: {  	[tilespmem:s11], [sflag:$0x3] =	stream.linear.gather [hbm4b:s10+s11], $0x1400, $0x38;
	[tilespmem:$0x1E800] =	vst v63  }
0x49: {  	_ =	swait.ge [sflag:s26], $0x1400  }
0x4a: {  	[sflag:s26] =	ssyncset.done $0x0  }
0x4b: {  	[sflag:s26] =	ssyncadd.s32 $0xFFFFEC00  }
0x4c: {  	[tilespmem:s28], [sflag:$0x3] =	stream.linear.gather [hbm4b:s13+s11], $0x1400, $0x38;
	[tilespmem:$0x1E800] =	vst v63  }
0x4d: {  	_ =	swait.ge [sflag:s26], $0x1400  }
0x4e: {  	[sflag:s26] =	ssyncset.done $0x0  }
0x4f: {  	[sflag:s26] =	ssyncadd.s32 $0xFFFFEC00  }
0x50: {  	[tilespmem:s24], [sflag:$0x1] =	stream.indirect.gather [hbm4b:s4+s29], $0x80, s11, s29, $0xb8;
	[tilespmem:$0x1E800] =	vst v63  }
0x51: {  	_ = 	snop  }
0x52: {  	[tilespmem:s30], [sflag:$0x2] =	stream.indirect.gather [hbm4b:s4+s29], $0x80, s29, s29, $0xb8;
	[tilespmem:$0x1E800] =	vst v63  }
0x53: {  	_ =	swait.ge [sflag:s25], $0x4000  }
0x54: {  	[sflag:s25] =	ssyncset.done $0x0  }
0x55: {  	s11 =	simm.s32 $0x1400;
	[sflag:s25] =	ssyncadd.s32 $0xFFFFC000  }
0x56: {  	[spmem:s1] =	stream.indirect.scatter.add.f32 [tilespmem:s24], [sflag:$0x3], $0x80, s11, s29, $0xb8;
	[tilespmem:$0x1E800] =	vst v63  }
0x57: {  	_ =	swait.ge [sflag:s26], $0x4000  }
0x58: {  	[sflag:s26] =	ssyncset.done $0x0  }
0x59: {  	s10 =	simm.s32 $0x100;
	[sflag:s26] =	ssyncadd.s32 $0xFFFFC000  }
0x5a: {  	[tilespmem:s24], [sflag:$0x1] =	stream.indirect.gather [hbm4b:s4+s29], $0x80, s10, s29, $0xb8;
	[tilespmem:$0x1E800] =	vst v63  }
0x5b: {  	_ =	swait.ge [sflag:s31], $0x4000  }
0x5c: {  	[sflag:s31] =	ssyncset.done $0x0  }
0x5d: {  	s11 =	simm.s32 $0x1480;
	[sflag:s31] =	ssyncadd.s32 $0xFFFFC000  }
0x5e: {  	[spmem:s1] =	stream.indirect.scatter.add.f32 [tilespmem:s30], [sflag:$0x3], $0x80, s11, s29, $0xb8;
	[tilespmem:$0x1E800] =	vst v63  }
0x5f: {  	_ =	swait.ge [sflag:s26], $0x4000  }
0x60: {  	[sflag:s26] =	ssyncset.done $0x0  }
0x61: {  	s9 =	simm.s32 $0x400;
	s10 =	simm.s32 $0x180;
	[sflag:s26] =	ssyncadd.s32 $0xFFFFC000  }
.LBB2_4:
0x62: {  	[tilespmem:s30], [sflag:$0x2] =	stream.indirect.gather [hbm4b:s4+s29], $0x80, s10, s29, $0xb8;
	[tilespmem:$0x1E800] =	vst v63  }
0x63: {  	s10 =	smov.u32 s9  }
0x64: {  	p0 =	sne.s32 s9, $0x4800;
	s9 =	sadd.s32 $0x400, s9;
	_ =	swait.ge [sflag:s25], $0x4000  }
0x65: {  	s10 =	sshra.s32 s10, $0x2;
	[sflag:s25] =	ssyncset.done $0x0  }
0x66: {  	s11 =	sadd.s32 $0x1400, s10;
	[sflag:s25] =	ssyncadd.s32 $0xFFFFC000  }
0x67: {  	[spmem:s1] =	stream.indirect.scatter.add.f32 [tilespmem:s24], [sflag:$0x3], $0x80, s11, s29, $0xb8;
	[tilespmem:$0x1E800] =	vst v63  }
0x68: {  	_ =	swait.ge [sflag:s26], $0x4000  }
0x69: {  	[sflag:s26] =	ssyncset.done $0x0  }
0x6a: {  	s11 =	sadd.s32 $0x100, s10;
	[sflag:s26] =	ssyncadd.s32 $0xFFFFC000  }
0x6b: {  	[tilespmem:s24], [sflag:$0x1] =	stream.indirect.gather [hbm4b:s4+s29], $0x80, s11, s29, $0xb8;
	[tilespmem:$0x1E800] =	vst v63  }
0x6c: {  	_ =	swait.ge [sflag:s31], $0x4000  }
0x6d: {  	[sflag:s31] =	ssyncset.done $0x0  }
.Ltmp1:
0x6e: {  	s11 =	sadd.s32 $0x1480, s10;
	[sflag:s31] =	ssyncadd.s32 $0xFFFFC000;
	(pc) =	sbr.rel @p0 .LBB2_4-.Ltmp1, $4  }
0x6f: {  	[spmem:s1] =	stream.indirect.scatter.add.f32 [tilespmem:s30], [sflag:$0x3], $0x80, s11, s29, $0xb8;
	[tilespmem:$0x1E800] =	vst v63  }
0x70: {  	_ =	swait.ge [sflag:s26], $0x4000  }
0x71: {  	[sflag:s26] =	ssyncset.done $0x0  }
0x72: {  	s10 =	sadd.s32 $0x180, s10;
	[sflag:s26] =	ssyncadd.s32 $0xFFFFC000  }
0x73: {  	[tilespmem:s30], [sflag:$0x2] =	stream.indirect.gather [hbm4b:s4+s29], $0x80, s10, s29, $0xb8;
	[tilespmem:$0x1E800] =	vst v63  }
0x74: {  	_ =	swait.ge [sflag:s25], $0x4000  }
0x75: {  	[sflag:s25] =	ssyncset.done $0x0  }
0x76: {  	[sflag:s25] =	ssyncadd.s32 $0xFFFFC000  }
0x77: {  	[spmem:s1] =	stream.indirect.scatter.add.f32 [tilespmem:s24], [sflag:$0x3], $0x80, s0, s29, $0xb8;
	[tilespmem:$0x1E800] =	vst v63  }
0x78: {  	_ =	swait.ge [sflag:s26], $0x4000  }
0x79: {  	[sflag:s26] =	ssyncset.done $0x0  }
0x7a: {  	[sflag:s26] =	ssyncadd.s32 $0xFFFFC000  }
0x7b: {  	_ =	swait.ge [sflag:s31], $0x4000  }
0x7c: {  	[sflag:s31] =	ssyncset.done $0x0  }
0x7d: {  	[sflag:s31] =	ssyncadd.s32 $0xFFFFC000  }
0x7e: {  	[spmem:s1] =	stream.indirect.scatter.add.f32 [tilespmem:s30], [sflag:$0x3], $0x80, s2, s29, $0xb8;
	[tilespmem:$0x1E800] =	vst v63  }
0x7f: {  	_ =	swait.ge [sflag:s26], $0x4000  }
0x80: {  	[sflag:s26] =	ssyncset.done $0x0  }
0x81: {  	s9 =	simm.s32 $0x0;
	s11 =	rddreg [dreg:$0x4];
	[sflag:s26] =	ssyncadd.s32 $0xFFFFC000  }
0x82: {  	[tilespmem:s9], [sflag:$0x3] =	stream.linear.gather [hbm4b:s11+s9], $0x1400, $0x38;
	[tilespmem:$0x1E800] =	vst v63  }
0x83: {  	_ =	swait.ge [sflag:s26], $0x1400  }
0x84: {  	[sflag:s26] =	ssyncset.done $0x0  }
0x85: {  	[sflag:s26] =	ssyncadd.s32 $0xFFFFEC00  }
0x86: {  	[tilespmem:s28], [sflag:$0x3] =	stream.linear.gather [hbm4b:s14+s9], $0x1400, $0x38;
	[tilespmem:$0x1E800] =	vst v63  }
0x87: {  	_ =	swait.ge [sflag:s26], $0x1400  }
0x88: {  	[sflag:s26] =	ssyncset.done $0x0  }
0x89: {  	[sflag:s26] =	ssyncadd.s32 $0xFFFFEC00  }
0x8a: {  	[tilespmem:s24], [sflag:$0x1] =	stream.indirect.gather [hbm4b:s4+s29], $0x80, s9, s29, $0xb8;
	[tilespmem:$0x1E800] =	vst v63  }
0x8b: {  	_ = 	snop  }
0x8c: {  	[tilespmem:s30], [sflag:$0x2] =	stream.indirect.gather [hbm4b:s4+s29], $0x80, s29, s29, $0xb8;
	[tilespmem:$0x1E800] =	vst v63  }
0x8d: {  	_ =	swait.ge [sflag:s25], $0x4000  }
0x8e: {  	[sflag:s25] =	ssyncset.done $0x0  }
0x8f: {  	s11 =	simm.s32 $0x1400;
	[sflag:s25] =	ssyncadd.s32 $0xFFFFC000  }
0x90: {  	[spmem:s1] =	stream.indirect.scatter.add.f32 [tilespmem:s24], [sflag:$0x3], $0x80, s11, s29, $0xb8;
	[tilespmem:$0x1E800] =	vst v63  }
0x91: {  	_ =	swait.ge [sflag:s26], $0x4000  }
0x92: {  	[sflag:s26] =	ssyncset.done $0x0  }
0x93: {  	s10 =	simm.s32 $0x100;
	[sflag:s26] =	ssyncadd.s32 $0xFFFFC000  }
0x94: {  	[tilespmem:s24], [sflag:$0x1] =	stream.indirect.gather [hbm4b:s4+s29], $0x80, s10, s29, $0xb8;
	[tilespmem:$0x1E800] =	vst v63  }
0x95: {  	_ =	swait.ge [sflag:s31], $0x4000  }
0x96: {  	[sflag:s31] =	ssyncset.done $0x0  }
0x97: {  	s11 =	simm.s32 $0x1480;
	[sflag:s31] =	ssyncadd.s32 $0xFFFFC000  }
0x98: {  	[spmem:s1] =	stream.indirect.scatter.add.f32 [tilespmem:s30], [sflag:$0x3], $0x80, s11, s29, $0xb8;
	[tilespmem:$0x1E800] =	vst v63  }
0x99: {  	_ =	swait.ge [sflag:s26], $0x4000  }
0x9a: {  	[sflag:s26] =	ssyncset.done $0x0  }
0x9b: {  	s9 =	simm.s32 $0x400;
	s10 =	simm.s32 $0x180;
	[sflag:s26] =	ssyncadd.s32 $0xFFFFC000  }
.LBB2_6:
0x9c: {  	[tilespmem:s30], [sflag:$0x2] =	stream.indirect.gather [hbm4b:s4+s29], $0x80, s10, s29, $0xb8;
	[tilespmem:$0x1E800] =	vst v63  }
0x9d: {  	s10 =	smov.u32 s9  }
0x9e: {  	p0 =	sne.s32 s9, $0x4800;
	s9 =	sadd.s32 $0x400, s9;
	_ =	swait.ge [sflag:s25], $0x4000  }
0x9f: {  	s10 =	sshra.s32 s10, $0x2;
	[sflag:s25] =	ssyncset.done $0x0  }
0xa0: {  	s11 =	sadd.s32 $0x1400, s10;
	[sflag:s25] =	ssyncadd.s32 $0xFFFFC000  }
0xa1: {  	[spmem:s1] =	stream.indirect.scatter.add.f32 [tilespmem:s24], [sflag:$0x3], $0x80, s11, s29, $0xb8;
	[tilespmem:$0x1E800] =	vst v63  }
0xa2: {  	_ =	swait.ge [sflag:s26], $0x4000  }
0xa3: {  	[sflag:s26] =	ssyncset.done $0x0  }
0xa4: {  	s11 =	sadd.s32 $0x100, s10;
	[sflag:s26] =	ssyncadd.s32 $0xFFFFC000  }
0xa5: {  	[tilespmem:s24], [sflag:$0x1] =	stream.indirect.gather [hbm4b:s4+s29], $0x80, s11, s29, $0xb8;
	[tilespmem:$0x1E800] =	vst v63  }
0xa6: {  	_ =	swait.ge [sflag:s31], $0x4000  }
0xa7: {  	[sflag:s31] =	ssyncset.done $0x0  }
.Ltmp2:
0xa8: {  	s11 =	sadd.s32 $0x1480, s10;
	[sflag:s31] =	ssyncadd.s32 $0xFFFFC000;
	(pc) =	sbr.rel @p0 .LBB2_6-.Ltmp2, $4  }
0xa9: {  	[spmem:s1] =	stream.indirect.scatter.add.f32 [tilespmem:s30], [sflag:$0x3], $0x80, s11, s29, $0xb8;
	[tilespmem:$0x1E800] =	vst v63  }
0xaa: {  	_ =	swait.ge [sflag:s26], $0x4000  }
0xab: {  	[sflag:s26] =	ssyncset.done $0x0  }
0xac: {  	s10 =	sadd.s32 $0x180, s10;
	[sflag:s26] =	ssyncadd.s32 $0xFFFFC000  }
0xad: {  	[tilespmem:s30], [sflag:$0x2] =	stream.indirect.gather [hbm4b:s4+s29], $0x80, s10, s29, $0xb8;
	[tilespmem:$0x1E800] =	vst v63  }
0xae: {  	_ =	swait.ge [sflag:s25], $0x4000  }
0xaf: {  	[sflag:s25] =	ssyncset.done $0x0  }
0xb0: {  	[sflag:s25] =	ssyncadd.s32 $0xFFFFC000  }
0xb1: {  	[spmem:s1] =	stream.indirect.scatter.add.f32 [tilespmem:s24], [sflag:$0x3], $0x80, s0, s29, $0xb8;
	[tilespmem:$0x1E800] =	vst v63  }
0xb2: {  	_ =	swait.ge [sflag:s26], $0x4000  }
0xb3: {  	[sflag:s26] =	ssyncset.done $0x0  }
0xb4: {  	[sflag:s26] =	ssyncadd.s32 $0xFFFFC000  }
0xb5: {  	_ =	swait.ge [sflag:s31], $0x4000  }
0xb6: {  	[sflag:s31] =	ssyncset.done $0x0  }
0xb7: {  	[sflag:s31] =	ssyncadd.s32 $0xFFFFC000  }
0xb8: {  	[spmem:s1] =	stream.indirect.scatter.add.f32 [tilespmem:s30], [sflag:$0x3], $0x80, s2, s29, $0xb8;
	[tilespmem:$0x1E800] =	vst v63  }
0xb9: {  	_ =	swait.ge [sflag:s26], $0x4000  }
0xba: {  	[sflag:s26] =	ssyncset.done $0x0  }
0xbb: {  	s9 =	simm.s32 $0x0;
	s11 =	rddreg [dreg:$0x5];
	[sflag:s26] =	ssyncadd.s32 $0xFFFFC000  }
0xbc: {  	[tilespmem:s9], [sflag:$0x3] =	stream.linear.gather [hbm4b:s11+s9], $0x1400, $0x38;
	[tilespmem:$0x1E800] =	vst v63  }
0xbd: {  	_ =	swait.ge [sflag:s26], $0x1400  }
0xbe: {  	[sflag:s26] =	ssyncset.done $0x0  }
0xbf: {  	[sflag:s26] =	ssyncadd.s32 $0xFFFFEC00  }
0xc0: {  	[tilespmem:s28], [sflag:$0x3] =	stream.linear.gather [hbm4b:s15+s9], $0x1400, $0x38;
	[tilespmem:$0x1E800] =	vst v63  }
0xc1: {  	_ =	swait.ge [sflag:s26], $0x1400  }
0xc2: {  	[sflag:s26] =	ssyncset.done $0x0  }
0xc3: {  	[sflag:s26] =	ssyncadd.s32 $0xFFFFEC00  }
0xc4: {  	[tilespmem:s24], [sflag:$0x1] =	stream.indirect.gather [hbm4b:s4+s29], $0x80, s9, s29, $0xb8;
	[tilespmem:$0x1E800] =	vst v63  }
0xc5: {  	_ = 	snop  }
0xc6: {  	[tilespmem:s30], [sflag:$0x2] =	stream.indirect.gather [hbm4b:s4+s29], $0x80, s29, s29, $0xb8;
	[tilespmem:$0x1E800] =	vst v63  }
0xc7: {  	_ =	swait.ge [sflag:s25], $0x4000  }
0xc8: {  	[sflag:s25] =	ssyncset.done $0x0  }
0xc9: {  	s11 =	simm.s32 $0x1400;
	[sflag:s25] =	ssyncadd.s32 $0xFFFFC000  }
0xca: {  	[spmem:s1] =	stream.indirect.scatter.add.f32 [tilespmem:s24], [sflag:$0x3], $0x80, s11, s29, $0xb8;
	[tilespmem:$0x1E800] =	vst v63  }
0xcb: {  	_ =	swait.ge [sflag:s26], $0x4000  }
0xcc: {  	[sflag:s26] =	ssyncset.done $0x0  }
0xcd: {  	s10 =	simm.s32 $0x100;
	[sflag:s26] =	ssyncadd.s32 $0xFFFFC000  }
0xce: {  	[tilespmem:s24], [sflag:$0x1] =	stream.indirect.gather [hbm4b:s4+s29], $0x80, s10, s29, $0xb8;
	[tilespmem:$0x1E800] =	vst v63  }
0xcf: {  	_ =	swait.ge [sflag:s31], $0x4000  }
0xd0: {  	[sflag:s31] =	ssyncset.done $0x0  }
0xd1: {  	s11 =	simm.s32 $0x1480;
	[sflag:s31] =	ssyncadd.s32 $0xFFFFC000  }
0xd2: {  	[spmem:s1] =	stream.indirect.scatter.add.f32 [tilespmem:s30], [sflag:$0x3], $0x80, s11, s29, $0xb8;
	[tilespmem:$0x1E800] =	vst v63  }
0xd3: {  	_ =	swait.ge [sflag:s26], $0x4000  }
0xd4: {  	[sflag:s26] =	ssyncset.done $0x0  }
0xd5: {  	s9 =	simm.s32 $0x400;
	s10 =	simm.s32 $0x180;
	[sflag:s26] =	ssyncadd.s32 $0xFFFFC000  }
.LBB2_8:
0xd6: {  	[tilespmem:s30], [sflag:$0x2] =	stream.indirect.gather [hbm4b:s4+s29], $0x80, s10, s29, $0xb8;
	[tilespmem:$0x1E800] =	vst v63  }
0xd7: {  	s10 =	smov.u32 s9  }
0xd8: {  	p0 =	sne.s32 s9, $0x4800;
	s9 =	sadd.s32 $0x400, s9;
	_ =	swait.ge [sflag:s25], $0x4000  }
0xd9: {  	s10 =	sshra.s32 s10, $0x2;
	[sflag:s25] =	ssyncset.done $0x0  }
0xda: {  	s11 =	sadd.s32 $0x1400, s10;
	[sflag:s25] =	ssyncadd.s32 $0xFFFFC000  }
0xdb: {  	[spmem:s1] =	stream.indirect.scatter.add.f32 [tilespmem:s24], [sflag:$0x3], $0x80, s11, s29, $0xb8;
	[tilespmem:$0x1E800] =	vst v63  }
0xdc: {  	_ =	swait.ge [sflag:s26], $0x4000  }
0xdd: {  	[sflag:s26] =	ssyncset.done $0x0  }
0xde: {  	s11 =	sadd.s32 $0x100, s10;
	[sflag:s26] =	ssyncadd.s32 $0xFFFFC000  }
0xdf: {  	[tilespmem:s24], [sflag:$0x1] =	stream.indirect.gather [hbm4b:s4+s29], $0x80, s11, s29, $0xb8;
	[tilespmem:$0x1E800] =	vst v63  }
0xe0: {  	_ =	swait.ge [sflag:s31], $0x4000  }
0xe1: {  	[sflag:s31] =	ssyncset.done $0x0  }
.Ltmp3:
0xe2: {  	s11 =	sadd.s32 $0x1480, s10;
	[sflag:s31] =	ssyncadd.s32 $0xFFFFC000;
	(pc) =	sbr.rel @p0 .LBB2_8-.Ltmp3, $4  }
0xe3: {  	[spmem:s1] =	stream.indirect.scatter.add.f32 [tilespmem:s30], [sflag:$0x3], $0x80, s11, s29, $0xb8;
	[tilespmem:$0x1E800] =	vst v63  }
0xe4: {  	_ =	swait.ge [sflag:s26], $0x4000  }
0xe5: {  	[sflag:s26] =	ssyncset.done $0x0  }
0xe6: {  	s10 =	sadd.s32 $0x180, s10;
	[sflag:s26] =	ssyncadd.s32 $0xFFFFC000  }
0xe7: {  	[tilespmem:s30], [sflag:$0x2] =	stream.indirect.gather [hbm4b:s4+s29], $0x80, s10, s29, $0xb8;
	[tilespmem:$0x1E800] =	vst v63  }
0xe8: {  	_ =	swait.ge [sflag:s25], $0x4000  }
0xe9: {  	[sflag:s25] =	ssyncset.done $0x0  }
0xea: {  	[sflag:s25] =	ssyncadd.s32 $0xFFFFC000  }
0xeb: {  	[spmem:s1] =	stream.indirect.scatter.add.f32 [tilespmem:s24], [sflag:$0x3], $0x80, s0, s29, $0xb8;
	[tilespmem:$0x1E800] =	vst v63  }
0xec: {  	_ =	swait.ge [sflag:s26], $0x4000  }
0xed: {  	[sflag:s26] =	ssyncset.done $0x0  }
0xee: {  	[sflag:s26] =	ssyncadd.s32 $0xFFFFC000  }
0xef: {  	_ =	swait.ge [sflag:s31], $0x4000  }
0xf0: {  	[sflag:s31] =	ssyncset.done $0x0  }
0xf1: {  	[sflag:s31] =	ssyncadd.s32 $0xFFFFC000  }
0xf2: {  	[spmem:s1] =	stream.indirect.scatter.add.f32 [tilespmem:s30], [sflag:$0x3], $0x80, s2, s29, $0xb8;
	[tilespmem:$0x1E800] =	vst v63  }
0xf3: {  	_ =	swait.ge [sflag:s26], $0x4000  }
0xf4: {  	[sflag:s26] =	ssyncset.done $0x0  }
0xf5: {  	s9 =	simm.s32 $0x0;
	[sflag:s26] =	ssyncadd.s32 $0xFFFFC000  }
0xf6: {  	[tilespmem:s9], [sflag:$0x3] =	stream.linear.gather [hbm4b:s12+s9], $0x1400, $0x38;
	[tilespmem:$0x1E800] =	vst v63  }
0xf7: {  	_ =	swait.ge [sflag:s26], $0x1400  }
0xf8: {  	[sflag:s26] =	ssyncset.done $0x0  }
0xf9: {  	[sflag:s26] =	ssyncadd.s32 $0xFFFFEC00  }
0xfa: {  	[tilespmem:s28], [sflag:$0x3] =	stream.linear.gather [hbm4b:s16+s9], $0x1400, $0x38;
	[tilespmem:$0x1E800] =	vst v63  }
0xfb: {  	_ =	swait.ge [sflag:s26], $0x1400  }
0xfc: {  	[sflag:s26] =	ssyncset.done $0x0  }
0xfd: {  	[sflag:s26] =	ssyncadd.s32 $0xFFFFEC00  }
0xfe: {  	[tilespmem:s24], [sflag:$0x1] =	stream.indirect.gather [hbm4b:s4+s29], $0x80, s9, s29, $0xb8;
	[tilespmem:$0x1E800] =	vst v63  }
0xff: {  	_ = 	snop  }
0x100: {  	[tilespmem:s30], [sflag:$0x2] =	stream.indirect.gather [hbm4b:s4+s29], $0x80, s29, s29, $0xb8;
	[tilespmem:$0x1E800] =	vst v63  }
0x101: {  	_ =	swait.ge [sflag:s25], $0x4000  }
0x102: {  	[sflag:s25] =	ssyncset.done $0x0  }
0x103: {  	s11 =	simm.s32 $0x1400;
	[sflag:s25] =	ssyncadd.s32 $0xFFFFC000  }
0x104: {  	[spmem:s1] =	stream.indirect.scatter.add.f32 [tilespmem:s24], [sflag:$0x3], $0x80, s11, s29, $0xb8;
	[tilespmem:$0x1E800] =	vst v63  }
0x105: {  	_ =	swait.ge [sflag:s26], $0x4000  }
0x106: {  	[sflag:s26] =	ssyncset.done $0x0  }
0x107: {  	s10 =	simm.s32 $0x100;
	[sflag:s26] =	ssyncadd.s32 $0xFFFFC000  }
0x108: {  	[tilespmem:s24], [sflag:$0x1] =	stream.indirect.gather [hbm4b:s4+s29], $0x80, s10, s29, $0xb8;
	[tilespmem:$0x1E800] =	vst v63  }
0x109: {  	_ =	swait.ge [sflag:s31], $0x4000  }
0x10a: {  	[sflag:s31] =	ssyncset.done $0x0  }
0x10b: {  	s11 =	simm.s32 $0x1480;
	[sflag:s31] =	ssyncadd.s32 $0xFFFFC000  }
0x10c: {  	[spmem:s1] =	stream.indirect.scatter.add.f32 [tilespmem:s30], [sflag:$0x3], $0x80, s11, s29, $0xb8;
	[tilespmem:$0x1E800] =	vst v63  }
0x10d: {  	_ =	swait.ge [sflag:s26], $0x4000  }
0x10e: {  	[sflag:s26] =	ssyncset.done $0x0  }
0x10f: {  	s9 =	simm.s32 $0x400;
	s10 =	simm.s32 $0x180;
	[sflag:s26] =	ssyncadd.s32 $0xFFFFC000  }
.LBB2_10:
0x110: {  	[tilespmem:s30], [sflag:$0x2] =	stream.indirect.gather [hbm4b:s4+s29], $0x80, s10, s29, $0xb8;
	[tilespmem:$0x1E800] =	vst v63  }
0x111: {  	s10 =	smov.u32 s9  }
0x112: {  	p0 =	sne.s32 s9, $0x4800;
	s9 =	sadd.s32 $0x400, s9;
	_ =	swait.ge [sflag:s25], $0x4000  }
0x113: {  	s10 =	sshra.s32 s10, $0x2;
	[sflag:s25] =	ssyncset.done $0x0  }
0x114: {  	s11 =	sadd.s32 $0x1400, s10;
	[sflag:s25] =	ssyncadd.s32 $0xFFFFC000  }
0x115: {  	[spmem:s1] =	stream.indirect.scatter.add.f32 [tilespmem:s24], [sflag:$0x3], $0x80, s11, s29, $0xb8;
	[tilespmem:$0x1E800] =	vst v63  }
0x116: {  	_ =	swait.ge [sflag:s26], $0x4000  }
0x117: {  	[sflag:s26] =	ssyncset.done $0x0  }
0x118: {  	s11 =	sadd.s32 $0x100, s10;
	[sflag:s26] =	ssyncadd.s32 $0xFFFFC000  }
0x119: {  	[tilespmem:s24], [sflag:$0x1] =	stream.indirect.gather [hbm4b:s4+s29], $0x80, s11, s29, $0xb8;
	[tilespmem:$0x1E800] =	vst v63  }
0x11a: {  	_ =	swait.ge [sflag:s31], $0x4000  }
0x11b: {  	[sflag:s31] =	ssyncset.done $0x0  }
.Ltmp4:
0x11c: {  	s11 =	sadd.s32 $0x1480, s10;
	[sflag:s31] =	ssyncadd.s32 $0xFFFFC000;
	(pc) =	sbr.rel @p0 .LBB2_10-.Ltmp4, $4  }
0x11d: {  	[spmem:s1] =	stream.indirect.scatter.add.f32 [tilespmem:s30], [sflag:$0x3], $0x80, s11, s29, $0xb8;
	[tilespmem:$0x1E800] =	vst v63  }
0x11e: {  	_ =	swait.ge [sflag:s26], $0x4000  }
0x11f: {  	[sflag:s26] =	ssyncset.done $0x0  }
0x120: {  	s10 =	sadd.s32 $0x180, s10;
	[sflag:s26] =	ssyncadd.s32 $0xFFFFC000  }
0x121: {  	[tilespmem:s30], [sflag:$0x2] =	stream.indirect.gather [hbm4b:s4+s29], $0x80, s10, s29, $0xb8;
	[tilespmem:$0x1E800] =	vst v63  }
0x122: {  	_ =	swait.ge [sflag:s25], $0x4000  }
0x123: {  	[sflag:s25] =	ssyncset.done $0x0  }
0x124: {  	[sflag:s25] =	ssyncadd.s32 $0xFFFFC000  }
0x125: {  	[spmem:s1] =	stream.indirect.scatter.add.f32 [tilespmem:s24], [sflag:$0x3], $0x80, s0, s29, $0xb8;
	[tilespmem:$0x1E800] =	vst v63  }
0x126: {  	_ =	swait.ge [sflag:s26], $0x4000  }
0x127: {  	[sflag:s26] =	ssyncset.done $0x0  }
0x128: {  	[sflag:s26] =	ssyncadd.s32 $0xFFFFC000  }
0x129: {  	_ =	swait.ge [sflag:s31], $0x4000  }
0x12a: {  	[sflag:s31] =	ssyncset.done $0x0  }
0x12b: {  	[sflag:s31] =	ssyncadd.s32 $0xFFFFC000  }
0x12c: {  	[spmem:s1] =	stream.indirect.scatter.add.f32 [tilespmem:s30], [sflag:$0x3], $0x80, s2, s29, $0xb8;
	[tilespmem:$0x1E800] =	vst v63  }
0x12d: {  	_ =	swait.ge [sflag:s26], $0x4000  }
0x12e: {  	s9 =	stileid.u32;
	[sflag:s26] =	ssyncset.done $0x0  }
0x12f: {  	s9 =	sshll.u32 s9, $0x6;
	[sflag:s26] =	ssyncadd.s32 $0xFFFFC000  }
0x130: {  	s11 =	sshrl.u32 s5, $0x3;
	s9 =	sor.u32 $0x1C01, s9;
	[bflag:$0x0] =	sbarrier.arrive $0xFFFF  }
0x131: {  	[hbm:s18], [sflag:s9] =	dma.local [spmem:s11], $0x800  }
0x132: {  	s11 =	sshrl.u32 s6, $0x3  }
0x133: {  	[hbm:s19], [sflag:s9] =	dma.local [spmem:s11], $0x800  }
0x134: {  	s11 =	sshrl.u32 s7, $0x3  }
0x135: {  	[hbm:s20], [sflag:s9] =	dma.local [spmem:s11], $0x800  }
0x136: {  	s11 =	sshrl.u32 s8, $0x3  }
0x137: {  	[hbm:s21], [sflag:s9] =	dma.local [spmem:s11], $0x800  }
0x138: {  	s11 =	sshrl.u32 s17, $0x3  }
0x139: {  	[hbm:s22], [sflag:s9] =	dma.local [spmem:s11], $0x800  }
0x13a: {  	_ =	swait.ge [sflag:s25], $0x800  }
0x13b: {  	[sflag:s25] =	ssyncset.done $0x0  }
0x13c: {  	[sflag:s25] =	ssyncadd.s32 $0xFFFFF800  }
0x13d: {  	_ =	swait.ge [sflag:s25], $0x800  }
0x13e: {  	[sflag:s25] =	ssyncset.done $0x0  }
0x13f: {  	[sflag:s25] =	ssyncadd.s32 $0xFFFFF800  }
0x140: {  	_ =	swait.ge [sflag:s25], $0x800  }
0x141: {  	[sflag:s25] =	ssyncset.done $0x0  }
0x142: {  	s3 =	sadd.s32 $0x1, s3;
	[sflag:s25] =	ssyncadd.s32 $0xFFFFF800  }
0x143: {  	p0 =	sne.s32 s3, s23;
	_ =	swait.ge [sflag:s25], $0x800  }
.Ltmp5:
0x144: {  	[sflag:s25] =	ssyncset.done $0x0;
	(pc) =	sbr.rel @p0 .LBB2_1-.Ltmp5, $4  }
0x145: {  	[sflag:s25] =	ssyncadd.s32 $0xFFFFF800  }
0x146: {  	_ =	swait.ge [sflag:s25], $0x800  }
0x147: {  	[sflag:s25] =	ssyncset.done $0x0  }
0x148: {  	[sflag:s25] =	ssyncadd.s32 $0xFFFFF800  }
0x149: {  	_ =	sfence.sel $0x180000  }
0x14a: {  	[bflag:$0x0] =	sbarrier.arrive $0xFFFF  }
0x14b: {  	_ =	strace $0x9000004D  }
0x14c: {  	s0 =	stileid.u32;
	[bflag:$0x2] =	sbarrier.arrive $0xFFFF  }
0x14d: {  	p0 =	sne.s32 s0, $0x0;
	s0 =	rddreg [dreg:$0x2]  }
0x14e: {  	s0 =	sadd.s32 @!p0 $0x100000, s0  }
0x14f: {  	[sflag:s0] =	ssyncadd.tile.s32 @!p0 $0x1;
	_ =	shalt  }
.Lfunc_end2:
_tile_overlayer_lowered:
.L_overlay_start_2:
0x150: {  	(tag) =	ssettag $0x2  }
0x151: {  	s0 =	rddreg [dreg:$0x0];
	s2 =	stileid.u32  }
0x152: {  	s1 =	rddreg [dreg:$0x1];
	p0 =	sne.s32 s2, $0x0  }
0x153: {  	s3 =	rddreg [dreg:$0x2];
	[bflag:$0x3] =	sbarrier.arrive $0xFFFF;
	s2 =	simm.s32 @!p0 $0x1C03  }
0x154: {  	[timem:s3], [sflag:s2] =	dma.local @!p0 [hbm:s0], s1  }
0x155: {  	s0 =	simm.s32 @!p0 $0x3  }
0x156: {  	_ =	swait.ge @!p0 [sflag:s0], s1  }
0x157: {  	s1 =	ssub.s32 @!p0 $0x0, s1;
	[sflag:s0] =	ssyncset.done @!p0 $0x0  }
0x158: {  	[sflag:s0] =	ssyncadd.s32 @!p0 s1  }
0x159: {  	[bflag:$0x3] =	sbarrier.arrive $0xFFFF  }
0x15a: {  	_ =	shalt  }

// kernel: kernel.7.cloned.1.call-start
scs
__scs_entry_jumppad:
0x0: {  	(pc) =	sbr.rel $0x88, $3  }
0x1: {  	(tag) =	ssettag $0x0;
	lr =	simm.s32 $0x1  }
0x2: {  	[smem:$0x3F94] =	sst lr;
	_ =	strace $0xD0000000  }
0x3: {  	_ = 	snop  }
0x4: {  	_ = 	snop  }
0x5: {  	_ = 	snop  }
0x6: {  	_ = 	snop  }
0x7: {  	_ = 	snop  }
__scs_overlays_trampoline_lowered:
0x8: {  	[smem:$0x3FA3] =	sst s0  }
0x9: {  	[smem:$0x3FA4] =	sst s1  }
0xa: {  	[smem:$0x3FA5] =	sst s2  }
0xb: {  	[smem:$0x3FA6] =	sst s3  }
0xc: {  	[smem:$0x3FA7] =	sst s4  }
0xd: {  	[smem:$0x3FA8] =	sst s5  }
0xe: {  	[smem:$0x3FA9] =	sst s6  }
0xf: {  	[smem:$0x3FAA] =	sst s7  }
0x10: {  	[smem:$0x3FAB] =	sst s8  }
0x11: {  	[smem:$0x3FAC] =	sst s9;
	s0 =	simm.s32 @!p0 $0x0  }
0x12: {  	s1 =	sld [smem:$0x3F92];
	s0 =	simm.s32 @p0 $0x1  }
0x13: {  	[smem:$0x3FAD] =	sst s0;
	s0 =	simm.s32 @!p1 $0x0  }
0x14: {  	s2 =	sld [smem:$0x3F91];
	s0 =	simm.s32 @p1 $0x1  }
0x15: {  	[smem:$0x3FAE] =	sst s0;
	s0 =	simm.s32 @!p2 $0x0  }
0x16: {  	s3 =	sld [smem:$0x3FDB];
	s0 =	simm.s32 @p2 $0x1  }
0x17: {  	s4 =	simm.s32 $0x1BF5;
	[smem:$0x3FB0] =	sst s0  }
0x18: {  	s0 =	sld [smem:$0x3F93];
	_ =	swait.ge [sflag:s4], $0x0  }
0x19: {  	s7 =	sld [smem:$0x3F94]  }
0x1a: {  	s8 =	sadd.s32 $0xFFFFE003, lr  }
0x1b: {  	s9 =	sadd.s32 $0xFFFFFEF7, lr;
	s5 =	simm.s32 $0xFFFFFFFF;
	p2 =	slt.u32 s8, $0xFFFFF086  }
0x1c: {  	p1 =	slt.u32 s9, $0xF7A;
	s5 =	simm.s32 @!p2 $0x0  }
0x1d: {  	s5 =	simm.s32 @p1 $0x1;
	p0 =	seq.s32 s7, s2  }
0x1e: {  	s7 =	smul.u32 @!p0 $0xF7A, s2;
	p2 =	seq.s32 @!p0 s5, $0x0  }
0x1f: {  	s9 =	smul.u32 $0xF7A, s1;
	s8 =	simm.s32 @!p0 $0x1BF5;
	p2 =	por !p2, p0  }
0x20: {  	[sflag:s8] =	ssyncset.s32 @!p0 $0xFFFFF086;
	s6 =	sadd.s32 @!p0 s3, s7;
	s7 =	simm.s32 @!p0 $0x108  }
0x21: {  	s3 =	sadd.s32 s3, s9;
	s6 =	sadd.s32 @!p0 $0x88, s6;
	s7 =	simm.s32 @p2 $0x1082  }
0x22: {  	[simem:s7], [sflag:s8] =	dma.local @!p0 [hbm:s6], $0xF7A  }
0x23: {  	s9 =	sor.u32 $0xD0000000, s2;
	s6 =	simm.s32 $0x108;
	_ =	swait.ge @!p0 [sflag:s8], $0x0  }
0x24: {  	s3 =	sadd.s32 $0x88, s3;
	s6 =	simm.s32 @!p1 $0x1082;
	[sflag:s4] =	ssyncset.s32 $0xFFFFF086  }
0x25: {  	[simem:s6], [sflag:s4] =	dma.local [hbm:s3], $0xF7A  }
0x26: {  	[smem:$0x3F94] =	sst s1;
	(tag) =	ssettag s2;
	_ =	strace s9  }
0x27: {  	s1 =	sld [smem:$0x3FA4]  }
0x28: {  	s2 =	sld [smem:$0x3FA5]  }
0x29: {  	s4 =	sld [smem:$0x3FA7]  }
0x2a: {  	p0 =	seq.s32 s5, $0x0;
	s5 =	sld [smem:$0x3FA8]  }
0x2b: {  	s6 =	sld [smem:$0x3FA9]  }
0x2c: {  	s7 =	sld [smem:$0x3FAA]  }
0x2d: {  	s3 =	simm.s32 $0x108;
	s8 =	sld [smem:$0x3FAB]  }
0x2e: {  	s3 =	simm.s32 @!p0 $0x1082;
	s9 =	sld [smem:$0x3FAC]  }
0x2f: {  	lr =	sadd.s32 s0, s3;
	s0 =	sld [smem:$0x3FA3]  }
0x30: {  	s3 =	sld [smem:$0x3FA6]  }
0x31: {  	[smem:$0x3FAF] =	sst s10  }
0x32: {  	s10 =	sld [smem:$0x3FAD];
	_ =	sdelay $0x3  }
0x33: {  	p0 =	seq.s32 s10, $0x1;
	s10 =	sld [smem:$0x3FAF];
	_ =	sdelay $0x3  }
0x34: {  	[smem:$0x3FAF] =	sst s10  }
0x35: {  	s10 =	sld [smem:$0x3FAE];
	_ =	sdelay $0x3  }
0x36: {  	p1 =	seq.s32 s10, $0x1;
	s10 =	sld [smem:$0x3FAF];
	_ =	sdelay $0x3  }
0x37: {  	[smem:$0x3FAF] =	sst s10  }
0x38: {  	s10 =	sld [smem:$0x3FB0]  }
0x39: {  	_ = 	snop;
	(pc) =	sbr.ind lr, $3  }
0x3a: {  	_ = 	snop  }
0x3b: {  	_ = 	snop  }
0x3c: {  	p2 =	seq.s32 s10, $0x1;
	s10 =	sld [smem:$0x3FAF]  }
0x3d: {  	_ =	shalt  }
0x3e: {  	_ =	shalt  }
0x3f: {  	_ =	shalt  }
0x40: {  	_ =	shalt  }
0x41: {  	_ =	shalt  }
0x42: {  	_ =	shalt  }
0x43: {  	_ =	shalt  }
0x44: {  	_ =	shalt  }
0x45: {  	_ =	shalt  }
0x46: {  	_ =	shalt  }
0x47: {  	_ =	shalt  }
0x48: {  	_ =	shalt  }
0x49: {  	_ =	shalt  }
0x4a: {  	_ =	shalt  }
0x4b: {  	_ =	shalt  }
0x4c: {  	_ =	shalt  }
0x4d: {  	_ =	shalt  }
0x4e: {  	_ =	shalt  }
0x4f: {  	_ =	shalt  }
0x50: {  	_ =	shalt  }
0x51: {  	_ =	shalt  }
0x52: {  	_ =	shalt  }
0x53: {  	_ =	shalt  }
0x54: {  	_ =	shalt  }
0x55: {  	_ =	shalt  }
0x56: {  	_ =	shalt  }
0x57: {  	_ =	shalt  }
0x58: {  	_ =	shalt  }
0x59: {  	_ =	shalt  }
0x5a: {  	_ =	shalt  }
0x5b: {  	_ =	shalt  }
0x5c: {  	_ =	shalt  }
0x5d: {  	_ =	shalt  }
0x5e: {  	_ =	shalt  }
0x5f: {  	_ =	shalt  }
0x60: {  	_ =	shalt  }
0x61: {  	_ =	shalt  }
0x62: {  	_ =	shalt  }
0x63: {  	_ =	shalt  }
0x64: {  	_ =	shalt  }
0x65: {  	_ =	shalt  }
0x66: {  	_ =	shalt  }
0x67: {  	_ =	shalt  }
0x68: {  	_ =	shalt  }
0x69: {  	_ =	shalt  }
0x6a: {  	_ =	shalt  }
0x6b: {  	_ =	shalt  }
0x6c: {  	_ =	shalt  }
0x6d: {  	_ =	shalt  }
0x6e: {  	_ =	shalt  }
0x6f: {  	_ =	shalt  }
0x70: {  	_ =	shalt  }
0x71: {  	_ =	shalt  }
0x72: {  	_ =	shalt  }
0x73: {  	_ =	shalt  }
0x74: {  	_ =	shalt  }
0x75: {  	_ =	shalt  }
0x76: {  	_ =	shalt  }
0x77: {  	_ =	shalt  }
0x78: {  	_ =	shalt  }
0x79: {  	_ =	shalt  }
0x7a: {  	_ =	shalt  }
0x7b: {  	_ =	shalt  }
0x7c: {  	_ =	shalt  }
0x7d: {  	_ =	shalt  }
0x7e: {  	_ =	shalt  }
0x7f: {  	_ =	shalt  }
0x80: {  	_ =	shalt  }
0x81: {  	_ =	shalt  }
0x82: {  	_ =	shalt  }
0x83: {  	_ =	shalt  }
0x84: {  	_ =	shalt  }
0x85: {  	_ =	shalt  }
0x86: {  	_ =	shalt  }
0x87: {  	_ =	shalt  }
.Lfunc_end0:
.L_simem_size_0:
called_computation.1_lowered:
.L_overlay_start_0:
0x88: {  	s2 =	sld [smem:$0x3FD9]  }
0x89: {  	s3 =	sld [smem:$0x3FFE];
	_ =	sdelay $0x1  }
0x8a: {  	s1 =	srdreg.scid  }
0x8b: {  	s0 =	sand.u32 $0x1, s1  }
0x8c: {  	s16 =	sshll.u32 s0, $0xA;
	s2 =	sadd.s32 s3, s2  }
0x8d: {  	s2 =	sadd.s32 s2, s16  }
0x8e: {  	[smem:$0x3FBB] =	sst s2  }
0x8f: {  	_ = 	snop  }
0x90: {  	(tm) =	ssettm $0x1  }
0x91: {  	s17 =	sld [smem:$0x3FFB];
	_ =	sdelay $0x3  }
0x92: {  	_ =	strace s17  }
0x93: {  	s2 =	sld [smem:$0x3FFC];
	_ =	sdelay $0x3  }
0x94: {  	_ =	strace s2  }
0x95: {  	s2 =	sld [smem:$0x3FFD];
	_ =	sdelay $0x3  }
0x96: {  	_ =	strace s2  }
0x97: {  	_ =	strace $0x8FFFFFFF  }
0x98: {  	s18 =	sld [smem:$0x3FDB];
	_ =	sdelay $0x1  }
0x99: {  	s19 =	simm.s32 $_scs_section_size  }
0x9a: {  	s4 =	simm.s32 $_size__tile_overlayer_lowered;
	s5 =	simm.s32 $_tile_overlayer_lowered  }
0x9b: {  	s22 =	simm.s32 $0x1BFF;
	s21 =	sshll.u32 s5, $0x1;
	s2 =	sadd.s32 s19, s18  }
0x9c: {  	s6 =	simm.s32 $0x0;
	s20 =	sshll.u32 s4, $0x1;
	s4 =	sadd.s32 s21, s2  }
0x9d: {  	[timem:s6], [sflag:s22] =	dma.local [hbm:s4], s20  }
0x9e: {  	_ =	swait.ge [sflag:s22], s20  }
0x9f: {  	s3 =	ssub.s32 $0x0, s20;
	[sflag:s22] =	ssyncset.done $0x0  }
0xa0: {  	[sflag:s22] =	ssyncadd.s32 s3;
	_ =	sdelay $0x1  }
0xa1: {  	s23 =	simm.s32 $0x1B8B  }
0xa2: {  	_ =	swait.ge [sflag:s23], $0x1  }
0xa3: {  	[sflag:s23] =	ssyncset.done $0x0  }
0xa4: {  	s25 =	simm.s32 $0x1B8E;
	s24 =	sld [smem:$0x3FFE];
	[sflag:s23] =	ssyncadd.s32 $0xFFFFFFFF  }
0xa5: {  	s26 =	simm.s32 $execute0_lowered;
	[smem:$0x3FD2] =	sst s25  }
0xa6: {  	s4 =	sshll.u32 s26, $0x1;
	_ =	strace $0x80000049;
	[dreg:$0x1] =	wrdreg $0xFFFFFFFF  }
0xa7: {  	s28 =	simm.s32 $_size_execute0_lowered;
	s2 =	sadd.s32 s2, s4;
	[dreg:$0x0] =	wrdreg $0x0  }
0xa8: {  	s4 =	sshll.u32 s28, $0x1;
	[dreg:$0x2] =	wrdreg s2  }
0xa9: {  	[dreg:$0x3] =	wrdreg s4  }
0xaa: {  	[dreg:$0x4] =	wrdreg $0xC0  }
0xab: {  	_ =	task [dreg:s6], $0x5FFFF  }
0xac: {  	[dreg:$0x1] =	wrdreg $0xFFFFFFFF  }
0xad: {  	[dreg:$0x0] =	wrdreg $0x60  }
0xae: {  	[dreg:$0x2] =	wrdreg s24  }
0xaf: {  	[dreg:$0x3] =	wrdreg $0xA8000  }
0xb0: {  	[dreg:$0x4] =	wrdreg $0x9  }
0xb1: {  	_ =	task.clear_ibuf [dreg:s6], $0x5FFFF;
	_ =	strace $0x90000049  }
0xb2: {  	s29 =	simm.s32 $0x9;
	_ =	strace $0x8000004B  }
0xb3: {  	_ =	swait.ge [sflag:s29], $0x1  }
0xb4: {  	[sflag:s29] =	ssyncadd.s32 $0xFFFFFFFF  }
0xb5: {  	_ =	strace $0x9000004B  }
0xb6: {  	_ =	sfence  }
0xb7: {  	s30 =	sld [smem:$0x0];
	_ =	sdelay $0x2  }
0xb8: {  	s31 =	sshll.u32 s1, $0xD;
	s1 =	sshrl.u32 s1, $0x2  }
0xb9: {  	s3 =	sand.u32 $0x4000, s31;
	s1 =	sadd.s32 s1, s30  }
0xba: {  	s0 =	sor.u32 s3, s0;
	s1 =	sshll.u32 s1, $0x11  }
0xbb: {  	s0 =	sor.u32 s1, s0  }
0xbc: {  	s0 =	sadd.s32 $0x8F2B, s0  }
0xbd: {  	[sflag:s0] =	ssyncadd.remote.s32 $0x1  }
0xbe: {  	_ =	sfence.sel $0xFFFF  }
0xbf: {  	[dreg:$0x0] =	wrdreg $0xFFFFFFFF;
	(pc) =	sbr.abs _section_cstart, $3  }
0xc0: {  	[dreg:$0x1] =	wrdreg $0xFFFFFFFF  }
0xc1: {  	_ =	task.clear_ibuf [dreg:s6], $0x2FFFF;
	_ =	strace $0x9FFFFFFF  }
0xc2: {  	(tm) =	ssettm $0x7FFFFFFF  }
0xc3: {  	_ =	shalt  }
tec
execute0_lowered:
.L_overlay_start_1:
0x0: {  	(tag) =	ssettag $0x1  }
0x1: {  	s5 =	rddreg [dreg:$0x0]  }
0x2: {  	s1 =	rddreg [dreg:$0x1]  }
0x3: {  	s3 =	simm.s32 $0x0;
	s2 =	srdreg.scid;
	s23 =	simm.s32 $0x1400  }
0x4: {  	s24 =	simm.s32 $0x80;
	s25 =	simm.s32 $0x6800;
	s26 =	simm.s32 $0x2  }
0x5: {  	s28 =	simm.s32 $0x2700;
	[smem:$0x7FF] =	sst s3;
	s10 =	sand.u32 $0x1, s2  }
0x6: {  	s29 =	simm.s32 $0x2780;
	s2 =	stileid.u32;
	s6 =	smul.u32 $0x500, s10  }
0x7: {  	s4 =	sadd.s32 $0x17400, s5;
	s12 =	sadd.s32 $0x53A00, s5;
	s7 =	smul.u32 $0x50, s2  }
0x8: {  	s13 =	sadd.s32 $0xD400, s5;
	s8 =	ssub.s32 $0x2, s10;
	s9 =	smul.u32 $0x50000, s2  }
0x9: {  	s18 =	sadd.s32 $0xADA00, s5;
	s14 =	smul.u32 $0x14000, s2;
	s11 =	sshrl.u32 s8, $0x1  }
0xa: {  	_ =	strace $0x8000004A;
	s22 =	smul.u32 $0x140000, s10;
	s19 =	ssub.s32 s8, s11  }
0xb: {  	s30 =	sshrl.u32 s9, $0x2;
	s31 =	sadd.s32 s7, s6;
	s15 =	sadd.s32 $0x4000, s14  }
0xc: {  	s16 =	sadd.s32 $0x8000, s14;
	s17 =	sadd.s32 $0xC000, s14;
	s20 =	sadd.s32 $0x10000, s14  }
0xd: {  	s14 =	sadd.s32 s14, s22;
	s5 =	sadd.s32 s30, s1;
	s6 =	sadd.s32 s15, s1  }
0xe: {  	s7 =	sadd.s32 s16, s1;
	s8 =	sadd.s32 s17, s1;
	s9 =	sadd.s32 s20, s1  }
0xf: {  	s21 =	sshll.u32 s31, $0x4;
	s15 =	sadd.s32 s22, s15;
	s14 =	sshrl.u32 s14, $0x3  }
0x10: {  	s16 =	sadd.s32 s22, s16;
	s17 =	sadd.s32 s22, s17;
	s20 =	sadd.s32 s22, s20  }
0x11: {  	s19 =	smax.u32 s19, $0x1;
	s22 =	simm.s32 $0x3;
	s10 =	sadd.s32 s12, s21  }
0x12: {  	s11 =	sadd.s32 s13, s21;
	s21 =	sadd.s32 $0x280, s21;
	s15 =	sshrl.u32 s15, $0x3  }
0x13: {  	s14 =	sadd.s32 s18, s14;
	s16 =	sshrl.u32 s16, $0x3;
	s17 =	sshrl.u32 s17, $0x3  }
0x14: {  	s20 =	sshrl.u32 s20, $0x3;
	s12 =	sadd.s32 s12, s21;
	s13 =	sadd.s32 s13, s21  }
0x15: {  	s15 =	sadd.s32 s18, s15;
	s16 =	sadd.s32 s18, s16;
	s17 =	sadd.s32 s18, s17  }
0x16: {  	v0 =	vimm.f32 $0.0e+00;
	s18 =	sadd.s32 s18, s20;
	s20 =	simm.s32 $0x2800;
	s21 =	simm.s32 $0x1  }
.LBB2_1:
0x17: {  	s30 =	simm.s32 $0x0;
	s31 =	simm.s32 $0x200  }
.LBB2_2:
0x18: {  	p0 =	sne.s32 s31, $0xFE00;
	[tilespmem:s30+$0x2870] =	vst v0  }
0x19: {  	[tilespmem:s30+$0x2800] =	vst v0  }
0x1a: {  	[tilespmem:s30+$0x2810] =	vst v0  }
.Ltmp0:
0x1b: {  	[tilespmem:s30+$0x2820] =	vst v0;
	(pc) =	sbr.rel @p0 .LBB2_2-.Ltmp0, $4  }
0x1c: {  	[tilespmem:s30+$0x2830] =	vst v0  }
0x1d: {  	[tilespmem:s30+$0x2840] =	vst v0  }
0x1e: {  	[tilespmem:s30+$0x2850] =	vst v0  }
0x1f: {  	[tilespmem:s30+$0x2860] =	vst v0;
	s30 =	sshra.s32 s31, $0x2;
	s31 =	sadd.s32 $0x200, s31  }
0x20: {  	[tilespmem:s30+$0x2870] =	vst v0  }
0x21: {  	[tilespmem:s30+$0x2800] =	vst v0  }
0x22: {  	[tilespmem:s30+$0x2810] =	vst v0  }
0x23: {  	[tilespmem:s30+$0x2820] =	vst v0  }
0x24: {  	[tilespmem:s30+$0x2830] =	vst v0  }
0x25: {  	[tilespmem:s30+$0x2840] =	vst v0  }
0x26: {  	[tilespmem:s30+$0x2850] =	vst v0  }
0x27: {  	[tilespmem:s30+$0x2860] =	vst v0  }
0x28: {  	[spmem:s5] =	stream.linear.scatter [tilespmem:s20], [sflag:$0x1], $0x4000, $0x38;
	[tilespmem:$0x1E800] =	vst v63  }
0x29: {  	_ = 	snop  }
0x2a: {  	[spmem:s6] =	stream.linear.scatter [tilespmem:s20], [sflag:$0x1], $0x4000, $0x38;
	[tilespmem:$0x1E800] =	vst v63  }
0x2b: {  	_ = 	snop  }
0x2c: {  	[spmem:s7] =	stream.linear.scatter [tilespmem:s20], [sflag:$0x1], $0x4000, $0x38;
	[tilespmem:$0x1E800] =	vst v63  }
0x2d: {  	_ = 	snop  }
0x2e: {  	[spmem:s8] =	stream.linear.scatter [tilespmem:s20], [sflag:$0x1], $0x4000, $0x38;
	[tilespmem:$0x1E800] =	vst v63  }
0x2f: {  	_ = 	snop  }
0x30: {  	[spmem:s9] =	stream.linear.scatter [tilespmem:s20], [sflag:$0x1], $0x4000, $0x38;
	[tilespmem:$0x1E800] =	vst v63  }
0x31: {  	_ =	swait.ge [sflag:s21], $0x4000  }
0x32: {  	[sflag:s21] =	ssyncset.done $0x0  }
0x33: {  	[sflag:s21] =	ssyncadd.s32 $0xFFFFC000  }
0x34: {  	_ =	swait.ge [sflag:s21], $0x4000  }
0x35: {  	[sflag:s21] =	ssyncset.done $0x0  }
0x36: {  	[sflag:s21] =	ssyncadd.s32 $0xFFFFC000  }
0x37: {  	_ =	swait.ge [sflag:s21], $0x4000  }
0x38: {  	[sflag:s21] =	ssyncset.done $0x0  }
0x39: {  	[sflag:s21] =	ssyncadd.s32 $0xFFFFC000  }
0x3a: {  	_ =	swait.ge [sflag:s21], $0x4000  }
0x3b: {  	[sflag:s21] =	ssyncset.done $0x0  }
0x3c: {  	[sflag:s21] =	ssyncadd.s32 $0xFFFFC000  }
0x3d: {  	_ =	swait.ge [sflag:s21], $0x4000  }
0x3e: {  	[sflag:s21] =	ssyncset.done $0x0  }
0x3f: {  	[sflag:s21] =	ssyncadd.s32 $0xFFFFC000  }
0x40: {  	s30 =	simm.s32 $0x0;
	[bflag:$0x0] =	sbarrier.arrive $0xFFFF  }
0x41: {  	[tilespmem:s30], [sflag:$0x3] =	stream.linear.gather [hbm4b:s10+s30], $0x1400, $0x38;
	[tilespmem:$0x1E800] =	vst v63  }
0x42: {  	_ =	swait.ge [sflag:s22], $0x1400  }
0x43: {  	[sflag:s22] =	ssyncset.done $0x0  }
0x44: {  	[sflag:s22] =	ssyncadd.s32 $0xFFFFEC00  }
0x45: {  	[tilespmem:s23], [sflag:$0x3] =	stream.linear.gather [hbm4b:s11+s30], $0x1400, $0x38;
	[tilespmem:$0x1E800] =	vst v63  }
0x46: {  	_ =	swait.ge [sflag:s22], $0x1400  }
0x47: {  	[sflag:s22] =	ssyncset.done $0x0  }
0x48: {  	[sflag:s22] =	ssyncadd.s32 $0xFFFFEC00  }
0x49: {  	[tilespmem:s20], [sflag:$0x1] =	stream.indirect.gather [hbm4b:s4+s24], $0x80, s30, s24, $0xb8;
	[tilespmem:$0x1E800] =	vst v63  }
0x4a: {  	_ = 	snop  }
0x4b: {  	[tilespmem:s25], [sflag:$0x2] =	stream.indirect.gather [hbm4b:s4+s24], $0x80, s24, s24, $0xb8;
	[tilespmem:$0x1E800] =	vst v63  }
0x4c: {  	_ =	swait.ge [sflag:s21], $0x4000  }
0x4d: {  	[sflag:s21] =	ssyncset.done $0x0  }
0x4e: {  	s30 =	simm.s32 $0x1400;
	[sflag:s21] =	ssyncadd.s32 $0xFFFFC000  }
0x4f: {  	[spmem:s1] =	stream.indirect.scatter.add.f32 [tilespmem:s20], [sflag:$0x3], $0x80, s30, s24, $0xb8;
	[tilespmem:$0x1E800] =	vst v63  }
0x50: {  	_ =	swait.ge [sflag:s22], $0x4000  }
0x51: {  	[sflag:s22] =	ssyncset.done $0x0  }
0x52: {  	s30 =	simm.s32 $0x100;
	[sflag:s22] =	ssyncadd.s32 $0xFFFFC000  }
0x53: {  	[tilespmem:s20], [sflag:$0x1] =	stream.indirect.gather [hbm4b:s4+s24], $0x80, s30, s24, $0xb8;
	[tilespmem:$0x1E800] =	vst v63  }
0x54: {  	_ =	swait.ge [sflag:s26], $0x4000  }
0x55: {  	[sflag:s26] =	ssyncset.done $0x0  }
0x56: {  	s30 =	simm.s32 $0x1480;
	[sflag:s26] =	ssyncadd.s32 $0xFFFFC000  }
0x57: {  	[spmem:s1] =	stream.indirect.scatter.add.f32 [tilespmem:s25], [sflag:$0x3], $0x80, s30, s24, $0xb8;
	[tilespmem:$0x1E800] =	vst v63  }
0x58: {  	_ =	swait.ge [sflag:s22], $0x4000  }
0x59: {  	[sflag:s22] =	ssyncset.done $0x0  }
0x5a: {  	s31 =	simm.s32 $0x180;
	s30 =	simm.s32 $0x400;
	[sflag:s22] =	ssyncadd.s32 $0xFFFFC000  }
.LBB2_4:
0x5b: {  	[tilespmem:s25], [sflag:$0x2] =	stream.indirect.gather [hbm4b:s4+s24], $0x80, s31, s24, $0xb8;
	[tilespmem:$0x1E800] =	vst v63  }
0x5c: {  	s31 =	smov.u32 s30  }
0x5d: {  	p0 =	sne.s32 s30, $0x4800;
	s30 =	sadd.s32 $0x400, s30;
	_ =	swait.ge [sflag:s21], $0x4000  }
0x5e: {  	s31 =	sshra.s32 s31, $0x2;
	[sflag:s21] =	ssyncset.done $0x0  }
0x5f: {  	s0 =	sadd.s32 $0x1400, s31;
	[sflag:s21] =	ssyncadd.s32 $0xFFFFC000  }
0x60: {  	[spmem:s1] =	stream.indirect.scatter.add.f32 [tilespmem:s20], [sflag:$0x3], $0x80, s0, s24, $0xb8;
	[tilespmem:$0x1E800] =	vst v63  }
0x61: {  	_ =	swait.ge [sflag:s22], $0x4000  }
0x62: {  	[sflag:s22] =	ssyncset.done $0x0  }
0x63: {  	s0 =	sadd.s32 $0x100, s31;
	[sflag:s22] =	ssyncadd.s32 $0xFFFFC000  }
0x64: {  	[tilespmem:s20], [sflag:$0x1] =	stream.indirect.gather [hbm4b:s4+s24], $0x80, s0, s24, $0xb8;
	[tilespmem:$0x1E800] =	vst v63  }
0x65: {  	_ =	swait.ge [sflag:s26], $0x4000  }
0x66: {  	[sflag:s26] =	ssyncset.done $0x0  }
.Ltmp1:
0x67: {  	s0 =	sadd.s32 $0x1480, s31;
	[sflag:s26] =	ssyncadd.s32 $0xFFFFC000;
	(pc) =	sbr.rel @p0 .LBB2_4-.Ltmp1, $4  }
0x68: {  	[spmem:s1] =	stream.indirect.scatter.add.f32 [tilespmem:s25], [sflag:$0x3], $0x80, s0, s24, $0xb8;
	[tilespmem:$0x1E800] =	vst v63  }
0x69: {  	_ =	swait.ge [sflag:s22], $0x4000  }
0x6a: {  	[sflag:s22] =	ssyncset.done $0x0  }
0x6b: {  	s31 =	sadd.s32 $0x180, s31;
	[sflag:s22] =	ssyncadd.s32 $0xFFFFC000  }
0x6c: {  	[tilespmem:s25], [sflag:$0x2] =	stream.indirect.gather [hbm4b:s4+s24], $0x80, s31, s24, $0xb8;
	[tilespmem:$0x1E800] =	vst v63  }
0x6d: {  	_ =	swait.ge [sflag:s21], $0x4000  }
0x6e: {  	[sflag:s21] =	ssyncset.done $0x0  }
0x6f: {  	[sflag:s21] =	ssyncadd.s32 $0xFFFFC000  }
0x70: {  	[spmem:s1] =	stream.indirect.scatter.add.f32 [tilespmem:s20], [sflag:$0x3], $0x80, s28, s24, $0xb8;
	[tilespmem:$0x1E800] =	vst v63  }
0x71: {  	_ =	swait.ge [sflag:s22], $0x4000  }
0x72: {  	[sflag:s22] =	ssyncset.done $0x0  }
0x73: {  	[sflag:s22] =	ssyncadd.s32 $0xFFFFC000  }
0x74: {  	_ =	swait.ge [sflag:s26], $0x4000  }
0x75: {  	[sflag:s26] =	ssyncset.done $0x0  }
0x76: {  	[sflag:s26] =	ssyncadd.s32 $0xFFFFC000  }
0x77: {  	[spmem:s1] =	stream.indirect.scatter.add.f32 [tilespmem:s25], [sflag:$0x3], $0x80, s29, s24, $0xb8;
	[tilespmem:$0x1E800] =	vst v63  }
0x78: {  	_ =	swait.ge [sflag:s22], $0x4000  }
0x79: {  	[sflag:s22] =	ssyncset.done $0x0  }
0x7a: {  	s0 =	simm.s32 $0x0;
	[sflag:s22] =	ssyncadd.s32 $0xFFFFC000  }
0x7b: {  	[tilespmem:s0], [sflag:$0x3] =	stream.linear.gather [hbm4b:s12+s0], $0x1400, $0x38;
	[tilespmem:$0x1E800] =	vst v63  }
0x7c: {  	_ =	swait.ge [sflag:s22], $0x1400  }
0x7d: {  	[sflag:s22] =	ssyncset.done $0x0  }
0x7e: {  	[sflag:s22] =	ssyncadd.s32 $0xFFFFEC00  }
0x7f: {  	[tilespmem:s23], [sflag:$0x3] =	stream.linear.gather [hbm4b:s13+s0], $0x1400, $0x38;
	[tilespmem:$0x1E800] =	vst v63  }
0x80: {  	_ =	swait.ge [sflag:s22], $0x1400  }
0x81: {  	[sflag:s22] =	ssyncset.done $0x0  }
0x82: {  	[sflag:s22] =	ssyncadd.s32 $0xFFFFEC00  }
0x83: {  	[tilespmem:s20], [sflag:$0x1] =	stream.indirect.gather [hbm4b:s4+s24], $0x80, s0, s24, $0xb8;
	[tilespmem:$0x1E800] =	vst v63  }
0x84: {  	_ = 	snop  }
0x85: {  	[tilespmem:s25], [sflag:$0x2] =	stream.indirect.gather [hbm4b:s4+s24], $0x80, s24, s24, $0xb8;
	[tilespmem:$0x1E800] =	vst v63  }
0x86: {  	_ =	swait.ge [sflag:s21], $0x4000  }
0x87: {  	[sflag:s21] =	ssyncset.done $0x0  }
0x88: {  	s0 =	simm.s32 $0x1400;
	[sflag:s21] =	ssyncadd.s32 $0xFFFFC000  }
0x89: {  	[spmem:s1] =	stream.indirect.scatter.add.f32 [tilespmem:s20], [sflag:$0x3], $0x80, s0, s24, $0xb8;
	[tilespmem:$0x1E800] =	vst v63  }
0x8a: {  	_ =	swait.ge [sflag:s22], $0x4000  }
0x8b: {  	[sflag:s22] =	ssyncset.done $0x0  }
0x8c: {  	s0 =	simm.s32 $0x100;
	[sflag:s22] =	ssyncadd.s32 $0xFFFFC000  }
0x8d: {  	[tilespmem:s20], [sflag:$0x1] =	stream.indirect.gather [hbm4b:s4+s24], $0x80, s0, s24, $0xb8;
	[tilespmem:$0x1E800] =	vst v63  }
0x8e: {  	_ =	swait.ge [sflag:s26], $0x4000  }
0x8f: {  	[sflag:s26] =	ssyncset.done $0x0  }
0x90: {  	s0 =	simm.s32 $0x1480;
	[sflag:s26] =	ssyncadd.s32 $0xFFFFC000  }
0x91: {  	[spmem:s1] =	stream.indirect.scatter.add.f32 [tilespmem:s25], [sflag:$0x3], $0x80, s0, s24, $0xb8;
	[tilespmem:$0x1E800] =	vst v63  }
0x92: {  	_ =	swait.ge [sflag:s22], $0x4000  }
0x93: {  	[sflag:s22] =	ssyncset.done $0x0  }
0x94: {  	s30 =	simm.s32 $0x400;
	s31 =	simm.s32 $0x180;
	[sflag:s22] =	ssyncadd.s32 $0xFFFFC000  }
.LBB2_6:
0x95: {  	[tilespmem:s25], [sflag:$0x2] =	stream.indirect.gather [hbm4b:s4+s24], $0x80, s31, s24, $0xb8;
	[tilespmem:$0x1E800] =	vst v63  }
0x96: {  	s0 =	smov.u32 s30  }
0x97: {  	p0 =	sne.s32 s30, $0x4800;
	s30 =	sadd.s32 $0x400, s30;
	_ =	swait.ge [sflag:s21], $0x4000  }
0x98: {  	s0 =	sshra.s32 s0, $0x2;
	[sflag:s21] =	ssyncset.done $0x0  }
0x99: {  	s31 =	sadd.s32 $0x1400, s0;
	[sflag:s21] =	ssyncadd.s32 $0xFFFFC000  }
0x9a: {  	[spmem:s1] =	stream.indirect.scatter.add.f32 [tilespmem:s20], [sflag:$0x3], $0x80, s31, s24, $0xb8;
	[tilespmem:$0x1E800] =	vst v63  }
0x9b: {  	_ =	swait.ge [sflag:s22], $0x4000  }
0x9c: {  	[sflag:s22] =	ssyncset.done $0x0  }
0x9d: {  	s31 =	sadd.s32 $0x100, s0;
	[sflag:s22] =	ssyncadd.s32 $0xFFFFC000  }
0x9e: {  	[tilespmem:s20], [sflag:$0x1] =	stream.indirect.gather [hbm4b:s4+s24], $0x80, s31, s24, $0xb8;
	[tilespmem:$0x1E800] =	vst v63  }
0x9f: {  	_ =	swait.ge [sflag:s26], $0x4000  }
0xa0: {  	[sflag:s26] =	ssyncset.done $0x0  }
.Ltmp2:
0xa1: {  	s31 =	sadd.s32 $0x1480, s0;
	[sflag:s26] =	ssyncadd.s32 $0xFFFFC000;
	(pc) =	sbr.rel @p0 .LBB2_6-.Ltmp2, $4  }
0xa2: {  	[spmem:s1] =	stream.indirect.scatter.add.f32 [tilespmem:s25], [sflag:$0x3], $0x80, s31, s24, $0xb8;
	[tilespmem:$0x1E800] =	vst v63  }
0xa3: {  	_ =	swait.ge [sflag:s22], $0x4000  }
0xa4: {  	[sflag:s22] =	ssyncset.done $0x0  }
0xa5: {  	s31 =	sadd.s32 $0x180, s0;
	[sflag:s22] =	ssyncadd.s32 $0xFFFFC000  }
0xa6: {  	[tilespmem:s25], [sflag:$0x2] =	stream.indirect.gather [hbm4b:s4+s24], $0x80, s31, s24, $0xb8;
	[tilespmem:$0x1E800] =	vst v63  }
0xa7: {  	_ =	swait.ge [sflag:s21], $0x4000  }
0xa8: {  	[sflag:s21] =	ssyncset.done $0x0  }
0xa9: {  	[sflag:s21] =	ssyncadd.s32 $0xFFFFC000  }
0xaa: {  	[spmem:s1] =	stream.indirect.scatter.add.f32 [tilespmem:s20], [sflag:$0x3], $0x80, s28, s24, $0xb8;
	[tilespmem:$0x1E800] =	vst v63  }
0xab: {  	_ =	swait.ge [sflag:s22], $0x4000  }
0xac: {  	[sflag:s22] =	ssyncset.done $0x0  }
0xad: {  	[sflag:s22] =	ssyncadd.s32 $0xFFFFC000  }
0xae: {  	_ =	swait.ge [sflag:s26], $0x4000  }
0xaf: {  	[sflag:s26] =	ssyncset.done $0x0  }
0xb0: {  	[sflag:s26] =	ssyncadd.s32 $0xFFFFC000  }
0xb1: {  	[spmem:s1] =	stream.indirect.scatter.add.f32 [tilespmem:s25], [sflag:$0x3], $0x80, s29, s24, $0xb8;
	[tilespmem:$0x1E800] =	vst v63  }
0xb2: {  	_ =	swait.ge [sflag:s22], $0x4000  }
0xb3: {  	[sflag:s22] =	ssyncset.done $0x0  }
0xb4: {  	s0 =	sshll.u32 s2, $0x6;
	s30 =	sshrl.u32 s5, $0x3;
	[sflag:s22] =	ssyncadd.s32 $0xFFFFC000  }
0xb5: {  	s31 =	sshrl.u32 s6, $0x3;
	s0 =	sor.u32 $0x1C01, s0;
	[bflag:$0x0] =	sbarrier.arrive $0xFFFF  }
0xb6: {  	[hbm:s14], [sflag:s0] =	dma.local [spmem:s30], $0x800  }
0xb7: {  	[hbm:s15], [sflag:s0] =	dma.local [spmem:s31], $0x800  }
0xb8: {  	s31 =	sshrl.u32 s7, $0x3  }
0xb9: {  	[hbm:s16], [sflag:s0] =	dma.local [spmem:s31], $0x800  }
0xba: {  	s31 =	sshrl.u32 s8, $0x3  }
0xbb: {  	[hbm:s17], [sflag:s0] =	dma.local [spmem:s31], $0x800  }
0xbc: {  	s31 =	sshrl.u32 s9, $0x3  }
0xbd: {  	[hbm:s18], [sflag:s0] =	dma.local [spmem:s31], $0x800  }
0xbe: {  	_ =	swait.ge [sflag:s21], $0x800  }
0xbf: {  	[sflag:s21] =	ssyncset.done $0x0  }
0xc0: {  	[sflag:s21] =	ssyncadd.s32 $0xFFFFF800  }
0xc1: {  	_ =	swait.ge [sflag:s21], $0x800  }
0xc2: {  	[sflag:s21] =	ssyncset.done $0x0  }
0xc3: {  	[sflag:s21] =	ssyncadd.s32 $0xFFFFF800  }
0xc4: {  	_ =	swait.ge [sflag:s21], $0x800  }
0xc5: {  	[sflag:s21] =	ssyncset.done $0x0  }
0xc6: {  	s3 =	sadd.s32 $0x1, s3;
	[sflag:s21] =	ssyncadd.s32 $0xFFFFF800  }
0xc7: {  	p0 =	sne.s32 s3, s19;
	_ =	swait.ge [sflag:s21], $0x800  }
.Ltmp3:
0xc8: {  	[sflag:s21] =	ssyncset.done $0x0;
	(pc) =	sbr.rel @p0 .LBB2_1-.Ltmp3, $4  }
0xc9: {  	[sflag:s21] =	ssyncadd.s32 $0xFFFFF800  }
0xca: {  	_ =	swait.ge [sflag:s21], $0x800  }
0xcb: {  	[sflag:s21] =	ssyncset.done $0x0  }
0xcc: {  	[sflag:s21] =	ssyncadd.s32 $0xFFFFF800  }
0xcd: {  	_ =	sfence.sel $0x180000  }
0xce: {  	[bflag:$0x0] =	sbarrier.arrive $0xFFFF  }
0xcf: {  	_ =	strace $0x9000004A  }
0xd0: {  	[bflag:$0x2] =	sbarrier.arrive $0xFFFF  }
0xd1: {  	p0 =	sne.s32 s2, $0x0;
	s0 =	rddreg [dreg:$0x2]  }
0xd2: {  	s0 =	sadd.s32 @!p0 $0x100000, s0  }
0xd3: {  	[sflag:s0] =	ssyncadd.tile.s32 @!p0 $0x1;
	_ =	shalt  }
.Lfunc_end2:
_tile_overlayer_lowered:
.L_overlay_start_2:
0xd4: {  	(tag) =	ssettag $0x2  }
0xd5: {  	s0 =	rddreg [dreg:$0x0];
	s2 =	stileid.u32  }
0xd6: {  	s1 =	rddreg [dreg:$0x1];
	p0 =	sne.s32 s2, $0x0  }
0xd7: {  	s3 =	rddreg [dreg:$0x2];
	[bflag:$0x3] =	sbarrier.arrive $0xFFFF;
	s2 =	simm.s32 @!p0 $0x1C03  }
0xd8: {  	[timem:s3], [sflag:s2] =	dma.local @!p0 [hbm:s0], s1  }
0xd9: {  	s0 =	simm.s32 @!p0 $0x3  }
0xda: {  	_ =	swait.ge @!p0 [sflag:s0], s1  }
0xdb: {  	s1 =	ssub.s32 @!p0 $0x0, s1;
	[sflag:s0] =	ssyncset.done @!p0 $0x0  }
0xdc: {  	[sflag:s0] =	ssyncadd.s32 @!p0 s1  }
0xdd: {  	[bflag:$0x3] =	sbarrier.arrive $0xFFFF  }
0xde: {  	_ =	shalt  }

// kernel: scatter_offload_async_start
scs
__scs_entry_jumppad:
0x0: {  	(pc) =	sbr.rel $0x88, $3  }
0x1: {  	(tag) =	ssettag $0x0;
	lr =	simm.s32 $0x1  }
0x2: {  	[smem:$0x3F94] =	sst lr;
	_ =	strace $0xD0000000  }
0x3: {  	_ = 	snop  }
0x4: {  	_ = 	snop  }
0x5: {  	_ = 	snop  }
0x6: {  	_ = 	snop  }
0x7: {  	_ = 	snop  }
__scs_overlays_trampoline_lowered:
0x8: {  	[smem:$0x3FA3] =	sst s0  }
0x9: {  	[smem:$0x3FA4] =	sst s1  }
0xa: {  	[smem:$0x3FA5] =	sst s2  }
0xb: {  	[smem:$0x3FA6] =	sst s3  }
0xc: {  	[smem:$0x3FA7] =	sst s4  }
0xd: {  	[smem:$0x3FA8] =	sst s5  }
0xe: {  	[smem:$0x3FA9] =	sst s6  }
0xf: {  	[smem:$0x3FAA] =	sst s7  }
0x10: {  	[smem:$0x3FAB] =	sst s8  }
0x11: {  	[smem:$0x3FAC] =	sst s9;
	s0 =	simm.s32 @!p0 $0x0  }
0x12: {  	s1 =	sld [smem:$0x3F92];
	s0 =	simm.s32 @p0 $0x1  }
0x13: {  	[smem:$0x3FAD] =	sst s0;
	s0 =	simm.s32 @!p1 $0x0  }
0x14: {  	s2 =	sld [smem:$0x3F91];
	s0 =	simm.s32 @p1 $0x1  }
0x15: {  	[smem:$0x3FAE] =	sst s0;
	s0 =	simm.s32 @!p2 $0x0  }
0x16: {  	s3 =	sld [smem:$0x3FDB];
	s0 =	simm.s32 @p2 $0x1  }
0x17: {  	s4 =	simm.s32 $0x1BF5;
	[smem:$0x3FB0] =	sst s0  }
0x18: {  	s0 =	sld [smem:$0x3F93];
	_ =	swait.ge [sflag:s4], $0x0  }
0x19: {  	s7 =	sld [smem:$0x3F94]  }
0x1a: {  	s8 =	sadd.s32 $0xFFFFE003, lr  }
0x1b: {  	s9 =	sadd.s32 $0xFFFFFEF7, lr;
	s5 =	simm.s32 $0xFFFFFFFF;
	p2 =	slt.u32 s8, $0xFFFFF086  }
0x1c: {  	p1 =	slt.u32 s9, $0xF7A;
	s5 =	simm.s32 @!p2 $0x0  }
0x1d: {  	s5 =	simm.s32 @p1 $0x1;
	p0 =	seq.s32 s7, s2  }
0x1e: {  	s7 =	smul.u32 @!p0 $0xF7A, s2;
	p2 =	seq.s32 @!p0 s5, $0x0  }
0x1f: {  	s9 =	smul.u32 $0xF7A, s1;
	s8 =	simm.s32 @!p0 $0x1BF5;
	p2 =	por !p2, p0  }
0x20: {  	[sflag:s8] =	ssyncset.s32 @!p0 $0xFFFFF086;
	s6 =	sadd.s32 @!p0 s3, s7;
	s7 =	simm.s32 @!p0 $0x108  }
0x21: {  	s3 =	sadd.s32 s3, s9;
	s6 =	sadd.s32 @!p0 $0x88, s6;
	s7 =	simm.s32 @p2 $0x1082  }
0x22: {  	[simem:s7], [sflag:s8] =	dma.local @!p0 [hbm:s6], $0xF7A  }
0x23: {  	s9 =	sor.u32 $0xD0000000, s2;
	s6 =	simm.s32 $0x108;
	_ =	swait.ge @!p0 [sflag:s8], $0x0  }
0x24: {  	s3 =	sadd.s32 $0x88, s3;
	s6 =	simm.s32 @!p1 $0x1082;
	[sflag:s4] =	ssyncset.s32 $0xFFFFF086  }
0x25: {  	[simem:s6], [sflag:s4] =	dma.local [hbm:s3], $0xF7A  }
0x26: {  	[smem:$0x3F94] =	sst s1;
	(tag) =	ssettag s2;
	_ =	strace s9  }
0x27: {  	s1 =	sld [smem:$0x3FA4]  }
0x28: {  	s2 =	sld [smem:$0x3FA5]  }
0x29: {  	s4 =	sld [smem:$0x3FA7]  }
0x2a: {  	p0 =	seq.s32 s5, $0x0;
	s5 =	sld [smem:$0x3FA8]  }
0x2b: {  	s6 =	sld [smem:$0x3FA9]  }
0x2c: {  	s7 =	sld [smem:$0x3FAA]  }
0x2d: {  	s3 =	simm.s32 $0x108;
	s8 =	sld [smem:$0x3FAB]  }
0x2e: {  	s3 =	simm.s32 @!p0 $0x1082;
	s9 =	sld [smem:$0x3FAC]  }
0x2f: {  	lr =	sadd.s32 s0, s3;
	s0 =	sld [smem:$0x3FA3]  }
0x30: {  	s3 =	sld [smem:$0x3FA6]  }
0x31: {  	[smem:$0x3FAF] =	sst s10  }
0x32: {  	s10 =	sld [smem:$0x3FAD];
	_ =	sdelay $0x3  }
0x33: {  	p0 =	seq.s32 s10, $0x1;
	s10 =	sld [smem:$0x3FAF];
	_ =	sdelay $0x3  }
0x34: {  	[smem:$0x3FAF] =	sst s10  }
0x35: {  	s10 =	sld [smem:$0x3FAE];
	_ =	sdelay $0x3  }
0x36: {  	p1 =	seq.s32 s10, $0x1;
	s10 =	sld [smem:$0x3FAF];
	_ =	sdelay $0x3  }
0x37: {  	[smem:$0x3FAF] =	sst s10  }
0x38: {  	s10 =	sld [smem:$0x3FB0]  }
0x39: {  	_ = 	snop;
	(pc) =	sbr.ind lr, $3  }
0x3a: {  	_ = 	snop  }
0x3b: {  	_ = 	snop  }
0x3c: {  	p2 =	seq.s32 s10, $0x1;
	s10 =	sld [smem:$0x3FAF]  }
0x3d: {  	_ =	shalt  }
0x3e: {  	_ =	shalt  }
0x3f: {  	_ =	shalt  }
0x40: {  	_ =	shalt  }
0x41: {  	_ =	shalt  }
0x42: {  	_ =	shalt  }
0x43: {  	_ =	shalt  }
0x44: {  	_ =	shalt  }
0x45: {  	_ =	shalt  }
0x46: {  	_ =	shalt  }
0x47: {  	_ =	shalt  }
0x48: {  	_ =	shalt  }
0x49: {  	_ =	shalt  }
0x4a: {  	_ =	shalt  }
0x4b: {  	_ =	shalt  }
0x4c: {  	_ =	shalt  }
0x4d: {  	_ =	shalt  }
0x4e: {  	_ =	shalt  }
0x4f: {  	_ =	shalt  }
0x50: {  	_ =	shalt  }
0x51: {  	_ =	shalt  }
0x52: {  	_ =	shalt  }
0x53: {  	_ =	shalt  }
0x54: {  	_ =	shalt  }
0x55: {  	_ =	shalt  }
0x56: {  	_ =	shalt  }
0x57: {  	_ =	shalt  }
0x58: {  	_ =	shalt  }
0x59: {  	_ =	shalt  }
0x5a: {  	_ =	shalt  }
0x5b: {  	_ =	shalt  }
0x5c: {  	_ =	shalt  }
0x5d: {  	_ =	shalt  }
0x5e: {  	_ =	shalt  }
0x5f: {  	_ =	shalt  }
0x60: {  	_ =	shalt  }
0x61: {  	_ =	shalt  }
0x62: {  	_ =	shalt  }
0x63: {  	_ =	shalt  }
0x64: {  	_ =	shalt  }
0x65: {  	_ =	shalt  }
0x66: {  	_ =	shalt  }
0x67: {  	_ =	shalt  }
0x68: {  	_ =	shalt  }
0x69: {  	_ =	shalt  }
0x6a: {  	_ =	shalt  }
0x6b: {  	_ =	shalt  }
0x6c: {  	_ =	shalt  }
0x6d: {  	_ =	shalt  }
0x6e: {  	_ =	shalt  }
0x6f: {  	_ =	shalt  }
0x70: {  	_ =	shalt  }
0x71: {  	_ =	shalt  }
0x72: {  	_ =	shalt  }
0x73: {  	_ =	shalt  }
0x74: {  	_ =	shalt  }
0x75: {  	_ =	shalt  }
0x76: {  	_ =	shalt  }
0x77: {  	_ =	shalt  }
0x78: {  	_ =	shalt  }
0x79: {  	_ =	shalt  }
0x7a: {  	_ =	shalt  }
0x7b: {  	_ =	shalt  }
0x7c: {  	_ =	shalt  }
0x7d: {  	_ =	shalt  }
0x7e: {  	_ =	shalt  }
0x7f: {  	_ =	shalt  }
0x80: {  	_ =	shalt  }
0x81: {  	_ =	shalt  }
0x82: {  	_ =	shalt  }
0x83: {  	_ =	shalt  }
0x84: {  	_ =	shalt  }
0x85: {  	_ =	shalt  }
0x86: {  	_ =	shalt  }
0x87: {  	_ =	shalt  }
.Lfunc_end0:
.L_simem_size_0:
called_computation_lowered:
.L_overlay_start_0:
0x88: {  	s0 =	sld [smem:$0x3FD9]  }
0x89: {  	s1 =	sld [smem:$0x3FFE];
	_ =	sdelay $0x3  }
0x8a: {  	s0 =	sadd.s32 s1, s0  }
0x8b: {  	[smem:$0x3FBB] =	sst s0  }
0x8c: {  	_ = 	snop  }
0x8d: {  	(tm) =	ssettm $0x1  }
0x8e: {  	s15 =	sld [smem:$0x3FFB];
	_ =	sdelay $0x3  }
0x8f: {  	_ =	strace s15  }
0x90: {  	s0 =	sld [smem:$0x3FFC];
	_ =	sdelay $0x3  }
0x91: {  	_ =	strace s0  }
0x92: {  	s0 =	sld [smem:$0x3FFD];
	_ =	sdelay $0x3  }
0x93: {  	_ =	strace s0  }
0x94: {  	_ =	strace $0x8FFFFFFF  }
0x95: {  	s16 =	sld [smem:$0x3FDB];
	_ =	sdelay $0x1  }
0x96: {  	s17 =	simm.s32 $_scs_section_size  }
0x97: {  	s2 =	simm.s32 $_size__tile_overlayer_lowered;
	s3 =	simm.s32 $_tile_overlayer_lowered  }
0x98: {  	s20 =	simm.s32 $0x1BFF;
	s19 =	sshll.u32 s3, $0x1;
	s0 =	sadd.s32 s17, s16  }
0x99: {  	s4 =	simm.s32 $0x0;
	s18 =	sshll.u32 s2, $0x1;
	s2 =	sadd.s32 s19, s0  }
0x9a: {  	[timem:s4], [sflag:s20] =	dma.local [hbm:s2], s18  }
0x9b: {  	_ =	swait.ge [sflag:s20], s18  }
0x9c: {  	s1 =	ssub.s32 $0x0, s18;
	[sflag:s20] =	ssyncset.done $0x0  }
0x9d: {  	[sflag:s20] =	ssyncadd.s32 s1;
	_ =	sdelay $0x1  }
0x9e: {  	s21 =	simm.s32 $0x1B8B  }
0x9f: {  	_ =	swait.ge [sflag:s21], $0x1  }
0xa0: {  	[sflag:s21] =	ssyncset.done $0x0  }
0xa1: {  	s23 =	simm.s32 $0x1B8E;
	s22 =	sld [smem:$0x3FFE];
	[sflag:s21] =	ssyncadd.s32 $0xFFFFFFFF  }
0xa2: {  	s24 =	simm.s32 $execute0_lowered;
	[smem:$0x3FD2] =	sst s23  }
0xa3: {  	s2 =	sshll.u32 s24, $0x1;
	_ =	strace $0x80000046;
	[dreg:$0x1] =	wrdreg $0xFFFFFFFF  }
0xa4: {  	s25 =	simm.s32 $_size_execute0_lowered;
	s0 =	sadd.s32 s0, s2;
	[dreg:$0x0] =	wrdreg $0x0  }
0xa5: {  	s2 =	sshll.u32 s25, $0x1;
	[dreg:$0x2] =	wrdreg s0  }
0xa6: {  	[dreg:$0x3] =	wrdreg s2  }
0xa7: {  	[dreg:$0x4] =	wrdreg $0xC0  }
0xa8: {  	_ =	task [dreg:s4], $0x5FFFF  }
0xa9: {  	[dreg:$0x1] =	wrdreg $0xFFFFFFFF  }
0xaa: {  	[dreg:$0x0] =	wrdreg $0x60  }
0xab: {  	[dreg:$0x2] =	wrdreg s22  }
0xac: {  	[dreg:$0x3] =	wrdreg $0x9  }
0xad: {  	_ =	task.clear_ibuf [dreg:s4], $0x4FFFF;
	_ =	strace $0x90000046  }
0xae: {  	s26 =	simm.s32 $0x9;
	_ =	strace $0x80000048  }
0xaf: {  	_ =	swait.ge [sflag:s26], $0x1  }
0xb0: {  	[sflag:s26] =	ssyncadd.s32 $0xFFFFFFFF  }
0xb1: {  	_ =	strace $0x90000048  }
0xb2: {  	_ =	sfence  }
0xb3: {  	s28 =	sld [smem:$0x0];
	_ =	sdelay $0x1  }
0xb4: {  	s29 =	srdreg.scid  }
0xb5: {  	s30 =	sshll.u32 s29, $0xD;
	s31 =	sshrl.u32 s29, $0x2  }
0xb6: {  	s1 =	sand.u32 $0x1, s29;
	s2 =	sand.u32 $0x4000, s30;
	s0 =	sadd.s32 s31, s28  }
0xb7: {  	s1 =	sor.u32 s2, s1;
	s0 =	sshll.u32 s0, $0x11  }
0xb8: {  	s0 =	sor.u32 s0, s1  }
0xb9: {  	s0 =	sadd.s32 $0x8F2B, s0  }
0xba: {  	[sflag:s0] =	ssyncadd.remote.s32 $0x1  }
0xbb: {  	_ =	sfence.sel $0xFFFF  }
0xbc: {  	[dreg:$0x0] =	wrdreg $0xFFFFFFFF;
	(pc) =	sbr.abs _section_cstart, $3  }
0xbd: {  	[dreg:$0x1] =	wrdreg $0xFFFFFFFF  }
0xbe: {  	_ =	task.clear_ibuf [dreg:s4], $0x2FFFF;
	_ =	strace $0x9FFFFFFF  }
0xbf: {  	(tm) =	ssettm $0x7FFFFFFF  }
tec
execute0_lowered:
.L_overlay_start_1:
0x0: {  	(tag) =	ssettag $0x1  }
0x1: {  	s0 =	rddreg [dreg:$0x0];
	_ =	strace $0x80000047;
	s1 =	simm.s32 $0x1  }
0x2: {  	v1 =	vimm.s32 $0xFFFFFFFF;
	[sflag:s1] =	ssyncpa.u1 $0x0  }
0x3: {  	s10 =	stileid.u32;
	s2 =	simm.s32 $0x6000;
	[tilespmem:$0x10] =	vst v1  }
0x4: {  	v0 =	vimm.f32 $0.0e+00;
	s29 =	simm.s32 $0x2;
	s7 =	simm.s32 $0x7;
	s8 =	simm.s32 $0x8;
	[tilespmem:$0x20] =	vst v1  }
0x5: {  	s30 =	simm.s32 $0x9;
	s16 =	simm.s32 $0x0;
	s17 =	simm.s32 $0xFFFFE000;
	[tilespmem:$0x30] =	vst v0  }
0x6: {  	s18 =	simm.s32 $0xF0;
	s19 =	simm.s32 $0xFFFFFFFF;
	s20 =	simm.s32 $0xFFFFC100;
	[tilespmem:$0x40] =	vst v0  }
0x7: {  	s21 =	simm.s32 $0xFFFFFFFE;
	s28 =	smin.u32 s10, $0x8;
	s3 =	sshll.u32 s10, $0x1;
	[tilespmem:$0x50] =	vst v0  }
0x8: {  	s22 =	simm.s32 $0xF;
	p0 =	slt.u32 s10, $0x8;
	[tilespmem:$0x60] =	vst v1;
	s1 =	sadd.s32 s28, s3  }
0x9: {  	s26 =	simm.s32 $0x0;
	[tilespmem:$0x70] =	vst v1;
	s2 =	simm.s32 @!p0 $0x4000;
	s4 =	sshll.u32 s1, $0xD  }
0xa: {  	s25 =	simm.s32 $0x0;
	s6 =	sadd.s32 $0x17400, s0;
	[tilespmem:$0x80] =	vst v1;
	s2 =	sadd.s32 s2, s4  }
0xb: {  	s15 =	sshllo.u32 s10, $0x1;
	v1 =	vimm.s32 $0x0;
	[tilespmem:$0xB0] =	vst v0;
	s13 =	sor.u32 $0x80, s3;
	s5 =	smin.u32 s2, $0x50000  }
0xc: {  	s14 =	sor.u32 $0x81, s3;
	[tilespmem:$0x90] =	vst v1;
	s1 =	sadd.s32 $0x53400, s0;
	s9 =	ssub.s32 s5, s4  }
.Ltmp0:
0xd: {  	[tilespmem:$0xA0] =	vst v1;
	[sflag:s29] =	ssyncpa.u1 $0x0;
	p0 =	sgt.s32 s9, $0x0;
	(pc) =	sbr.rel .LBB2_1-.Ltmp0, $4  }
0xe: {  	s0 =	sadd.s32 $0x21400, s0;
	[sflag:s7] =	ssyncpa.u1 $0x0;
	s9 =	simm.s32 @!p0 $0x0  }
0xf: {  	[dreg:$0x2] =	wrdreg s0;
	[sflag:s8] =	ssyncpa.u1 $0x0;
	s9 =	sshrl.u32 s9, $0xD  }
0x10: {  	vm0 =	vmmov $0xffff;
	v2 =	vlaneseq.u32;
	s24 =	smov.u32 s4;
	[sflag:s30] =	ssyncpa.u1 $0x0;
	s31 =	sadd.s32 $0x1, s9  }
0x11: {  	vm1 =	vmxor vm1, vm1;
	vm2 =	vmmov $0x1;
	vm3 =	vcmask $0x3F3C;
	p0 =	por $0x0, $0x0;
	s12 =	sadd.s32 $0x2, s9;
	[dreg:$0x3] =	wrdreg s31  }
.LBB2_9:
0x12: {  	p1 =	slt.u32 s25, $0x3  }
0x13: {  	s0 =	simm.s32 @!p1 $0x2  }
0x14: {  	_ =	swait.ge @!p1 [sflag:s0], $0x2000  }
0x15: {  	[sflag:s0] =	ssyncset.done @!p1 $0x0  }
0x16: {  	[sflag:s0] =	ssyncadd.s32 @!p1 $0xFFFFE000;
	s0 =	simm.s32 @!p1 $0x9  }
0x17: {  	_ =	swait.ge @!p1 [sflag:s0], $0x10  }
0x18: {  	s2 =	sadd.s32 $0x2000, s24;
	[sflag:s0] =	ssyncset.done @!p1 $0x0  }
0x19: {  	[sflag:s0] =	ssyncadd.s32 @!p1 $0xFFFFFFF0;
	p1 =	slt.s32 s2, s5;
	s0 =	smov.u32 s4  }
0x1a: {  	s0 =	smov.u32 @p1 s2;
	p1 =	sne.s32 s25, s12  }
.Ltmp1:
0x1b: {  	_ = 	snop;
	(pc) =	sbr.rel @!p1 .LBB2_10-.Ltmp1, $4  }
0x1c: {  	s31 =	sadd.s32 $0x1, s25  }
0x1d: {  	s17 =	sadd.s32 $0x2000, s17;
	s18 =	sadd.s32 $0x2000, s18;
	s19 =	sadd.s32 $0x1, s19  }
0x1e: {  	s26 =	smov.u32 s24;
	p0 =	por !p0, !p0;
	s20 =	sadd.s32 $0x2000, s20  }
0x1f: {  	s21 =	sadd.s32 $0x1, s21;
	s25 =	smov.u32 s31;
	s24 =	smov.u32 s0  }
.LBB2_1:
0x20: {  	p1 =	sge.u32 s25, s9  }
0x21: {  	s0 =	smulhi.u32 @!p1 $0xAAAAAAAB, s25;
	_ =	sdelay $0x1  }
0x22: {  	s0 =	sshrl.u32 @!p1 s0, $0x1  }
0x23: {  	s0 =	smul.u32 @!p1 $0x3, s0;
	_ =	sdelay $0x1  }
0x24: {  	s0 =	ssub.s32 @!p1 s25, s0  }
0x25: {  	s2 =	sshrl.u32 @!p1 s24, $0x3;
	s0 =	sshll.u32 @!p1 s0, $0xD  }
0x26: {  	s10 =	sand.u32 @!p1 $0x7, s24;
	s2 =	sadd.s32 @!p1 s6, s2;
	s0 =	sor.u32 @!p1 $0x100, s0  }
0x27: {  	[tilespmem:s0], [sflag:$0x7] =	stream.linear.gather @!p1 [hbm4b:s2+s10], $0x2000, $0x38;
	[tilespmem:$0x12120] =	vst v63  }
0x28: {  	s2 =	sadd.s32 $0xFFFFFFFF, s25  }
0x29: {  	p1 =	sge.u32 s2, s9  }
.Ltmp2:
0x2a: {  	_ = 	snop;
	(pc) =	sbr.rel @p1 .LBB2_5-.Ltmp2, $1  }
0x2b: {  	_ =	sdelay $0x3  }
0x2c: {  	s0 =	smulhi.u32 $0xAAAAAAAB, s2;
	_ =	sdelay $0x1  }
0x2d: {  	s0 =	sshrl.u32 s0, $0x1  }
0x2e: {  	s0 =	smul.u32 $0x3, s0;
	_ =	sdelay $0x1  }
0x2f: {  	s0 =	ssub.s32 s2, s0  }
0x30: {  	_ =	swait.ge [sflag:s7], $0x2000;
	s0 =	sshll.u32 s0, $0xD  }
0x31: {  	[sflag:s7] =	ssyncset.done $0x0;
	s0 =	sor.u32 $0x100, s0  }
0x32: {  	[sflag:s7] =	ssyncadd.s32 $0xFFFFE000;
	(ifvalue) =	ssetifvalue $0xFFFFFFFF;
	v3 =	vld.msk [tilespmem:s0+$0x0 ss:$0x1], $0xffff;
	_ =	sdelay $0x2  }
0x33: {  	s29 =	smulhi.u32 $0xAAAAAAAB, s19;
	p1 =	sne.s32 s25, $0x1  }
0x34: {  	v4 =	vimm.s32 @!p1 $0x0  }
0x35: {  	s0 =	sshrl.u32 s29, $0x1;
	v4 =	vperm.xlane @!p1 v3, v4  }
0x36: {  	s10 =	sshll.u32 s25, $0x4;
	s0 =	smul.u32 $0xFFFE8000, s0;
	vm4 =	vlt.u32 v3, $0x2800  }
0x37: {  	s10 =	sand.u32 $0x10, s10;
	v3 =	vnsel vm4, $0xFFFFFFFE, v3;
	vm4 =	vlt.u32 @!p1 v4, $0x2800  }
0x38: {  	s0 =	sshra.s32 s0, $0x2;
	[tilespmem:s10+$0x60] =	vst v3;
	v3 =	vnsel @!p1 vm4, $0xFFFFFFFE, v4  }
0x39: {  	s28 =	sadd.s32 s0, s18;
	[tilespmem:$0x80] =	vst @!p1 v3  }
0x3a: {  	v3 =	vld.msk [tilespmem:s28+$0x0 ss:$0x1], $0xffff;
	_ =	sdelay $0x4  }
0x3b: {  	(xrf1) =	vunique.msk.u32 $0xffff, v3;
	_ =	sdelay $0xd  }
0x3c: {  	v4 =	vimm.s32 $0xFFFFFFFF;
	v5, _, _ =	vpop (xrf1)  }
0x3d: {  	vm5 =	vne.s32 v3, v4;
	vm4 =	veq.s32 v5, v2  }
0x3e: {  	vm6 =	vlt.u32 v3, $0x2800;
	vm4 =	vmand vm5, vm4  }
0x3f: {  	vm4 =	vmand vm6, vm4  }
0x40: {  	v4 =	vnsel vm4, $0xFFFFFFFF, v3;
	_ =	sdelay $0x2  }
0x41: {  	s30 =	sand.u32 $0x2000, s17  }
0x42: {  	s31 =	sshll.u32 s2, $0xD;
	s0 =	sor.u32 $0x80F0, s30;
	(ifvalue) =	ssetifvalue $0xFFFFFFFF  }
0x43: {  	v3 =	vperm.xlane v3, v1;
	[tilespmem:s0], [sflag:$0x8] =	stream.indirect_vreg.gather [hbm4b:s1+s16], $0x1, v4, vm0, $0x4038;
	v4 =	vnsel vm6, $0xFFFFFFFE, v4;
	[tilespmem:$0x12120] =	vst v63  }
0x44: {  	s23 =	simm.s32 $0x0;
	s2 =	sand.u32 $0x2000, s31;
	s10 =	sadd.s32 $0xFFFFFFF0, s28;
	[tilespmem:s28+$0x0] =	vst v4  }
.LBB2_3:
0x45: {  	v4 =	vld.msk [tilespmem:s10+$0x0 ss:$0x1], $0xffff;
	s23 =	sadd.s32 $0x10, s23;
	v5 =	vmov v3;
	s28 =	smov.u32 s10  }
0x46: {  	p1 =	slt.u32 s23, $0x1FF0;
	_ =	sdelay $0x4  }
0x47: {  	v3 =	vperm.xlane v4, v1;
	(xrf1) =	vunique.msk.u32 $0xffff, v4;
	_ =	sdelay $0xd  }
0x48: {  	v6, _, _ =	vpop (xrf1)  }
0x49: {  	vm5 =	vne.s32 v4, v5;
	vm4 =	veq.s32 v6, v2  }
0x4a: {  	vm6 =	vlt.u32 v4, $0x2800;
	vm4 =	vmand vm5, vm4  }
0x4b: {  	vm4 =	vmand vm6, vm4  }
0x4c: {  	v4 =	vnsel vm4, $0xFFFFFFFF, v4  }
.Ltmp3:
0x4d: {  	v5 =	vnsel vm6, $0xFFFFFFFE, v4;
	(pc) =	sbr.rel @p1 .LBB2_3-.Ltmp3, $3  }
0x4e: {  	_ =	sdelay $0x1  }
0x4f: {  	s10 =	sadd.s32 $0xFFFFFFF0, s10;
	s0 =	sadd.s32 $0xFFFFFFF0, s0;
	(ifvalue) =	ssetifvalue $0xFFFFFFFF  }
0x50: {  	[tilespmem:s0], [sflag:$0x8] =	stream.indirect_vreg.gather [hbm4b:s1+s16], $0x1, v4, vm0, $0x4038;
	[tilespmem:s28+$0x0] =	vst v5  }
0x51: {  	s0 =	sshrl.u32 s26, $0x3;
	s10 =	rddreg [dreg:$0x2]  }
0x52: {  	s2 =	sadd.s32 $0xA100, s2;
	s0 =	sadd.s32 s10, s0  }
0x53: {  	[tilespmem:s2], [sflag:$0x8] =	stream.linear.gather [hbm:s0], $0x2000, $0x38;
	[tilespmem:$0x12120] =	vst v63  }
.LBB2_5:
0x54: {  	p1 =	slt.u32 s25, $0x2  }
0x55: {  	p2 =	sge.u32 @!p1 s25, s12  }
0x56: {  	p1 =	por p1, p2  }
.Ltmp4:
0x57: {  	_ = 	snop;
	(pc) =	sbr.rel @p1 .LBB2_9-.Ltmp4, $1  }
0x58: {  	_ =	sdelay $0x3  }
0x59: {  	s0 =	sadd.s32 $0xFFFFFFFE, s25  }
0x5a: {  	s2 =	smulhi.u32 $0xAAAAAAAB, s0;
	_ =	sdelay $0x1  }
0x5b: {  	s2 =	sshrl.u32 s2, $0x1  }
0x5c: {  	s2 =	smul.u32 $0x3, s2  }
0x5d: {  	_ =	swait.ge [sflag:s8], $0x4000  }
0x5e: {  	s10 =	rddreg [dreg:$0x3];
	s0 =	ssub.s32 s0, s2  }
0x5f: {  	[sflag:s8] =	ssyncset.done $0x0;
	p1 =	sne.s32 s25, s10;
	s0 =	sshll.u32 s0, $0xD  }
0x60: {  	[sflag:s8] =	ssyncadd.s32 $0xFFFFC000;
	s2 =	sadd.s32 @!p1 $0x20FF, s0  }
0x61: {  	[spmem:s14] =	stream.linear.scatter @!p1 [tilespmem:s2], [sflag:$0x1], $0x1, $0x38;
	[tilespmem:$0x12120] =	vst v63  }
0x62: {  	s2 =	simm.s32 @!p1 $0x1  }
0x63: {  	_ =	swait.ge @!p1 [sflag:s2], $0x1  }
0x64: {  	s10 =	sshll.u32 s25, $0x4;
	[sflag:s2] =	ssyncset.done @!p1 $0x0  }
0x65: {  	s26 =	sand.u32 $0x10, s10;
	[sflag:s2] =	ssyncadd.s32 @!p1 $0xFFFFFFFF  }
0x66: {  	s2 =	sxor.u32 $0x10, s26;
	v4 =	vld [tilespmem:s26+$0x10]  }
0x67: {  	v5 =	vld [tilespmem:s2+$0x60]  }
0x68: {  	v3 =	vld [tilespmem:$0x80];
	_ =	sdelay $0x2  }
0x69: {  	(v2sf) =	vpush v4, $0x0  }
0x6a: {  	(v2sf) =	vpush v5, $0x0  }
0x6b: {  	(v2sf) =	vpush v3, $0x0;
	_ =	sdelay $0xc  }
0x6c: {  	s11 =	spop (v2sf)  }
0x6d: {  	s23 =	spop (v2sf)  }
0x6e: {  	s29 =	spop (v2sf)  }
0x6f: {  	p2 =	seq.s32 s11, s23;
	p3 =	seq.s32 s29, s11  }
0x70: {  	p3 =	por p2, p3  }
0x71: {  	v4 =	vpsel p3, $0xFFFFFFFF, v4  }
0x72: {  	s23 =	sand.u32 $0x1, s25;
	[tilespmem:s26+$0x10] =	vst.msk $0x1, v4  }
0x73: {  	s30 =	sshll.u32 s23, $0xD;
	v4 =	vld [tilespmem:$0x30]  }
0x74: {  	v5 =	vld [tilespmem:s30+$0xA100]  }
0x75: {  	v6 =	vld [tilespmem:s26+$0x40];
	_ =	sdelay $0x3  }
0x76: {  	vm4 =	vmmov vm1;
	v5 =	vadd.f32 v5, v4  }
0x77: {  	vm5 =	vmmov vm2;
	vm4 =	vmmov @p2 vm2;
	s10 =	sshll.u32 s23, $0x4;
	v4 =	vadd.f32 v6, v4  }
0x78: {  	s28 =	sor.u32 $0x12100, s10;
	vm5 =	vmmov @p3 vm1;
	[tilespmem:s30+$0xA100] =	vst.msk vm4, v5  }
0x79: {  	[tilespmem:s28+$0x0] =	vst.msk vm5, v4  }
0x7a: {  	v4 =	vld [tilespmem:s30+$0x80F0];
	_ =	sdelay $0x3  }
0x7b: {  	v5 =	vimm.f32 $0.0e+00  }
0x7c: {  	v4 =	vshift.insert v4, v5, s22  }
0x7d: {  	s11 =	sor.u32 $0x40, s2  }
0x7e: {  	[tilespmem:s11+$0x0] =	vst.msk $0x1, v4  }
0x7f: {  	[tilespmem:s30+$0x80FF] =	vst.msk $0x1, v5  }
0x80: {  	v4 =	vld [tilespmem:s0+$0x20F0];
	_ =	sdelay $0x1  }
0x81: {  	s23 =	smulhi.u32 $0xAAAAAAAB, s21;
	_ =	sdelay $0x1  }
0x82: {  	s10 =	simm.s32 $0x1;
	s0 =	sshrl.u32 s23, $0x1  }
0x83: {  	s10 =	simm.s32 @!p0 $0x0;
	s0 =	smul.u32 $0xFFFE8000, s0;
	v4 =	vshift.insert v4, v1, s22  }
0x84: {  	s10 =	sshll.u32 s10, $0xD  }
0x85: {  	s31 =	sadd.s32 $0xA100, s10;
	s0 =	sshra.s32 s0, $0x2;
	[tilespmem:s2+$0x10] =	vst.msk $0x1, v4  }
0x86: {  	s11 =	sadd.s32 s0, s20;
	v6 =	vld [tilespmem:s31+$0x0]  }
0x87: {  	v7 =	vld [tilespmem:s11+$0x0];
	_ =	sdelay $0x3  }
0x88: {  	v5 =	vadd.f32 v6, v5  }
0x89: {  	vm4 =	vne.s32 v7, $0xFFFFFFFF  }
0x8a: {  	(xrf2) =	vadd.seg.scan.f32 vm4, v5;
	_ =	sdelay $0x3  }
0x8b: {  	s0 =	sadd.s32 $0x6100, s10;
	v5 =	vperm.xlane v4, v1  }
0x8c: {  	v6 =	vld [tilespmem:s0+$0x0]  }
0x8d: {  	vm5 =	veq.s32 v7, v3;
	vm6 =	veq.s32 v7, v5  }
0x8e: {  	vm7 =	vgt.u32 v7, $0xFFFFFFFD;
	vm6 =	vmor vm6, vm5  }
0x8f: {  	vm6 =	vmor vm6, vm7  }
0x90: {  	v9 =	vld [tilespmem:$0xA0];
	v7 =	vsel vm6, $0xFFFFFFFF, v7  }
0x91: {  	v10 =	vld [tilespmem:$0x90];
	v6 =	vsel vm5, $0x0, v6;
	v8, _, _ =	vpop (xrf2)  }
0x92: {  	v6 =	vadd.f32 v8, v6  }
0x93: {  	s2 =	sadd.s32 $0xE100, s10  }
0x94: {  	vm4 =	vmand vm4, vm3;
	[tilespmem:s2+$0x0] =	vst v6;
	(ifvalue) =	ssetifvalue $0xFFFFFFFF  }
0x95: {  	vm6 =	veq.s32 v9, $0x1;
	[hbm4b:s1+s16] =	stream.indirect_vreg.scatter [tilespmem:s2], [sflag:$0x2], $0x1, v7, vm0, $0x4038;
	v7 =	vsel vm4, $0x0, v8;
	[tilespmem:$0x12120] =	vst v63  }
0x96: {  	s23 =	simm.s32 $0x0;
	s10 =	sadd.s32 $0x10, s11;
	vm4 =	vmor vm6, vm5;
	v6 =	vsel vm5, v8, v10;
	v7 =	vshift.insert v7, v0, s22  }
.LBB2_7:
0x97: {  	v8 =	vld [tilespmem:s10+$0x0];
	s31 =	sadd.s32 $0x10, s31  }
0x98: {  	s0 =	sadd.s32 $0x10, s0;
	v9 =	vld [tilespmem:s31+$0x0]  }
0x99: {  	s23 =	sadd.s32 $0x10, s23;
	v10 =	vld [tilespmem:s0+$0x0]  }
0x9a: {  	p2 =	slt.u32 s23, $0x1FF0;
	_ =	sdelay $0x2  }
0x9b: {  	v7 =	vadd.f32 v9, v7  }
0x9c: {  	vm5 =	vne.s32 v8, $0xFFFFFFFF  }
0x9d: {  	vm6 =	vmand vm5, vm3;
	(xrf2) =	vadd.seg.scan.f32 vm5, v7;
	_ =	sdelay $0x5  }
0x9e: {  	vm7 =	veq.s32 v8, v5;
	vm5 =	veq.s32 v8, v3  }
0x9f: {  	vm8 =	vgt.u32 v8, $0xFFFFFFFD;
	vm4 =	vmor vm4, vm5;
	vm7 =	vmor vm7, vm5  }
0xa0: {  	vm7 =	vmor vm7, vm8  }
0xa1: {  	v8 =	vsel vm7, $0xFFFFFFFF, v8  }
.Ltmp5:
0xa2: {  	v7 =	vsel vm5, $0x0, v10;
	v9, _, _ =	vpop (xrf2);
	(pc) =	sbr.rel @p2 .LBB2_7-.Ltmp5, $4  }
0xa3: {  	v6 =	vsel vm5, v9, v6;
	v10 =	vadd.f32 v9, v7;
	v7 =	vsel vm6, $0x0, v9  }
0xa4: {  	s2 =	sadd.s32 $0x10, s2;
	v7 =	vshift.insert v7, v0, s22  }
0xa5: {  	s10 =	sadd.s32 $0x10, s10;
	[tilespmem:s2+$0x0] =	vst v10;
	(ifvalue) =	ssetifvalue $0xFFFFFFFF  }
0xa6: {  	[hbm4b:s1+s16] =	stream.indirect_vreg.scatter [tilespmem:s2], [sflag:$0x2], $0x1, v8, vm0, $0x4038;
	[tilespmem:$0x12120] =	vst v63  }
0xa7: {  	v3 =	vld [tilespmem:s30+$0x100F0];
	_ =	sdelay $0x4  }
0xa8: {  	v3 =	vshift.insert v3, v0, s22  }
0xa9: {  	s0 =	simm.s32 $0x30  }
0xaa: {  	[tilespmem:s0+$0x0] =	vst.msk $0x1, v3  }
0xab: {  	v3 =	vsel vm4, $0x1, v1;
	[tilespmem:$0x90] =	vst v6  }
0xac: {  	s0 =	sadd.s32 @!p1 $0x100FF, s30;
	[tilespmem:$0xA0] =	vst v3  }
0xad: {  	[spmem:s15] =	stream.linear.scatter @!p1 [tilespmem:s0], [sflag:$0x1], $0x1, $0x38;
	[tilespmem:$0x12120] =	vst v63  }
0xae: {  	s0 =	simm.s32 @!p1 $0x1  }
0xaf: {  	v3 =	vmctz.xlane @!p1 vm4;
	_ =	swait.ge @!p1 [sflag:s0], $0x1  }
0xb0: {  	(v2sf) =	vpush @!p1 v4, $0x0  }
0xb1: {  	(v2sf) =	vpush @!p1 v3, $0x0;
	_ =	sdelay $0xd  }
0xb2: {  	s2 =	spop @!p1 (v2sf)  }
0xb3: {  	s10 =	spop @!p1 (v2sf)  }
0xb4: {  	p2 =	sne.s32 @!p1 s29, s2;
	p3 =	slt.s32 @!p1 s10, $0xF  }
0xb5: {  	[sflag:s0] =	ssyncset.done @!p1 $0x0;
	p2 =	por p2, p1;
	p3 =	por !p3, p1  }
0xb6: {  	[sflag:s0] =	ssyncadd.s32 @!p1 $0xFFFFFFFF;
	v3 =	vimm.s32 @!p2 $0xFFFFFFFF;
	s10 =	simm.s32 @p3 $0xF  }
0xb7: {  	[tilespmem:$0x80] =	vst @!p2 v3;
	s2 =	sadd.s32 @!p1 $0x90, s10  }
0xb8: {  	[spmem:s3] =	stream.linear.scatter @!p1 [tilespmem:s2], [sflag:$0x1], $0x1, $0x38;
	[tilespmem:$0x12120] =	vst v63  }
0xb9: {  	_ =	swait.ge @!p1 [sflag:s0], $0x1  }
0xba: {  	[sflag:s0] =	ssyncset.done @!p1 $0x0  }
0xbb: {  	s2 =	simm.s32 @!p1 $0x80;
	[sflag:s0] =	ssyncadd.s32 @!p1 $0xFFFFFFFF  }
0xbc: {  	[spmem:s13] =	stream.linear.scatter @!p1 [tilespmem:s2], [sflag:$0x1], $0x1, $0x38;
	[tilespmem:$0x12120] =	vst v63  }
0xbd: {  	_ =	swait.ge @!p1 [sflag:s0], $0x1  }
0xbe: {  	[sflag:s0] =	ssyncset.done @!p1 $0x0  }
0xbf: {  	[sflag:s0] =	ssyncadd.s32 @!p1 $0xFFFFFFFF;
	(ifvalue) =	ssetifvalue $0xFFFFFFFF;
	v3 =	vld [tilespmem:s26+$0x10];
	_ =	sdelay $0x3  }
.Ltmp6:
0xc0: {  	_ = 	snop;
	(pc) =	sbr.rel .LBB2_9-.Ltmp6, $3  }
0xc1: {  	_ =	sdelay $0x1  }
0xc2: {  	(ifvalue) =	ssetifvalue $0xFFFFFFFF  }
0xc3: {  	[hbm4b:s1+s16] =	stream.indirect_vreg.scatter [tilespmem:s28], [sflag:$0x9], $0x1, v3, vm0, $0x4038;
	[tilespmem:$0x12120] =	vst v63  }
.LBB2_10:
0xc4: {  	_ =	sfence.sel $0x180000  }
0xc5: {  	s0 =	simm.s32 $0x7;
	[bflag:$0x0] =	sbarrier.arrive $0xFFFF  }
0xc6: {  	s26 =	simm.s32 $0x8;
	[sflag:s0] =	ssyncpa.u1 $0x1  }
0xc7: {  	s28 =	simm.s32 $0x9;
	[sflag:s26] =	ssyncpa.u1 $0x1  }
0xc8: {  	[sflag:s28] =	ssyncpa.u1 $0x1  }
0xc9: {  	_ =	sfence.stream.spmem  }
0xca: {  	s29 =	simm.s32 $0x3;
	[bflag:$0x0] =	sbarrier.arrive $0xFFFF  }
0xcb: {  	s30 =	simm.s32 $0x4;
	[sflag:s29] =	ssyncpa.u1 $0x1  }
0xcc: {  	s31 =	simm.s32 $0x3C;
	s2 =	stileid.u32;
	[sflag:s30] =	ssyncpa.u1 $0x1  }
0xcd: {  	p0 =	sne.s32 s2, $0x0;
	[sflag:s31] =	ssyncpa.u1 $0x1  }
0xce: {  	s0 =	simm.s32 @p0 $0x1;
	_ =	sfence @p0  }
0xcf: {  	[sflag:s0] =	ssyncpa.u1 @p0 $0x1;
	s0 =	simm.s32 @p0 $0x2  }
0xd0: {  	[sflag:s0] =	ssyncpa.u1 @p0 $0x1  }
0xd1: {  	_ =	strace @p0 $0x90000047  }
0xd2: {  	[bflag:$0x2] =	sbarrier.arrive @p0 $0xFFFF  }
0xd3: {  	_ =	shalt @p0  }
.LBB2_11:
0xd4: {  	_ =	sfence.stream.spmem;
	s0 =	simm.s32 $0x5  }
0xd5: {  	s2 =	simm.s32 $0x80;
	s3 =	simm.s32 $0xC0;
	[sflag:s0] =	ssyncpa.u1 $0x0  }
0xd6: {  	[tilespmem:s3], [sflag:$0x5] =	stream.linear.gather [spmem:s2], $0x20, $0x38;
	[tilespmem:$0x12120] =	vst v63  }
0xd7: {  	s2 =	simm.s32 $0x0;
	s3 =	simm.s32 $0xE0  }
0xd8: {  	[tilespmem:s3], [sflag:$0x5] =	stream.linear.gather [spmem:s2], $0x20, $0x38;
	[tilespmem:$0x12120] =	vst v63  }
.Ltmp7:
0xd9: {  	_ = 	snop;
	(pc) =	sbr.rel .LBB2_12-.Ltmp7, $4  }
0xda: {  	_ =	swait.ge [sflag:s0], $0x40  }
0xdb: {  	[sflag:s0] =	ssyncset.done $0x0  }
0xdc: {  	s31 =	simm.s32 $0x6;
	[sflag:s0] =	ssyncadd.s32 $0xFFFFFFC0  }
0xdd: {  	s4 =	simm.s32 $0x0;
	[sflag:s31] =	ssyncpa.u1 $0x0  }
.LBB2_17:
0xde: {  	p0 =	sgt.u32 s0, $0x27FF  }
0xdf: {  	s5 =	sshrl.u32 @!p0 s0, $0x3  }
0xe0: {  	s0 =	sand.u32 @!p0 $0x7, s0;
	s6 =	simm.s32 @!p0 $0xB0;
	s5 =	sadd.s32 @!p0 s1, s5  }
0xe1: {  	[tilespmem:s6], [sflag:$0x6] =	stream.linear.gather @!p0 [hbm4b:s5+s0], $0x1, $0x38;
	[tilespmem:$0x12120] =	vst v63  }
0xe2: {  	s0 =	simm.s32 @!p0 $0x6  }
0xe3: {  	_ =	swait.ge @!p0 [sflag:s0], $0x1  }
0xe4: {  	[sflag:s0] =	ssyncset.done @!p0 $0x0  }
0xe5: {  	[sflag:s0] =	ssyncadd.s32 @!p0 $0xFFFFFFFF  }
0xe6: {  	v2 =	vmov @!p0 s4;
	v1 =	vld.msk @!p0 [tilespmem:$0xB0], $0x1;
	_ =	sdelay $0x3  }
0xe7: {  	s0 =	simm.s32 @!p0 $0xE0  }
0xe8: {  	[tilespmem:v2+s0+$0x0], v1 =	vst.idx.ret.add.f32.msk @!p0 $0x1, v1  }
0xe9: {  	[tilespmem:s2+$0xC0] =	vst.msk $0x1, v0  }
0xea: {  	v0 =	vld.msk [tilespmem:s4+$0xE0], $0x1;
	_ =	sdelay $0x4  }
0xeb: {  	[tilespmem:s2+$0xE0] =	vst.msk $0x1, v0;
	s2 =	sadd.s32 $0x1, s2  }
.LBB2_19:
0xec: {  	s4 =	sadd.s32 $0x1, s4  }
0xed: {  	p0 =	sne.s32 s4, $0x20  }
.Ltmp8:
0xee: {  	_ = 	snop;
	(pc) =	sbr.rel @!p0 .LBB2_20-.Ltmp8, $1  }
0xef: {  	_ =	sdelay $0x3  }
.LBB2_12:
0xf0: {  	v0 =	vld.msk [tilespmem:s4+$0xC0], $0x1;
	_ =	sdelay $0x4  }
0xf1: {  	(v2sf) =	vpush v0, $0x0;
	_ =	sdelay $0xe  }
0xf2: {  	s0 =	spop (v2sf)  }
0xf3: {  	p0 =	seq.s32 s0, $0xFFFFFFFF  }
.Ltmp9:
0xf4: {  	_ = 	snop;
	(pc) =	sbr.rel @p0 .LBB2_19-.Ltmp9, $1  }
0xf5: {  	_ =	sdelay $0x3  }
0xf6: {  	p0 =	slt.s32 s2, $0x1  }
.Ltmp10:
0xf7: {  	_ = 	snop;
	(pc) =	sbr.rel @p0 .LBB2_17-.Ltmp10, $1  }
0xf8: {  	_ =	sdelay $0x3  }
0xf9: {  	s5 =	simm.s32 $0xC0;
	p0 =	por $0x0, $0x0  }
0xfa: {  	v1 =	vld.msk @!p0 [tilespmem:s5+$0x0], $0x1;
	_ =	sdelay $0x4  }
0xfb: {  	(v2sf) =	vpush @!p0 v1, $0x0;
	_ =	sdelay $0xd  }
0xfc: {  	p2 =	sne.s32 s2, $0x1  }
.Ltmp11:
0xfd: {  	s6 =	spop @!p0 (v2sf);
	(pc) =	sbr.rel @!p2 .LBB2_16-.Ltmp11, $4  }
0xfe: {  	p1 =	seq.s32 @!p0 s0, s6  }
0xff: {  	s6 =	simm.s32 $0x0;
	p1 =	por !p1, p0  }
0x100: {  	s8 =	simm.s32 $0xFFFFFFFF;
	s6 =	simm.s32 @p1 $0xFFFFFFFF  }
0x101: {  	s7 =	simm.s32 $0x1;
	s6 =	smov.u32 @p0 s8  }
.LBB2_15:
0x102: {  	s8 =	smov.u32 s6;
	p0 =	sne.s32 s6, $0xFFFFFFFF  }
0x103: {  	s5 =	sadd.s32 $0x1, s5;
	s6 =	smov.u32 s7;
	s7 =	sadd.s32 $0x1, s7  }
0x104: {  	p1 =	sne.s32 s2, s7;
	v1 =	vld.msk @!p0 [tilespmem:s5+$0x0], $0x1;
	_ =	sdelay $0x4  }
0x105: {  	(v2sf) =	vpush @!p0 v1, $0x0;
	_ =	sdelay $0xe  }
.Ltmp12:
0x106: {  	s9 =	spop @!p0 (v2sf);
	(pc) =	sbr.rel @p1 .LBB2_15-.Ltmp12, $4  }
0x107: {  	p2 =	seq.s32 @!p0 s0, s9  }
0x108: {  	p2 =	por !p2, p0  }
0x109: {  	s6 =	simm.s32 @p2 $0xFFFFFFFF  }
0x10a: {  	s6 =	smov.u32 @p0 s8  }
.LBB2_16:
0x10b: {  	p0 =	sne.s32 s6, $0xFFFFFFFF  }
.Ltmp13:
0x10c: {  	_ = 	snop;
	(pc) =	sbr.rel @!p0 .LBB2_17-.Ltmp13, $1  }
0x10d: {  	_ =	sdelay $0x3  }
0x10e: {  	v0 =	vld.msk [tilespmem:s4+$0xE0], $0x1;
	v1 =	vmov s6  }
.Ltmp14:
0x10f: {  	_ = 	snop;
	(pc) =	sbr.rel .LBB2_19-.Ltmp14, $2  }
0x110: {  	_ =	sdelay $0x2  }
0x111: {  	[tilespmem:v1+s3+$0x0], v0 =	vst.idx.ret.add.f32.msk $0x1, v0  }
.LBB2_20:
0x112: {  	p0 =	slt.s32 s2, $0x1  }
.Ltmp15:
0x113: {  	_ = 	snop;
	(pc) =	sbr.rel @p0 .LBB2_24-.Ltmp15, $3  }
0x114: {  	_ =	sdelay $0x1  }
0x115: {  	s0 =	simm.s32 $0x6  }
0x116: {  	[sflag:s0] =	ssyncpa.u1 $0x1;
	s0 =	simm.s32 $0x0  }
0x117: {  	s3 =	simm.s32 $0xC0  }
0x118: {  	v0 =	vld.msk [tilespmem:s3+$0x0], $0x1;
	_ =	sdelay $0x4  }
0x119: {  	(v2sf) =	vpush v0, $0x0;
	_ =	sdelay $0xe  }
0x11a: {  	s2 =	sadd.s32 $0xFFFFFFFF, s2;
	s4 =	spop (v2sf)  }
0x11b: {  	p1 =	sne.s32 s2, $0x0;
	p0 =	sgt.u32 s4, $0x27FF  }
.Ltmp16:
0x11c: {  	s5 =	sshrl.u32 @!p0 s4, $0x3;
	(pc) =	sbr.rel @!p1 .LBB2_23-.Ltmp16, $4  }
0x11d: {  	s3 =	simm.s32 $0xE0;
	s4 =	sand.u32 @!p0 $0x7, s4;
	s5 =	sadd.s32 @!p0 s1, s5  }
0x11e: {  	[hbm4b:s5+s4] =	stream.linear.scatter @!p0 [tilespmem:s3], [sflag:$0x5], $0x1, $0x38;
	[tilespmem:$0x12120] =	vst v63  }
0x11f: {  	s5 =	simm.s32 $0x0  }
0x120: {  	s4 =	simm.s32 $0xC1;
	s5 =	simm.s32 @!p0 $0x4  }
.LBB2_22:
0x121: {  	v0 =	vld.msk [tilespmem:s4+$0x0], $0x1;
	s2 =	sadd.s32 $0xFFFFFFFF, s2;
	s0 =	sadd.s32 s0, s5  }
0x122: {  	p0 =	sne.s32 s2, $0x0;
	_ =	sdelay $0x3  }
0x123: {  	(v2sf) =	vpush v0, $0x0;
	_ =	sdelay $0xe  }
.Ltmp17:
0x124: {  	s6 =	spop (v2sf);
	(pc) =	sbr.rel @p0 .LBB2_22-.Ltmp17, $4  }
0x125: {  	s5 =	simm.s32 $0x0;
	p1 =	sgt.u32 s6, $0x27FF  }
0x126: {  	s3 =	sadd.s32 $0x1, s3;
	s5 =	simm.s32 @!p1 $0x4;
	s7 =	sshrl.u32 @!p1 s6, $0x3  }
0x127: {  	s4 =	sadd.s32 $0x1, s4;
	s6 =	sand.u32 @!p1 $0x7, s6;
	s7 =	sadd.s32 @!p1 s1, s7  }
0x128: {  	[hbm4b:s7+s6] =	stream.linear.scatter @!p1 [tilespmem:s3], [sflag:$0x5], $0x1, $0x38;
	[tilespmem:$0x12120] =	vst v63  }
.LBB2_23:
0x129: {  	s0 =	sadd.s32 s0, s5  }
0x12a: {  	s0 =	sshrl.u32 s0, $0x2  }
.LBB2_24:
0x12b: {  	s1 =	simm.s32 $0x5  }
0x12c: {  	_ =	swait.ge [sflag:s1], s0  }
0x12d: {  	s28 =	ssub.s32 $0x0, s0;
	[sflag:s1] =	ssyncset.done $0x0  }
0x12e: {  	[sflag:s1] =	ssyncadd.s32 s28  }
0x12f: {  	[sflag:s1] =	ssyncpa.u1 $0x1  }
0x130: {  	s29 =	simm.s32 $0x1;
	_ =	sfence  }
0x131: {  	s30 =	simm.s32 $0x2;
	[sflag:s29] =	ssyncpa.u1 $0x1  }
0x132: {  	[sflag:s30] =	ssyncpa.u1 $0x1  }
0x133: {  	_ =	strace $0x90000047  }
0x134: {  	[bflag:$0x2] =	sbarrier.arrive $0xFFFF  }
0x135: {  	s31 =	rddreg [dreg:$0x1]  }
0x136: {  	s0 =	sadd.s32 $0x100000, s31  }
0x137: {  	[sflag:s0] =	ssyncadd.tile.s32 $0x1;
	_ =	shalt  }
.Lfunc_end2:
_tile_overlayer_lowered:
.L_overlay_start_2:
0x138: {  	(tag) =	ssettag $0x2  }
0x139: {  	s0 =	rddreg [dreg:$0x0];
	s2 =	stileid.u32  }
0x13a: {  	s1 =	rddreg [dreg:$0x1];
	p0 =	sne.s32 s2, $0x0  }
0x13b: {  	s3 =	rddreg [dreg:$0x2];
	[bflag:$0x3] =	sbarrier.arrive $0xFFFF;
	s2 =	simm.s32 @!p0 $0x1C01  }
0x13c: {  	[timem:s3], [sflag:s2] =	dma.local @!p0 [hbm:s0], s1  }
0x13d: {  	s0 =	simm.s32 @!p0 $0x1  }
0x13e: {  	_ =	swait.ge @!p0 [sflag:s0], s1  }
0x13f: {  	s1 =	ssub.s32 @!p0 $0x0, s1;
	[sflag:s0] =	ssyncset.done @!p0 $0x0  }
0x140: {  	[sflag:s0] =	ssyncadd.s32 @!p0 s1  }
0x141: {  	[bflag:$0x3] =	sbarrier.arrive $0xFFFF  }
0x142: {  	_ =	shalt  }

</sc_bundles>
